<compile_context>
chip_gen: v7x
topology: tpu7x:2x2x1
jax: 0.10.2.dev20260603
libtpu: 0.0.44.dev20260713+nightly
codegen_flags: <defaults>
</compile_context>

<pallas_src>
import jax
import jax.numpy as jnp
from jax import lax
from jax.experimental import pallas as pl
from jax.experimental.pallas import tpu as pltpu
from jax.experimental.pallas import tpu_sc as plsc

N, E, DI, DH, DO, G = 10000, 320000, 128, 256, 10, 64
Np = 10240
CH = 128
Ep = 327680
GK = 16
NBUF = 2
NSUB = 16
NCORE = 2
ROWS_W = Np // NSUB
R = 512
NBLK = Np // R


def _sc_mesh():
    return plsc.VectorSubcoreMesh(core_axis_name="c", subcore_axis_name="s")


def _deg_body(dst3d, zeros, ones, out, acc, didx_v, ones_v):
    c = lax.axis_index("c")
    s = lax.axis_index("s")
    w = c * NSUB + s
    n_groups = dst3d.shape[1] // GK
    r0 = s * ROWS_W
    pltpu.sync_copy(zeros.at[pl.ds(r0, ROWS_W)], acc.at[pl.ds(r0, ROWS_W)])
    pltpu.sync_copy(ones, ones_v)
    plsc.subcore_barrier()

    def group(gk, carry):
        pltpu.sync_copy(dst3d.at[w, pl.ds(gk * GK, GK)], didx_v)

        def chunk(k, c2):
            pltpu.sync_copy(ones_v, acc.at[didx_v.at[k]], add=True)
            return c2

        lax.fori_loop(0, GK, chunk, 0)
        return carry

    lax.fori_loop(0, n_groups, group, 0)
    plsc.subcore_barrier()
    pltpu.sync_copy(acc.at[pl.ds(r0, ROWS_W)], out.at[pl.ds(c * Np + r0, ROWS_W)])


def _deg_call(dst3d, zeros, ones):
    return pl.kernel(
        _deg_body,
        out_type=jax.ShapeDtypeStruct((2 * Np, 128), jnp.float32),
        mesh=_sc_mesh(),
        scratch_types=[
            pltpu.VMEM_SHARED((Np, 128), jnp.float32),
            pltpu.VMEM((GK, CH), jnp.int32),
            pltpu.VMEM((CH, 128), jnp.float32),
        ],
    )(dst3d, zeros, ones)


def _prop_body(gcat, srcb3d, dst3d, out, acc, sidx_v, didx_v, rows,
               gsems, ssem):
    c = lax.axis_index("c")
    s = lax.axis_index("s")
    w = c * NSUB + s
    n_groups = dst3d.shape[1] // GK
    r0 = s * ROWS_W
    pltpu.sync_copy(gcat.at[pl.ds(c * Np + r0, ROWS_W)], acc.at[pl.ds(r0, ROWS_W)])
    plsc.subcore_barrier()

    def group(gk, carry):
        pltpu.sync_copy(srcb3d.at[w, pl.ds(gk * GK, GK)], sidx_v)
        pltpu.sync_copy(dst3d.at[s, pl.ds(gk * GK, GK)], didx_v)
        g_descs = [None] * NBUF
        for k in range(NBUF - 1):
            g_descs[k] = pltpu.async_copy(
                gcat.at[sidx_v.at[k]], rows[k], gsems[k])
        for k in range(GK):
            b = k % NBUF
            if k + NBUF - 1 < GK:
                nb = (k + NBUF - 1) % NBUF
                g_descs[nb] = pltpu.async_copy(
                    gcat.at[sidx_v.at[k + NBUF - 1]], rows[nb], gsems[nb])
            g_descs[b].wait()
            pltpu.sync_copy(rows[b], acc.at[didx_v.at[k]], add=True)
        return carry

    lax.fori_loop(0, n_groups, group, 0)
    plsc.subcore_barrier()
    pltpu.sync_copy(acc.at[pl.ds(r0, ROWS_W)], out.at[pl.ds(c * Np + r0, ROWS_W)])


def _prop_call(gcat, srcb3d, dst3d):
    def body(gcat_r, srcb_r, dst_r, out_r, sidx_v, didx_v, acc, *bufs):
        rows = bufs[:NBUF]
        gsems = bufs[NBUF:2 * NBUF]
        ssem = bufs[2 * NBUF]
        _prop_body(gcat_r, srcb_r, dst_r, out_r, acc, sidx_v,
                   didx_v, rows, gsems, ssem)

    return pl.kernel(
        body,
        out_type=jax.ShapeDtypeStruct((2 * Np, DH // 2), jnp.float32),
        mesh=_sc_mesh(),
        scratch_types=[
            pltpu.VMEM((GK, CH), jnp.int32),
            pltpu.VMEM((GK, CH), jnp.int32),
            pltpu.VMEM_SHARED((Np, DH // 2), jnp.float32),
        ] + [pltpu.VMEM((CH, DH // 2), jnp.float32) for _ in range(NBUF)]
          + [pltpu.SemaphoreType.DMA for _ in range(NBUF + 1)],
    )(gcat, srcb3d, dst3d)


def _first_mm_body(x_ref, w_ref, dinv_ref, out_ref):
    j = pl.program_id(1)
    g = lax.dot_general(x_ref[...], w_ref[...], (((1,), (0,)), ((), ())),
                        preferred_element_type=jnp.float32)
    g = g * dinv_ref[...]
    half = jnp.where(j == 0, g[:, : DH // 2], g[:, DH // 2 :])
    out_ref[...] = half


def _first_mm(x, W1, dinv):
    return pl.pallas_call(
        _first_mm_body,
        grid=(NBLK, 2),
        in_specs=[
            pl.BlockSpec((R, DI), lambda i, j: (i, 0)),
            pl.BlockSpec((DI, DH), lambda i, j: (0, 0)),
            pl.BlockSpec((R, 1), lambda i, j: (i, 0)),
        ],
        out_specs=pl.BlockSpec((R, DH // 2), lambda i, j: (j * NBLK + i, 0)),
        out_shape=jax.ShapeDtypeStruct((2 * Np, DH // 2), jnp.float32),
    )(x, W1, dinv)


def _mid_mm_body(sa_ref, sb_ref, dinv_ref, b_ref, w_ref, out_ref):
    j = pl.program_id(1)
    dinv = dinv_ref[...]
    sfull = jnp.concatenate([sa_ref[...], sb_ref[...]], axis=1)
    h = jnp.maximum(sfull * dinv + b_ref[...], 0.0)
    g = lax.dot_general(h, w_ref[...], (((1,), (0,)), ((), ())),
                        preferred_element_type=jnp.float32)
    g = g * dinv
    half = jnp.where(j == 0, g[:, : DH // 2], g[:, DH // 2 :])
    out_ref[...] = half


def _mid_mm(s, dinv, b, W):
    return pl.pallas_call(
        _mid_mm_body,
        grid=(NBLK, 2),
        in_specs=[
            pl.BlockSpec((R, DH // 2), lambda i, j: (i, 0)),
            pl.BlockSpec((R, DH // 2), lambda i, j: (i + NBLK, 0)),
            pl.BlockSpec((R, 1), lambda i, j: (i, 0)),
            pl.BlockSpec((1, DH), lambda i, j: (0, 0)),
            pl.BlockSpec((DH, DH), lambda i, j: (0, 0)),
        ],
        out_specs=pl.BlockSpec((R, DH // 2), lambda i, j: (j * NBLK + i, 0)),
        out_shape=jax.ShapeDtypeStruct((2 * Np, DH // 2), jnp.float32),
    )(s, s, dinv, b, W)


def _final_body(sa_ref, sb_ref, dinv_ref, b_ref, batch_ref, wl_ref, bl_ref,
                out_ref, hacc, cacc):
    i = pl.program_id(0)

    @pl.when(i == 0)
    def _init():
        hacc[...] = jnp.zeros_like(hacc)
        cacc[...] = jnp.zeros_like(cacc)

    sfull = jnp.concatenate([sa_ref[...], sb_ref[...]], axis=1)
    h3 = sfull * dinv_ref[...] + b_ref[...]
    lab = batch_ref[...]
    oh = (lab == lax.broadcasted_iota(jnp.int32, (R, G), 1)).astype(jnp.float32)
    hacc[...] += lax.dot_general(oh, h3, (((0,), (0,)), ((), ())),
                                 preferred_element_type=jnp.float32)
    cacc[...] += lax.dot_general(oh, jnp.ones((R, DH), jnp.float32),
                                 (((0,), (0,)), ((), ())),
                                 preferred_element_type=jnp.float32)

    @pl.when(i == pl.num_programs(0) - 1)
    def _fin():
        hg = hacc[...] / jnp.maximum(cacc[...], 1.0)
        o = lax.dot_general(hg, wl_ref[...], (((1,), (0,)), ((), ())),
                            preferred_element_type=jnp.float32) + bl_ref[...]
        m = jnp.max(o, axis=1, keepdims=True)
        e = jnp.exp(o - m)
        out_ref[...] = e / jnp.sum(e, axis=1, keepdims=True)


def _final(s, dinv, b3, batch2d, Wl, bl):
    return pl.pallas_call(
        _final_body,
        grid=(NBLK,),
        in_specs=[
            pl.BlockSpec((R, DH // 2), lambda i: (i, 0)),
            pl.BlockSpec((R, DH // 2), lambda i: (i + NBLK, 0)),
            pl.BlockSpec((R, 1), lambda i: (i, 0)),
            pl.BlockSpec((1, DH), lambda i: (0, 0)),
            pl.BlockSpec((R, 1), lambda i: (i, 0)),
            pl.BlockSpec((DH, DO), lambda i: (0, 0)),
            pl.BlockSpec((1, DO), lambda i: (0, 0)),
        ],
        out_specs=pl.BlockSpec((G, DO), lambda i: (0, 0)),
        out_shape=jax.ShapeDtypeStruct((G, DO), jnp.float32),
        scratch_shapes=[
            pltpu.VMEM((G, DH), jnp.float32),
            pltpu.VMEM((G, DH), jnp.float32),
        ],
    )(s, s, dinv, b3, batch2d, Wl, bl)


def kernel(x, edge_index, batch, W1, b1, W2, b2, W3, b3, Wl, bl):
    src = jnp.pad(edge_index[0], (0, Ep - E))
    dst = jnp.pad(edge_index[1], (0, Ep - E), constant_values=N)
    srcb3d = jnp.concatenate([src, src + Np]).reshape(NCORE * NSUB, -1, CH)
    dst3d_p = dst.reshape(NSUB, -1, CH)
    dst3d_d = dst.reshape(NCORE * NSUB, -1, CH)
    zeros8 = jnp.zeros((Np, 128), jnp.float32)
    ones8 = jnp.ones((CH, 128), jnp.float32)

    dpart = _deg_call(dst3d_d, zeros8, ones8)
    deg = 1.0 + dpart[:N, 0] + dpart[Np : Np + N, 0]
    dinv = jnp.pad(lax.rsqrt(deg), (0, Np - N), constant_values=1.0)[:, None]

    xp = jnp.pad(x, ((0, Np - N), (0, 0)))
    batch2d = jnp.pad(batch, (0, Np - N), constant_values=G)[:, None]

    b1r = b1[None, :]
    b2r = b2[None, :]
    b3r = b3[None, :]
    blr = bl[None, :]

    g = _first_mm(xp, W1, dinv)
    s1 = _prop_call(g, srcb3d, dst3d_p)
    g = _mid_mm(s1, dinv, b1r, W2)
    s2 = _prop_call(g, srcb3d, dst3d_p)
    g = _mid_mm(s2, dinv, b2r, W3)
    s3 = _prop_call(g, srcb3d, dst3d_p)
    return _final(s3, dinv, b3r, batch2d, Wl, blr)

# --- scband reference (transcript-rebuilt; emitter-appended) ---
"""Pipeline reference for scband-gcn-59296318488678 (READ-ONLY COPY).

The authoritative reference and input builder live on the scoring server;
editing this copy changes nothing except your own understanding.
"""

import jax, jax.numpy as jnp
import numpy as np

N, E, DI, DH, DO, G = 10000, 320000, 128, 256, 10, 64


def gcn_conv(x, edge_index, W, b):
    # PyG-style GCNConv: x' = D^-1/2 (A + I) D^-1/2 (x W) + b
    n = x.shape[0]
    h = x @ W
    loop = jnp.arange(n, dtype=edge_index.dtype)
    src = jnp.concatenate([edge_index[0], loop])
    dst = jnp.concatenate([edge_index[1], loop])
    deg = jnp.zeros((n,), dtype=h.dtype).at[dst].add(1.0)
    dinv = jax.lax.rsqrt(jnp.maximum(deg, 1.0))
    norm = dinv[src] * dinv[dst]
    msg = h[src] * norm[:, None]
    out = jnp.zeros_like(h).at[dst].add(msg)
    return out + b


def _lin_init(k, fi, fo):
    bound = 1.0 / np.sqrt(fi)
    kw, kb = jax.random.split(k)
    W = jax.random.uniform(kw, (fi, fo), minval=-bound, maxval=bound, dtype=jnp.float32)
    b = jax.random.uniform(kb, (fo,), minval=-bound, maxval=bound, dtype=jnp.float32)
    return W, b


def setup_inputs(seed: int = 0):
    key = jax.random.key(seed)
    ks = jax.random.split(key, 8)
    x = jax.random.normal(ks[0], (N, DI), dtype=jnp.float32)
    edge_index = jax.random.randint(ks[1], (2, E), 0, N, dtype=jnp.int32)
    batch = jnp.sort(jax.random.randint(ks[2], (N,), 0, G, dtype=jnp.int32))
    W1, b1 = _lin_init(ks[3], DI, DH)
    W2, b2 = _lin_init(ks[4], DH, DH)
    W3, b3 = _lin_init(ks[5], DH, DH)
    Wl, bl = _lin_init(ks[6], DH, DO)
    return {"x": x, "edge_index": edge_index, "batch": batch,
            "W1": W1, "b1": b1, "W2": W2, "b2": b2, "W3": W3, "b3": b3,
            "Wl": Wl, "bl": bl}


def reference(x, edge_index, batch, W1, b1, W2, b2, W3, b3, Wl, bl):
    h = jax.nn.relu(gcn_conv(x, edge_index, W1, b1))
    h = jax.nn.relu(gcn_conv(h, edge_index, W2, b2))
    h = gcn_conv(h, edge_index, W3, b3)
    counts = jax.ops.segment_sum(jnp.ones((h.shape[0],), h.dtype), batch, num_segments=G)
    hG = jax.ops.segment_sum(h, batch, num_segments=G) / jnp.maximum(counts, 1.0)[:, None]
    # dropout p=0.5 is identity in eval mode
    out = hG @ Wl + bl
    return jax.nn.softmax(out, axis=1)

if __name__ == "__main__":
    import jax
    _d = setup_inputs()
    print(jax.jit(kernel)(*tuple(_d.values())))

</pallas_src>

<mosaic_0001>
#map = affine_map<(d0, d1) -> (0, 0)>
#map1 = affine_map<(d0, d1) -> (0, 0, 0)>
module attributes {stable_mosaic.version = 14 : i64} {
  func.func @body(%arg0: i32, %arg1: i32, %arg2: memref<20480x128xf32, #tpu.memory_space<hbm>>, %arg3: memref<32x160x128xi32, #tpu.memory_space<hbm>>, %arg4: memref<16x160x128xi32, #tpu.memory_space<hbm>>, %arg5: memref<20480x128xf32, #tpu.memory_space<hbm>>, %arg6: memref<16x128xi32, #tpu.memory_space<vmem>>, %arg7: memref<16x128xi32, #tpu.memory_space<vmem>>, %arg8: memref<10240x128xf32, #tpu.memory_space<vmem_shared>>, %arg9: memref<128x128xf32, #tpu.memory_space<vmem>>, %arg10: memref<128x128xf32, #tpu.memory_space<vmem>>, %arg11: memref<!tpu.dma_semaphore, #tpu.memory_space<semaphore_mem>>, %arg12: memref<!tpu.dma_semaphore, #tpu.memory_space<semaphore_mem>>, %arg13: memref<!tpu.dma_semaphore, #tpu.memory_space<semaphore_mem>>) attributes {dimension_semantics = [#tpu.dimension_semantics<core_parallel>, #tpu.dimension_semantics<subcore_parallel>], iteration_bounds = array<i64: 2, 16>, scalar_prefetch = 0 : i64, scratch_operands = 8 : i64, tpu.core_type = #tpu.core_type<sc_vector_subcore>, window_params = [{transform_indices = #map}, {transform_indices = #map1}, {transform_indices = #map1}, {transform_indices = #map}]} {
    %mul3A = arith.constant 16 : i32
    %mul3A_0 = arith.muli %arg0, %mul3A : i32
    %add3A = arith.addi %mul3A_0, %arg1 : i32
    %mul3A_1 = arith.constant 640 : i32
    %mul3A_2 = arith.muli %arg1, %mul3A_1 : i32
    %mul3A_3 = arith.constant 10240 : i32
    %mul3A_4 = arith.muli %arg0, %mul3A_3 : i32
    %add3A_5 = arith.addi %mul3A_4, %mul3A_2 : i32
    "tpu.region"() ({
      %run_scoped3A = tpu.sem_alloc : memref<!tpu.dma_semaphore, #tpu.memory_space<semaphore_mem>>
      %dma_start3A = arith.constant 0 : i32
      %dma_start3A_15 = tpu.memref_slice %arg8[%mul3A_2, %dma_start3A] : memref<10240x128xf32, #tpu.memory_space<vmem_shared>> -> memref<640x128xf32, #tpu.memory_space<vmem_shared>>
      %dma_start3A_16 = arith.constant 0 : i32
      %dma_start3A_17 = tpu.memref_slice %arg2[%add3A_5, %dma_start3A_16] : memref<20480x128xf32, #tpu.memory_space<hbm>> -> memref<640x128xf32, #tpu.memory_space<hbm>>
      tpu.enqueue_dma source(%dma_start3A_17 : memref<640x128xf32, #tpu.memory_space<hbm>>) target(%dma_start3A_15 : memref<640x128xf32, #tpu.memory_space<vmem_shared>>) target_semaphore(%run_scoped3A : memref<!tpu.dma_semaphore, #tpu.memory_space<semaphore_mem>>)
      %dma_wait3A = arith.constant 0 : i32
      %dma_wait3A_18 = tpu.memref_slice %arg8[%mul3A_2, %dma_wait3A] : memref<10240x128xf32, #tpu.memory_space<vmem_shared>> -> memref<640x128xf32, #tpu.memory_space<vmem_shared>>
      %dma_wait3A_19 = arith.constant 0 : i32
      %dma_wait3A_20 = tpu.memref_slice %arg2[%add3A_5, %dma_wait3A_19] : memref<20480x128xf32, #tpu.memory_space<hbm>> -> memref<640x128xf32, #tpu.memory_space<hbm>>
      tpu.wait_dma2 semaphore(%run_scoped3A : memref<!tpu.dma_semaphore, #tpu.memory_space<semaphore_mem>>) src(%dma_wait3A_20 : memref<640x128xf32, #tpu.memory_space<hbm>>) dst(%dma_wait3A_18 : memref<640x128xf32, #tpu.memory_space<vmem_shared>>)
      tpu.yield
    }) : () -> ()
    %barrier3A = arith.constant 0 : index
    tpu.barrier barrier_id(%barrier3A)
    %scan3A = arith.constant 0 : i32
    %scan3A_6 = arith.constant 0 : i32
    %scan3A_7 = arith.constant 10 : i32
    %scan3A_8 = arith.addi %scan3A_6, %scan3A_7 : i32
    %scan3A_9 = arith.constant 1 : i32
    scf.for %scan3A_15 = %scan3A_6 to %scan3A_8 step %scan3A_9  : i32 {
      %mul3A_16 = arith.constant 16 : i32
      %mul3A_17 = arith.muli %scan3A_15, %mul3A_16 : i32
      "tpu.region"() ({
        %run_scoped3A_257 = tpu.sem_alloc : memref<!tpu.dma_semaphore, #tpu.memory_space<semaphore_mem>>
        %dma_start3A_258 = arith.constant 0 : i32
        %dma_start3A_259 = tpu.memref_slice %arg3[%add3A, %mul3A_17, %dma_start3A_258] : memref<32x160x128xi32, #tpu.memory_space<hbm>> -> memref<1x16x128xi32, #tpu.memory_space<hbm>>
        %dma_start3A_260 = tpu.memref_squeeze %dma_start3A_259 : memref<1x16x128xi32, #tpu.memory_space<hbm>> -> memref<16x128xi32, #tpu.memory_space<hbm>>
        %dma_start3A_261 = arith.constant 0 : i32
        %dma_start3A_262 = tpu.memref_slice %arg3[%add3A, %mul3A_17, %dma_start3A_261] : memref<32x160x128xi32, #tpu.memory_space<hbm>> -> memref<1x16x128xi32, #tpu.memory_space<hbm>>
        %dma_start3A_263 = tpu.memref_squeeze %dma_start3A_262 : memref<1x16x128xi32, #tpu.memory_space<hbm>> -> memref<16x128xi32, #tpu.memory_space<hbm>>
        tpu.enqueue_dma source(%dma_start3A_263 : memref<16x128xi32, #tpu.memory_space<hbm>>) target(%arg6 : memref<16x128xi32, #tpu.memory_space<vmem>>) target_semaphore(%run_scoped3A_257 : memref<!tpu.dma_semaphore, #tpu.memory_space<semaphore_mem>>)
        %dma_wait3A_264 = arith.constant 0 : i32
        %dma_wait3A_265 = tpu.memref_slice %arg3[%add3A, %mul3A_17, %dma_wait3A_264] : memref<32x160x128xi32, #tpu.memory_space<hbm>> -> memref<1x16x128xi32, #tpu.memory_space<hbm>>
        %dma_wait3A_266 = tpu.memref_squeeze %dma_wait3A_265 : memref<1x16x128xi32, #tpu.memory_space<hbm>> -> memref<16x128xi32, #tpu.memory_space<hbm>>
        %dma_wait3A_267 = arith.constant 0 : i32
        %dma_wait3A_268 = tpu.memref_slice %arg3[%add3A, %mul3A_17, %dma_wait3A_267] : memref<32x160x128xi32, #tpu.memory_space<hbm>> -> memref<1x16x128xi32, #tpu.memory_space<hbm>>
        %dma_wait3A_269 = tpu.memref_squeeze %dma_wait3A_268 : memref<1x16x128xi32, #tpu.memory_space<hbm>> -> memref<16x128xi32, #tpu.memory_space<hbm>>
        tpu.wait_dma2 semaphore(%run_scoped3A_257 : memref<!tpu.dma_semaphore, #tpu.memory_space<semaphore_mem>>) src(%dma_wait3A_269 : memref<16x128xi32, #tpu.memory_space<hbm>>) dst(%arg6 : memref<16x128xi32, #tpu.memory_space<vmem>>)
        tpu.yield
      }) : () -> ()
      %mul3A_18 = arith.constant 16 : i32
      %mul3A_19 = arith.muli %scan3A_15, %mul3A_18 : i32
      "tpu.region"() ({
        %run_scoped3A_257 = tpu.sem_alloc : memref<!tpu.dma_semaphore, #tpu.memory_space<semaphore_mem>>
        %dma_start3A_258 = arith.constant 0 : i32
        %dma_start3A_259 = tpu.memref_slice %arg4[%arg1, %mul3A_19, %dma_start3A_258] : memref<16x160x128xi32, #tpu.memory_space<hbm>> -> memref<1x16x128xi32, #tpu.memory_space<hbm>>
        %dma_start3A_260 = tpu.memref_squeeze %dma_start3A_259 : memref<1x16x128xi32, #tpu.memory_space<hbm>> -> memref<16x128xi32, #tpu.memory_space<hbm>>
        %dma_start3A_261 = arith.constant 0 : i32
        %dma_start3A_262 = tpu.memref_slice %arg4[%arg1, %mul3A_19, %dma_start3A_261] : memref<16x160x128xi32, #tpu.memory_space<hbm>> -> memref<1x16x128xi32, #tpu.memory_space<hbm>>
        %dma_start3A_263 = tpu.memref_squeeze %dma_start3A_262 : memref<1x16x128xi32, #tpu.memory_space<hbm>> -> memref<16x128xi32, #tpu.memory_space<hbm>>
        tpu.enqueue_dma source(%dma_start3A_263 : memref<16x128xi32, #tpu.memory_space<hbm>>) target(%arg7 : memref<16x128xi32, #tpu.memory_space<vmem>>) target_semaphore(%run_scoped3A_257 : memref<!tpu.dma_semaphore, #tpu.memory_space<semaphore_mem>>)
        %dma_wait3A_264 = arith.constant 0 : i32
        %dma_wait3A_265 = tpu.memref_slice %arg4[%arg1, %mul3A_19, %dma_wait3A_264] : memref<16x160x128xi32, #tpu.memory_space<hbm>> -> memref<1x16x128xi32, #tpu.memory_space<hbm>>
        %dma_wait3A_266 = tpu.memref_squeeze %dma_wait3A_265 : memref<1x16x128xi32, #tpu.memory_space<hbm>> -> memref<16x128xi32, #tpu.memory_space<hbm>>
        %dma_wait3A_267 = arith.constant 0 : i32
        %dma_wait3A_268 = tpu.memref_slice %arg4[%arg1, %mul3A_19, %dma_wait3A_267] : memref<16x160x128xi32, #tpu.memory_space<hbm>> -> memref<1x16x128xi32, #tpu.memory_space<hbm>>
        %dma_wait3A_269 = tpu.memref_squeeze %dma_wait3A_268 : memref<1x16x128xi32, #tpu.memory_space<hbm>> -> memref<16x128xi32, #tpu.memory_space<hbm>>
        tpu.wait_dma2 semaphore(%run_scoped3A_257 : memref<!tpu.dma_semaphore, #tpu.memory_space<semaphore_mem>>) src(%dma_wait3A_269 : memref<16x128xi32, #tpu.memory_space<hbm>>) dst(%arg7 : memref<16x128xi32, #tpu.memory_space<vmem>>)
        tpu.yield
      }) : () -> ()
      %dma_start3A = arith.constant 0 : i32
      %dma_start3A_20 = arith.constant 0 : i32
      %dma_start3A_21 = tpu.memref_slice %arg6[%dma_start3A, %dma_start3A_20] : memref<16x128xi32, #tpu.memory_space<vmem>> -> memref<1x128xi32, #tpu.memory_space<vmem>>
      %dma_start3A_22 = tpu.memref_squeeze %dma_start3A_21 : memref<1x128xi32, #tpu.memory_space<vmem>> -> memref<128xi32, #tpu.memory_space<vmem>>
      %dma_start3A_23 = arith.constant 0 : i32
      %dma_start3A_24 = arith.constant 0 : i32
      %dma_start3A_25 = tpu.memref_slice %arg2[%dma_start3A_23, %dma_start3A_24] : memref<20480x128xf32, #tpu.memory_space<hbm>> -> memref<20480x128xf32, #tpu.memory_space<hbm>>
      tpu.enqueue_indirect_dma source(%dma_start3A_25 : memref<20480x128xf32, #tpu.memory_space<hbm>>) target(%arg9 : memref<128x128xf32, #tpu.memory_space<vmem>>) offsets(%dma_start3A_22 : memref<128xi32, #tpu.memory_space<vmem>>) semaphore(%arg11 : memref<!tpu.dma_semaphore, #tpu.memory_space<semaphore_mem>>)
      %dma_start3A_26 = arith.constant 1 : i32
      %dma_start3A_27 = arith.constant 0 : i32
      %dma_start3A_28 = tpu.memref_slice %arg6[%dma_start3A_26, %dma_start3A_27] : memref<16x128xi32, #tpu.memory_space<vmem>> -> memref<1x128xi32, #tpu.memory_space<vmem>>
      %dma_start3A_29 = tpu.memref_squeeze %dma_start3A_28 : memref<1x128xi32, #tpu.memory_space<vmem>> -> memref<128xi32, #tpu.memory_space<vmem>>
      %dma_start3A_30 = arith.constant 0 : i32
      %dma_start3A_31 = arith.constant 0 : i32
      %dma_start3A_32 = tpu.memref_slice %arg2[%dma_start3A_30, %dma_start3A_31] : memref<20480x128xf32, #tpu.memory_space<hbm>> -> memref<20480x128xf32, #tpu.memory_space<hbm>>
      tpu.enqueue_indirect_dma source(%dma_start3A_32 : memref<20480x128xf32, #tpu.memory_space<hbm>>) target(%arg10 : memref<128x128xf32, #tpu.memory_space<vmem>>) offsets(%dma_start3A_29 : memref<128xi32, #tpu.memory_space<vmem>>) semaphore(%arg12 : memref<!tpu.dma_semaphore, #tpu.memory_space<semaphore_mem>>)
      %dma_wait3A = arith.constant 0 : i32
      %dma_wait3A_33 = arith.constant 0 : i32
      %dma_wait3A_34 = tpu.memref_slice %arg6[%dma_wait3A, %dma_wait3A_33] : memref<16x128xi32, #tpu.memory_space<vmem>> -> memref<1x128xi32, #tpu.memory_space<vmem>>
      %dma_wait3A_35 = tpu.memref_squeeze %dma_wait3A_34 : memref<1x128xi32, #tpu.memory_space<vmem>> -> memref<128xi32, #tpu.memory_space<vmem>>
      %dma_wait3A_36 = arith.constant 0 : i32
      %dma_wait3A_37 = arith.constant 0 : i32
      %dma_wait3A_38 = tpu.memref_slice %arg2[%dma_wait3A_36, %dma_wait3A_37] : memref<20480x128xf32, #tpu.memory_space<hbm>> -> memref<20480x128xf32, #tpu.memory_space<hbm>>
      tpu.wait_indirect_dma semaphore(%arg11 : memref<!tpu.dma_semaphore, #tpu.memory_space<semaphore_mem>>) src(%dma_wait3A_38 : memref<20480x128xf32, #tpu.memory_space<hbm>>) dst(%arg9 : memref<128x128xf32, #tpu.memory_space<vmem>>)
      %run_scoped3A = arith.constant 0 : i32
      "tpu.region"() ({
        %run_scoped3A_257 = tpu.sem_alloc : memref<!tpu.dma_semaphore, #tpu.memory_space<semaphore_mem>>
        %dma_start3A_258 = arith.constant 0 : i32
        %dma_start3A_259 = tpu.memref_slice %arg7[%run_scoped3A, %dma_start3A_258] : memref<16x128xi32, #tpu.memory_space<vmem>> -> memref<1x128xi32, #tpu.memory_space<vmem>>
        %dma_start3A_260 = tpu.memref_squeeze %dma_start3A_259 : memref<1x128xi32, #tpu.memory_space<vmem>> -> memref<128xi32, #tpu.memory_space<vmem>>
        %dma_start3A_261 = arith.constant 0 : i32
        %dma_start3A_262 = arith.constant 0 : i32
        %dma_start3A_263 = tpu.memref_slice %arg8[%dma_start3A_261, %dma_start3A_262] : memref<10240x128xf32, #tpu.memory_space<vmem_shared>> -> memref<10240x128xf32, #tpu.memory_space<vmem_shared>>
        tpu.enqueue_indirect_dma source(%arg9 : memref<128x128xf32, #tpu.memory_space<vmem>>) target(%dma_start3A_263 : memref<10240x128xf32, #tpu.memory_space<vmem_shared>>) offsets(%dma_start3A_260 : memref<128xi32, #tpu.memory_space<vmem>>) semaphore(%run_scoped3A_257 : memref<!tpu.dma_semaphore, #tpu.memory_space<semaphore_mem>>) {add = true}
        %dma_wait3A_264 = arith.constant 0 : i32
        %dma_wait3A_265 = tpu.memref_slice %arg7[%run_scoped3A, %dma_wait3A_264] : memref<16x128xi32, #tpu.memory_space<vmem>> -> memref<1x128xi32, #tpu.memory_space<vmem>>
        %dma_wait3A_266 = tpu.memref_squeeze %dma_wait3A_265 : memref<1x128xi32, #tpu.memory_space<vmem>> -> memref<128xi32, #tpu.memory_space<vmem>>
        %dma_wait3A_267 = arith.constant 0 : i32
        %dma_wait3A_268 = arith.constant 0 : i32
        %dma_wait3A_269 = tpu.memref_slice %arg8[%dma_wait3A_267, %dma_wait3A_268] : memref<10240x128xf32, #tpu.memory_space<vmem_shared>> -> memref<10240x128xf32, #tpu.memory_space<vmem_shared>>
        tpu.wait_indirect_dma semaphore(%run_scoped3A_257 : memref<!tpu.dma_semaphore, #tpu.memory_space<semaphore_mem>>) src(%arg9 : memref<128x128xf32, #tpu.memory_space<vmem>>) dst(%dma_wait3A_269 : memref<10240x128xf32, #tpu.memory_space<vmem_shared>>)
        tpu.yield
      }) : () -> ()
      %dma_start3A_39 = arith.constant 2 : i32
      %dma_start3A_40 = arith.constant 0 : i32
      %dma_start3A_41 = tpu.memref_slice %arg6[%dma_start3A_39, %dma_start3A_40] : memref<16x128xi32, #tpu.memory_space<vmem>> -> memref<1x128xi32, #tpu.memory_space<vmem>>
      %dma_start3A_42 = tpu.memref_squeeze %dma_start3A_41 : memref<1x128xi32, #tpu.memory_space<vmem>> -> memref<128xi32, #tpu.memory_space<vmem>>
      %dma_start3A_43 = arith.constant 0 : i32
      %dma_start3A_44 = arith.constant 0 : i32
      %dma_start3A_45 = tpu.memref_slice %arg2[%dma_start3A_43, %dma_start3A_44] : memref<20480x128xf32, #tpu.memory_space<hbm>> -> memref<20480x128xf32, #tpu.memory_space<hbm>>
      tpu.enqueue_indirect_dma source(%dma_start3A_45 : memref<20480x128xf32, #tpu.memory_space<hbm>>) target(%arg9 : memref<128x128xf32, #tpu.memory_space<vmem>>) offsets(%dma_start3A_42 : memref<128xi32, #tpu.memory_space<vmem>>) semaphore(%arg11 : memref<!tpu.dma_semaphore, #tpu.memory_space<semaphore_mem>>)
      %dma_wait3A_46 = arith.constant 1 : i32
      %dma_wait3A_47 = arith.constant 0 : i32
      %dma_wait3A_48 = tpu.memref_slice %arg6[%dma_wait3A_46, %dma_wait3A_47] : memref<16x128xi32, #tpu.memory_space<vmem>> -> memref<1x128xi32, #tpu.memory_space<vmem>>
      %dma_wait3A_49 = tpu.memref_squeeze %dma_wait3A_48 : memref<1x128xi32, #tpu.memory_space<vmem>> -> memref<128xi32, #tpu.memory_space<vmem>>
      %dma_wait3A_50 = arith.constant 0 : i32
      %dma_wait3A_51 = arith.constant 0 : i32
      %dma_wait3A_52 = tpu.memref_slice %arg2[%dma_wait3A_50, %dma_wait3A_51] : memref<20480x128xf32, #tpu.memory_space<hbm>> -> memref<20480x128xf32, #tpu.memory_space<hbm>>
      tpu.wait_indirect_dma semaphore(%arg12 : memref<!tpu.dma_semaphore, #tpu.memory_space<semaphore_mem>>) src(%dma_wait3A_52 : memref<20480x128xf32, #tpu.memory_space<hbm>>) dst(%arg10 : memref<128x128xf32, #tpu.memory_space<vmem>>)
      %run_scoped3A_53 = arith.constant 1 : i32
      "tpu.region"() ({
        %run_scoped3A_257 = tpu.sem_alloc : memref<!tpu.dma_semaphore, #tpu.memory_space<semaphore_mem>>
        %dma_start3A_258 = arith.constant 0 : i32
        %dma_start3A_259 = tpu.memref_slice %arg7[%run_scoped3A_53, %dma_start3A_258] : memref<16x128xi32, #tpu.memory_space<vmem>> -> memref<1x128xi32, #tpu.memory_space<vmem>>
        %dma_start3A_260 = tpu.memref_squeeze %dma_start3A_259 : memref<1x128xi32, #tpu.memory_space<vmem>> -> memref<128xi32, #tpu.memory_space<vmem>>
        %dma_start3A_261 = arith.constant 0 : i32
        %dma_start3A_262 = arith.constant 0 : i32
        %dma_start3A_263 = tpu.memref_slice %arg8[%dma_start3A_261, %dma_start3A_262] : memref<10240x128xf32, #tpu.memory_space<vmem_shared>> -> memref<10240x128xf32, #tpu.memory_space<vmem_shared>>
        tpu.enqueue_indirect_dma source(%arg10 : memref<128x128xf32, #tpu.memory_space<vmem>>) target(%dma_start3A_263 : memref<10240x128xf32, #tpu.memory_space<vmem_shared>>) offsets(%dma_start3A_260 : memref<128xi32, #tpu.memory_space<vmem>>) semaphore(%run_scoped3A_257 : memref<!tpu.dma_semaphore, #tpu.memory_space<semaphore_mem>>) {add = true}
        %dma_wait3A_264 = arith.constant 0 : i32
        %dma_wait3A_265 = tpu.memref_slice %arg7[%run_scoped3A_53, %dma_wait3A_264] : memref<16x128xi32, #tpu.memory_space<vmem>> -> memref<1x128xi32, #tpu.memory_space<vmem>>
        %dma_wait3A_266 = tpu.memref_squeeze %dma_wait3A_265 : memref<1x128xi32, #tpu.memory_space<vmem>> -> memref<128xi32, #tpu.memory_space<vmem>>
        %dma_wait3A_267 = arith.constant 0 : i32
        %dma_wait3A_268 = arith.constant 0 : i32
        %dma_wait3A_269 = tpu.memref_slice %arg8[%dma_wait3A_267, %dma_wait3A_268] : memref<10240x128xf32, #tpu.memory_space<vmem_shared>> -> memref<10240x128xf32, #tpu.memory_space<vmem_shared>>
        tpu.wait_indirect_dma semaphore(%run_scoped3A_257 : memref<!tpu.dma_semaphore, #tpu.memory_space<semaphore_mem>>) src(%arg10 : memref<128x128xf32, #tpu.memory_space<vmem>>) dst(%dma_wait3A_269 : memref<10240x128xf32, #tpu.memory_space<vmem_shared>>)
        tpu.yield
      }) : () -> ()
      %dma_start3A_54 = arith.constant 3 : i32
      %dma_start3A_55 = arith.constant 0 : i32
      %dma_start3A_56 = tpu.memref_slice %arg6[%dma_start3A_54, %dma_start3A_55] : memref<16x128xi32, #tpu.memory_space<vmem>> -> memref<1x128xi32, #tpu.memory_space<vmem>>
      %dma_start3A_57 = tpu.memref_squeeze %dma_start3A_56 : memref<1x128xi32, #tpu.memory_space<vmem>> -> memref<128xi32, #tpu.memory_space<vmem>>
      %dma_start3A_58 = arith.constant 0 : i32
      %dma_start3A_59 = arith.constant 0 : i32
      %dma_start3A_60 = tpu.memref_slice %arg2[%dma_start3A_58, %dma_start3A_59] : memref<20480x128xf32, #tpu.memory_space<hbm>> -> memref<20480x128xf32, #tpu.memory_space<hbm>>
      tpu.enqueue_indirect_dma source(%dma_start3A_60 : memref<20480x128xf32, #tpu.memory_space<hbm>>) target(%arg10 : memref<128x128xf32, #tpu.memory_space<vmem>>) offsets(%dma_start3A_57 : memref<128xi32, #tpu.memory_space<vmem>>) semaphore(%arg12 : memref<!tpu.dma_semaphore, #tpu.memory_space<semaphore_mem>>)
      %dma_wait3A_61 = arith.constant 2 : i32
      %dma_wait3A_62 = arith.constant 0 : i32
      %dma_wait3A_63 = tpu.memref_slice %arg6[%dma_wait3A_61, %dma_wait3A_62] : memref<16x128xi32, #tpu.memory_space<vmem>> -> memref<1x128xi32, #tpu.memory_space<vmem>>
      %dma_wait3A_64 = tpu.memref_squeeze %dma_wait3A_63 : memref<1x128xi32, #tpu.memory_space<vmem>> -> memref<128xi32, #tpu.memory_space<vmem>>
      %dma_wait3A_65 = arith.constant 0 : i32
      %dma_wait3A_66 = arith.constant 0 : i32
      %dma_wait3A_67 = tpu.memref_slice %arg2[%dma_wait3A_65, %dma_wait3A_66] : memref<20480x128xf32, #tpu.memory_space<hbm>> -> memref<20480x128xf32, #tpu.memory_space<hbm>>
      tpu.wait_indirect_dma semaphore(%arg11 : memref<!tpu.dma_semaphore, #tpu.memory_space<semaphore_mem>>) src(%dma_wait3A_67 : memref<20480x128xf32, #tpu.memory_space<hbm>>) dst(%arg9 : memref<128x128xf32, #tpu.memory_space<vmem>>)
      %run_scoped3A_68 = arith.constant 2 : i32
      "tpu.region"() ({
        %run_scoped3A_257 = tpu.sem_alloc : memref<!tpu.dma_semaphore, #tpu.memory_space<semaphore_mem>>
        %dma_start3A_258 = arith.constant 0 : i32
        %dma_start3A_259 = tpu.memref_slice %arg7[%run_scoped3A_68, %dma_start3A_258] : memref<16x128xi32, #tpu.memory_space<vmem>> -> memref<1x128xi32, #tpu.memory_space<vmem>>
        %dma_start3A_260 = tpu.memref_squeeze %dma_start3A_259 : memref<1x128xi32, #tpu.memory_space<vmem>> -> memref<128xi32, #tpu.memory_space<vmem>>
        %dma_start3A_261 = arith.constant 0 : i32
        %dma_start3A_262 = arith.constant 0 : i32
        %dma_start3A_263 = tpu.memref_slice %arg8[%dma_start3A_261, %dma_start3A_262] : memref<10240x128xf32, #tpu.memory_space<vmem_shared>> -> memref<10240x128xf32, #tpu.memory_space<vmem_shared>>
        tpu.enqueue_indirect_dma source(%arg9 : memref<128x128xf32, #tpu.memory_space<vmem>>) target(%dma_start3A_263 : memref<10240x128xf32, #tpu.memory_space<vmem_shared>>) offsets(%dma_start3A_260 : memref<128xi32, #tpu.memory_space<vmem>>) semaphore(%run_scoped3A_257 : memref<!tpu.dma_semaphore, #tpu.memory_space<semaphore_mem>>) {add = true}
        %dma_wait3A_264 = arith.constant 0 : i32
        %dma_wait3A_265 = tpu.memref_slice %arg7[%run_scoped3A_68, %dma_wait3A_264] : memref<16x128xi32, #tpu.memory_space<vmem>> -> memref<1x128xi32, #tpu.memory_space<vmem>>
        %dma_wait3A_266 = tpu.memref_squeeze %dma_wait3A_265 : memref<1x128xi32, #tpu.memory_space<vmem>> -> memref<128xi32, #tpu.memory_space<vmem>>
        %dma_wait3A_267 = arith.constant 0 : i32
        %dma_wait3A_268 = arith.constant 0 : i32
        %dma_wait3A_269 = tpu.memref_slice %arg8[%dma_wait3A_267, %dma_wait3A_268] : memref<10240x128xf32, #tpu.memory_space<vmem_shared>> -> memref<10240x128xf32, #tpu.memory_space<vmem_shared>>
        tpu.wait_indirect_dma semaphore(%run_scoped3A_257 : memref<!tpu.dma_semaphore, #tpu.memory_space<semaphore_mem>>) src(%arg9 : memref<128x128xf32, #tpu.memory_space<vmem>>) dst(%dma_wait3A_269 : memref<10240x128xf32, #tpu.memory_space<vmem_shared>>)
        tpu.yield
      }) : () -> ()
      %dma_start3A_69 = arith.constant 4 : i32
      %dma_start3A_70 = arith.constant 0 : i32
      %dma_start3A_71 = tpu.memref_slice %arg6[%dma_start3A_69, %dma_start3A_70] : memref<16x128xi32, #tpu.memory_space<vmem>> -> memref<1x128xi32, #tpu.memory_space<vmem>>
      %dma_start3A_72 = tpu.memref_squeeze %dma_start3A_71 : memref<1x128xi32, #tpu.memory_space<vmem>> -> memref<128xi32, #tpu.memory_space<vmem>>
      %dma_start3A_73 = arith.constant 0 : i32
      %dma_start3A_74 = arith.constant 0 : i32
      %dma_start3A_75 = tpu.memref_slice %arg2[%dma_start3A_73, %dma_start3A_74] : memref<20480x128xf32, #tpu.memory_space<hbm>> -> memref<20480x128xf32, #tpu.memory_space<hbm>>
      tpu.enqueue_indirect_dma source(%dma_start3A_75 : memref<20480x128xf32, #tpu.memory_space<hbm>>) target(%arg9 : memref<128x128xf32, #tpu.memory_space<vmem>>) offsets(%dma_start3A_72 : memref<128xi32, #tpu.memory_space<vmem>>) semaphore(%arg11 : memref<!tpu.dma_semaphore, #tpu.memory_space<semaphore_mem>>)
      %dma_wait3A_76 = arith.constant 3 : i32
      %dma_wait3A_77 = arith.constant 0 : i32
      %dma_wait3A_78 = tpu.memref_slice %arg6[%dma_wait3A_76, %dma_wait3A_77] : memref<16x128xi32, #tpu.memory_space<vmem>> -> memref<1x128xi32, #tpu.memory_space<vmem>>
      %dma_wait3A_79 = tpu.memref_squeeze %dma_wait3A_78 : memref<1x128xi32, #tpu.memory_space<vmem>> -> memref<128xi32, #tpu.memory_space<vmem>>
      %dma_wait3A_80 = arith.constant 0 : i32
      %dma_wait3A_81 = arith.constant 0 : i32
      %dma_wait3A_82 = tpu.memref_slice %arg2[%dma_wait3A_80, %dma_wait3A_81] : memref<20480x128xf32, #tpu.memory_space<hbm>> -> memref<20480x128xf32, #tpu.memory_space<hbm>>
      tpu.wait_indirect_dma semaphore(%arg12 : memref<!tpu.dma_semaphore, #tpu.memory_space<semaphore_mem>>) src(%dma_wait3A_82 : memref<20480x128xf32, #tpu.memory_space<hbm>>) dst(%arg10 : memref<128x128xf32, #tpu.memory_space<vmem>>)
      %run_scoped3A_83 = arith.constant 3 : i32
      "tpu.region"() ({
        %run_scoped3A_257 = tpu.sem_alloc : memref<!tpu.dma_semaphore, #tpu.memory_space<semaphore_mem>>
        %dma_start3A_258 = arith.constant 0 : i32
        %dma_start3A_259 = tpu.memref_slice %arg7[%run_scoped3A_83, %dma_start3A_258] : memref<16x128xi32, #tpu.memory_space<vmem>> -> memref<1x128xi32, #tpu.memory_space<vmem>>
        %dma_start3A_260 = tpu.memref_squeeze %dma_start3A_259 : memref<1x128xi32, #tpu.memory_space<vmem>> -> memref<128xi32, #tpu.memory_space<vmem>>
        %dma_start3A_261 = arith.constant 0 : i32
        %dma_start3A_262 = arith.constant 0 : i32
        %dma_start3A_263 = tpu.memref_slice %arg8[%dma_start3A_261, %dma_start3A_262] : memref<10240x128xf32, #tpu.memory_space<vmem_shared>> -> memref<10240x128xf32, #tpu.memory_space<vmem_shared>>
        tpu.enqueue_indirect_dma source(%arg10 : memref<128x128xf32, #tpu.memory_space<vmem>>) target(%dma_start3A_263 : memref<10240x128xf32, #tpu.memory_space<vmem_shared>>) offsets(%dma_start3A_260 : memref<128xi32, #tpu.memory_space<vmem>>) semaphore(%run_scoped3A_257 : memref<!tpu.dma_semaphore, #tpu.memory_space<semaphore_mem>>) {add = true}
        %dma_wait3A_264 = arith.constant 0 : i32
        %dma_wait3A_265 = tpu.memref_slice %arg7[%run_scoped3A_83, %dma_wait3A_264] : memref<16x128xi32, #tpu.memory_space<vmem>> -> memref<1x128xi32, #tpu.memory_space<vmem>>
        %dma_wait3A_266 = tpu.memref_squeeze %dma_wait3A_265 : memref<1x128xi32, #tpu.memory_space<vmem>> -> memref<128xi32, #tpu.memory_space<vmem>>
        %dma_wait3A_267 = arith.constant 0 : i32
        %dma_wait3A_268 = arith.constant 0 : i32
        %dma_wait3A_269 = tpu.memref_slice %arg8[%dma_wait3A_267, %dma_wait3A_268] : memref<10240x128xf32, #tpu.memory_space<vmem_shared>> -> memref<10240x128xf32, #tpu.memory_space<vmem_shared>>
        tpu.wait_indirect_dma semaphore(%run_scoped3A_257 : memref<!tpu.dma_semaphore, #tpu.memory_space<semaphore_mem>>) src(%arg10 : memref<128x128xf32, #tpu.memory_space<vmem>>) dst(%dma_wait3A_269 : memref<10240x128xf32, #tpu.memory_space<vmem_shared>>)
        tpu.yield
      }) : () -> ()
      %dma_start3A_84 = arith.constant 5 : i32
      %dma_start3A_85 = arith.constant 0 : i32
      %dma_start3A_86 = tpu.memref_slice %arg6[%dma_start3A_84, %dma_start3A_85] : memref<16x128xi32, #tpu.memory_space<vmem>> -> memref<1x128xi32, #tpu.memory_space<vmem>>
      %dma_start3A_87 = tpu.memref_squeeze %dma_start3A_86 : memref<1x128xi32, #tpu.memory_space<vmem>> -> memref<128xi32, #tpu.memory_space<vmem>>
      %dma_start3A_88 = arith.constant 0 : i32
      %dma_start3A_89 = arith.constant 0 : i32
      %dma_start3A_90 = tpu.memref_slice %arg2[%dma_start3A_88, %dma_start3A_89] : memref<20480x128xf32, #tpu.memory_space<hbm>> -> memref<20480x128xf32, #tpu.memory_space<hbm>>
      tpu.enqueue_indirect_dma source(%dma_start3A_90 : memref<20480x128xf32, #tpu.memory_space<hbm>>) target(%arg10 : memref<128x128xf32, #tpu.memory_space<vmem>>) offsets(%dma_start3A_87 : memref<128xi32, #tpu.memory_space<vmem>>) semaphore(%arg12 : memref<!tpu.dma_semaphore, #tpu.memory_space<semaphore_mem>>)
      %dma_wait3A_91 = arith.constant 4 : i32
      %dma_wait3A_92 = arith.constant 0 : i32
      %dma_wait3A_93 = tpu.memref_slice %arg6[%dma_wait3A_91, %dma_wait3A_92] : memref<16x128xi32, #tpu.memory_space<vmem>> -> memref<1x128xi32, #tpu.memory_space<vmem>>
      %dma_wait3A_94 = tpu.memref_squeeze %dma_wait3A_93 : memref<1x128xi32, #tpu.memory_space<vmem>> -> memref<128xi32, #tpu.memory_space<vmem>>
      %dma_wait3A_95 = arith.constant 0 : i32
      %dma_wait3A_96 = arith.constant 0 : i32
      %dma_wait3A_97 = tpu.memref_slice %arg2[%dma_wait3A_95, %dma_wait3A_96] : memref<20480x128xf32, #tpu.memory_space<hbm>> -> memref<20480x128xf32, #tpu.memory_space<hbm>>
      tpu.wait_indirect_dma semaphore(%arg11 : memref<!tpu.dma_semaphore, #tpu.memory_space<semaphore_mem>>) src(%dma_wait3A_97 : memref<20480x128xf32, #tpu.memory_space<hbm>>) dst(%arg9 : memref<128x128xf32, #tpu.memory_space<vmem>>)
      %run_scoped3A_98 = arith.constant 4 : i32
      "tpu.region"() ({
        %run_scoped3A_257 = tpu.sem_alloc : memref<!tpu.dma_semaphore, #tpu.memory_space<semaphore_mem>>
        %dma_start3A_258 = arith.constant 0 : i32
        %dma_start3A_259 = tpu.memref_slice %arg7[%run_scoped3A_98, %dma_start3A_258] : memref<16x128xi32, #tpu.memory_space<vmem>> -> memref<1x128xi32, #tpu.memory_space<vmem>>
        %dma_start3A_260 = tpu.memref_squeeze %dma_start3A_259 : memref<1x128xi32, #tpu.memory_space<vmem>> -> memref<128xi32, #tpu.memory_space<vmem>>
        %dma_start3A_261 = arith.constant 0 : i32
        %dma_start3A_262 = arith.constant 0 : i32
        %dma_start3A_263 = tpu.memref_slice %arg8[%dma_start3A_261, %dma_start3A_262] : memref<10240x128xf32, #tpu.memory_space<vmem_shared>> -> memref<10240x128xf32, #tpu.memory_space<vmem_shared>>
        tpu.enqueue_indirect_dma source(%arg9 : memref<128x128xf32, #tpu.memory_space<vmem>>) target(%dma_start3A_263 : memref<10240x128xf32, #tpu.memory_space<vmem_shared>>) offsets(%dma_start3A_260 : memref<128xi32, #tpu.memory_space<vmem>>) semaphore(%run_scoped3A_257 : memref<!tpu.dma_semaphore, #tpu.memory_space<semaphore_mem>>) {add = true}
        %dma_wait3A_264 = arith.constant 0 : i32
        %dma_wait3A_265 = tpu.memref_slice %arg7[%run_scoped3A_98, %dma_wait3A_264] : memref<16x128xi32, #tpu.memory_space<vmem>> -> memref<1x128xi32, #tpu.memory_space<vmem>>
        %dma_wait3A_266 = tpu.memref_squeeze %dma_wait3A_265 : memref<1x128xi32, #tpu.memory_space<vmem>> -> memref<128xi32, #tpu.memory_space<vmem>>
        %dma_wait3A_267 = arith.constant 0 : i32
        %dma_wait3A_268 = arith.constant 0 : i32
        %dma_wait3A_269 = tpu.memref_slice %arg8[%dma_wait3A_267, %dma_wait3A_268] : memref<10240x128xf32, #tpu.memory_space<vmem_shared>> -> memref<10240x128xf32, #tpu.memory_space<vmem_shared>>
        tpu.wait_indirect_dma semaphore(%run_scoped3A_257 : memref<!tpu.dma_semaphore, #tpu.memory_space<semaphore_mem>>) src(%arg9 : memref<128x128xf32, #tpu.memory_space<vmem>>) dst(%dma_wait3A_269 : memref<10240x128xf32, #tpu.memory_space<vmem_shared>>)
        tpu.yield
      }) : () -> ()
      %dma_start3A_99 = arith.constant 6 : i32
      %dma_start3A_100 = arith.constant 0 : i32
      %dma_start3A_101 = tpu.memref_slice %arg6[%dma_start3A_99, %dma_start3A_100] : memref<16x128xi32, #tpu.memory_space<vmem>> -> memref<1x128xi32, #tpu.memory_space<vmem>>
      %dma_start3A_102 = tpu.memref_squeeze %dma_start3A_101 : memref<1x128xi32, #tpu.memory_space<vmem>> -> memref<128xi32, #tpu.memory_space<vmem>>
      %dma_start3A_103 = arith.constant 0 : i32
      %dma_start3A_104 = arith.constant 0 : i32
      %dma_start3A_105 = tpu.memref_slice %arg2[%dma_start3A_103, %dma_start3A_104] : memref<20480x128xf32, #tpu.memory_space<hbm>> -> memref<20480x128xf32, #tpu.memory_space<hbm>>
      tpu.enqueue_indirect_dma source(%dma_start3A_105 : memref<20480x128xf32, #tpu.memory_space<hbm>>) target(%arg9 : memref<128x128xf32, #tpu.memory_space<vmem>>) offsets(%dma_start3A_102 : memref<128xi32, #tpu.memory_space<vmem>>) semaphore(%arg11 : memref<!tpu.dma_semaphore, #tpu.memory_space<semaphore_mem>>)
      %dma_wait3A_106 = arith.constant 5 : i32
      %dma_wait3A_107 = arith.constant 0 : i32
      %dma_wait3A_108 = tpu.memref_slice %arg6[%dma_wait3A_106, %dma_wait3A_107] : memref<16x128xi32, #tpu.memory_space<vmem>> -> memref<1x128xi32, #tpu.memory_space<vmem>>
      %dma_wait3A_109 = tpu.memref_squeeze %dma_wait3A_108 : memref<1x128xi32, #tpu.memory_space<vmem>> -> memref<128xi32, #tpu.memory_space<vmem>>
      %dma_wait3A_110 = arith.constant 0 : i32
      %dma_wait3A_111 = arith.constant 0 : i32
      %dma_wait3A_112 = tpu.memref_slice %arg2[%dma_wait3A_110, %dma_wait3A_111] : memref<20480x128xf32, #tpu.memory_space<hbm>> -> memref<20480x128xf32, #tpu.memory_space<hbm>>
      tpu.wait_indirect_dma semaphore(%arg12 : memref<!tpu.dma_semaphore, #tpu.memory_space<semaphore_mem>>) src(%dma_wait3A_112 : memref<20480x128xf32, #tpu.memory_space<hbm>>) dst(%arg10 : memref<128x128xf32, #tpu.memory_space<vmem>>)
      %run_scoped3A_113 = arith.constant 5 : i32
      "tpu.region"() ({
        %run_scoped3A_257 = tpu.sem_alloc : memref<!tpu.dma_semaphore, #tpu.memory_space<semaphore_mem>>
        %dma_start3A_258 = arith.constant 0 : i32
        %dma_start3A_259 = tpu.memref_slice %arg7[%run_scoped3A_113, %dma_start3A_258] : memref<16x128xi32, #tpu.memory_space<vmem>> -> memref<1x128xi32, #tpu.memory_space<vmem>>
        %dma_start3A_260 = tpu.memref_squeeze %dma_start3A_259 : memref<1x128xi32, #tpu.memory_space<vmem>> -> memref<128xi32, #tpu.memory_space<vmem>>
        %dma_start3A_261 = arith.constant 0 : i32
        %dma_start3A_262 = arith.constant 0 : i32
        %dma_start3A_263 = tpu.memref_slice %arg8[%dma_start3A_261, %dma_start3A_262] : memref<10240x128xf32, #tpu.memory_space<vmem_shared>> -> memref<10240x128xf32, #tpu.memory_space<vmem_shared>>
        tpu.enqueue_indirect_dma source(%arg10 : memref<128x128xf32, #tpu.memory_space<vmem>>) target(%dma_start3A_263 : memref<10240x128xf32, #tpu.memory_space<vmem_shared>>) offsets(%dma_start3A_260 : memref<128xi32, #tpu.memory_space<vmem>>) semaphore(%run_scoped3A_257 : memref<!tpu.dma_semaphore, #tpu.memory_space<semaphore_mem>>) {add = true}
        %dma_wait3A_264 = arith.constant 0 : i32
        %dma_wait3A_265 = tpu.memref_slice %arg7[%run_scoped3A_113, %dma_wait3A_264] : memref<16x128xi32, #tpu.memory_space<vmem>> -> memref<1x128xi32, #tpu.memory_space<vmem>>
        %dma_wait3A_266 = tpu.memref_squeeze %dma_wait3A_265 : memref<1x128xi32, #tpu.memory_space<vmem>> -> memref<128xi32, #tpu.memory_space<vmem>>
        %dma_wait3A_267 = arith.constant 0 : i32
        %dma_wait3A_268 = arith.constant 0 : i32
        %dma_wait3A_269 = tpu.memref_slice %arg8[%dma_wait3A_267, %dma_wait3A_268] : memref<10240x128xf32, #tpu.memory_space<vmem_shared>> -> memref<10240x128xf32, #tpu.memory_space<vmem_shared>>
        tpu.wait_indirect_dma semaphore(%run_scoped3A_257 : memref<!tpu.dma_semaphore, #tpu.memory_space<semaphore_mem>>) src(%arg10 : memref<128x128xf32, #tpu.memory_space<vmem>>) dst(%dma_wait3A_269 : memref<10240x128xf32, #tpu.memory_space<vmem_shared>>)
        tpu.yield
      }) : () -> ()
      %dma_start3A_114 = arith.constant 7 : i32
      %dma_start3A_115 = arith.constant 0 : i32
      %dma_start3A_116 = tpu.memref_slice %arg6[%dma_start3A_114, %dma_start3A_115] : memref<16x128xi32, #tpu.memory_space<vmem>> -> memref<1x128xi32, #tpu.memory_space<vmem>>
      %dma_start3A_117 = tpu.memref_squeeze %dma_start3A_116 : memref<1x128xi32, #tpu.memory_space<vmem>> -> memref<128xi32, #tpu.memory_space<vmem>>
      %dma_start3A_118 = arith.constant 0 : i32
      %dma_start3A_119 = arith.constant 0 : i32
      %dma_start3A_120 = tpu.memref_slice %arg2[%dma_start3A_118, %dma_start3A_119] : memref<20480x128xf32, #tpu.memory_space<hbm>> -> memref<20480x128xf32, #tpu.memory_space<hbm>>
      tpu.enqueue_indirect_dma source(%dma_start3A_120 : memref<20480x128xf32, #tpu.memory_space<hbm>>) target(%arg10 : memref<128x128xf32, #tpu.memory_space<vmem>>) offsets(%dma_start3A_117 : memref<128xi32, #tpu.memory_space<vmem>>) semaphore(%arg12 : memref<!tpu.dma_semaphore, #tpu.memory_space<semaphore_mem>>)
      %dma_wait3A_121 = arith.constant 6 : i32
      %dma_wait3A_122 = arith.constant 0 : i32
      %dma_wait3A_123 = tpu.memref_slice %arg6[%dma_wait3A_121, %dma_wait3A_122] : memref<16x128xi32, #tpu.memory_space<vmem>> -> memref<1x128xi32, #tpu.memory_space<vmem>>
      %dma_wait3A_124 = tpu.memref_squeeze %dma_wait3A_123 : memref<1x128xi32, #tpu.memory_space<vmem>> -> memref<128xi32, #tpu.memory_space<vmem>>
      %dma_wait3A_125 = arith.constant 0 : i32
      %dma_wait3A_126 = arith.constant 0 : i32
      %dma_wait3A_127 = tpu.memref_slice %arg2[%dma_wait3A_125, %dma_wait3A_126] : memref<20480x128xf32, #tpu.memory_space<hbm>> -> memref<20480x128xf32, #tpu.memory_space<hbm>>
      tpu.wait_indirect_dma semaphore(%arg11 : memref<!tpu.dma_semaphore, #tpu.memory_space<semaphore_mem>>) src(%dma_wait3A_127 : memref<20480x128xf32, #tpu.memory_space<hbm>>) dst(%arg9 : memref<128x128xf32, #tpu.memory_space<vmem>>)
      %run_scoped3A_128 = arith.constant 6 : i32
      "tpu.region"() ({
        %run_scoped3A_257 = tpu.sem_alloc : memref<!tpu.dma_semaphore, #tpu.memory_space<semaphore_mem>>
        %dma_start3A_258 = arith.constant 0 : i32
        %dma_start3A_259 = tpu.memref_slice %arg7[%run_scoped3A_128, %dma_start3A_258] : memref<16x128xi32, #tpu.memory_space<vmem>> -> memref<1x128xi32, #tpu.memory_space<vmem>>
        %dma_start3A_260 = tpu.memref_squeeze %dma_start3A_259 : memref<1x128xi32, #tpu.memory_space<vmem>> -> memref<128xi32, #tpu.memory_space<vmem>>
        %dma_start3A_261 = arith.constant 0 : i32
        %dma_start3A_262 = arith.constant 0 : i32
        %dma_start3A_263 = tpu.memref_slice %arg8[%dma_start3A_261, %dma_start3A_262] : memref<10240x128xf32, #tpu.memory_space<vmem_shared>> -> memref<10240x128xf32, #tpu.memory_space<vmem_shared>>
        tpu.enqueue_indirect_dma source(%arg9 : memref<128x128xf32, #tpu.memory_space<vmem>>) target(%dma_start3A_263 : memref<10240x128xf32, #tpu.memory_space<vmem_shared>>) offsets(%dma_start3A_260 : memref<128xi32, #tpu.memory_space<vmem>>) semaphore(%run_scoped3A_257 : memref<!tpu.dma_semaphore, #tpu.memory_space<semaphore_mem>>) {add = true}
        %dma_wait3A_264 = arith.constant 0 : i32
        %dma_wait3A_265 = tpu.memref_slice %arg7[%run_scoped3A_128, %dma_wait3A_264] : memref<16x128xi32, #tpu.memory_space<vmem>> -> memref<1x128xi32, #tpu.memory_space<vmem>>
        %dma_wait3A_266 = tpu.memref_squeeze %dma_wait3A_265 : memref<1x128xi32, #tpu.memory_space<vmem>> -> memref<128xi32, #tpu.memory_space<vmem>>
        %dma_wait3A_267 = arith.constant 0 : i32
        %dma_wait3A_268 = arith.constant 0 : i32
        %dma_wait3A_269 = tpu.memref_slice %arg8[%dma_wait3A_267, %dma_wait3A_268] : memref<10240x128xf32, #tpu.memory_space<vmem_shared>> -> memref<10240x128xf32, #tpu.memory_space<vmem_shared>>
        tpu.wait_indirect_dma semaphore(%run_scoped3A_257 : memref<!tpu.dma_semaphore, #tpu.memory_space<semaphore_mem>>) src(%arg9 : memref<128x128xf32, #tpu.memory_space<vmem>>) dst(%dma_wait3A_269 : memref<10240x128xf32, #tpu.memory_space<vmem_shared>>)
        tpu.yield
      }) : () -> ()
      %dma_start3A_129 = arith.constant 8 : i32
      %dma_start3A_130 = arith.constant 0 : i32
      %dma_start3A_131 = tpu.memref_slice %arg6[%dma_start3A_129, %dma_start3A_130] : memref<16x128xi32, #tpu.memory_space<vmem>> -> memref<1x128xi32, #tpu.memory_space<vmem>>
      %dma_start3A_132 = tpu.memref_squeeze %dma_start3A_131 : memref<1x128xi32, #tpu.memory_space<vmem>> -> memref<128xi32, #tpu.memory_space<vmem>>
      %dma_start3A_133 = arith.constant 0 : i32
      %dma_start3A_134 = arith.constant 0 : i32
      %dma_start3A_135 = tpu.memref_slice %arg2[%dma_start3A_133, %dma_start3A_134] : memref<20480x128xf32, #tpu.memory_space<hbm>> -> memref<20480x128xf32, #tpu.memory_space<hbm>>
      tpu.enqueue_indirect_dma source(%dma_start3A_135 : memref<20480x128xf32, #tpu.memory_space<hbm>>) target(%arg9 : memref<128x128xf32, #tpu.memory_space<vmem>>) offsets(%dma_start3A_132 : memref<128xi32, #tpu.memory_space<vmem>>) semaphore(%arg11 : memref<!tpu.dma_semaphore, #tpu.memory_space<semaphore_mem>>)
      %dma_wait3A_136 = arith.constant 7 : i32
      %dma_wait3A_137 = arith.constant 0 : i32
      %dma_wait3A_138 = tpu.memref_slice %arg6[%dma_wait3A_136, %dma_wait3A_137] : memref<16x128xi32, #tpu.memory_space<vmem>> -> memref<1x128xi32, #tpu.memory_space<vmem>>
      %dma_wait3A_139 = tpu.memref_squeeze %dma_wait3A_138 : memref<1x128xi32, #tpu.memory_space<vmem>> -> memref<128xi32, #tpu.memory_space<vmem>>
      %dma_wait3A_140 = arith.constant 0 : i32
      %dma_wait3A_141 = arith.constant 0 : i32
      %dma_wait3A_142 = tpu.memref_slice %arg2[%dma_wait3A_140, %dma_wait3A_141] : memref<20480x128xf32, #tpu.memory_space<hbm>> -> memref<20480x128xf32, #tpu.memory_space<hbm>>
      tpu.wait_indirect_dma semaphore(%arg12 : memref<!tpu.dma_semaphore, #tpu.memory_space<semaphore_mem>>) src(%dma_wait3A_142 : memref<20480x128xf32, #tpu.memory_space<hbm>>) dst(%arg10 : memref<128x128xf32, #tpu.memory_space<vmem>>)
      %run_scoped3A_143 = arith.constant 7 : i32
      "tpu.region"() ({
        %run_scoped3A_257 = tpu.sem_alloc : memref<!tpu.dma_semaphore, #tpu.memory_space<semaphore_mem>>
        %dma_start3A_258 = arith.constant 0 : i32
        %dma_start3A_259 = tpu.memref_slice %arg7[%run_scoped3A_143, %dma_start3A_258] : memref<16x128xi32, #tpu.memory_space<vmem>> -> memref<1x128xi32, #tpu.memory_space<vmem>>
        %dma_start3A_260 = tpu.memref_squeeze %dma_start3A_259 : memref<1x128xi32, #tpu.memory_space<vmem>> -> memref<128xi32, #tpu.memory_space<vmem>>
        %dma_start3A_261 = arith.constant 0 : i32
        %dma_start3A_262 = arith.constant 0 : i32
        %dma_start3A_263 = tpu.memref_slice %arg8[%dma_start3A_261, %dma_start3A_262] : memref<10240x128xf32, #tpu.memory_space<vmem_shared>> -> memref<10240x128xf32, #tpu.memory_space<vmem_shared>>
        tpu.enqueue_indirect_dma source(%arg10 : memref<128x128xf32, #tpu.memory_space<vmem>>) target(%dma_start3A_263 : memref<10240x128xf32, #tpu.memory_space<vmem_shared>>) offsets(%dma_start3A_260 : memref<128xi32, #tpu.memory_space<vmem>>) semaphore(%run_scoped3A_257 : memref<!tpu.dma_semaphore, #tpu.memory_space<semaphore_mem>>) {add = true}
        %dma_wait3A_264 = arith.constant 0 : i32
        %dma_wait3A_265 = tpu.memref_slice %arg7[%run_scoped3A_143, %dma_wait3A_264] : memref<16x128xi32, #tpu.memory_space<vmem>> -> memref<1x128xi32, #tpu.memory_space<vmem>>
        %dma_wait3A_266 = tpu.memref_squeeze %dma_wait3A_265 : memref<1x128xi32, #tpu.memory_space<vmem>> -> memref<128xi32, #tpu.memory_space<vmem>>
        %dma_wait3A_267 = arith.constant 0 : i32
        %dma_wait3A_268 = arith.constant 0 : i32
        %dma_wait3A_269 = tpu.memref_slice %arg8[%dma_wait3A_267, %dma_wait3A_268] : memref<10240x128xf32, #tpu.memory_space<vmem_shared>> -> memref<10240x128xf32, #tpu.memory_space<vmem_shared>>
        tpu.wait_indirect_dma semaphore(%run_scoped3A_257 : memref<!tpu.dma_semaphore, #tpu.memory_space<semaphore_mem>>) src(%arg10 : memref<128x128xf32, #tpu.memory_space<vmem>>) dst(%dma_wait3A_269 : memref<10240x128xf32, #tpu.memory_space<vmem_shared>>)
        tpu.yield
      }) : () -> ()
      %dma_start3A_144 = arith.constant 9 : i32
      %dma_start3A_145 = arith.constant 0 : i32
      %dma_start3A_146 = tpu.memref_slice %arg6[%dma_start3A_144, %dma_start3A_145] : memref<16x128xi32, #tpu.memory_space<vmem>> -> memref<1x128xi32, #tpu.memory_space<vmem>>
      %dma_start3A_147 = tpu.memref_squeeze %dma_start3A_146 : memref<1x128xi32, #tpu.memory_space<vmem>> -> memref<128xi32, #tpu.memory_space<vmem>>
      %dma_start3A_148 = arith.constant 0 : i32
      %dma_start3A_149 = arith.constant 0 : i32
      %dma_start3A_150 = tpu.memref_slice %arg2[%dma_start3A_148, %dma_start3A_149] : memref<20480x128xf32, #tpu.memory_space<hbm>> -> memref<20480x128xf32, #tpu.memory_space<hbm>>
      tpu.enqueue_indirect_dma source(%dma_start3A_150 : memref<20480x128xf32, #tpu.memory_space<hbm>>) target(%arg10 : memref<128x128xf32, #tpu.memory_space<vmem>>) offsets(%dma_start3A_147 : memref<128xi32, #tpu.memory_space<vmem>>) semaphore(%arg12 : memref<!tpu.dma_semaphore, #tpu.memory_space<semaphore_mem>>)
      %dma_wait3A_151 = arith.constant 8 : i32
      %dma_wait3A_152 = arith.constant 0 : i32
      %dma_wait3A_153 = tpu.memref_slice %arg6[%dma_wait3A_151, %dma_wait3A_152] : memref<16x128xi32, #tpu.memory_space<vmem>> -> memref<1x128xi32, #tpu.memory_space<vmem>>
      %dma_wait3A_154 = tpu.memref_squeeze %dma_wait3A_153 : memref<1x128xi32, #tpu.memory_space<vmem>> -> memref<128xi32, #tpu.memory_space<vmem>>
      %dma_wait3A_155 = arith.constant 0 : i32
      %dma_wait3A_156 = arith.constant 0 : i32
      %dma_wait3A_157 = tpu.memref_slice %arg2[%dma_wait3A_155, %dma_wait3A_156] : memref<20480x128xf32, #tpu.memory_space<hbm>> -> memref<20480x128xf32, #tpu.memory_space<hbm>>
      tpu.wait_indirect_dma semaphore(%arg11 : memref<!tpu.dma_semaphore, #tpu.memory_space<semaphore_mem>>) src(%dma_wait3A_157 : memref<20480x128xf32, #tpu.memory_space<hbm>>) dst(%arg9 : memref<128x128xf32, #tpu.memory_space<vmem>>)
      %run_scoped3A_158 = arith.constant 8 : i32
      "tpu.region"() ({
        %run_scoped3A_257 = tpu.sem_alloc : memref<!tpu.dma_semaphore, #tpu.memory_space<semaphore_mem>>
        %dma_start3A_258 = arith.constant 0 : i32
        %dma_start3A_259 = tpu.memref_slice %arg7[%run_scoped3A_158, %dma_start3A_258] : memref<16x128xi32, #tpu.memory_space<vmem>> -> memref<1x128xi32, #tpu.memory_space<vmem>>
        %dma_start3A_260 = tpu.memref_squeeze %dma_start3A_259 : memref<1x128xi32, #tpu.memory_space<vmem>> -> memref<128xi32, #tpu.memory_space<vmem>>
        %dma_start3A_261 = arith.constant 0 : i32
        %dma_start3A_262 = arith.constant 0 : i32
        %dma_start3A_263 = tpu.memref_slice %arg8[%dma_start3A_261, %dma_start3A_262] : memref<10240x128xf32, #tpu.memory_space<vmem_shared>> -> memref<10240x128xf32, #tpu.memory_space<vmem_shared>>
        tpu.enqueue_indirect_dma source(%arg9 : memref<128x128xf32, #tpu.memory_space<vmem>>) target(%dma_start3A_263 : memref<10240x128xf32, #tpu.memory_space<vmem_shared>>) offsets(%dma_start3A_260 : memref<128xi32, #tpu.memory_space<vmem>>) semaphore(%run_scoped3A_257 : memref<!tpu.dma_semaphore, #tpu.memory_space<semaphore_mem>>) {add = true}
        %dma_wait3A_264 = arith.constant 0 : i32
        %dma_wait3A_265 = tpu.memref_slice %arg7[%run_scoped3A_158, %dma_wait3A_264] : memref<16x128xi32, #tpu.memory_space<vmem>> -> memref<1x128xi32, #tpu.memory_space<vmem>>
        %dma_wait3A_266 = tpu.memref_squeeze %dma_wait3A_265 : memref<1x128xi32, #tpu.memory_space<vmem>> -> memref<128xi32, #tpu.memory_space<vmem>>
        %dma_wait3A_267 = arith.constant 0 : i32
        %dma_wait3A_268 = arith.constant 0 : i32
        %dma_wait3A_269 = tpu.memref_slice %arg8[%dma_wait3A_267, %dma_wait3A_268] : memref<10240x128xf32, #tpu.memory_space<vmem_shared>> -> memref<10240x128xf32, #tpu.memory_space<vmem_shared>>
        tpu.wait_indirect_dma semaphore(%run_scoped3A_257 : memref<!tpu.dma_semaphore, #tpu.memory_space<semaphore_mem>>) src(%arg9 : memref<128x128xf32, #tpu.memory_space<vmem>>) dst(%dma_wait3A_269 : memref<10240x128xf32, #tpu.memory_space<vmem_shared>>)
        tpu.yield
      }) : () -> ()
      %dma_start3A_159 = arith.constant 10 : i32
      %dma_start3A_160 = arith.constant 0 : i32
      %dma_start3A_161 = tpu.memref_slice %arg6[%dma_start3A_159, %dma_start3A_160] : memref<16x128xi32, #tpu.memory_space<vmem>> -> memref<1x128xi32, #tpu.memory_space<vmem>>
      %dma_start3A_162 = tpu.memref_squeeze %dma_start3A_161 : memref<1x128xi32, #tpu.memory_space<vmem>> -> memref<128xi32, #tpu.memory_space<vmem>>
      %dma_start3A_163 = arith.constant 0 : i32
      %dma_start3A_164 = arith.constant 0 : i32
      %dma_start3A_165 = tpu.memref_slice %arg2[%dma_start3A_163, %dma_start3A_164] : memref<20480x128xf32, #tpu.memory_space<hbm>> -> memref<20480x128xf32, #tpu.memory_space<hbm>>
      tpu.enqueue_indirect_dma source(%dma_start3A_165 : memref<20480x128xf32, #tpu.memory_space<hbm>>) target(%arg9 : memref<128x128xf32, #tpu.memory_space<vmem>>) offsets(%dma_start3A_162 : memref<128xi32, #tpu.memory_space<vmem>>) semaphore(%arg11 : memref<!tpu.dma_semaphore, #tpu.memory_space<semaphore_mem>>)
      %dma_wait3A_166 = arith.constant 9 : i32
      %dma_wait3A_167 = arith.constant 0 : i32
      %dma_wait3A_168 = tpu.memref_slice %arg6[%dma_wait3A_166, %dma_wait3A_167] : memref<16x128xi32, #tpu.memory_space<vmem>> -> memref<1x128xi32, #tpu.memory_space<vmem>>
      %dma_wait3A_169 = tpu.memref_squeeze %dma_wait3A_168 : memref<1x128xi32, #tpu.memory_space<vmem>> -> memref<128xi32, #tpu.memory_space<vmem>>
      %dma_wait3A_170 = arith.constant 0 : i32
      %dma_wait3A_171 = arith.constant 0 : i32
      %dma_wait3A_172 = tpu.memref_slice %arg2[%dma_wait3A_170, %dma_wait3A_171] : memref<20480x128xf32, #tpu.memory_space<hbm>> -> memref<20480x128xf32, #tpu.memory_space<hbm>>
      tpu.wait_indirect_dma semaphore(%arg12 : memref<!tpu.dma_semaphore, #tpu.memory_space<semaphore_mem>>) src(%dma_wait3A_172 : memref<20480x128xf32, #tpu.memory_space<hbm>>) dst(%arg10 : memref<128x128xf32, #tpu.memory_space<vmem>>)
      %run_scoped3A_173 = arith.constant 9 : i32
      "tpu.region"() ({
        %run_scoped3A_257 = tpu.sem_alloc : memref<!tpu.dma_semaphore, #tpu.memory_space<semaphore_mem>>
        %dma_start3A_258 = arith.constant 0 : i32
        %dma_start3A_259 = tpu.memref_slice %arg7[%run_scoped3A_173, %dma_start3A_258] : memref<16x128xi32, #tpu.memory_space<vmem>> -> memref<1x128xi32, #tpu.memory_space<vmem>>
        %dma_start3A_260 = tpu.memref_squeeze %dma_start3A_259 : memref<1x128xi32, #tpu.memory_space<vmem>> -> memref<128xi32, #tpu.memory_space<vmem>>
        %dma_start3A_261 = arith.constant 0 : i32
        %dma_start3A_262 = arith.constant 0 : i32
        %dma_start3A_263 = tpu.memref_slice %arg8[%dma_start3A_261, %dma_start3A_262] : memref<10240x128xf32, #tpu.memory_space<vmem_shared>> -> memref<10240x128xf32, #tpu.memory_space<vmem_shared>>
        tpu.enqueue_indirect_dma source(%arg10 : memref<128x128xf32, #tpu.memory_space<vmem>>) target(%dma_start3A_263 : memref<10240x128xf32, #tpu.memory_space<vmem_shared>>) offsets(%dma_start3A_260 : memref<128xi32, #tpu.memory_space<vmem>>) semaphore(%run_scoped3A_257 : memref<!tpu.dma_semaphore, #tpu.memory_space<semaphore_mem>>) {add = true}
        %dma_wait3A_264 = arith.constant 0 : i32
        %dma_wait3A_265 = tpu.memref_slice %arg7[%run_scoped3A_173, %dma_wait3A_264] : memref<16x128xi32, #tpu.memory_space<vmem>> -> memref<1x128xi32, #tpu.memory_space<vmem>>
        %dma_wait3A_266 = tpu.memref_squeeze %dma_wait3A_265 : memref<1x128xi32, #tpu.memory_space<vmem>> -> memref<128xi32, #tpu.memory_space<vmem>>
        %dma_wait3A_267 = arith.constant 0 : i32
        %dma_wait3A_268 = arith.constant 0 : i32
        %dma_wait3A_269 = tpu.memref_slice %arg8[%dma_wait3A_267, %dma_wait3A_268] : memref<10240x128xf32, #tpu.memory_space<vmem_shared>> -> memref<10240x128xf32, #tpu.memory_space<vmem_shared>>
        tpu.wait_indirect_dma semaphore(%run_scoped3A_257 : memref<!tpu.dma_semaphore, #tpu.memory_space<semaphore_mem>>) src(%arg10 : memref<128x128xf32, #tpu.memory_space<vmem>>) dst(%dma_wait3A_269 : memref<10240x128xf32, #tpu.memory_space<vmem_shared>>)
        tpu.yield
      }) : () -> ()
      %dma_start3A_174 = arith.constant 11 : i32
      %dma_start3A_175 = arith.constant 0 : i32
      %dma_start3A_176 = tpu.memref_slice %arg6[%dma_start3A_174, %dma_start3A_175] : memref<16x128xi32, #tpu.memory_space<vmem>> -> memref<1x128xi32, #tpu.memory_space<vmem>>
      %dma_start3A_177 = tpu.memref_squeeze %dma_start3A_176 : memref<1x128xi32, #tpu.memory_space<vmem>> -> memref<128xi32, #tpu.memory_space<vmem>>
      %dma_start3A_178 = arith.constant 0 : i32
      %dma_start3A_179 = arith.constant 0 : i32
      %dma_start3A_180 = tpu.memref_slice %arg2[%dma_start3A_178, %dma_start3A_179] : memref<20480x128xf32, #tpu.memory_space<hbm>> -> memref<20480x128xf32, #tpu.memory_space<hbm>>
      tpu.enqueue_indirect_dma source(%dma_start3A_180 : memref<20480x128xf32, #tpu.memory_space<hbm>>) target(%arg10 : memref<128x128xf32, #tpu.memory_space<vmem>>) offsets(%dma_start3A_177 : memref<128xi32, #tpu.memory_space<vmem>>) semaphore(%arg12 : memref<!tpu.dma_semaphore, #tpu.memory_space<semaphore_mem>>)
      %dma_wait3A_181 = arith.constant 10 : i32
      %dma_wait3A_182 = arith.constant 0 : i32
      %dma_wait3A_183 = tpu.memref_slice %arg6[%dma_wait3A_181, %dma_wait3A_182] : memref<16x128xi32, #tpu.memory_space<vmem>> -> memref<1x128xi32, #tpu.memory_space<vmem>>
      %dma_wait3A_184 = tpu.memref_squeeze %dma_wait3A_183 : memref<1x128xi32, #tpu.memory_space<vmem>> -> memref<128xi32, #tpu.memory_space<vmem>>
      %dma_wait3A_185 = arith.constant 0 : i32
      %dma_wait3A_186 = arith.constant 0 : i32
      %dma_wait3A_187 = tpu.memref_slice %arg2[%dma_wait3A_185, %dma_wait3A_186] : memref<20480x128xf32, #tpu.memory_space<hbm>> -> memref<20480x128xf32, #tpu.memory_space<hbm>>
      tpu.wait_indirect_dma semaphore(%arg11 : memref<!tpu.dma_semaphore, #tpu.memory_space<semaphore_mem>>) src(%dma_wait3A_187 : memref<20480x128xf32, #tpu.memory_space<hbm>>) dst(%arg9 : memref<128x128xf32, #tpu.memory_space<vmem>>)
      %run_scoped3A_188 = arith.constant 10 : i32
      "tpu.region"() ({
        %run_scoped3A_257 = tpu.sem_alloc : memref<!tpu.dma_semaphore, #tpu.memory_space<semaphore_mem>>
        %dma_start3A_258 = arith.constant 0 : i32
        %dma_start3A_259 = tpu.memref_slice %arg7[%run_scoped3A_188, %dma_start3A_258] : memref<16x128xi32, #tpu.memory_space<vmem>> -> memref<1x128xi32, #tpu.memory_space<vmem>>
        %dma_start3A_260 = tpu.memref_squeeze %dma_start3A_259 : memref<1x128xi32, #tpu.memory_space<vmem>> -> memref<128xi32, #tpu.memory_space<vmem>>
        %dma_start3A_261 = arith.constant 0 : i32
        %dma_start3A_262 = arith.constant 0 : i32
        %dma_start3A_263 = tpu.memref_slice %arg8[%dma_start3A_261, %dma_start3A_262] : memref<10240x128xf32, #tpu.memory_space<vmem_shared>> -> memref<10240x128xf32, #tpu.memory_space<vmem_shared>>
        tpu.enqueue_indirect_dma source(%arg9 : memref<128x128xf32, #tpu.memory_space<vmem>>) target(%dma_start3A_263 : memref<10240x128xf32, #tpu.memory_space<vmem_shared>>) offsets(%dma_start3A_260 : memref<128xi32, #tpu.memory_space<vmem>>) semaphore(%run_scoped3A_257 : memref<!tpu.dma_semaphore, #tpu.memory_space<semaphore_mem>>) {add = true}
        %dma_wait3A_264 = arith.constant 0 : i32
        %dma_wait3A_265 = tpu.memref_slice %arg7[%run_scoped3A_188, %dma_wait3A_264] : memref<16x128xi32, #tpu.memory_space<vmem>> -> memref<1x128xi32, #tpu.memory_space<vmem>>
        %dma_wait3A_266 = tpu.memref_squeeze %dma_wait3A_265 : memref<1x128xi32, #tpu.memory_space<vmem>> -> memref<128xi32, #tpu.memory_space<vmem>>
        %dma_wait3A_267 = arith.constant 0 : i32
        %dma_wait3A_268 = arith.constant 0 : i32
        %dma_wait3A_269 = tpu.memref_slice %arg8[%dma_wait3A_267, %dma_wait3A_268] : memref<10240x128xf32, #tpu.memory_space<vmem_shared>> -> memref<10240x128xf32, #tpu.memory_space<vmem_shared>>
        tpu.wait_indirect_dma semaphore(%run_scoped3A_257 : memref<!tpu.dma_semaphore, #tpu.memory_space<semaphore_mem>>) src(%arg9 : memref<128x128xf32, #tpu.memory_space<vmem>>) dst(%dma_wait3A_269 : memref<10240x128xf32, #tpu.memory_space<vmem_shared>>)
        tpu.yield
      }) : () -> ()
      %dma_start3A_189 = arith.constant 12 : i32
      %dma_start3A_190 = arith.constant 0 : i32
      %dma_start3A_191 = tpu.memref_slice %arg6[%dma_start3A_189, %dma_start3A_190] : memref<16x128xi32, #tpu.memory_space<vmem>> -> memref<1x128xi32, #tpu.memory_space<vmem>>
      %dma_start3A_192 = tpu.memref_squeeze %dma_start3A_191 : memref<1x128xi32, #tpu.memory_space<vmem>> -> memref<128xi32, #tpu.memory_space<vmem>>
      %dma_start3A_193 = arith.constant 0 : i32
      %dma_start3A_194 = arith.constant 0 : i32
      %dma_start3A_195 = tpu.memref_slice %arg2[%dma_start3A_193, %dma_start3A_194] : memref<20480x128xf32, #tpu.memory_space<hbm>> -> memref<20480x128xf32, #tpu.memory_space<hbm>>
      tpu.enqueue_indirect_dma source(%dma_start3A_195 : memref<20480x128xf32, #tpu.memory_space<hbm>>) target(%arg9 : memref<128x128xf32, #tpu.memory_space<vmem>>) offsets(%dma_start3A_192 : memref<128xi32, #tpu.memory_space<vmem>>) semaphore(%arg11 : memref<!tpu.dma_semaphore, #tpu.memory_space<semaphore_mem>>)
      %dma_wait3A_196 = arith.constant 11 : i32
      %dma_wait3A_197 = arith.constant 0 : i32
      %dma_wait3A_198 = tpu.memref_slice %arg6[%dma_wait3A_196, %dma_wait3A_197] : memref<16x128xi32, #tpu.memory_space<vmem>> -> memref<1x128xi32, #tpu.memory_space<vmem>>
      %dma_wait3A_199 = tpu.memref_squeeze %dma_wait3A_198 : memref<1x128xi32, #tpu.memory_space<vmem>> -> memref<128xi32, #tpu.memory_space<vmem>>
      %dma_wait3A_200 = arith.constant 0 : i32
      %dma_wait3A_201 = arith.constant 0 : i32
      %dma_wait3A_202 = tpu.memref_slice %arg2[%dma_wait3A_200, %dma_wait3A_201] : memref<20480x128xf32, #tpu.memory_space<hbm>> -> memref<20480x128xf32, #tpu.memory_space<hbm>>
      tpu.wait_indirect_dma semaphore(%arg12 : memref<!tpu.dma_semaphore, #tpu.memory_space<semaphore_mem>>) src(%dma_wait3A_202 : memref<20480x128xf32, #tpu.memory_space<hbm>>) dst(%arg10 : memref<128x128xf32, #tpu.memory_space<vmem>>)
      %run_scoped3A_203 = arith.constant 11 : i32
      "tpu.region"() ({
        %run_scoped3A_257 = tpu.sem_alloc : memref<!tpu.dma_semaphore, #tpu.memory_space<semaphore_mem>>
        %dma_start3A_258 = arith.constant 0 : i32
        %dma_start3A_259 = tpu.memref_slice %arg7[%run_scoped3A_203, %dma_start3A_258] : memref<16x128xi32, #tpu.memory_space<vmem>> -> memref<1x128xi32, #tpu.memory_space<vmem>>
        %dma_start3A_260 = tpu.memref_squeeze %dma_start3A_259 : memref<1x128xi32, #tpu.memory_space<vmem>> -> memref<128xi32, #tpu.memory_space<vmem>>
        %dma_start3A_261 = arith.constant 0 : i32
        %dma_start3A_262 = arith.constant 0 : i32
        %dma_start3A_263 = tpu.memref_slice %arg8[%dma_start3A_261, %dma_start3A_262] : memref<10240x128xf32, #tpu.memory_space<vmem_shared>> -> memref<10240x128xf32, #tpu.memory_space<vmem_shared>>
        tpu.enqueue_indirect_dma source(%arg10 : memref<128x128xf32, #tpu.memory_space<vmem>>) target(%dma_start3A_263 : memref<10240x128xf32, #tpu.memory_space<vmem_shared>>) offsets(%dma_start3A_260 : memref<128xi32, #tpu.memory_space<vmem>>) semaphore(%run_scoped3A_257 : memref<!tpu.dma_semaphore, #tpu.memory_space<semaphore_mem>>) {add = true}
        %dma_wait3A_264 = arith.constant 0 : i32
        %dma_wait3A_265 = tpu.memref_slice %arg7[%run_scoped3A_203, %dma_wait3A_264] : memref<16x128xi32, #tpu.memory_space<vmem>> -> memref<1x128xi32, #tpu.memory_space<vmem>>
        %dma_wait3A_266 = tpu.memref_squeeze %dma_wait3A_265 : memref<1x128xi32, #tpu.memory_space<vmem>> -> memref<128xi32, #tpu.memory_space<vmem>>
        %dma_wait3A_267 = arith.constant 0 : i32
        %dma_wait3A_268 = arith.constant 0 : i32
        %dma_wait3A_269 = tpu.memref_slice %arg8[%dma_wait3A_267, %dma_wait3A_268] : memref<10240x128xf32, #tpu.memory_space<vmem_shared>> -> memref<10240x128xf32, #tpu.memory_space<vmem_shared>>
        tpu.wait_indirect_dma semaphore(%run_scoped3A_257 : memref<!tpu.dma_semaphore, #tpu.memory_space<semaphore_mem>>) src(%arg10 : memref<128x128xf32, #tpu.memory_space<vmem>>) dst(%dma_wait3A_269 : memref<10240x128xf32, #tpu.memory_space<vmem_shared>>)
        tpu.yield
      }) : () -> ()
      %dma_start3A_204 = arith.constant 13 : i32
      %dma_start3A_205 = arith.constant 0 : i32
      %dma_start3A_206 = tpu.memref_slice %arg6[%dma_start3A_204, %dma_start3A_205] : memref<16x128xi32, #tpu.memory_space<vmem>> -> memref<1x128xi32, #tpu.memory_space<vmem>>
      %dma_start3A_207 = tpu.memref_squeeze %dma_start3A_206 : memref<1x128xi32, #tpu.memory_space<vmem>> -> memref<128xi32, #tpu.memory_space<vmem>>
      %dma_start3A_208 = arith.constant 0 : i32
      %dma_start3A_209 = arith.constant 0 : i32
      %dma_start3A_210 = tpu.memref_slice %arg2[%dma_start3A_208, %dma_start3A_209] : memref<20480x128xf32, #tpu.memory_space<hbm>> -> memref<20480x128xf32, #tpu.memory_space<hbm>>
      tpu.enqueue_indirect_dma source(%dma_start3A_210 : memref<20480x128xf32, #tpu.memory_space<hbm>>) target(%arg10 : memref<128x128xf32, #tpu.memory_space<vmem>>) offsets(%dma_start3A_207 : memref<128xi32, #tpu.memory_space<vmem>>) semaphore(%arg12 : memref<!tpu.dma_semaphore, #tpu.memory_space<semaphore_mem>>)
      %dma_wait3A_211 = arith.constant 12 : i32
      %dma_wait3A_212 = arith.constant 0 : i32
      %dma_wait3A_213 = tpu.memref_slice %arg6[%dma_wait3A_211, %dma_wait3A_212] : memref<16x128xi32, #tpu.memory_space<vmem>> -> memref<1x128xi32, #tpu.memory_space<vmem>>
      %dma_wait3A_214 = tpu.memref_squeeze %dma_wait3A_213 : memref<1x128xi32, #tpu.memory_space<vmem>> -> memref<128xi32, #tpu.memory_space<vmem>>
      %dma_wait3A_215 = arith.constant 0 : i32
      %dma_wait3A_216 = arith.constant 0 : i32
      %dma_wait3A_217 = tpu.memref_slice %arg2[%dma_wait3A_215, %dma_wait3A_216] : memref<20480x128xf32, #tpu.memory_space<hbm>> -> memref<20480x128xf32, #tpu.memory_space<hbm>>
      tpu.wait_indirect_dma semaphore(%arg11 : memref<!tpu.dma_semaphore, #tpu.memory_space<semaphore_mem>>) src(%dma_wait3A_217 : memref<20480x128xf32, #tpu.memory_space<hbm>>) dst(%arg9 : memref<128x128xf32, #tpu.memory_space<vmem>>)
      %run_scoped3A_218 = arith.constant 12 : i32
      "tpu.region"() ({
        %run_scoped3A_257 = tpu.sem_alloc : memref<!tpu.dma_semaphore, #tpu.memory_space<semaphore_mem>>
        %dma_start3A_258 = arith.constant 0 : i32
        %dma_start3A_259 = tpu.memref_slice %arg7[%run_scoped3A_218, %dma_start3A_258] : memref<16x128xi32, #tpu.memory_space<vmem>> -> memref<1x128xi32, #tpu.memory_space<vmem>>
        %dma_start3A_260 = tpu.memref_squeeze %dma_start3A_259 : memref<1x128xi32, #tpu.memory_space<vmem>> -> memref<128xi32, #tpu.memory_space<vmem>>
        %dma_start3A_261 = arith.constant 0 : i32
        %dma_start3A_262 = arith.constant 0 : i32
        %dma_start3A_263 = tpu.memref_slice %arg8[%dma_start3A_261, %dma_start3A_262] : memref<10240x128xf32, #tpu.memory_space<vmem_shared>> -> memref<10240x128xf32, #tpu.memory_space<vmem_shared>>
        tpu.enqueue_indirect_dma source(%arg9 : memref<128x128xf32, #tpu.memory_space<vmem>>) target(%dma_start3A_263 : memref<10240x128xf32, #tpu.memory_space<vmem_shared>>) offsets(%dma_start3A_260 : memref<128xi32, #tpu.memory_space<vmem>>) semaphore(%run_scoped3A_257 : memref<!tpu.dma_semaphore, #tpu.memory_space<semaphore_mem>>) {add = true}
        %dma_wait3A_264 = arith.constant 0 : i32
        %dma_wait3A_265 = tpu.memref_slice %arg7[%run_scoped3A_218, %dma_wait3A_264] : memref<16x128xi32, #tpu.memory_space<vmem>> -> memref<1x128xi32, #tpu.memory_space<vmem>>
        %dma_wait3A_266 = tpu.memref_squeeze %dma_wait3A_265 : memref<1x128xi32, #tpu.memory_space<vmem>> -> memref<128xi32, #tpu.memory_space<vmem>>
        %dma_wait3A_267 = arith.constant 0 : i32
        %dma_wait3A_268 = arith.constant 0 : i32
        %dma_wait3A_269 = tpu.memref_slice %arg8[%dma_wait3A_267, %dma_wait3A_268] : memref<10240x128xf32, #tpu.memory_space<vmem_shared>> -> memref<10240x128xf32, #tpu.memory_space<vmem_shared>>
        tpu.wait_indirect_dma semaphore(%run_scoped3A_257 : memref<!tpu.dma_semaphore, #tpu.memory_space<semaphore_mem>>) src(%arg9 : memref<128x128xf32, #tpu.memory_space<vmem>>) dst(%dma_wait3A_269 : memref<10240x128xf32, #tpu.memory_space<vmem_shared>>)
        tpu.yield
      }) : () -> ()
      %dma_start3A_219 = arith.constant 14 : i32
      %dma_start3A_220 = arith.constant 0 : i32
      %dma_start3A_221 = tpu.memref_slice %arg6[%dma_start3A_219, %dma_start3A_220] : memref<16x128xi32, #tpu.memory_space<vmem>> -> memref<1x128xi32, #tpu.memory_space<vmem>>
      %dma_start3A_222 = tpu.memref_squeeze %dma_start3A_221 : memref<1x128xi32, #tpu.memory_space<vmem>> -> memref<128xi32, #tpu.memory_space<vmem>>
      %dma_start3A_223 = arith.constant 0 : i32
      %dma_start3A_224 = arith.constant 0 : i32
      %dma_start3A_225 = tpu.memref_slice %arg2[%dma_start3A_223, %dma_start3A_224] : memref<20480x128xf32, #tpu.memory_space<hbm>> -> memref<20480x128xf32, #tpu.memory_space<hbm>>
      tpu.enqueue_indirect_dma source(%dma_start3A_225 : memref<20480x128xf32, #tpu.memory_space<hbm>>) target(%arg9 : memref<128x128xf32, #tpu.memory_space<vmem>>) offsets(%dma_start3A_222 : memref<128xi32, #tpu.memory_space<vmem>>) semaphore(%arg11 : memref<!tpu.dma_semaphore, #tpu.memory_space<semaphore_mem>>)
      %dma_wait3A_226 = arith.constant 13 : i32
      %dma_wait3A_227 = arith.constant 0 : i32
      %dma_wait3A_228 = tpu.memref_slice %arg6[%dma_wait3A_226, %dma_wait3A_227] : memref<16x128xi32, #tpu.memory_space<vmem>> -> memref<1x128xi32, #tpu.memory_space<vmem>>
      %dma_wait3A_229 = tpu.memref_squeeze %dma_wait3A_228 : memref<1x128xi32, #tpu.memory_space<vmem>> -> memref<128xi32, #tpu.memory_space<vmem>>
      %dma_wait3A_230 = arith.constant 0 : i32
      %dma_wait3A_231 = arith.constant 0 : i32
      %dma_wait3A_232 = tpu.memref_slice %arg2[%dma_wait3A_230, %dma_wait3A_231] : memref<20480x128xf32, #tpu.memory_space<hbm>> -> memref<20480x128xf32, #tpu.memory_space<hbm>>
      tpu.wait_indirect_dma semaphore(%arg12 : memref<!tpu.dma_semaphore, #tpu.memory_space<semaphore_mem>>) src(%dma_wait3A_232 : memref<20480x128xf32, #tpu.memory_space<hbm>>) dst(%arg10 : memref<128x128xf32, #tpu.memory_space<vmem>>)
      %run_scoped3A_233 = arith.constant 13 : i32
      "tpu.region"() ({
        %run_scoped3A_257 = tpu.sem_alloc : memref<!tpu.dma_semaphore, #tpu.memory_space<semaphore_mem>>
        %dma_start3A_258 = arith.constant 0 : i32
        %dma_start3A_259 = tpu.memref_slice %arg7[%run_scoped3A_233, %dma_start3A_258] : memref<16x128xi32, #tpu.memory_space<vmem>> -> memref<1x128xi32, #tpu.memory_space<vmem>>
        %dma_start3A_260 = tpu.memref_squeeze %dma_start3A_259 : memref<1x128xi32, #tpu.memory_space<vmem>> -> memref<128xi32, #tpu.memory_space<vmem>>
        %dma_start3A_261 = arith.constant 0 : i32
        %dma_start3A_262 = arith.constant 0 : i32
        %dma_start3A_263 = tpu.memref_slice %arg8[%dma_start3A_261, %dma_start3A_262] : memref<10240x128xf32, #tpu.memory_space<vmem_shared>> -> memref<10240x128xf32, #tpu.memory_space<vmem_shared>>
        tpu.enqueue_indirect_dma source(%arg10 : memref<128x128xf32, #tpu.memory_space<vmem>>) target(%dma_start3A_263 : memref<10240x128xf32, #tpu.memory_space<vmem_shared>>) offsets(%dma_start3A_260 : memref<128xi32, #tpu.memory_space<vmem>>) semaphore(%run_scoped3A_257 : memref<!tpu.dma_semaphore, #tpu.memory_space<semaphore_mem>>) {add = true}
        %dma_wait3A_264 = arith.constant 0 : i32
        %dma_wait3A_265 = tpu.memref_slice %arg7[%run_scoped3A_233, %dma_wait3A_264] : memref<16x128xi32, #tpu.memory_space<vmem>> -> memref<1x128xi32, #tpu.memory_space<vmem>>
        %dma_wait3A_266 = tpu.memref_squeeze %dma_wait3A_265 : memref<1x128xi32, #tpu.memory_space<vmem>> -> memref<128xi32, #tpu.memory_space<vmem>>
        %dma_wait3A_267 = arith.constant 0 : i32
        %dma_wait3A_268 = arith.constant 0 : i32
        %dma_wait3A_269 = tpu.memref_slice %arg8[%dma_wait3A_267, %dma_wait3A_268] : memref<10240x128xf32, #tpu.memory_space<vmem_shared>> -> memref<10240x128xf32, #tpu.memory_space<vmem_shared>>
        tpu.wait_indirect_dma semaphore(%run_scoped3A_257 : memref<!tpu.dma_semaphore, #tpu.memory_space<semaphore_mem>>) src(%arg10 : memref<128x128xf32, #tpu.memory_space<vmem>>) dst(%dma_wait3A_269 : memref<10240x128xf32, #tpu.memory_space<vmem_shared>>)
        tpu.yield
      }) : () -> ()
      %dma_start3A_234 = arith.constant 15 : i32
      %dma_start3A_235 = arith.constant 0 : i32
      %dma_start3A_236 = tpu.memref_slice %arg6[%dma_start3A_234, %dma_start3A_235] : memref<16x128xi32, #tpu.memory_space<vmem>> -> memref<1x128xi32, #tpu.memory_space<vmem>>
      %dma_start3A_237 = tpu.memref_squeeze %dma_start3A_236 : memref<1x128xi32, #tpu.memory_space<vmem>> -> memref<128xi32, #tpu.memory_space<vmem>>
      %dma_start3A_238 = arith.constant 0 : i32
      %dma_start3A_239 = arith.constant 0 : i32
      %dma_start3A_240 = tpu.memref_slice %arg2[%dma_start3A_238, %dma_start3A_239] : memref<20480x128xf32, #tpu.memory_space<hbm>> -> memref<20480x128xf32, #tpu.memory_space<hbm>>
      tpu.enqueue_indirect_dma source(%dma_start3A_240 : memref<20480x128xf32, #tpu.memory_space<hbm>>) target(%arg10 : memref<128x128xf32, #tpu.memory_space<vmem>>) offsets(%dma_start3A_237 : memref<128xi32, #tpu.memory_space<vmem>>) semaphore(%arg12 : memref<!tpu.dma_semaphore, #tpu.memory_space<semaphore_mem>>)
      %dma_wait3A_241 = arith.constant 14 : i32
      %dma_wait3A_242 = arith.constant 0 : i32
      %dma_wait3A_243 = tpu.memref_slice %arg6[%dma_wait3A_241, %dma_wait3A_242] : memref<16x128xi32, #tpu.memory_space<vmem>> -> memref<1x128xi32, #tpu.memory_space<vmem>>
      %dma_wait3A_244 = tpu.memref_squeeze %dma_wait3A_243 : memref<1x128xi32, #tpu.memory_space<vmem>> -> memref<128xi32, #tpu.memory_space<vmem>>
      %dma_wait3A_245 = arith.constant 0 : i32
      %dma_wait3A_246 = arith.constant 0 : i32
      %dma_wait3A_247 = tpu.memref_slice %arg2[%dma_wait3A_245, %dma_wait3A_246] : memref<20480x128xf32, #tpu.memory_space<hbm>> -> memref<20480x128xf32, #tpu.memory_space<hbm>>
      tpu.wait_indirect_dma semaphore(%arg11 : memref<!tpu.dma_semaphore, #tpu.memory_space<semaphore_mem>>) src(%dma_wait3A_247 : memref<20480x128xf32, #tpu.memory_space<hbm>>) dst(%arg9 : memref<128x128xf32, #tpu.memory_space<vmem>>)
      %run_scoped3A_248 = arith.constant 14 : i32
      "tpu.region"() ({
        %run_scoped3A_257 = tpu.sem_alloc : memref<!tpu.dma_semaphore, #tpu.memory_space<semaphore_mem>>
        %dma_start3A_258 = arith.constant 0 : i32
        %dma_start3A_259 = tpu.memref_slice %arg7[%run_scoped3A_248, %dma_start3A_258] : memref<16x128xi32, #tpu.memory_space<vmem>> -> memref<1x128xi32, #tpu.memory_space<vmem>>
        %dma_start3A_260 = tpu.memref_squeeze %dma_start3A_259 : memref<1x128xi32, #tpu.memory_space<vmem>> -> memref<128xi32, #tpu.memory_space<vmem>>
        %dma_start3A_261 = arith.constant 0 : i32
        %dma_start3A_262 = arith.constant 0 : i32
        %dma_start3A_263 = tpu.memref_slice %arg8[%dma_start3A_261, %dma_start3A_262] : memref<10240x128xf32, #tpu.memory_space<vmem_shared>> -> memref<10240x128xf32, #tpu.memory_space<vmem_shared>>
        tpu.enqueue_indirect_dma source(%arg9 : memref<128x128xf32, #tpu.memory_space<vmem>>) target(%dma_start3A_263 : memref<10240x128xf32, #tpu.memory_space<vmem_shared>>) offsets(%dma_start3A_260 : memref<128xi32, #tpu.memory_space<vmem>>) semaphore(%run_scoped3A_257 : memref<!tpu.dma_semaphore, #tpu.memory_space<semaphore_mem>>) {add = true}
        %dma_wait3A_264 = arith.constant 0 : i32
        %dma_wait3A_265 = tpu.memref_slice %arg7[%run_scoped3A_248, %dma_wait3A_264] : memref<16x128xi32, #tpu.memory_space<vmem>> -> memref<1x128xi32, #tpu.memory_space<vmem>>
        %dma_wait3A_266 = tpu.memref_squeeze %dma_wait3A_265 : memref<1x128xi32, #tpu.memory_space<vmem>> -> memref<128xi32, #tpu.memory_space<vmem>>
        %dma_wait3A_267 = arith.constant 0 : i32
        %dma_wait3A_268 = arith.constant 0 : i32
        %dma_wait3A_269 = tpu.memref_slice %arg8[%dma_wait3A_267, %dma_wait3A_268] : memref<10240x128xf32, #tpu.memory_space<vmem_shared>> -> memref<10240x128xf32, #tpu.memory_space<vmem_shared>>
        tpu.wait_indirect_dma semaphore(%run_scoped3A_257 : memref<!tpu.dma_semaphore, #tpu.memory_space<semaphore_mem>>) src(%arg9 : memref<128x128xf32, #tpu.memory_space<vmem>>) dst(%dma_wait3A_269 : memref<10240x128xf32, #tpu.memory_space<vmem_shared>>)
        tpu.yield
      }) : () -> ()
      %dma_wait3A_249 = arith.constant 15 : i32
      %dma_wait3A_250 = arith.constant 0 : i32
      %dma_wait3A_251 = tpu.memref_slice %arg6[%dma_wait3A_249, %dma_wait3A_250] : memref<16x128xi32, #tpu.memory_space<vmem>> -> memref<1x128xi32, #tpu.memory_space<vmem>>
      %dma_wait3A_252 = tpu.memref_squeeze %dma_wait3A_251 : memref<1x128xi32, #tpu.memory_space<vmem>> -> memref<128xi32, #tpu.memory_space<vmem>>
      %dma_wait3A_253 = arith.constant 0 : i32
      %dma_wait3A_254 = arith.constant 0 : i32
      %dma_wait3A_255 = tpu.memref_slice %arg2[%dma_wait3A_253, %dma_wait3A_254] : memref<20480x128xf32, #tpu.memory_space<hbm>> -> memref<20480x128xf32, #tpu.memory_space<hbm>>
      tpu.wait_indirect_dma semaphore(%arg12 : memref<!tpu.dma_semaphore, #tpu.memory_space<semaphore_mem>>) src(%dma_wait3A_255 : memref<20480x128xf32, #tpu.memory_space<hbm>>) dst(%arg10 : memref<128x128xf32, #tpu.memory_space<vmem>>)
      %run_scoped3A_256 = arith.constant 15 : i32
      "tpu.region"() ({
        %run_scoped3A_257 = tpu.sem_alloc : memref<!tpu.dma_semaphore, #tpu.memory_space<semaphore_mem>>
        %dma_start3A_258 = arith.constant 0 : i32
        %dma_start3A_259 = tpu.memref_slice %arg7[%run_scoped3A_256, %dma_start3A_258] : memref<16x128xi32, #tpu.memory_space<vmem>> -> memref<1x128xi32, #tpu.memory_space<vmem>>
        %dma_start3A_260 = tpu.memref_squeeze %dma_start3A_259 : memref<1x128xi32, #tpu.memory_space<vmem>> -> memref<128xi32, #tpu.memory_space<vmem>>
        %dma_start3A_261 = arith.constant 0 : i32
        %dma_start3A_262 = arith.constant 0 : i32
        %dma_start3A_263 = tpu.memref_slice %arg8[%dma_start3A_261, %dma_start3A_262] : memref<10240x128xf32, #tpu.memory_space<vmem_shared>> -> memref<10240x128xf32, #tpu.memory_space<vmem_shared>>
        tpu.enqueue_indirect_dma source(%arg10 : memref<128x128xf32, #tpu.memory_space<vmem>>) target(%dma_start3A_263 : memref<10240x128xf32, #tpu.memory_space<vmem_shared>>) offsets(%dma_start3A_260 : memref<128xi32, #tpu.memory_space<vmem>>) semaphore(%run_scoped3A_257 : memref<!tpu.dma_semaphore, #tpu.memory_space<semaphore_mem>>) {add = true}
        %dma_wait3A_264 = arith.constant 0 : i32
        %dma_wait3A_265 = tpu.memref_slice %arg7[%run_scoped3A_256, %dma_wait3A_264] : memref<16x128xi32, #tpu.memory_space<vmem>> -> memref<1x128xi32, #tpu.memory_space<vmem>>
        %dma_wait3A_266 = tpu.memref_squeeze %dma_wait3A_265 : memref<1x128xi32, #tpu.memory_space<vmem>> -> memref<128xi32, #tpu.memory_space<vmem>>
        %dma_wait3A_267 = arith.constant 0 : i32
        %dma_wait3A_268 = arith.constant 0 : i32
        %dma_wait3A_269 = tpu.memref_slice %arg8[%dma_wait3A_267, %dma_wait3A_268] : memref<10240x128xf32, #tpu.memory_space<vmem_shared>> -> memref<10240x128xf32, #tpu.memory_space<vmem_shared>>
        tpu.wait_indirect_dma semaphore(%run_scoped3A_257 : memref<!tpu.dma_semaphore, #tpu.memory_space<semaphore_mem>>) src(%arg10 : memref<128x128xf32, #tpu.memory_space<vmem>>) dst(%dma_wait3A_269 : memref<10240x128xf32, #tpu.memory_space<vmem_shared>>)
        tpu.yield
      }) : () -> ()
    }
    %scan3A_10 = arith.constant 10 : i32
    %barrier3A_11 = arith.constant 0 : index
    tpu.barrier barrier_id(%barrier3A_11)
    %mul3A_12 = arith.constant 10240 : i32
    %mul3A_13 = arith.muli %arg0, %mul3A_12 : i32
    %add3A_14 = arith.addi %mul3A_13, %mul3A_2 : i32
    "tpu.region"() ({
      %run_scoped3A = tpu.sem_alloc : memref<!tpu.dma_semaphore, #tpu.memory_space<semaphore_mem>>
      %dma_start3A = arith.constant 0 : i32
      %dma_start3A_15 = tpu.memref_slice %arg5[%add3A_14, %dma_start3A] : memref<20480x128xf32, #tpu.memory_space<hbm>> -> memref<640x128xf32, #tpu.memory_space<hbm>>
      %dma_start3A_16 = arith.constant 0 : i32
      %dma_start3A_17 = tpu.memref_slice %arg8[%mul3A_2, %dma_start3A_16] : memref<10240x128xf32, #tpu.memory_space<vmem_shared>> -> memref<640x128xf32, #tpu.memory_space<vmem_shared>>
      tpu.enqueue_dma source(%dma_start3A_17 : memref<640x128xf32, #tpu.memory_space<vmem_shared>>) target(%dma_start3A_15 : memref<640x128xf32, #tpu.memory_space<hbm>>) target_semaphore(%run_scoped3A : memref<!tpu.dma_semaphore, #tpu.memory_space<semaphore_mem>>)
      %dma_wait3A = arith.constant 0 : i32
      %dma_wait3A_18 = tpu.memref_slice %arg5[%add3A_14, %dma_wait3A] : memref<20480x128xf32, #tpu.memory_space<hbm>> -> memref<640x128xf32, #tpu.memory_space<hbm>>
      %dma_wait3A_19 = arith.constant 0 : i32
      %dma_wait3A_20 = tpu.memref_slice %arg8[%mul3A_2, %dma_wait3A_19] : memref<10240x128xf32, #tpu.memory_space<vmem_shared>> -> memref<640x128xf32, #tpu.memory_space<vmem_shared>>
      tpu.wait_dma2 semaphore(%run_scoped3A : memref<!tpu.dma_semaphore, #tpu.memory_space<semaphore_mem>>) src(%dma_wait3A_20 : memref<640x128xf32, #tpu.memory_space<vmem_shared>>) dst(%dma_wait3A_18 : memref<640x128xf32, #tpu.memory_space<hbm>>)
      tpu.yield
    }) : () -> ()
    return
  }
}

#map = affine_map<(d0, d1) -> (0, 0)>
#map1 = affine_map<(d0, d1) -> (0, 0, 0)>
module attributes {stable_mosaic.version = 14 : i64} {
  func.func @body(%arg0: i32, %arg1: i32, %arg2: memref<20480x128xf32, #tpu.memory_space<hbm>>, %arg3: memref<32x160x128xi32, #tpu.memory_space<hbm>>, %arg4: memref<16x160x128xi32, #tpu.memory_space<hbm>>, %arg5: memref<20480x128xf32, #tpu.memory_space<hbm>>, %arg6: memref<16x128xi32, #tpu.memory_space<vmem>>, %arg7: memref<16x128xi32, #tpu.memory_space<vmem>>, %arg8: memref<10240x128xf32, #tpu.memory_space<vmem_shared>>, %arg9: memref<128x128xf32, #tpu.memory_space<vmem>>, %arg10: memref<128x128xf32, #tpu.memory_space<vmem>>, %arg11: memref<!tpu.dma_semaphore, #tpu.memory_space<semaphore_mem>>, %arg12: memref<!tpu.dma_semaphore, #tpu.memory_space<semaphore_mem>>, %arg13: memref<!tpu.dma_semaphore, #tpu.memory_space<semaphore_mem>>) attributes {dimension_semantics = [#tpu.dimension_semantics<core_parallel>, #tpu.dimension_semantics<subcore_parallel>], iteration_bounds = array<i64: 2, 16>, scalar_prefetch = 0 : i64, scratch_operands = 8 : i64, tpu.core_type = #tpu.core_type<sc_vector_subcore>, window_params = [{transform_indices = #map}, {transform_indices = #map1}, {transform_indices = #map1}, {transform_indices = #map}]} {
    %mul3A = arith.constant 16 : i32
    %mul3A_0 = arith.muli %arg0, %mul3A : i32
    %add3A = arith.addi %mul3A_0, %arg1 : i32
    %mul3A_1 = arith.constant 640 : i32
    %mul3A_2 = arith.muli %arg1, %mul3A_1 : i32
    %mul3A_3 = arith.constant 10240 : i32
    %mul3A_4 = arith.muli %arg0, %mul3A_3 : i32
    %add3A_5 = arith.addi %mul3A_4, %mul3A_2 : i32
    "tpu.region"() ({
      %run_scoped3A = tpu.sem_alloc : memref<!tpu.dma_semaphore, #tpu.memory_space<semaphore_mem>>
      %dma_start3A = arith.constant 0 : i32
      %dma_start3A_15 = tpu.memref_slice %arg8[%mul3A_2, %dma_start3A] : memref<10240x128xf32, #tpu.memory_space<vmem_shared>> -> memref<640x128xf32, #tpu.memory_space<vmem_shared>>
      %dma_start3A_16 = arith.constant 0 : i32
      %dma_start3A_17 = tpu.memref_slice %arg2[%add3A_5, %dma_start3A_16] : memref<20480x128xf32, #tpu.memory_space<hbm>> -> memref<640x128xf32, #tpu.memory_space<hbm>>
      tpu.enqueue_dma source(%dma_start3A_17 : memref<640x128xf32, #tpu.memory_space<hbm>>) target(%dma_start3A_15 : memref<640x128xf32, #tpu.memory_space<vmem_shared>>) target_semaphore(%run_scoped3A : memref<!tpu.dma_semaphore, #tpu.memory_space<semaphore_mem>>)
      %dma_wait3A = arith.constant 0 : i32
      %dma_wait3A_18 = tpu.memref_slice %arg8[%mul3A_2, %dma_wait3A] : memref<10240x128xf32, #tpu.memory_space<vmem_shared>> -> memref<640x128xf32, #tpu.memory_space<vmem_shared>>
      %dma_wait3A_19 = arith.constant 0 : i32
      %dma_wait3A_20 = tpu.memref_slice %arg2[%add3A_5, %dma_wait3A_19] : memref<20480x128xf32, #tpu.memory_space<hbm>> -> memref<640x128xf32, #tpu.memory_space<hbm>>
      tpu.wait_dma2 semaphore(%run_scoped3A : memref<!tpu.dma_semaphore, #tpu.memory_space<semaphore_mem>>) src(%dma_wait3A_20 : memref<640x128xf32, #tpu.memory_space<hbm>>) dst(%dma_wait3A_18 : memref<640x128xf32, #tpu.memory_space<vmem_shared>>)
      tpu.yield
    }) : () -> ()
    %barrier3A = arith.constant 0 : index
    tpu.barrier barrier_id(%barrier3A)
    %scan3A = arith.constant 0 : i32
    %scan3A_6 = arith.constant 0 : i32
    %scan3A_7 = arith.constant 10 : i32
    %scan3A_8 = arith.addi %scan3A_6, %scan3A_7 : i32
    %scan3A_9 = arith.constant 1 : i32
    scf.for %scan3A_15 = %scan3A_6 to %scan3A_8 step %scan3A_9  : i32 {
      %mul3A_16 = arith.constant 16 : i32
      %mul3A_17 = arith.muli %scan3A_15, %mul3A_16 : i32
      "tpu.region"() ({
        %run_scoped3A_257 = tpu.sem_alloc : memref<!tpu.dma_semaphore, #tpu.memory_space<semaphore_mem>>
        %dma_start3A_258 = arith.constant 0 : i32
        %dma_start3A_259 = tpu.memref_slice %arg3[%add3A, %mul3A_17, %dma_start3A_258] : memref<32x160x128xi32, #tpu.memory_space<hbm>> -> memref<1x16x128xi32, #tpu.memory_space<hbm>>
        %dma_start3A_260 = tpu.memref_squeeze %dma_start3A_259 : memref<1x16x128xi32, #tpu.memory_space<hbm>> -> memref<16x128xi32, #tpu.memory_space<hbm>>
        %dma_start3A_261 = arith.constant 0 : i32
        %dma_start3A_262 = tpu.memref_slice %arg3[%add3A, %mul3A_17, %dma_start3A_261] : memref<32x160x128xi32, #tpu.memory_space<hbm>> -> memref<1x16x128xi32, #tpu.memory_space<hbm>>
        %dma_start3A_263 = tpu.memref_squeeze %dma_start3A_262 : memref<1x16x128xi32, #tpu.memory_space<hbm>> -> memref<16x128xi32, #tpu.memory_space<hbm>>
        tpu.enqueue_dma source(%dma_start3A_263 : memref<16x128xi32, #tpu.memory_space<hbm>>) target(%arg6 : memref<16x128xi32, #tpu.memory_space<vmem>>) target_semaphore(%run_scoped3A_257 : memref<!tpu.dma_semaphore, #tpu.memory_space<semaphore_mem>>)
        %dma_wait3A_264 = arith.constant 0 : i32
        %dma_wait3A_265 = tpu.memref_slice %arg3[%add3A, %mul3A_17, %dma_wait3A_264] : memref<32x160x128xi32, #tpu.memory_space<hbm>> -> memref<1x16x128xi32, #tpu.memory_space<hbm>>
        %dma_wait3A_266 = tpu.memref_squeeze %dma_wait3A_265 : memref<1x16x128xi32, #tpu.memory_space<hbm>> -> memref<16x128xi32, #tpu.memory_space<hbm>>
        %dma_wait3A_267 = arith.constant 0 : i32
        %dma_wait3A_268 = tpu.memref_slice %arg3[%add3A, %mul3A_17, %dma_wait3A_267] : memref<32x160x128xi32, #tpu.memory_space<hbm>> -> memref<1x16x128xi32, #tpu.memory_space<hbm>>
        %dma_wait3A_269 = tpu.memref_squeeze %dma_wait3A_268 : memref<1x16x128xi32, #tpu.memory_space<hbm>> -> memref<16x128xi32, #tpu.memory_space<hbm>>
        tpu.wait_dma2 semaphore(%run_scoped3A_257 : memref<!tpu.dma_semaphore, #tpu.memory_space<semaphore_mem>>) src(%dma_wait3A_269 : memref<16x128xi32, #tpu.memory_space<hbm>>) dst(%arg6 : memref<16x128xi32, #tpu.memory_space<vmem>>)
        tpu.yield
      }) : () -> ()
      %mul3A_18 = arith.constant 16 : i32
      %mul3A_19 = arith.muli %scan3A_15, %mul3A_18 : i32
      "tpu.region"() ({
        %run_scoped3A_257 = tpu.sem_alloc : memref<!tpu.dma_semaphore, #tpu.memory_space<semaphore_mem>>
        %dma_start3A_258 = arith.constant 0 : i32
        %dma_start3A_259 = tpu.memref_slice %arg4[%arg1, %mul3A_19, %dma_start3A_258] : memref<16x160x128xi32, #tpu.memory_space<hbm>> -> memref<1x16x128xi32, #tpu.memory_space<hbm>>
        %dma_start3A_260 = tpu.memref_squeeze %dma_start3A_259 : memref<1x16x128xi32, #tpu.memory_space<hbm>> -> memref<16x128xi32, #tpu.memory_space<hbm>>
        %dma_start3A_261 = arith.constant 0 : i32
        %dma_start3A_262 = tpu.memref_slice %arg4[%arg1, %mul3A_19, %dma_start3A_261] : memref<16x160x128xi32, #tpu.memory_space<hbm>> -> memref<1x16x128xi32, #tpu.memory_space<hbm>>
        %dma_start3A_263 = tpu.memref_squeeze %dma_start3A_262 : memref<1x16x128xi32, #tpu.memory_space<hbm>> -> memref<16x128xi32, #tpu.memory_space<hbm>>
        tpu.enqueue_dma source(%dma_start3A_263 : memref<16x128xi32, #tpu.memory_space<hbm>>) target(%arg7 : memref<16x128xi32, #tpu.memory_space<vmem>>) target_semaphore(%run_scoped3A_257 : memref<!tpu.dma_semaphore, #tpu.memory_space<semaphore_mem>>)
        %dma_wait3A_264 = arith.constant 0 : i32
        %dma_wait3A_265 = tpu.memref_slice %arg4[%arg1, %mul3A_19, %dma_wait3A_264] : memref<16x160x128xi32, #tpu.memory_space<hbm>> -> memref<1x16x128xi32, #tpu.memory_space<hbm>>
        %dma_wait3A_266 = tpu.memref_squeeze %dma_wait3A_265 : memref<1x16x128xi32, #tpu.memory_space<hbm>> -> memref<16x128xi32, #tpu.memory_space<hbm>>
        %dma_wait3A_267 = arith.constant 0 : i32
        %dma_wait3A_268 = tpu.memref_slice %arg4[%arg1, %mul3A_19, %dma_wait3A_267] : memref<16x160x128xi32, #tpu.memory_space<hbm>> -> memref<1x16x128xi32, #tpu.memory_space<hbm>>
        %dma_wait3A_269 = tpu.memref_squeeze %dma_wait3A_268 : memref<1x16x128xi32, #tpu.memory_space<hbm>> -> memref<16x128xi32, #tpu.memory_space<hbm>>
        tpu.wait_dma2 semaphore(%run_scoped3A_257 : memref<!tpu.dma_semaphore, #tpu.memory_space<semaphore_mem>>) src(%dma_wait3A_269 : memref<16x128xi32, #tpu.memory_space<hbm>>) dst(%arg7 : memref<16x128xi32, #tpu.memory_space<vmem>>)
        tpu.yield
      }) : () -> ()
      %dma_start3A = arith.constant 0 : i32
      %dma_start3A_20 = arith.constant 0 : i32
      %dma_start3A_21 = tpu.memref_slice %arg6[%dma_start3A, %dma_start3A_20] : memref<16x128xi32, #tpu.memory_space<vmem>> -> memref<1x128xi32, #tpu.memory_space<vmem>>
      %dma_start3A_22 = tpu.memref_squeeze %dma_start3A_21 : memref<1x128xi32, #tpu.memory_space<vmem>> -> memref<128xi32, #tpu.memory_space<vmem>>
      %dma_start3A_23 = arith.constant 0 : i32
      %dma_start3A_24 = arith.constant 0 : i32
      %dma_start3A_25 = tpu.memref_slice %arg2[%dma_start3A_23, %dma_start3A_24] : memref<20480x128xf32, #tpu.memory_space<hbm>> -> memref<20480x128xf32, #tpu.memory_space<hbm>>
      tpu.enqueue_indirect_dma source(%dma_start3A_25 : memref<20480x128xf32, #tpu.memory_space<hbm>>) target(%arg9 : memref<128x128xf32, #tpu.memory_space<vmem>>) offsets(%dma_start3A_22 : memref<128xi32, #tpu.memory_space<vmem>>) semaphore(%arg11 : memref<!tpu.dma_semaphore, #tpu.memory_space<semaphore_mem>>)
      %dma_start3A_26 = arith.constant 1 : i32
      %dma_start3A_27 = arith.constant 0 : i32
      %dma_start3A_28 = tpu.memref_slice %arg6[%dma_start3A_26, %dma_start3A_27] : memref<16x128xi32, #tpu.memory_space<vmem>> -> memref<1x128xi32, #tpu.memory_space<vmem>>
      %dma_start3A_29 = tpu.memref_squeeze %dma_start3A_28 : memref<1x128xi32, #tpu.memory_space<vmem>> -> memref<128xi32, #tpu.memory_space<vmem>>
      %dma_start3A_30 = arith.constant 0 : i32
      %dma_start3A_31 = arith.constant 0 : i32
      %dma_start3A_32 = tpu.memref_slice %arg2[%dma_start3A_30, %dma_start3A_31] : memref<20480x128xf32, #tpu.memory_space<hbm>> -> memref<20480x128xf32, #tpu.memory_space<hbm>>
      tpu.enqueue_indirect_dma source(%dma_start3A_32 : memref<20480x128xf32, #tpu.memory_space<hbm>>) target(%arg10 : memref<128x128xf32, #tpu.memory_space<vmem>>) offsets(%dma_start3A_29 : memref<128xi32, #tpu.memory_space<vmem>>) semaphore(%arg12 : memref<!tpu.dma_semaphore, #tpu.memory_space<semaphore_mem>>)
      %dma_wait3A = arith.constant 0 : i32
      %dma_wait3A_33 = arith.constant 0 : i32
      %dma_wait3A_34 = tpu.memref_slice %arg6[%dma_wait3A, %dma_wait3A_33] : memref<16x128xi32, #tpu.memory_space<vmem>> -> memref<1x128xi32, #tpu.memory_space<vmem>>
      %dma_wait3A_35 = tpu.memref_squeeze %dma_wait3A_34 : memref<1x128xi32, #tpu.memory_space<vmem>> -> memref<128xi32, #tpu.memory_space<vmem>>
      %dma_wait3A_36 = arith.constant 0 : i32
      %dma_wait3A_37 = arith.constant 0 : i32
      %dma_wait3A_38 = tpu.memref_slice %arg2[%dma_wait3A_36, %dma_wait3A_37] : memref<20480x128xf32, #tpu.memory_space<hbm>> -> memref<20480x128xf32, #tpu.memory_space<hbm>>
      tpu.wait_indirect_dma semaphore(%arg11 : memref<!tpu.dma_semaphore, #tpu.memory_space<semaphore_mem>>) src(%dma_wait3A_38 : memref<20480x128xf32, #tpu.memory_space<hbm>>) dst(%arg9 : memref<128x128xf32, #tpu.memory_space<vmem>>)
      %run_scoped3A = arith.constant 0 : i32
      "tpu.region"() ({
        %run_scoped3A_257 = tpu.sem_alloc : memref<!tpu.dma_semaphore, #tpu.memory_space<semaphore_mem>>
        %dma_start3A_258 = arith.constant 0 : i32
        %dma_start3A_259 = tpu.memref_slice %arg7[%run_scoped3A, %dma_start3A_258] : memref<16x128xi32, #tpu.memory_space<vmem>> -> memref<1x128xi32, #tpu.memory_space<vmem>>
        %dma_start3A_260 = tpu.memref_squeeze %dma_start3A_259 : memref<1x128xi32, #tpu.memory_space<vmem>> -> memref<128xi32, #tpu.memory_space<vmem>>
        %dma_start3A_261 = arith.constant 0 : i32
        %dma_start3A_262 = arith.constant 0 : i32
        %dma_start3A_263 = tpu.memref_slice %arg8[%dma_start3A_261, %dma_start3A_262] : memref<10240x128xf32, #tpu.memory_space<vmem_shared>> -> memref<10240x128xf32, #tpu.memory_space<vmem_shared>>
        tpu.enqueue_indirect_dma source(%arg9 : memref<128x128xf32, #tpu.memory_space<vmem>>) target(%dma_start3A_263 : memref<10240x128xf32, #tpu.memory_space<vmem_shared>>) offsets(%dma_start3A_260 : memref<128xi32, #tpu.memory_space<vmem>>) semaphore(%run_scoped3A_257 : memref<!tpu.dma_semaphore, #tpu.memory_space<semaphore_mem>>) {add = true}
        %dma_wait3A_264 = arith.constant 0 : i32
        %dma_wait3A_265 = tpu.memref_slice %arg7[%run_scoped3A, %dma_wait3A_264] : memref<16x128xi32, #tpu.memory_space<vmem>> -> memref<1x128xi32, #tpu.memory_space<vmem>>
        %dma_wait3A_266 = tpu.memref_squeeze %dma_wait3A_265 : memref<1x128xi32, #tpu.memory_space<vmem>> -> memref<128xi32, #tpu.memory_space<vmem>>
        %dma_wait3A_267 = arith.constant 0 : i32
        %dma_wait3A_268 = arith.constant 0 : i32
        %dma_wait3A_269 = tpu.memref_slice %arg8[%dma_wait3A_267, %dma_wait3A_268] : memref<10240x128xf32, #tpu.memory_space<vmem_shared>> -> memref<10240x128xf32, #tpu.memory_space<vmem_shared>>
        tpu.wait_indirect_dma semaphore(%run_scoped3A_257 : memref<!tpu.dma_semaphore, #tpu.memory_space<semaphore_mem>>) src(%arg9 : memref<128x128xf32, #tpu.memory_space<vmem>>) dst(%dma_wait3A_269 : memref<10240x128xf32, #tpu.memory_space<vmem_shared>>)
        tpu.yield
      }) : () -> ()
      %dma_start3A_39 = arith.constant 2 : i32
      %dma_start3A_40 = arith.constant 0 : i32
      %dma_start3A_41 = tpu.memref_slice %arg6[%dma_start3A_39, %dma_start3A_40] : memref<16x128xi32, #tpu.memory_space<vmem>> -> memref<1x128xi32, #tpu.memory_space<vmem>>
      %dma_start3A_42 = tpu.memref_squeeze %dma_start3A_41 : memref<1x128xi32, #tpu.memory_space<vmem>> -> memref<128xi32, #tpu.memory_space<vmem>>
      %dma_start3A_43 = arith.constant 0 : i32
      %dma_start3A_44 = arith.constant 0 : i32
      %dma_start3A_45 = tpu.memref_slice %arg2[%dma_start3A_43, %dma_start3A_44] : memref<20480x128xf32, #tpu.memory_space<hbm>> -> memref<20480x128xf32, #tpu.memory_space<hbm>>
      tpu.enqueue_indirect_dma source(%dma_start3A_45 : memref<20480x128xf32, #tpu.memory_space<hbm>>) target(%arg9 : memref<128x128xf32, #tpu.memory_space<vmem>>) offsets(%dma_start3A_42 : memref<128xi32, #tpu.memory_space<vmem>>) semaphore(%arg11 : memref<!tpu.dma_semaphore, #tpu.memory_space<semaphore_mem>>)
      %dma_wait3A_46 = arith.constant 1 : i32
      %dma_wait3A_47 = arith.constant 0 : i32
      %dma_wait3A_48 = tpu.memref_slice %arg6[%dma_wait3A_46, %dma_wait3A_47] : memref<16x128xi32, #tpu.memory_space<vmem>> -> memref<1x128xi32, #tpu.memory_space<vmem>>
      %dma_wait3A_49 = tpu.memref_squeeze %dma_wait3A_48 : memref<1x128xi32, #tpu.memory_space<vmem>> -> memref<128xi32, #tpu.memory_space<vmem>>
      %dma_wait3A_50 = arith.constant 0 : i32
      %dma_wait3A_51 = arith.constant 0 : i32
      %dma_wait3A_52 = tpu.memref_slice %arg2[%dma_wait3A_50, %dma_wait3A_51] : memref<20480x128xf32, #tpu.memory_space<hbm>> -> memref<20480x128xf32, #tpu.memory_space<hbm>>
      tpu.wait_indirect_dma semaphore(%arg12 : memref<!tpu.dma_semaphore, #tpu.memory_space<semaphore_mem>>) src(%dma_wait3A_52 : memref<20480x128xf32, #tpu.memory_space<hbm>>) dst(%arg10 : memref<128x128xf32, #tpu.memory_space<vmem>>)
      %run_scoped3A_53 = arith.constant 1 : i32
      "tpu.region"() ({
        %run_scoped3A_257 = tpu.sem_alloc : memref<!tpu.dma_semaphore, #tpu.memory_space<semaphore_mem>>
        %dma_start3A_258 = arith.constant 0 : i32
        %dma_start3A_259 = tpu.memref_slice %arg7[%run_scoped3A_53, %dma_start3A_258] : memref<16x128xi32, #tpu.memory_space<vmem>> -> memref<1x128xi32, #tpu.memory_space<vmem>>
        %dma_start3A_260 = tpu.memref_squeeze %dma_start3A_259 : memref<1x128xi32, #tpu.memory_space<vmem>> -> memref<128xi32, #tpu.memory_space<vmem>>
        %dma_start3A_261 = arith.constant 0 : i32
        %dma_start3A_262 = arith.constant 0 : i32
        %dma_start3A_263 = tpu.memref_slice %arg8[%dma_start3A_261, %dma_start3A_262] : memref<10240x128xf32, #tpu.memory_space<vmem_shared>> -> memref<10240x128xf32, #tpu.memory_space<vmem_shared>>
        tpu.enqueue_indirect_dma source(%arg10 : memref<128x128xf32, #tpu.memory_space<vmem>>) target(%dma_start3A_263 : memref<10240x128xf32, #tpu.memory_space<vmem_shared>>) offsets(%dma_start3A_260 : memref<128xi32, #tpu.memory_space<vmem>>) semaphore(%run_scoped3A_257 : memref<!tpu.dma_semaphore, #tpu.memory_space<semaphore_mem>>) {add = true}
        %dma_wait3A_264 = arith.constant 0 : i32
        %dma_wait3A_265 = tpu.memref_slice %arg7[%run_scoped3A_53, %dma_wait3A_264] : memref<16x128xi32, #tpu.memory_space<vmem>> -> memref<1x128xi32, #tpu.memory_space<vmem>>
        %dma_wait3A_266 = tpu.memref_squeeze %dma_wait3A_265 : memref<1x128xi32, #tpu.memory_space<vmem>> -> memref<128xi32, #tpu.memory_space<vmem>>
        %dma_wait3A_267 = arith.constant 0 : i32
        %dma_wait3A_268 = arith.constant 0 : i32
        %dma_wait3A_269 = tpu.memref_slice %arg8[%dma_wait3A_267, %dma_wait3A_268] : memref<10240x128xf32, #tpu.memory_space<vmem_shared>> -> memref<10240x128xf32, #tpu.memory_space<vmem_shared>>
        tpu.wait_indirect_dma semaphore(%run_scoped3A_257 : memref<!tpu.dma_semaphore, #tpu.memory_space<semaphore_mem>>) src(%arg10 : memref<128x128xf32, #tpu.memory_space<vmem>>) dst(%dma_wait3A_269 : memref<10240x128xf32, #tpu.memory_space<vmem_shared>>)
        tpu.yield
      }) : () -> ()
      %dma_start3A_54 = arith.constant 3 : i32
      %dma_start3A_55 = arith.constant 0 : i32
      %dma_start3A_56 = tpu.memref_slice %arg6[%dma_start3A_54, %dma_start3A_55] : memref<16x128xi32, #tpu.memory_space<vmem>> -> memref<1x128xi32, #tpu.memory_space<vmem>>
      %dma_start3A_57 = tpu.memref_squeeze %dma_start3A_56 : memref<1x128xi32, #tpu.memory_space<vmem>> -> memref<128xi32, #tpu.memory_space<vmem>>
      %dma_start3A_58 = arith.constant 0 : i32
      %dma_start3A_59 = arith.constant 0 : i32
      %dma_start3A_60 = tpu.memref_slice %arg2[%dma_start3A_58, %dma_start3A_59] : memref<20480x128xf32, #tpu.memory_space<hbm>> -> memref<20480x128xf32, #tpu.memory_space<hbm>>
      tpu.enqueue_indirect_dma source(%dma_start3A_60 : memref<20480x128xf32, #tpu.memory_space<hbm>>) target(%arg10 : memref<128x128xf32, #tpu.memory_space<vmem>>) offsets(%dma_start3A_57 : memref<128xi32, #tpu.memory_space<vmem>>) semaphore(%arg12 : memref<!tpu.dma_semaphore, #tpu.memory_space<semaphore_mem>>)
      %dma_wait3A_61 = arith.constant 2 : i32
      %dma_wait3A_62 = arith.constant 0 : i32
      %dma_wait3A_63 = tpu.memref_slice %arg6[%dma_wait3A_61, %dma_wait3A_62] : memref<16x128xi32, #tpu.memory_space<vmem>> -> memref<1x128xi32, #tpu.memory_space<vmem>>
      %dma_wait3A_64 = tpu.memref_squeeze %dma_wait3A_63 : memref<1x128xi32, #tpu.memory_space<vmem>> -> memref<128xi32, #tpu.memory_space<vmem>>
      %dma_wait3A_65 = arith.constant 0 : i32
      %dma_wait3A_66 = arith.constant 0 : i32
      %dma_wait3A_67 = tpu.memref_slice %arg2[%dma_wait3A_65, %dma_wait3A_66] : memref<20480x128xf32, #tpu.memory_space<hbm>> -> memref<20480x128xf32, #tpu.memory_space<hbm>>
      tpu.wait_indirect_dma semaphore(%arg11 : memref<!tpu.dma_semaphore, #tpu.memory_space<semaphore_mem>>) src(%dma_wait3A_67 : memref<20480x128xf32, #tpu.memory_space<hbm>>) dst(%arg9 : memref<128x128xf32, #tpu.memory_space<vmem>>)
      %run_scoped3A_68 = arith.constant 2 : i32
      "tpu.region"() ({
        %run_scoped3A_257 = tpu.sem_alloc : memref<!tpu.dma_semaphore, #tpu.memory_space<semaphore_mem>>
        %dma_start3A_258 = arith.constant 0 : i32
        %dma_start3A_259 = tpu.memref_slice %arg7[%run_scoped3A_68, %dma_start3A_258] : memref<16x128xi32, #tpu.memory_space<vmem>> -> memref<1x128xi32, #tpu.memory_space<vmem>>
        %dma_start3A_260 = tpu.memref_squeeze %dma_start3A_259 : memref<1x128xi32, #tpu.memory_space<vmem>> -> memref<128xi32, #tpu.memory_space<vmem>>
        %dma_start3A_261 = arith.constant 0 : i32
        %dma_start3A_262 = arith.constant 0 : i32
        %dma_start3A_263 = tpu.memref_slice %arg8[%dma_start3A_261, %dma_start3A_262] : memref<10240x128xf32, #tpu.memory_space<vmem_shared>> -> memref<10240x128xf32, #tpu.memory_space<vmem_shared>>
        tpu.enqueue_indirect_dma source(%arg9 : memref<128x128xf32, #tpu.memory_space<vmem>>) target(%dma_start3A_263 : memref<10240x128xf32, #tpu.memory_space<vmem_shared>>) offsets(%dma_start3A_260 : memref<128xi32, #tpu.memory_space<vmem>>) semaphore(%run_scoped3A_257 : memref<!tpu.dma_semaphore, #tpu.memory_space<semaphore_mem>>) {add = true}
        %dma_wait3A_264 = arith.constant 0 : i32
        %dma_wait3A_265 = tpu.memref_slice %arg7[%run_scoped3A_68, %dma_wait3A_264] : memref<16x128xi32, #tpu.memory_space<vmem>> -> memref<1x128xi32, #tpu.memory_space<vmem>>
        %dma_wait3A_266 = tpu.memref_squeeze %dma_wait3A_265 : memref<1x128xi32, #tpu.memory_space<vmem>> -> memref<128xi32, #tpu.memory_space<vmem>>
        %dma_wait3A_267 = arith.constant 0 : i32
        %dma_wait3A_268 = arith.constant 0 : i32
        %dma_wait3A_269 = tpu.memref_slice %arg8[%dma_wait3A_267, %dma_wait3A_268] : memref<10240x128xf32, #tpu.memory_space<vmem_shared>> -> memref<10240x128xf32, #tpu.memory_space<vmem_shared>>
        tpu.wait_indirect_dma semaphore(%run_scoped3A_257 : memref<!tpu.dma_semaphore, #tpu.memory_space<semaphore_mem>>) src(%arg9 : memref<128x128xf32, #tpu.memory_space<vmem>>) dst(%dma_wait3A_269 : memref<10240x128xf32, #tpu.memory_space<vmem_shared>>)
        tpu.yield
      }) : () -> ()
      %dma_start3A_69 = arith.constant 4 : i32
      %dma_start3A_70 = arith.constant 0 : i32
      %dma_start3A_71 = tpu.memref_slice %arg6[%dma_start3A_69, %dma_start3A_70] : memref<16x128xi32, #tpu.memory_space<vmem>> -> memref<1x128xi32, #tpu.memory_space<vmem>>
      %dma_start3A_72 = tpu.memref_squeeze %dma_start3A_71 : memref<1x128xi32, #tpu.memory_space<vmem>> -> memref<128xi32, #tpu.memory_space<vmem>>
      %dma_start3A_73 = arith.constant 0 : i32
      %dma_start3A_74 = arith.constant 0 : i32
      %dma_start3A_75 = tpu.memref_slice %arg2[%dma_start3A_73, %dma_start3A_74] : memref<20480x128xf32, #tpu.memory_space<hbm>> -> memref<20480x128xf32, #tpu.memory_space<hbm>>
      tpu.enqueue_indirect_dma source(%dma_start3A_75 : memref<20480x128xf32, #tpu.memory_space<hbm>>) target(%arg9 : memref<128x128xf32, #tpu.memory_space<vmem>>) offsets(%dma_start3A_72 : memref<128xi32, #tpu.memory_space<vmem>>) semaphore(%arg11 : memref<!tpu.dma_semaphore, #tpu.memory_space<semaphore_mem>>)
      %dma_wait3A_76 = arith.constant 3 : i32
      %dma_wait3A_77 = arith.constant 0 : i32
      %dma_wait3A_78 = tpu.memref_slice %arg6[%dma_wait3A_76, %dma_wait3A_77] : memref<16x128xi32, #tpu.memory_space<vmem>> -> memref<1x128xi32, #tpu.memory_space<vmem>>
      %dma_wait3A_79 = tpu.memref_squeeze %dma_wait3A_78 : memref<1x128xi32, #tpu.memory_space<vmem>> -> memref<128xi32, #tpu.memory_space<vmem>>
      %dma_wait3A_80 = arith.constant 0 : i32
      %dma_wait3A_81 = arith.constant 0 : i32
      %dma_wait3A_82 = tpu.memref_slice %arg2[%dma_wait3A_80, %dma_wait3A_81] : memref<20480x128xf32, #tpu.memory_space<hbm>> -> memref<20480x128xf32, #tpu.memory_space<hbm>>
      tpu.wait_indirect_dma semaphore(%arg12 : memref<!tpu.dma_semaphore, #tpu.memory_space<semaphore_mem>>) src(%dma_wait3A_82 : memref<20480x128xf32, #tpu.memory_space<hbm>>) dst(%arg10 : memref<128x128xf32, #tpu.memory_space<vmem>>)
      %run_scoped3A_83 = arith.constant 3 : i32
      "tpu.region"() ({
        %run_scoped3A_257 = tpu.sem_alloc : memref<!tpu.dma_semaphore, #tpu.memory_space<semaphore_mem>>
        %dma_start3A_258 = arith.constant 0 : i32
        %dma_start3A_259 = tpu.memref_slice %arg7[%run_scoped3A_83, %dma_start3A_258] : memref<16x128xi32, #tpu.memory_space<vmem>> -> memref<1x128xi32, #tpu.memory_space<vmem>>
        %dma_start3A_260 = tpu.memref_squeeze %dma_start3A_259 : memref<1x128xi32, #tpu.memory_space<vmem>> -> memref<128xi32, #tpu.memory_space<vmem>>
        %dma_start3A_261 = arith.constant 0 : i32
        %dma_start3A_262 = arith.constant 0 : i32
        %dma_start3A_263 = tpu.memref_slice %arg8[%dma_start3A_261, %dma_start3A_262] : memref<10240x128xf32, #tpu.memory_space<vmem_shared>> -> memref<10240x128xf32, #tpu.memory_space<vmem_shared>>
        tpu.enqueue_indirect_dma source(%arg10 : memref<128x128xf32, #tpu.memory_space<vmem>>) target(%dma_start3A_263 : memref<10240x128xf32, #tpu.memory_space<vmem_shared>>) offsets(%dma_start3A_260 : memref<128xi32, #tpu.memory_space<vmem>>) semaphore(%run_scoped3A_257 : memref<!tpu.dma_semaphore, #tpu.memory_space<semaphore_mem>>) {add = true}
        %dma_wait3A_264 = arith.constant 0 : i32
        %dma_wait3A_265 = tpu.memref_slice %arg7[%run_scoped3A_83, %dma_wait3A_264] : memref<16x128xi32, #tpu.memory_space<vmem>> -> memref<1x128xi32, #tpu.memory_space<vmem>>
        %dma_wait3A_266 = tpu.memref_squeeze %dma_wait3A_265 : memref<1x128xi32, #tpu.memory_space<vmem>> -> memref<128xi32, #tpu.memory_space<vmem>>
        %dma_wait3A_267 = arith.constant 0 : i32
        %dma_wait3A_268 = arith.constant 0 : i32
        %dma_wait3A_269 = tpu.memref_slice %arg8[%dma_wait3A_267, %dma_wait3A_268] : memref<10240x128xf32, #tpu.memory_space<vmem_shared>> -> memref<10240x128xf32, #tpu.memory_space<vmem_shared>>
        tpu.wait_indirect_dma semaphore(%run_scoped3A_257 : memref<!tpu.dma_semaphore, #tpu.memory_space<semaphore_mem>>) src(%arg10 : memref<128x128xf32, #tpu.memory_space<vmem>>) dst(%dma_wait3A_269 : memref<10240x128xf32, #tpu.memory_space<vmem_shared>>)
        tpu.yield
      }) : () -> ()
      %dma_start3A_84 = arith.constant 5 : i32
      %dma_start3A_85 = arith.constant 0 : i32
      %dma_start3A_86 = tpu.memref_slice %arg6[%dma_start3A_84, %dma_start3A_85] : memref<16x128xi32, #tpu.memory_space<vmem>> -> memref<1x128xi32, #tpu.memory_space<vmem>>
      %dma_start3A_87 = tpu.memref_squeeze %dma_start3A_86 : memref<1x128xi32, #tpu.memory_space<vmem>> -> memref<128xi32, #tpu.memory_space<vmem>>
      %dma_start3A_88 = arith.constant 0 : i32
      %dma_start3A_89 = arith.constant 0 : i32
      %dma_start3A_90 = tpu.memref_slice %arg2[%dma_start3A_88, %dma_start3A_89] : memref<20480x128xf32, #tpu.memory_space<hbm>> -> memref<20480x128xf32, #tpu.memory_space<hbm>>
      tpu.enqueue_indirect_dma source(%dma_start3A_90 : memref<20480x128xf32, #tpu.memory_space<hbm>>) target(%arg10 : memref<128x128xf32, #tpu.memory_space<vmem>>) offsets(%dma_start3A_87 : memref<128xi32, #tpu.memory_space<vmem>>) semaphore(%arg12 : memref<!tpu.dma_semaphore, #tpu.memory_space<semaphore_mem>>)
      %dma_wait3A_91 = arith.constant 4 : i32
      %dma_wait3A_92 = arith.constant 0 : i32
      %dma_wait3A_93 = tpu.memref_slice %arg6[%dma_wait3A_91, %dma_wait3A_92] : memref<16x128xi32, #tpu.memory_space<vmem>> -> memref<1x128xi32, #tpu.memory_space<vmem>>
      %dma_wait3A_94 = tpu.memref_squeeze %dma_wait3A_93 : memref<1x128xi32, #tpu.memory_space<vmem>> -> memref<128xi32, #tpu.memory_space<vmem>>
      %dma_wait3A_95 = arith.constant 0 : i32
      %dma_wait3A_96 = arith.constant 0 : i32
      %dma_wait3A_97 = tpu.memref_slice %arg2[%dma_wait3A_95, %dma_wait3A_96] : memref<20480x128xf32, #tpu.memory_space<hbm>> -> memref<20480x128xf32, #tpu.memory_space<hbm>>
      tpu.wait_indirect_dma semaphore(%arg11 : memref<!tpu.dma_semaphore, #tpu.memory_space<semaphore_mem>>) src(%dma_wait3A_97 : memref<20480x128xf32, #tpu.memory_space<hbm>>) dst(%arg9 : memref<128x128xf32, #tpu.memory_space<vmem>>)
      %run_scoped3A_98 = arith.constant 4 : i32
      "tpu.region"() ({
        %run_scoped3A_257 = tpu.sem_alloc : memref<!tpu.dma_semaphore, #tpu.memory_space<semaphore_mem>>
        %dma_start3A_258 = arith.constant 0 : i32
        %dma_start3A_259 = tpu.memref_slice %arg7[%run_scoped3A_98, %dma_start3A_258] : memref<16x128xi32, #tpu.memory_space<vmem>> -> memref<1x128xi32, #tpu.memory_space<vmem>>
        %dma_start3A_260 = tpu.memref_squeeze %dma_start3A_259 : memref<1x128xi32, #tpu.memory_space<vmem>> -> memref<128xi32, #tpu.memory_space<vmem>>
        %dma_start3A_261 = arith.constant 0 : i32
        %dma_start3A_262 = arith.constant 0 : i32
        %dma_start3A_263 = tpu.memref_slice %arg8[%dma_start3A_261, %dma_start3A_262] : memref<10240x128xf32, #tpu.memory_space<vmem_shared>> -> memref<10240x128xf32, #tpu.memory_space<vmem_shared>>
        tpu.enqueue_indirect_dma source(%arg9 : memref<128x128xf32, #tpu.memory_space<vmem>>) target(%dma_start3A_263 : memref<10240x128xf32, #tpu.memory_space<vmem_shared>>) offsets(%dma_start3A_260 : memref<128xi32, #tpu.memory_space<vmem>>) semaphore(%run_scoped3A_257 : memref<!tpu.dma_semaphore, #tpu.memory_space<semaphore_mem>>) {add = true}
        %dma_wait3A_264 = arith.constant 0 : i32
        %dma_wait3A_265 = tpu.memref_slice %arg7[%run_scoped3A_98, %dma_wait3A_264] : memref<16x128xi32, #tpu.memory_space<vmem>> -> memref<1x128xi32, #tpu.memory_space<vmem>>
        %dma_wait3A_266 = tpu.memref_squeeze %dma_wait3A_265 : memref<1x128xi32, #tpu.memory_space<vmem>> -> memref<128xi32, #tpu.memory_space<vmem>>
        %dma_wait3A_267 = arith.constant 0 : i32
        %dma_wait3A_268 = arith.constant 0 : i32
        %dma_wait3A_269 = tpu.memref_slice %arg8[%dma_wait3A_267, %dma_wait3A_268] : memref<10240x128xf32, #tpu.memory_space<vmem_shared>> -> memref<10240x128xf32, #tpu.memory_space<vmem_shared>>
        tpu.wait_indirect_dma semaphore(%run_scoped3A_257 : memref<!tpu.dma_semaphore, #tpu.memory_space<semaphore_mem>>) src(%arg9 : memref<128x128xf32, #tpu.memory_space<vmem>>) dst(%dma_wait3A_269 : memref<10240x128xf32, #tpu.memory_space<vmem_shared>>)
        tpu.yield
      }) : () -> ()
      %dma_start3A_99 = arith.constant 6 : i32
      %dma_start3A_100 = arith.constant 0 : i32
      %dma_start3A_101 = tpu.memref_slice %arg6[%dma_start3A_99, %dma_start3A_100] : memref<16x128xi32, #tpu.memory_space<vmem>> -> memref<1x128xi32, #tpu.memory_space<vmem>>
      %dma_start3A_102 = tpu.memref_squeeze %dma_start3A_101 : memref<1x128xi32, #tpu.memory_space<vmem>> -> memref<128xi32, #tpu.memory_space<vmem>>
      %dma_start3A_103 = arith.constant 0 : i32
      %dma_start3A_104 = arith.constant 0 : i32
      %dma_start3A_105 = tpu.memref_slice %arg2[%dma_start3A_103, %dma_start3A_104] : memref<20480x128xf32, #tpu.memory_space<hbm>> -> memref<20480x128xf32, #tpu.memory_space<hbm>>
      tpu.enqueue_indirect_dma source(%dma_start3A_105 : memref<20480x128xf32, #tpu.memory_space<hbm>>) target(%arg9 : memref<128x128xf32, #tpu.memory_space<vmem>>) offsets(%dma_start3A_102 : memref<128xi32, #tpu.memory_space<vmem>>) semaphore(%arg11 : memref<!tpu.dma_semaphore, #tpu.memory_space<semaphore_mem>>)
      %dma_wait3A_106 = arith.constant 5 : i32
      %dma_wait3A_107 = arith.constant 0 : i32
      %dma_wait3A_108 = tpu.memref_slice %arg6[%dma_wait3A_106, %dma_wait3A_107] : memref<16x128xi32, #tpu.memory_space<vmem>> -> memref<1x128xi32, #tpu.memory_space<vmem>>
      %dma_wait3A_109 = tpu.memref_squeeze %dma_wait3A_108 : memref<1x128xi32, #tpu.memory_space<vmem>> -> memref<128xi32, #tpu.memory_space<vmem>>
      %dma_wait3A_110 = arith.constant 0 : i32
      %dma_wait3A_111 = arith.constant 0 : i32
      %dma_wait3A_112 = tpu.memref_slice %arg2[%dma_wait3A_110, %dma_wait3A_111] : memref<20480x128xf32, #tpu.memory_space<hbm>> -> memref<20480x128xf32, #tpu.memory_space<hbm>>
      tpu.wait_indirect_dma semaphore(%arg12 : memref<!tpu.dma_semaphore, #tpu.memory_space<semaphore_mem>>) src(%dma_wait3A_112 : memref<20480x128xf32, #tpu.memory_space<hbm>>) dst(%arg10 : memref<128x128xf32, #tpu.memory_space<vmem>>)
      %run_scoped3A_113 = arith.constant 5 : i32
      "tpu.region"() ({
        %run_scoped3A_257 = tpu.sem_alloc : memref<!tpu.dma_semaphore, #tpu.memory_space<semaphore_mem>>
        %dma_start3A_258 = arith.constant 0 : i32
        %dma_start3A_259 = tpu.memref_slice %arg7[%run_scoped3A_113, %dma_start3A_258] : memref<16x128xi32, #tpu.memory_space<vmem>> -> memref<1x128xi32, #tpu.memory_space<vmem>>
        %dma_start3A_260 = tpu.memref_squeeze %dma_start3A_259 : memref<1x128xi32, #tpu.memory_space<vmem>> -> memref<128xi32, #tpu.memory_space<vmem>>
        %dma_start3A_261 = arith.constant 0 : i32
        %dma_start3A_262 = arith.constant 0 : i32
        %dma_start3A_263 = tpu.memref_slice %arg8[%dma_start3A_261, %dma_start3A_262] : memref<10240x128xf32, #tpu.memory_space<vmem_shared>> -> memref<10240x128xf32, #tpu.memory_space<vmem_shared>>
        tpu.enqueue_indirect_dma source(%arg10 : memref<128x128xf32, #tpu.memory_space<vmem>>) target(%dma_start3A_263 : memref<10240x128xf32, #tpu.memory_space<vmem_shared>>) offsets(%dma_start3A_260 : memref<128xi32, #tpu.memory_space<vmem>>) semaphore(%run_scoped3A_257 : memref<!tpu.dma_semaphore, #tpu.memory_space<semaphore_mem>>) {add = true}
        %dma_wait3A_264 = arith.constant 0 : i32
        %dma_wait3A_265 = tpu.memref_slice %arg7[%run_scoped3A_113, %dma_wait3A_264] : memref<16x128xi32, #tpu.memory_space<vmem>> -> memref<1x128xi32, #tpu.memory_space<vmem>>
        %dma_wait3A_266 = tpu.memref_squeeze %dma_wait3A_265 : memref<1x128xi32, #tpu.memory_space<vmem>> -> memref<128xi32, #tpu.memory_space<vmem>>
        %dma_wait3A_267 = arith.constant 0 : i32
        %dma_wait3A_268 = arith.constant 0 : i32
        %dma_wait3A_269 = tpu.memref_slice %arg8[%dma_wait3A_267, %dma_wait3A_268] : memref<10240x128xf32, #tpu.memory_space<vmem_shared>> -> memref<10240x128xf32, #tpu.memory_space<vmem_shared>>
        tpu.wait_indirect_dma semaphore(%run_scoped3A_257 : memref<!tpu.dma_semaphore, #tpu.memory_space<semaphore_mem>>) src(%arg10 : memref<128x128xf32, #tpu.memory_space<vmem>>) dst(%dma_wait3A_269 : memref<10240x128xf32, #tpu.memory_space<vmem_shared>>)
        tpu.yield
      }) : () -> ()
      %dma_start3A_114 = arith.constant 7 : i32
      %dma_start3A_115 = arith.constant 0 : i32
      %dma_start3A_116 = tpu.memref_slice %arg6[%dma_start3A_114, %dma_start3A_115] : memref<16x128xi32, #tpu.memory_space<vmem>> -> memref<1x128xi32, #tpu.memory_space<vmem>>
      %dma_start3A_117 = tpu.memref_squeeze %dma_start3A_116 : memref<1x128xi32, #tpu.memory_space<vmem>> -> memref<128xi32, #tpu.memory_space<vmem>>
      %dma_start3A_118 = arith.constant 0 : i32
      %dma_start3A_119 = arith.constant 0 : i32
      %dma_start3A_120 = tpu.memref_slice %arg2[%dma_start3A_118, %dma_start3A_119] : memref<20480x128xf32, #tpu.memory_space<hbm>> -> memref<20480x128xf32, #tpu.memory_space<hbm>>
      tpu.enqueue_indirect_dma source(%dma_start3A_120 : memref<20480x128xf32, #tpu.memory_space<hbm>>) target(%arg10 : memref<128x128xf32, #tpu.memory_space<vmem>>) offsets(%dma_start3A_117 : memref<128xi32, #tpu.memory_space<vmem>>) semaphore(%arg12 : memref<!tpu.dma_semaphore, #tpu.memory_space<semaphore_mem>>)
      %dma_wait3A_121 = arith.constant 6 : i32
      %dma_wait3A_122 = arith.constant 0 : i32
      %dma_wait3A_123 = tpu.memref_slice %arg6[%dma_wait3A_121, %dma_wait3A_122] : memref<16x128xi32, #tpu.memory_space<vmem>> -> memref<1x128xi32, #tpu.memory_space<vmem>>
      %dma_wait3A_124 = tpu.memref_squeeze %dma_wait3A_123 : memref<1x128xi32, #tpu.memory_space<vmem>> -> memref<128xi32, #tpu.memory_space<vmem>>
      %dma_wait3A_125 = arith.constant 0 : i32
      %dma_wait3A_126 = arith.constant 0 : i32
      %dma_wait3A_127 = tpu.memref_slice %arg2[%dma_wait3A_125, %dma_wait3A_126] : memref<20480x128xf32, #tpu.memory_space<hbm>> -> memref<20480x128xf32, #tpu.memory_space<hbm>>
      tpu.wait_indirect_dma semaphore(%arg11 : memref<!tpu.dma_semaphore, #tpu.memory_space<semaphore_mem>>) src(%dma_wait3A_127 : memref<20480x128xf32, #tpu.memory_space<hbm>>) dst(%arg9 : memref<128x128xf32, #tpu.memory_space<vmem>>)
      %run_scoped3A_128 = arith.constant 6 : i32
      "tpu.region"() ({
        %run_scoped3A_257 = tpu.sem_alloc : memref<!tpu.dma_semaphore, #tpu.memory_space<semaphore_mem>>
        %dma_start3A_258 = arith.constant 0 : i32
        %dma_start3A_259 = tpu.memref_slice %arg7[%run_scoped3A_128, %dma_start3A_258] : memref<16x128xi32, #tpu.memory_space<vmem>> -> memref<1x128xi32, #tpu.memory_space<vmem>>
        %dma_start3A_260 = tpu.memref_squeeze %dma_start3A_259 : memref<1x128xi32, #tpu.memory_space<vmem>> -> memref<128xi32, #tpu.memory_space<vmem>>
        %dma_start3A_261 = arith.constant 0 : i32
        %dma_start3A_262 = arith.constant 0 : i32
        %dma_start3A_263 = tpu.memref_slice %arg8[%dma_start3A_261, %dma_start3A_262] : memref<10240x128xf32, #tpu.memory_space<vmem_shared>> -> memref<10240x128xf32, #tpu.memory_space<vmem_shared>>
        tpu.enqueue_indirect_dma source(%arg9 : memref<128x128xf32, #tpu.memory_space<vmem>>) target(%dma_start3A_263 : memref<10240x128xf32, #tpu.memory_space<vmem_shared>>) offsets(%dma_start3A_260 : memref<128xi32, #tpu.memory_space<vmem>>) semaphore(%run_scoped3A_257 : memref<!tpu.dma_semaphore, #tpu.memory_space<semaphore_mem>>) {add = true}
        %dma_wait3A_264 = arith.constant 0 : i32
        %dma_wait3A_265 = tpu.memref_slice %arg7[%run_scoped3A_128, %dma_wait3A_264] : memref<16x128xi32, #tpu.memory_space<vmem>> -> memref<1x128xi32, #tpu.memory_space<vmem>>
        %dma_wait3A_266 = tpu.memref_squeeze %dma_wait3A_265 : memref<1x128xi32, #tpu.memory_space<vmem>> -> memref<128xi32, #tpu.memory_space<vmem>>
        %dma_wait3A_267 = arith.constant 0 : i32
        %dma_wait3A_268 = arith.constant 0 : i32
        %dma_wait3A_269 = tpu.memref_slice %arg8[%dma_wait3A_267, %dma_wait3A_268] : memref<10240x128xf32, #tpu.memory_space<vmem_shared>> -> memref<10240x128xf32, #tpu.memory_space<vmem_shared>>
        tpu.wait_indirect_dma semaphore(%run_scoped3A_257 : memref<!tpu.dma_semaphore, #tpu.memory_space<semaphore_mem>>) src(%arg9 : memref<128x128xf32, #tpu.memory_space<vmem>>) dst(%dma_wait3A_269 : memref<10240x128xf32, #tpu.memory_space<vmem_shared>>)
        tpu.yield
      }) : () -> ()
      %dma_start3A_129 = arith.constant 8 : i32
      %dma_start3A_130 = arith.constant 0 : i32
      %dma_start3A_131 = tpu.memref_slice %arg6[%dma_start3A_129, %dma_start3A_130] : memref<16x128xi32, #tpu.memory_space<vmem>> -> memref<1x128xi32, #tpu.memory_space<vmem>>
      %dma_start3A_132 = tpu.memref_squeeze %dma_start3A_131 : memref<1x128xi32, #tpu.memory_space<vmem>> -> memref<128xi32, #tpu.memory_space<vmem>>
      %dma_start3A_133 = arith.constant 0 : i32
      %dma_start3A_134 = arith.constant 0 : i32
      %dma_start3A_135 = tpu.memref_slice %arg2[%dma_start3A_133, %dma_start3A_134] : memref<20480x128xf32, #tpu.memory_space<hbm>> -> memref<20480x128xf32, #tpu.memory_space<hbm>>
      tpu.enqueue_indirect_dma source(%dma_start3A_135 : memref<20480x128xf32, #tpu.memory_space<hbm>>) target(%arg9 : memref<128x128xf32, #tpu.memory_space<vmem>>) offsets(%dma_start3A_132 : memref<128xi32, #tpu.memory_space<vmem>>) semaphore(%arg11 : memref<!tpu.dma_semaphore, #tpu.memory_space<semaphore_mem>>)
      %dma_wait3A_136 = arith.constant 7 : i32
      %dma_wait3A_137 = arith.constant 0 : i32
      %dma_wait3A_138 = tpu.memref_slice %arg6[%dma_wait3A_136, %dma_wait3A_137] : memref<16x128xi32, #tpu.memory_space<vmem>> -> memref<1x128xi32, #tpu.memory_space<vmem>>
      %dma_wait3A_139 = tpu.memref_squeeze %dma_wait3A_138 : memref<1x128xi32, #tpu.memory_space<vmem>> -> memref<128xi32, #tpu.memory_space<vmem>>
      %dma_wait3A_140 = arith.constant 0 : i32
      %dma_wait3A_141 = arith.constant 0 : i32
      %dma_wait3A_142 = tpu.memref_slice %arg2[%dma_wait3A_140, %dma_wait3A_141] : memref<20480x128xf32, #tpu.memory_space<hbm>> -> memref<20480x128xf32, #tpu.memory_space<hbm>>
      tpu.wait_indirect_dma semaphore(%arg12 : memref<!tpu.dma_semaphore, #tpu.memory_space<semaphore_mem>>) src(%dma_wait3A_142 : memref<20480x128xf32, #tpu.memory_space<hbm>>) dst(%arg10 : memref<128x128xf32, #tpu.memory_space<vmem>>)
      %run_scoped3A_143 = arith.constant 7 : i32
      "tpu.region"() ({
        %run_scoped3A_257 = tpu.sem_alloc : memref<!tpu.dma_semaphore, #tpu.memory_space<semaphore_mem>>
        %dma_start3A_258 = arith.constant 0 : i32
        %dma_start3A_259 = tpu.memref_slice %arg7[%run_scoped3A_143, %dma_start3A_258] : memref<16x128xi32, #tpu.memory_space<vmem>> -> memref<1x128xi32, #tpu.memory_space<vmem>>
        %dma_start3A_260 = tpu.memref_squeeze %dma_start3A_259 : memref<1x128xi32, #tpu.memory_space<vmem>> -> memref<128xi32, #tpu.memory_space<vmem>>
        %dma_start3A_261 = arith.constant 0 : i32
        %dma_start3A_262 = arith.constant 0 : i32
        %dma_start3A_263 = tpu.memref_slice %arg8[%dma_start3A_261, %dma_start3A_262] : memref<10240x128xf32, #tpu.memory_space<vmem_shared>> -> memref<10240x128xf32, #tpu.memory_space<vmem_shared>>
        tpu.enqueue_indirect_dma source(%arg10 : memref<128x128xf32, #tpu.memory_space<vmem>>) target(%dma_start3A_263 : memref<10240x128xf32, #tpu.memory_space<vmem_shared>>) offsets(%dma_start3A_260 : memref<128xi32, #tpu.memory_space<vmem>>) semaphore(%run_scoped3A_257 : memref<!tpu.dma_semaphore, #tpu.memory_space<semaphore_mem>>) {add = true}
        %dma_wait3A_264 = arith.constant 0 : i32
        %dma_wait3A_265 = tpu.memref_slice %arg7[%run_scoped3A_143, %dma_wait3A_264] : memref<16x128xi32, #tpu.memory_space<vmem>> -> memref<1x128xi32, #tpu.memory_space<vmem>>
        %dma_wait3A_266 = tpu.memref_squeeze %dma_wait3A_265 : memref<1x128xi32, #tpu.memory_space<vmem>> -> memref<128xi32, #tpu.memory_space<vmem>>
        %dma_wait3A_267 = arith.constant 0 : i32
        %dma_wait3A_268 = arith.constant 0 : i32
        %dma_wait3A_269 = tpu.memref_slice %arg8[%dma_wait3A_267, %dma_wait3A_268] : memref<10240x128xf32, #tpu.memory_space<vmem_shared>> -> memref<10240x128xf32, #tpu.memory_space<vmem_shared>>
        tpu.wait_indirect_dma semaphore(%run_scoped3A_257 : memref<!tpu.dma_semaphore, #tpu.memory_space<semaphore_mem>>) src(%arg10 : memref<128x128xf32, #tpu.memory_space<vmem>>) dst(%dma_wait3A_269 : memref<10240x128xf32, #tpu.memory_space<vmem_shared>>)
        tpu.yield
      }) : () -> ()
      %dma_start3A_144 = arith.constant 9 : i32
      %dma_start3A_145 = arith.constant 0 : i32
      %dma_start3A_146 = tpu.memref_slice %arg6[%dma_start3A_144, %dma_start3A_145] : memref<16x128xi32, #tpu.memory_space<vmem>> -> memref<1x128xi32, #tpu.memory_space<vmem>>
      %dma_start3A_147 = tpu.memref_squeeze %dma_start3A_146 : memref<1x128xi32, #tpu.memory_space<vmem>> -> memref<128xi32, #tpu.memory_space<vmem>>
      %dma_start3A_148 = arith.constant 0 : i32
      %dma_start3A_149 = arith.constant 0 : i32
      %dma_start3A_150 = tpu.memref_slice %arg2[%dma_start3A_148, %dma_start3A_149] : memref<20480x128xf32, #tpu.memory_space<hbm>> -> memref<20480x128xf32, #tpu.memory_space<hbm>>
      tpu.enqueue_indirect_dma source(%dma_start3A_150 : memref<20480x128xf32, #tpu.memory_space<hbm>>) target(%arg10 : memref<128x128xf32, #tpu.memory_space<vmem>>) offsets(%dma_start3A_147 : memref<128xi32, #tpu.memory_space<vmem>>) semaphore(%arg12 : memref<!tpu.dma_semaphore, #tpu.memory_space<semaphore_mem>>)
      %dma_wait3A_151 = arith.constant 8 : i32
      %dma_wait3A_152 = arith.constant 0 : i32
      %dma_wait3A_153 = tpu.memref_slice %arg6[%dma_wait3A_151, %dma_wait3A_152] : memref<16x128xi32, #tpu.memory_space<vmem>> -> memref<1x128xi32, #tpu.memory_space<vmem>>
      %dma_wait3A_154 = tpu.memref_squeeze %dma_wait3A_153 : memref<1x128xi32, #tpu.memory_space<vmem>> -> memref<128xi32, #tpu.memory_space<vmem>>
      %dma_wait3A_155 = arith.constant 0 : i32
      %dma_wait3A_156 = arith.constant 0 : i32
      %dma_wait3A_157 = tpu.memref_slice %arg2[%dma_wait3A_155, %dma_wait3A_156] : memref<20480x128xf32, #tpu.memory_space<hbm>> -> memref<20480x128xf32, #tpu.memory_space<hbm>>
      tpu.wait_indirect_dma semaphore(%arg11 : memref<!tpu.dma_semaphore, #tpu.memory_space<semaphore_mem>>) src(%dma_wait3A_157 : memref<20480x128xf32, #tpu.memory_space<hbm>>) dst(%arg9 : memref<128x128xf32, #tpu.memory_space<vmem>>)
      %run_scoped3A_158 = arith.constant 8 : i32
      "tpu.region"() ({
        %run_scoped3A_257 = tpu.sem_alloc : memref<!tpu.dma_semaphore, #tpu.memory_space<semaphore_mem>>
        %dma_start3A_258 = arith.constant 0 : i32
        %dma_start3A_259 = tpu.memref_slice %arg7[%run_scoped3A_158, %dma_start3A_258] : memref<16x128xi32, #tpu.memory_space<vmem>> -> memref<1x128xi32, #tpu.memory_space<vmem>>
        %dma_start3A_260 = tpu.memref_squeeze %dma_start3A_259 : memref<1x128xi32, #tpu.memory_space<vmem>> -> memref<128xi32, #tpu.memory_space<vmem>>
        %dma_start3A_261 = arith.constant 0 : i32
        %dma_start3A_262 = arith.constant 0 : i32
        %dma_start3A_263 = tpu.memref_slice %arg8[%dma_start3A_261, %dma_start3A_262] : memref<10240x128xf32, #tpu.memory_space<vmem_shared>> -> memref<10240x128xf32, #tpu.memory_space<vmem_shared>>
        tpu.enqueue_indirect_dma source(%arg9 : memref<128x128xf32, #tpu.memory_space<vmem>>) target(%dma_start3A_263 : memref<10240x128xf32, #tpu.memory_space<vmem_shared>>) offsets(%dma_start3A_260 : memref<128xi32, #tpu.memory_space<vmem>>) semaphore(%run_scoped3A_257 : memref<!tpu.dma_semaphore, #tpu.memory_space<semaphore_mem>>) {add = true}
        %dma_wait3A_264 = arith.constant 0 : i32
        %dma_wait3A_265 = tpu.memref_slice %arg7[%run_scoped3A_158, %dma_wait3A_264] : memref<16x128xi32, #tpu.memory_space<vmem>> -> memref<1x128xi32, #tpu.memory_space<vmem>>
        %dma_wait3A_266 = tpu.memref_squeeze %dma_wait3A_265 : memref<1x128xi32, #tpu.memory_space<vmem>> -> memref<128xi32, #tpu.memory_space<vmem>>
        %dma_wait3A_267 = arith.constant 0 : i32
        %dma_wait3A_268 = arith.constant 0 : i32
        %dma_wait3A_269 = tpu.memref_slice %arg8[%dma_wait3A_267, %dma_wait3A_268] : memref<10240x128xf32, #tpu.memory_space<vmem_shared>> -> memref<10240x128xf32, #tpu.memory_space<vmem_shared>>
        tpu.wait_indirect_dma semaphore(%run_scoped3A_257 : memref<!tpu.dma_semaphore, #tpu.memory_space<semaphore_mem>>) src(%arg9 : memref<128x128xf32, #tpu.memory_space<vmem>>) dst(%dma_wait3A_269 : memref<10240x128xf32, #tpu.memory_space<vmem_shared>>)
        tpu.yield
      }) : () -> ()
      %dma_start3A_159 = arith.constant 10 : i32
      %dma_start3A_160 = arith.constant 0 : i32
      %dma_start3A_161 = tpu.memref_slice %arg6[%dma_start3A_159, %dma_start3A_160] : memref<16x128xi32, #tpu.memory_space<vmem>> -> memref<1x128xi32, #tpu.memory_space<vmem>>
      %dma_start3A_162 = tpu.memref_squeeze %dma_start3A_161 : memref<1x128xi32, #tpu.memory_space<vmem>> -> memref<128xi32, #tpu.memory_space<vmem>>
      %dma_start3A_163 = arith.constant 0 : i32
      %dma_start3A_164 = arith.constant 0 : i32
      %dma_start3A_165 = tpu.memref_slice %arg2[%dma_start3A_163, %dma_start3A_164] : memref<20480x128xf32, #tpu.memory_space<hbm>> -> memref<20480x128xf32, #tpu.memory_space<hbm>>
      tpu.enqueue_indirect_dma source(%dma_start3A_165 : memref<20480x128xf32, #tpu.memory_space<hbm>>) target(%arg9 : memref<128x128xf32, #tpu.memory_space<vmem>>) offsets(%dma_start3A_162 : memref<128xi32, #tpu.memory_space<vmem>>) semaphore(%arg11 : memref<!tpu.dma_semaphore, #tpu.memory_space<semaphore_mem>>)
      %dma_wait3A_166 = arith.constant 9 : i32
      %dma_wait3A_167 = arith.constant 0 : i32
      %dma_wait3A_168 = tpu.memref_slice %arg6[%dma_wait3A_166, %dma_wait3A_167] : memref<16x128xi32, #tpu.memory_space<vmem>> -> memref<1x128xi32, #tpu.memory_space<vmem>>
      %dma_wait3A_169 = tpu.memref_squeeze %dma_wait3A_168 : memref<1x128xi32, #tpu.memory_space<vmem>> -> memref<128xi32, #tpu.memory_space<vmem>>
      %dma_wait3A_170 = arith.constant 0 : i32
      %dma_wait3A_171 = arith.constant 0 : i32
      %dma_wait3A_172 = tpu.memref_slice %arg2[%dma_wait3A_170, %dma_wait3A_171] : memref<20480x128xf32, #tpu.memory_space<hbm>> -> memref<20480x128xf32, #tpu.memory_space<hbm>>
      tpu.wait_indirect_dma semaphore(%arg12 : memref<!tpu.dma_semaphore, #tpu.memory_space<semaphore_mem>>) src(%dma_wait3A_172 : memref<20480x128xf32, #tpu.memory_space<hbm>>) dst(%arg10 : memref<128x128xf32, #tpu.memory_space<vmem>>)
      %run_scoped3A_173 = arith.constant 9 : i32
      "tpu.region"() ({
        %run_scoped3A_257 = tpu.sem_alloc : memref<!tpu.dma_semaphore, #tpu.memory_space<semaphore_mem>>
        %dma_start3A_258 = arith.constant 0 : i32
        %dma_start3A_259 = tpu.memref_slice %arg7[%run_scoped3A_173, %dma_start3A_258] : memref<16x128xi32, #tpu.memory_space<vmem>> -> memref<1x128xi32, #tpu.memory_space<vmem>>
        %dma_start3A_260 = tpu.memref_squeeze %dma_start3A_259 : memref<1x128xi32, #tpu.memory_space<vmem>> -> memref<128xi32, #tpu.memory_space<vmem>>
        %dma_start3A_261 = arith.constant 0 : i32
        %dma_start3A_262 = arith.constant 0 : i32
        %dma_start3A_263 = tpu.memref_slice %arg8[%dma_start3A_261, %dma_start3A_262] : memref<10240x128xf32, #tpu.memory_space<vmem_shared>> -> memref<10240x128xf32, #tpu.memory_space<vmem_shared>>
        tpu.enqueue_indirect_dma source(%arg10 : memref<128x128xf32, #tpu.memory_space<vmem>>) target(%dma_start3A_263 : memref<10240x128xf32, #tpu.memory_space<vmem_shared>>) offsets(%dma_start3A_260 : memref<128xi32, #tpu.memory_space<vmem>>) semaphore(%run_scoped3A_257 : memref<!tpu.dma_semaphore, #tpu.memory_space<semaphore_mem>>) {add = true}
        %dma_wait3A_264 = arith.constant 0 : i32
        %dma_wait3A_265 = tpu.memref_slice %arg7[%run_scoped3A_173, %dma_wait3A_264] : memref<16x128xi32, #tpu.memory_space<vmem>> -> memref<1x128xi32, #tpu.memory_space<vmem>>
        %dma_wait3A_266 = tpu.memref_squeeze %dma_wait3A_265 : memref<1x128xi32, #tpu.memory_space<vmem>> -> memref<128xi32, #tpu.memory_space<vmem>>
        %dma_wait3A_267 = arith.constant 0 : i32
        %dma_wait3A_268 = arith.constant 0 : i32
        %dma_wait3A_269 = tpu.memref_slice %arg8[%dma_wait3A_267, %dma_wait3A_268] : memref<10240x128xf32, #tpu.memory_space<vmem_shared>> -> memref<10240x128xf32, #tpu.memory_space<vmem_shared>>
        tpu.wait_indirect_dma semaphore(%run_scoped3A_257 : memref<!tpu.dma_semaphore, #tpu.memory_space<semaphore_mem>>) src(%arg10 : memref<128x128xf32, #tpu.memory_space<vmem>>) dst(%dma_wait3A_269 : memref<10240x128xf32, #tpu.memory_space<vmem_shared>>)
        tpu.yield
      }) : () -> ()
      %dma_start3A_174 = arith.constant 11 : i32
      %dma_start3A_175 = arith.constant 0 : i32
      %dma_start3A_176 = tpu.memref_slice %arg6[%dma_start3A_174, %dma_start3A_175] : memref<16x128xi32, #tpu.memory_space<vmem>> -> memref<1x128xi32, #tpu.memory_space<vmem>>
      %dma_start3A_177 = tpu.memref_squeeze %dma_start3A_176 : memref<1x128xi32, #tpu.memory_space<vmem>> -> memref<128xi32, #tpu.memory_space<vmem>>
      %dma_start3A_178 = arith.constant 0 : i32
      %dma_start3A_179 = arith.constant 0 : i32
      %dma_start3A_180 = tpu.memref_slice %arg2[%dma_start3A_178, %dma_start3A_179] : memref<20480x128xf32, #tpu.memory_space<hbm>> -> memref<20480x128xf32, #tpu.memory_space<hbm>>
      tpu.enqueue_indirect_dma source(%dma_start3A_180 : memref<20480x128xf32, #tpu.memory_space<hbm>>) target(%arg10 : memref<128x128xf32, #tpu.memory_space<vmem>>) offsets(%dma_start3A_177 : memref<128xi32, #tpu.memory_space<vmem>>) semaphore(%arg12 : memref<!tpu.dma_semaphore, #tpu.memory_space<semaphore_mem>>)
      %dma_wait3A_181 = arith.constant 10 : i32
      %dma_wait3A_182 = arith.constant 0 : i32
      %dma_wait3A_183 = tpu.memref_slice %arg6[%dma_wait3A_181, %dma_wait3A_182] : memref<16x128xi32, #tpu.memory_space<vmem>> -> memref<1x128xi32, #tpu.memory_space<vmem>>
      %dma_wait3A_184 = tpu.memref_squeeze %dma_wait3A_183 : memref<1x128xi32, #tpu.memory_space<vmem>> -> memref<128xi32, #tpu.memory_space<vmem>>
      %dma_wait3A_185 = arith.constant 0 : i32
      %dma_wait3A_186 = arith.constant 0 : i32
      %dma_wait3A_187 = tpu.memref_slice %arg2[%dma_wait3A_185, %dma_wait3A_186] : memref<20480x128xf32, #tpu.memory_space<hbm>> -> memref<20480x128xf32, #tpu.memory_space<hbm>>
      tpu.wait_indirect_dma semaphore(%arg11 : memref<!tpu.dma_semaphore, #tpu.memory_space<semaphore_mem>>) src(%dma_wait3A_187 : memref<20480x128xf32, #tpu.memory_space<hbm>>) dst(%arg9 : memref<128x128xf32, #tpu.memory_space<vmem>>)
      %run_scoped3A_188 = arith.constant 10 : i32
      "tpu.region"() ({
        %run_scoped3A_257 = tpu.sem_alloc : memref<!tpu.dma_semaphore, #tpu.memory_space<semaphore_mem>>
        %dma_start3A_258 = arith.constant 0 : i32
        %dma_start3A_259 = tpu.memref_slice %arg7[%run_scoped3A_188, %dma_start3A_258] : memref<16x128xi32, #tpu.memory_space<vmem>> -> memref<1x128xi32, #tpu.memory_space<vmem>>
        %dma_start3A_260 = tpu.memref_squeeze %dma_start3A_259 : memref<1x128xi32, #tpu.memory_space<vmem>> -> memref<128xi32, #tpu.memory_space<vmem>>
        %dma_start3A_261 = arith.constant 0 : i32
        %dma_start3A_262 = arith.constant 0 : i32
        %dma_start3A_263 = tpu.memref_slice %arg8[%dma_start3A_261, %dma_start3A_262] : memref<10240x128xf32, #tpu.memory_space<vmem_shared>> -> memref<10240x128xf32, #tpu.memory_space<vmem_shared>>
        tpu.enqueue_indirect_dma source(%arg9 : memref<128x128xf32, #tpu.memory_space<vmem>>) target(%dma_start3A_263 : memref<10240x128xf32, #tpu.memory_space<vmem_shared>>) offsets(%dma_start3A_260 : memref<128xi32, #tpu.memory_space<vmem>>) semaphore(%run_scoped3A_257 : memref<!tpu.dma_semaphore, #tpu.memory_space<semaphore_mem>>) {add = true}
        %dma_wait3A_264 = arith.constant 0 : i32
        %dma_wait3A_265 = tpu.memref_slice %arg7[%run_scoped3A_188, %dma_wait3A_264] : memref<16x128xi32, #tpu.memory_space<vmem>> -> memref<1x128xi32, #tpu.memory_space<vmem>>
        %dma_wait3A_266 = tpu.memref_squeeze %dma_wait3A_265 : memref<1x128xi32, #tpu.memory_space<vmem>> -> memref<128xi32, #tpu.memory_space<vmem>>
        %dma_wait3A_267 = arith.constant 0 : i32
        %dma_wait3A_268 = arith.constant 0 : i32
        %dma_wait3A_269 = tpu.memref_slice %arg8[%dma_wait3A_267, %dma_wait3A_268] : memref<10240x128xf32, #tpu.memory_space<vmem_shared>> -> memref<10240x128xf32, #tpu.memory_space<vmem_shared>>
        tpu.wait_indirect_dma semaphore(%run_scoped3A_257 : memref<!tpu.dma_semaphore, #tpu.memory_space<semaphore_mem>>) src(%arg9 : memref<128x128xf32, #tpu.memory_space<vmem>>) dst(%dma_wait3A_269 : memref<10240x128xf32, #tpu.memory_space<vmem_shared>>)
        tpu.yield
      }) : () -> ()
      %dma_start3A_189 = arith.constant 12 : i32
      %dma_start3A_190 = arith.constant 0 : i32
      %dma_start3A_191 = tpu.memref_slice %arg6[%dma_start3A_189, %dma_start3A_190] : memref<16x128xi32, #tpu.memory_space<vmem>> -> memref<1x128xi32, #tpu.memory_space<vmem>>
      %dma_start3A_192 = tpu.memref_squeeze %dma_start3A_191 : memref<1x128xi32, #tpu.memory_space<vmem>> -> memref<128xi32, #tpu.memory_space<vmem>>
      %dma_start3A_193 = arith.constant 0 : i32
      %dma_start3A_194 = arith.constant 0 : i32
      %dma_start3A_195 = tpu.memref_slice %arg2[%dma_start3A_193, %dma_start3A_194] : memref<20480x128xf32, #tpu.memory_space<hbm>> -> memref<20480x128xf32, #tpu.memory_space<hbm>>
      tpu.enqueue_indirect_dma source(%dma_start3A_195 : memref<20480x128xf32, #tpu.memory_space<hbm>>) target(%arg9 : memref<128x128xf32, #tpu.memory_space<vmem>>) offsets(%dma_start3A_192 : memref<128xi32, #tpu.memory_space<vmem>>) semaphore(%arg11 : memref<!tpu.dma_semaphore, #tpu.memory_space<semaphore_mem>>)
      %dma_wait3A_196 = arith.constant 11 : i32
      %dma_wait3A_197 = arith.constant 0 : i32
      %dma_wait3A_198 = tpu.memref_slice %arg6[%dma_wait3A_196, %dma_wait3A_197] : memref<16x128xi32, #tpu.memory_space<vmem>> -> memref<1x128xi32, #tpu.memory_space<vmem>>
      %dma_wait3A_199 = tpu.memref_squeeze %dma_wait3A_198 : memref<1x128xi32, #tpu.memory_space<vmem>> -> memref<128xi32, #tpu.memory_space<vmem>>
      %dma_wait3A_200 = arith.constant 0 : i32
      %dma_wait3A_201 = arith.constant 0 : i32
      %dma_wait3A_202 = tpu.memref_slice %arg2[%dma_wait3A_200, %dma_wait3A_201] : memref<20480x128xf32, #tpu.memory_space<hbm>> -> memref<20480x128xf32, #tpu.memory_space<hbm>>
      tpu.wait_indirect_dma semaphore(%arg12 : memref<!tpu.dma_semaphore, #tpu.memory_space<semaphore_mem>>) src(%dma_wait3A_202 : memref<20480x128xf32, #tpu.memory_space<hbm>>) dst(%arg10 : memref<128x128xf32, #tpu.memory_space<vmem>>)
      %run_scoped3A_203 = arith.constant 11 : i32
      "tpu.region"() ({
        %run_scoped3A_257 = tpu.sem_alloc : memref<!tpu.dma_semaphore, #tpu.memory_space<semaphore_mem>>
        %dma_start3A_258 = arith.constant 0 : i32
        %dma_start3A_259 = tpu.memref_slice %arg7[%run_scoped3A_203, %dma_start3A_258] : memref<16x128xi32, #tpu.memory_space<vmem>> -> memref<1x128xi32, #tpu.memory_space<vmem>>
        %dma_start3A_260 = tpu.memref_squeeze %dma_start3A_259 : memref<1x128xi32, #tpu.memory_space<vmem>> -> memref<128xi32, #tpu.memory_space<vmem>>
        %dma_start3A_261 = arith.constant 0 : i32
        %dma_start3A_262 = arith.constant 0 : i32
        %dma_start3A_263 = tpu.memref_slice %arg8[%dma_start3A_261, %dma_start3A_262] : memref<10240x128xf32, #tpu.memory_space<vmem_shared>> -> memref<10240x128xf32, #tpu.memory_space<vmem_shared>>
        tpu.enqueue_indirect_dma source(%arg10 : memref<128x128xf32, #tpu.memory_space<vmem>>) target(%dma_start3A_263 : memref<10240x128xf32, #tpu.memory_space<vmem_shared>>) offsets(%dma_start3A_260 : memref<128xi32, #tpu.memory_space<vmem>>) semaphore(%run_scoped3A_257 : memref<!tpu.dma_semaphore, #tpu.memory_space<semaphore_mem>>) {add = true}
        %dma_wait3A_264 = arith.constant 0 : i32
        %dma_wait3A_265 = tpu.memref_slice %arg7[%run_scoped3A_203, %dma_wait3A_264] : memref<16x128xi32, #tpu.memory_space<vmem>> -> memref<1x128xi32, #tpu.memory_space<vmem>>
        %dma_wait3A_266 = tpu.memref_squeeze %dma_wait3A_265 : memref<1x128xi32, #tpu.memory_space<vmem>> -> memref<128xi32, #tpu.memory_space<vmem>>
        %dma_wait3A_267 = arith.constant 0 : i32
        %dma_wait3A_268 = arith.constant 0 : i32
        %dma_wait3A_269 = tpu.memref_slice %arg8[%dma_wait3A_267, %dma_wait3A_268] : memref<10240x128xf32, #tpu.memory_space<vmem_shared>> -> memref<10240x128xf32, #tpu.memory_space<vmem_shared>>
        tpu.wait_indirect_dma semaphore(%run_scoped3A_257 : memref<!tpu.dma_semaphore, #tpu.memory_space<semaphore_mem>>) src(%arg10 : memref<128x128xf32, #tpu.memory_space<vmem>>) dst(%dma_wait3A_269 : memref<10240x128xf32, #tpu.memory_space<vmem_shared>>)
        tpu.yield
      }) : () -> ()
      %dma_start3A_204 = arith.constant 13 : i32
      %dma_start3A_205 = arith.constant 0 : i32
      %dma_start3A_206 = tpu.memref_slice %arg6[%dma_start3A_204, %dma_start3A_205] : memref<16x128xi32, #tpu.memory_space<vmem>> -> memref<1x128xi32, #tpu.memory_space<vmem>>
      %dma_start3A_207 = tpu.memref_squeeze %dma_start3A_206 : memref<1x128xi32, #tpu.memory_space<vmem>> -> memref<128xi32, #tpu.memory_space<vmem>>
      %dma_start3A_208 = arith.constant 0 : i32
      %dma_start3A_209 = arith.constant 0 : i32
      %dma_start3A_210 = tpu.memref_slice %arg2[%dma_start3A_208, %dma_start3A_209] : memref<20480x128xf32, #tpu.memory_space<hbm>> -> memref<20480x128xf32, #tpu.memory_space<hbm>>
      tpu.enqueue_indirect_dma source(%dma_start3A_210 : memref<20480x128xf32, #tpu.memory_space<hbm>>) target(%arg10 : memref<128x128xf32, #tpu.memory_space<vmem>>) offsets(%dma_start3A_207 : memref<128xi32, #tpu.memory_space<vmem>>) semaphore(%arg12 : memref<!tpu.dma_semaphore, #tpu.memory_space<semaphore_mem>>)
      %dma_wait3A_211 = arith.constant 12 : i32
      %dma_wait3A_212 = arith.constant 0 : i32
      %dma_wait3A_213 = tpu.memref_slice %arg6[%dma_wait3A_211, %dma_wait3A_212] : memref<16x128xi32, #tpu.memory_space<vmem>> -> memref<1x128xi32, #tpu.memory_space<vmem>>
      %dma_wait3A_214 = tpu.memref_squeeze %dma_wait3A_213 : memref<1x128xi32, #tpu.memory_space<vmem>> -> memref<128xi32, #tpu.memory_space<vmem>>
      %dma_wait3A_215 = arith.constant 0 : i32
      %dma_wait3A_216 = arith.constant 0 : i32
      %dma_wait3A_217 = tpu.memref_slice %arg2[%dma_wait3A_215, %dma_wait3A_216] : memref<20480x128xf32, #tpu.memory_space<hbm>> -> memref<20480x128xf32, #tpu.memory_space<hbm>>
      tpu.wait_indirect_dma semaphore(%arg11 : memref<!tpu.dma_semaphore, #tpu.memory_space<semaphore_mem>>) src(%dma_wait3A_217 : memref<20480x128xf32, #tpu.memory_space<hbm>>) dst(%arg9 : memref<128x128xf32, #tpu.memory_space<vmem>>)
      %run_scoped3A_218 = arith.constant 12 : i32
      "tpu.region"() ({
        %run_scoped3A_257 = tpu.sem_alloc : memref<!tpu.dma_semaphore, #tpu.memory_space<semaphore_mem>>
        %dma_start3A_258 = arith.constant 0 : i32
        %dma_start3A_259 = tpu.memref_slice %arg7[%run_scoped3A_218, %dma_start3A_258] : memref<16x128xi32, #tpu.memory_space<vmem>> -> memref<1x128xi32, #tpu.memory_space<vmem>>
        %dma_start3A_260 = tpu.memref_squeeze %dma_start3A_259 : memref<1x128xi32, #tpu.memory_space<vmem>> -> memref<128xi32, #tpu.memory_space<vmem>>
        %dma_start3A_261 = arith.constant 0 : i32
        %dma_start3A_262 = arith.constant 0 : i32
        %dma_start3A_263 = tpu.memref_slice %arg8[%dma_start3A_261, %dma_start3A_262] : memref<10240x128xf32, #tpu.memory_space<vmem_shared>> -> memref<10240x128xf32, #tpu.memory_space<vmem_shared>>
        tpu.enqueue_indirect_dma source(%arg9 : memref<128x128xf32, #tpu.memory_space<vmem>>) target(%dma_start3A_263 : memref<10240x128xf32, #tpu.memory_space<vmem_shared>>) offsets(%dma_start3A_260 : memref<128xi32, #tpu.memory_space<vmem>>) semaphore(%run_scoped3A_257 : memref<!tpu.dma_semaphore, #tpu.memory_space<semaphore_mem>>) {add = true}
        %dma_wait3A_264 = arith.constant 0 : i32
        %dma_wait3A_265 = tpu.memref_slice %arg7[%run_scoped3A_218, %dma_wait3A_264] : memref<16x128xi32, #tpu.memory_space<vmem>> -> memref<1x128xi32, #tpu.memory_space<vmem>>
        %dma_wait3A_266 = tpu.memref_squeeze %dma_wait3A_265 : memref<1x128xi32, #tpu.memory_space<vmem>> -> memref<128xi32, #tpu.memory_space<vmem>>
        %dma_wait3A_267 = arith.constant 0 : i32
        %dma_wait3A_268 = arith.constant 0 : i32
        %dma_wait3A_269 = tpu.memref_slice %arg8[%dma_wait3A_267, %dma_wait3A_268] : memref<10240x128xf32, #tpu.memory_space<vmem_shared>> -> memref<10240x128xf32, #tpu.memory_space<vmem_shared>>
        tpu.wait_indirect_dma semaphore(%run_scoped3A_257 : memref<!tpu.dma_semaphore, #tpu.memory_space<semaphore_mem>>) src(%arg9 : memref<128x128xf32, #tpu.memory_space<vmem>>) dst(%dma_wait3A_269 : memref<10240x128xf32, #tpu.memory_space<vmem_shared>>)
        tpu.yield
      }) : () -> ()
      %dma_start3A_219 = arith.constant 14 : i32
      %dma_start3A_220 = arith.constant 0 : i32
      %dma_start3A_221 = tpu.memref_slice %arg6[%dma_start3A_219, %dma_start3A_220] : memref<16x128xi32, #tpu.memory_space<vmem>> -> memref<1x128xi32, #tpu.memory_space<vmem>>
      %dma_start3A_222 = tpu.memref_squeeze %dma_start3A_221 : memref<1x128xi32, #tpu.memory_space<vmem>> -> memref<128xi32, #tpu.memory_space<vmem>>
      %dma_start3A_223 = arith.constant 0 : i32
      %dma_start3A_224 = arith.constant 0 : i32
      %dma_start3A_225 = tpu.memref_slice %arg2[%dma_start3A_223, %dma_start3A_224] : memref<20480x128xf32, #tpu.memory_space<hbm>> -> memref<20480x128xf32, #tpu.memory_space<hbm>>
      tpu.enqueue_indirect_dma source(%dma_start3A_225 : memref<20480x128xf32, #tpu.memory_space<hbm>>) target(%arg9 : memref<128x128xf32, #tpu.memory_space<vmem>>) offsets(%dma_start3A_222 : memref<128xi32, #tpu.memory_space<vmem>>) semaphore(%arg11 : memref<!tpu.dma_semaphore, #tpu.memory_space<semaphore_mem>>)
      %dma_wait3A_226 = arith.constant 13 : i32
      %dma_wait3A_227 = arith.constant 0 : i32
      %dma_wait3A_228 = tpu.memref_slice %arg6[%dma_wait3A_226, %dma_wait3A_227] : memref<16x128xi32, #tpu.memory_space<vmem>> -> memref<1x128xi32, #tpu.memory_space<vmem>>
      %dma_wait3A_229 = tpu.memref_squeeze %dma_wait3A_228 : memref<1x128xi32, #tpu.memory_space<vmem>> -> memref<128xi32, #tpu.memory_space<vmem>>
      %dma_wait3A_230 = arith.constant 0 : i32
      %dma_wait3A_231 = arith.constant 0 : i32
      %dma_wait3A_232 = tpu.memref_slice %arg2[%dma_wait3A_230, %dma_wait3A_231] : memref<20480x128xf32, #tpu.memory_space<hbm>> -> memref<20480x128xf32, #tpu.memory_space<hbm>>
      tpu.wait_indirect_dma semaphore(%arg12 : memref<!tpu.dma_semaphore, #tpu.memory_space<semaphore_mem>>) src(%dma_wait3A_232 : memref<20480x128xf32, #tpu.memory_space<hbm>>) dst(%arg10 : memref<128x128xf32, #tpu.memory_space<vmem>>)
      %run_scoped3A_233 = arith.constant 13 : i32
      "tpu.region"() ({
        %run_scoped3A_257 = tpu.sem_alloc : memref<!tpu.dma_semaphore, #tpu.memory_space<semaphore_mem>>
        %dma_start3A_258 = arith.constant 0 : i32
        %dma_start3A_259 = tpu.memref_slice %arg7[%run_scoped3A_233, %dma_start3A_258] : memref<16x128xi32, #tpu.memory_space<vmem>> -> memref<1x128xi32, #tpu.memory_space<vmem>>
        %dma_start3A_260 = tpu.memref_squeeze %dma_start3A_259 : memref<1x128xi32, #tpu.memory_space<vmem>> -> memref<128xi32, #tpu.memory_space<vmem>>
        %dma_start3A_261 = arith.constant 0 : i32
        %dma_start3A_262 = arith.constant 0 : i32
        %dma_start3A_263 = tpu.memref_slice %arg8[%dma_start3A_261, %dma_start3A_262] : memref<10240x128xf32, #tpu.memory_space<vmem_shared>> -> memref<10240x128xf32, #tpu.memory_space<vmem_shared>>
        tpu.enqueue_indirect_dma source(%arg10 : memref<128x128xf32, #tpu.memory_space<vmem>>) target(%dma_start3A_263 : memref<10240x128xf32, #tpu.memory_space<vmem_shared>>) offsets(%dma_start3A_260 : memref<128xi32, #tpu.memory_space<vmem>>) semaphore(%run_scoped3A_257 : memref<!tpu.dma_semaphore, #tpu.memory_space<semaphore_mem>>) {add = true}
        %dma_wait3A_264 = arith.constant 0 : i32
        %dma_wait3A_265 = tpu.memref_slice %arg7[%run_scoped3A_233, %dma_wait3A_264] : memref<16x128xi32, #tpu.memory_space<vmem>> -> memref<1x128xi32, #tpu.memory_space<vmem>>
        %dma_wait3A_266 = tpu.memref_squeeze %dma_wait3A_265 : memref<1x128xi32, #tpu.memory_space<vmem>> -> memref<128xi32, #tpu.memory_space<vmem>>
        %dma_wait3A_267 = arith.constant 0 : i32
        %dma_wait3A_268 = arith.constant 0 : i32
        %dma_wait3A_269 = tpu.memref_slice %arg8[%dma_wait3A_267, %dma_wait3A_268] : memref<10240x128xf32, #tpu.memory_space<vmem_shared>> -> memref<10240x128xf32, #tpu.memory_space<vmem_shared>>
        tpu.wait_indirect_dma semaphore(%run_scoped3A_257 : memref<!tpu.dma_semaphore, #tpu.memory_space<semaphore_mem>>) src(%arg10 : memref<128x128xf32, #tpu.memory_space<vmem>>) dst(%dma_wait3A_269 : memref<10240x128xf32, #tpu.memory_space<vmem_shared>>)
        tpu.yield
      }) : () -> ()
      %dma_start3A_234 = arith.constant 15 : i32
      %dma_start3A_235 = arith.constant 0 : i32
      %dma_start3A_236 = tpu.memref_slice %arg6[%dma_start3A_234, %dma_start3A_235] : memref<16x128xi32, #tpu.memory_space<vmem>> -> memref<1x128xi32, #tpu.memory_space<vmem>>
      %dma_start3A_237 = tpu.memref_squeeze %dma_start3A_236 : memref<1x128xi32, #tpu.memory_space<vmem>> -> memref<128xi32, #tpu.memory_space<vmem>>
      %dma_start3A_238 = arith.constant 0 : i32
      %dma_start3A_239 = arith.constant 0 : i32
      %dma_start3A_240 = tpu.memref_slice %arg2[%dma_start3A_238, %dma_start3A_239] : memref<20480x128xf32, #tpu.memory_space<hbm>> -> memref<20480x128xf32, #tpu.memory_space<hbm>>
      tpu.enqueue_indirect_dma source(%dma_start3A_240 : memref<20480x128xf32, #tpu.memory_space<hbm>>) target(%arg10 : memref<128x128xf32, #tpu.memory_space<vmem>>) offsets(%dma_start3A_237 : memref<128xi32, #tpu.memory_space<vmem>>) semaphore(%arg12 : memref<!tpu.dma_semaphore, #tpu.memory_space<semaphore_mem>>)
      %dma_wait3A_241 = arith.constant 14 : i32
      %dma_wait3A_242 = arith.constant 0 : i32
      %dma_wait3A_243 = tpu.memref_slice %arg6[%dma_wait3A_241, %dma_wait3A_242] : memref<16x128xi32, #tpu.memory_space<vmem>> -> memref<1x128xi32, #tpu.memory_space<vmem>>
      %dma_wait3A_244 = tpu.memref_squeeze %dma_wait3A_243 : memref<1x128xi32, #tpu.memory_space<vmem>> -> memref<128xi32, #tpu.memory_space<vmem>>
      %dma_wait3A_245 = arith.constant 0 : i32
      %dma_wait3A_246 = arith.constant 0 : i32
      %dma_wait3A_247 = tpu.memref_slice %arg2[%dma_wait3A_245, %dma_wait3A_246] : memref<20480x128xf32, #tpu.memory_space<hbm>> -> memref<20480x128xf32, #tpu.memory_space<hbm>>
      tpu.wait_indirect_dma semaphore(%arg11 : memref<!tpu.dma_semaphore, #tpu.memory_space<semaphore_mem>>) src(%dma_wait3A_247 : memref<20480x128xf32, #tpu.memory_space<hbm>>) dst(%arg9 : memref<128x128xf32, #tpu.memory_space<vmem>>)
      %run_scoped3A_248 = arith.constant 14 : i32
      "tpu.region"() ({
        %run_scoped3A_257 = tpu.sem_alloc : memref<!tpu.dma_semaphore, #tpu.memory_space<semaphore_mem>>
        %dma_start3A_258 = arith.constant 0 : i32
        %dma_start3A_259 = tpu.memref_slice %arg7[%run_scoped3A_248, %dma_start3A_258] : memref<16x128xi32, #tpu.memory_space<vmem>> -> memref<1x128xi32, #tpu.memory_space<vmem>>
        %dma_start3A_260 = tpu.memref_squeeze %dma_start3A_259 : memref<1x128xi32, #tpu.memory_space<vmem>> -> memref<128xi32, #tpu.memory_space<vmem>>
        %dma_start3A_261 = arith.constant 0 : i32
        %dma_start3A_262 = arith.constant 0 : i32
        %dma_start3A_263 = tpu.memref_slice %arg8[%dma_start3A_261, %dma_start3A_262] : memref<10240x128xf32, #tpu.memory_space<vmem_shared>> -> memref<10240x128xf32, #tpu.memory_space<vmem_shared>>
        tpu.enqueue_indirect_dma source(%arg9 : memref<128x128xf32, #tpu.memory_space<vmem>>) target(%dma_start3A_263 : memref<10240x128xf32, #tpu.memory_space<vmem_shared>>) offsets(%dma_start3A_260 : memref<128xi32, #tpu.memory_space<vmem>>) semaphore(%run_scoped3A_257 : memref<!tpu.dma_semaphore, #tpu.memory_space<semaphore_mem>>) {add = true}
        %dma_wait3A_264 = arith.constant 0 : i32
        %dma_wait3A_265 = tpu.memref_slice %arg7[%run_scoped3A_248, %dma_wait3A_264] : memref<16x128xi32, #tpu.memory_space<vmem>> -> memref<1x128xi32, #tpu.memory_space<vmem>>
        %dma_wait3A_266 = tpu.memref_squeeze %dma_wait3A_265 : memref<1x128xi32, #tpu.memory_space<vmem>> -> memref<128xi32, #tpu.memory_space<vmem>>
        %dma_wait3A_267 = arith.constant 0 : i32
        %dma_wait3A_268 = arith.constant 0 : i32
        %dma_wait3A_269 = tpu.memref_slice %arg8[%dma_wait3A_267, %dma_wait3A_268] : memref<10240x128xf32, #tpu.memory_space<vmem_shared>> -> memref<10240x128xf32, #tpu.memory_space<vmem_shared>>
        tpu.wait_indirect_dma semaphore(%run_scoped3A_257 : memref<!tpu.dma_semaphore, #tpu.memory_space<semaphore_mem>>) src(%arg9 : memref<128x128xf32, #tpu.memory_space<vmem>>) dst(%dma_wait3A_269 : memref<10240x128xf32, #tpu.memory_space<vmem_shared>>)
        tpu.yield
      }) : () -> ()
      %dma_wait3A_249 = arith.constant 15 : i32
      %dma_wait3A_250 = arith.constant 0 : i32
      %dma_wait3A_251 = tpu.memref_slice %arg6[%dma_wait3A_249, %dma_wait3A_250] : memref<16x128xi32, #tpu.memory_space<vmem>> -> memref<1x128xi32, #tpu.memory_space<vmem>>
      %dma_wait3A_252 = tpu.memref_squeeze %dma_wait3A_251 : memref<1x128xi32, #tpu.memory_space<vmem>> -> memref<128xi32, #tpu.memory_space<vmem>>
      %dma_wait3A_253 = arith.constant 0 : i32
      %dma_wait3A_254 = arith.constant 0 : i32
      %dma_wait3A_255 = tpu.memref_slice %arg2[%dma_wait3A_253, %dma_wait3A_254] : memref<20480x128xf32, #tpu.memory_space<hbm>> -> memref<20480x128xf32, #tpu.memory_space<hbm>>
      tpu.wait_indirect_dma semaphore(%arg12 : memref<!tpu.dma_semaphore, #tpu.memory_space<semaphore_mem>>) src(%dma_wait3A_255 : memref<20480x128xf32, #tpu.memory_space<hbm>>) dst(%arg10 : memref<128x128xf32, #tpu.memory_space<vmem>>)
      %run_scoped3A_256 = arith.constant 15 : i32
      "tpu.region"() ({
        %run_scoped3A_257 = tpu.sem_alloc : memref<!tpu.dma_semaphore, #tpu.memory_space<semaphore_mem>>
        %dma_start3A_258 = arith.constant 0 : i32
        %dma_start3A_259 = tpu.memref_slice %arg7[%run_scoped3A_256, %dma_start3A_258] : memref<16x128xi32, #tpu.memory_space<vmem>> -> memref<1x128xi32, #tpu.memory_space<vmem>>
        %dma_start3A_260 = tpu.memref_squeeze %dma_start3A_259 : memref<1x128xi32, #tpu.memory_space<vmem>> -> memref<128xi32, #tpu.memory_space<vmem>>
        %dma_start3A_261 = arith.constant 0 : i32
        %dma_start3A_262 = arith.constant 0 : i32
        %dma_start3A_263 = tpu.memref_slice %arg8[%dma_start3A_261, %dma_start3A_262] : memref<10240x128xf32, #tpu.memory_space<vmem_shared>> -> memref<10240x128xf32, #tpu.memory_space<vmem_shared>>
        tpu.enqueue_indirect_dma source(%arg10 : memref<128x128xf32, #tpu.memory_space<vmem>>) target(%dma_start3A_263 : memref<10240x128xf32, #tpu.memory_space<vmem_shared>>) offsets(%dma_start3A_260 : memref<128xi32, #tpu.memory_space<vmem>>) semaphore(%run_scoped3A_257 : memref<!tpu.dma_semaphore, #tpu.memory_space<semaphore_mem>>) {add = true}
        %dma_wait3A_264 = arith.constant 0 : i32
        %dma_wait3A_265 = tpu.memref_slice %arg7[%run_scoped3A_256, %dma_wait3A_264] : memref<16x128xi32, #tpu.memory_space<vmem>> -> memref<1x128xi32, #tpu.memory_space<vmem>>
        %dma_wait3A_266 = tpu.memref_squeeze %dma_wait3A_265 : memref<1x128xi32, #tpu.memory_space<vmem>> -> memref<128xi32, #tpu.memory_space<vmem>>
        %dma_wait3A_267 = arith.constant 0 : i32
        %dma_wait3A_268 = arith.constant 0 : i32
        %dma_wait3A_269 = tpu.memref_slice %arg8[%dma_wait3A_267, %dma_wait3A_268] : memref<10240x128xf32, #tpu.memory_space<vmem_shared>> -> memref<10240x128xf32, #tpu.memory_space<vmem_shared>>
        tpu.wait_indirect_dma semaphore(%run_scoped3A_257 : memref<!tpu.dma_semaphore, #tpu.memory_space<semaphore_mem>>) src(%arg10 : memref<128x128xf32, #tpu.memory_space<vmem>>) dst(%dma_wait3A_269 : memref<10240x128xf32, #tpu.memory_space<vmem_shared>>)
        tpu.yield
      }) : () -> ()
    }
    %scan3A_10 = arith.constant 10 : i32
    %barrier3A_11 = arith.constant 0 : index
    tpu.barrier barrier_id(%barrier3A_11)
    %mul3A_12 = arith.constant 10240 : i32
    %mul3A_13 = arith.muli %arg0, %mul3A_12 : i32
    %add3A_14 = arith.addi %mul3A_13, %mul3A_2 : i32
    "tpu.region"() ({
      %run_scoped3A = tpu.sem_alloc : memref<!tpu.dma_semaphore, #tpu.memory_space<semaphore_mem>>
      %dma_start3A = arith.constant 0 : i32
      %dma_start3A_15 = tpu.memref_slice %arg5[%add3A_14, %dma_start3A] : memref<20480x128xf32, #tpu.memory_space<hbm>> -> memref<640x128xf32, #tpu.memory_space<hbm>>
      %dma_start3A_16 = arith.constant 0 : i32
      %dma_start3A_17 = tpu.memref_slice %arg8[%mul3A_2, %dma_start3A_16] : memref<10240x128xf32, #tpu.memory_space<vmem_shared>> -> memref<640x128xf32, #tpu.memory_space<vmem_shared>>
      tpu.enqueue_dma source(%dma_start3A_17 : memref<640x128xf32, #tpu.memory_space<vmem_shared>>) target(%dma_start3A_15 : memref<640x128xf32, #tpu.memory_space<hbm>>) target_semaphore(%run_scoped3A : memref<!tpu.dma_semaphore, #tpu.memory_space<semaphore_mem>>)
      %dma_wait3A = arith.constant 0 : i32
      %dma_wait3A_18 = tpu.memref_slice %arg5[%add3A_14, %dma_wait3A] : memref<20480x128xf32, #tpu.memory_space<hbm>> -> memref<640x128xf32, #tpu.memory_space<hbm>>
      %dma_wait3A_19 = arith.constant 0 : i32
      %dma_wait3A_20 = tpu.memref_slice %arg8[%mul3A_2, %dma_wait3A_19] : memref<10240x128xf32, #tpu.memory_space<vmem_shared>> -> memref<640x128xf32, #tpu.memory_space<vmem_shared>>
      tpu.wait_dma2 semaphore(%run_scoped3A : memref<!tpu.dma_semaphore, #tpu.memory_space<semaphore_mem>>) src(%dma_wait3A_20 : memref<640x128xf32, #tpu.memory_space<vmem_shared>>) dst(%dma_wait3A_18 : memref<640x128xf32, #tpu.memory_space<hbm>>)
      tpu.yield
    }) : () -> ()
    return
  }
}

#map = affine_map<(d0, d1) -> (0, 0, 0)>
#map1 = affine_map<(d0, d1) -> (0, 0)>
module attributes {stable_mosaic.version = 14 : i64} {
  func.func @_deg_body(%arg0: i32, %arg1: i32, %arg2: memref<32x80x128xi32, #tpu.memory_space<hbm>>, %arg3: memref<10240x128xf32, #tpu.memory_space<hbm>>, %arg4: memref<128x128xf32, #tpu.memory_space<hbm>>, %arg5: memref<20480x128xf32, #tpu.memory_space<hbm>>, %arg6: memref<10240x128xf32, #tpu.memory_space<vmem_shared>>, %arg7: memref<16x128xi32, #tpu.memory_space<vmem>>, %arg8: memref<128x128xf32, #tpu.memory_space<vmem>>) attributes {dimension_semantics = [#tpu.dimension_semantics<core_parallel>, #tpu.dimension_semantics<subcore_parallel>], iteration_bounds = array<i64: 2, 16>, scalar_prefetch = 0 : i64, scratch_operands = 3 : i64, tpu.core_type = #tpu.core_type<sc_vector_subcore>, window_params = [{transform_indices = #map}, {transform_indices = #map1}, {transform_indices = #map1}, {transform_indices = #map1}]} {
    %mul3A = arith.constant 16 : i32
    %mul3A_0 = arith.muli %arg0, %mul3A : i32
    %add3A = arith.addi %mul3A_0, %arg1 : i32
    %mul3A_1 = arith.constant 640 : i32
    %mul3A_2 = arith.muli %arg1, %mul3A_1 : i32
    "tpu.region"() ({
      %run_scoped3A = tpu.sem_alloc : memref<!tpu.dma_semaphore, #tpu.memory_space<semaphore_mem>>
      %dma_start3A = arith.constant 0 : i32
      %dma_start3A_12 = tpu.memref_slice %arg6[%mul3A_2, %dma_start3A] : memref<10240x128xf32, #tpu.memory_space<vmem_shared>> -> memref<640x128xf32, #tpu.memory_space<vmem_shared>>
      %dma_start3A_13 = arith.constant 0 : i32
      %dma_start3A_14 = tpu.memref_slice %arg3[%mul3A_2, %dma_start3A_13] : memref<10240x128xf32, #tpu.memory_space<hbm>> -> memref<640x128xf32, #tpu.memory_space<hbm>>
      tpu.enqueue_dma source(%dma_start3A_14 : memref<640x128xf32, #tpu.memory_space<hbm>>) target(%dma_start3A_12 : memref<640x128xf32, #tpu.memory_space<vmem_shared>>) target_semaphore(%run_scoped3A : memref<!tpu.dma_semaphore, #tpu.memory_space<semaphore_mem>>)
      %dma_wait3A = arith.constant 0 : i32
      %dma_wait3A_15 = tpu.memref_slice %arg6[%mul3A_2, %dma_wait3A] : memref<10240x128xf32, #tpu.memory_space<vmem_shared>> -> memref<640x128xf32, #tpu.memory_space<vmem_shared>>
      %dma_wait3A_16 = arith.constant 0 : i32
      %dma_wait3A_17 = tpu.memref_slice %arg3[%mul3A_2, %dma_wait3A_16] : memref<10240x128xf32, #tpu.memory_space<hbm>> -> memref<640x128xf32, #tpu.memory_space<hbm>>
      tpu.wait_dma2 semaphore(%run_scoped3A : memref<!tpu.dma_semaphore, #tpu.memory_space<semaphore_mem>>) src(%dma_wait3A_17 : memref<640x128xf32, #tpu.memory_space<hbm>>) dst(%dma_wait3A_15 : memref<640x128xf32, #tpu.memory_space<vmem_shared>>)
      tpu.yield
    }) : () -> ()
    "tpu.region"() ({
      %run_scoped3A = tpu.sem_alloc : memref<!tpu.dma_semaphore, #tpu.memory_space<semaphore_mem>>
      tpu.enqueue_dma source(%arg4 : memref<128x128xf32, #tpu.memory_space<hbm>>) target(%arg8 : memref<128x128xf32, #tpu.memory_space<vmem>>) target_semaphore(%run_scoped3A : memref<!tpu.dma_semaphore, #tpu.memory_space<semaphore_mem>>)
      tpu.wait_dma2 semaphore(%run_scoped3A : memref<!tpu.dma_semaphore, #tpu.memory_space<semaphore_mem>>) src(%arg4 : memref<128x128xf32, #tpu.memory_space<hbm>>) dst(%arg8 : memref<128x128xf32, #tpu.memory_space<vmem>>)
      tpu.yield
    }) : () -> ()
    %barrier3A = arith.constant 0 : index
    tpu.barrier barrier_id(%barrier3A)
    %scan3A = arith.constant 0 : i32
    %scan3A_3 = arith.constant 0 : i32
    %scan3A_4 = arith.constant 5 : i32
    %scan3A_5 = arith.addi %scan3A_3, %scan3A_4 : i32
    %scan3A_6 = arith.constant 1 : i32
    scf.for %scan3A_12 = %scan3A_3 to %scan3A_5 step %scan3A_6  : i32 {
      %mul3A_13 = arith.constant 16 : i32
      %mul3A_14 = arith.muli %scan3A_12, %mul3A_13 : i32
      "tpu.region"() ({
        %run_scoped3A = tpu.sem_alloc : memref<!tpu.dma_semaphore, #tpu.memory_space<semaphore_mem>>
        %dma_start3A = arith.constant 0 : i32
        %dma_start3A_21 = tpu.memref_slice %arg2[%add3A, %mul3A_14, %dma_start3A] : memref<32x80x128xi32, #tpu.memory_space<hbm>> -> memref<1x16x128xi32, #tpu.memory_space<hbm>>
        %dma_start3A_22 = tpu.memref_squeeze %dma_start3A_21 : memref<1x16x128xi32, #tpu.memory_space<hbm>> -> memref<16x128xi32, #tpu.memory_space<hbm>>
        %dma_start3A_23 = arith.constant 0 : i32
        %dma_start3A_24 = tpu.memref_slice %arg2[%add3A, %mul3A_14, %dma_start3A_23] : memref<32x80x128xi32, #tpu.memory_space<hbm>> -> memref<1x16x128xi32, #tpu.memory_space<hbm>>
        %dma_start3A_25 = tpu.memref_squeeze %dma_start3A_24 : memref<1x16x128xi32, #tpu.memory_space<hbm>> -> memref<16x128xi32, #tpu.memory_space<hbm>>
        tpu.enqueue_dma source(%dma_start3A_25 : memref<16x128xi32, #tpu.memory_space<hbm>>) target(%arg7 : memref<16x128xi32, #tpu.memory_space<vmem>>) target_semaphore(%run_scoped3A : memref<!tpu.dma_semaphore, #tpu.memory_space<semaphore_mem>>)
        %dma_wait3A = arith.constant 0 : i32
        %dma_wait3A_26 = tpu.memref_slice %arg2[%add3A, %mul3A_14, %dma_wait3A] : memref<32x80x128xi32, #tpu.memory_space<hbm>> -> memref<1x16x128xi32, #tpu.memory_space<hbm>>
        %dma_wait3A_27 = tpu.memref_squeeze %dma_wait3A_26 : memref<1x16x128xi32, #tpu.memory_space<hbm>> -> memref<16x128xi32, #tpu.memory_space<hbm>>
        %dma_wait3A_28 = arith.constant 0 : i32
        %dma_wait3A_29 = tpu.memref_slice %arg2[%add3A, %mul3A_14, %dma_wait3A_28] : memref<32x80x128xi32, #tpu.memory_space<hbm>> -> memref<1x16x128xi32, #tpu.memory_space<hbm>>
        %dma_wait3A_30 = tpu.memref_squeeze %dma_wait3A_29 : memref<1x16x128xi32, #tpu.memory_space<hbm>> -> memref<16x128xi32, #tpu.memory_space<hbm>>
        tpu.wait_dma2 semaphore(%run_scoped3A : memref<!tpu.dma_semaphore, #tpu.memory_space<semaphore_mem>>) src(%dma_wait3A_30 : memref<16x128xi32, #tpu.memory_space<hbm>>) dst(%arg7 : memref<16x128xi32, #tpu.memory_space<vmem>>)
        tpu.yield
      }) : () -> ()
      %scan3A_15 = arith.constant 0 : i32
      %scan3A_16 = arith.constant 0 : i32
      %scan3A_17 = arith.constant 16 : i32
      %scan3A_18 = arith.addi %scan3A_16, %scan3A_17 : i32
      %scan3A_19 = arith.constant 1 : i32
      scf.for %scan3A_21 = %scan3A_16 to %scan3A_18 step %scan3A_19  : i32 {
        "tpu.region"() ({
          %run_scoped3A = tpu.sem_alloc : memref<!tpu.dma_semaphore, #tpu.memory_space<semaphore_mem>>
          %dma_start3A = arith.constant 0 : i32
          %dma_start3A_22 = tpu.memref_slice %arg7[%scan3A_21, %dma_start3A] : memref<16x128xi32, #tpu.memory_space<vmem>> -> memref<1x128xi32, #tpu.memory_space<vmem>>
          %dma_start3A_23 = tpu.memref_squeeze %dma_start3A_22 : memref<1x128xi32, #tpu.memory_space<vmem>> -> memref<128xi32, #tpu.memory_space<vmem>>
          %dma_start3A_24 = arith.constant 0 : i32
          %dma_start3A_25 = arith.constant 0 : i32
          %dma_start3A_26 = tpu.memref_slice %arg6[%dma_start3A_24, %dma_start3A_25] : memref<10240x128xf32, #tpu.memory_space<vmem_shared>> -> memref<10240x128xf32, #tpu.memory_space<vmem_shared>>
          tpu.enqueue_indirect_dma source(%arg8 : memref<128x128xf32, #tpu.memory_space<vmem>>) target(%dma_start3A_26 : memref<10240x128xf32, #tpu.memory_space<vmem_shared>>) offsets(%dma_start3A_23 : memref<128xi32, #tpu.memory_space<vmem>>) semaphore(%run_scoped3A : memref<!tpu.dma_semaphore, #tpu.memory_space<semaphore_mem>>) {add = true}
          %dma_wait3A = arith.constant 0 : i32
          %dma_wait3A_27 = tpu.memref_slice %arg7[%scan3A_21, %dma_wait3A] : memref<16x128xi32, #tpu.memory_space<vmem>> -> memref<1x128xi32, #tpu.memory_space<vmem>>
          %dma_wait3A_28 = tpu.memref_squeeze %dma_wait3A_27 : memref<1x128xi32, #tpu.memory_space<vmem>> -> memref<128xi32, #tpu.memory_space<vmem>>
          %dma_wait3A_29 = arith.constant 0 : i32
          %dma_wait3A_30 = arith.constant 0 : i32
          %dma_wait3A_31 = tpu.memref_slice %arg6[%dma_wait3A_29, %dma_wait3A_30] : memref<10240x128xf32, #tpu.memory_space<vmem_shared>> -> memref<10240x128xf32, #tpu.memory_space<vmem_shared>>
          tpu.wait_indirect_dma semaphore(%run_scoped3A : memref<!tpu.dma_semaphore, #tpu.memory_space<semaphore_mem>>) src(%arg8 : memref<128x128xf32, #tpu.memory_space<vmem>>) dst(%dma_wait3A_31 : memref<10240x128xf32, #tpu.memory_space<vmem_shared>>)
          tpu.yield
        }) : () -> ()
      }
      %scan3A_20 = arith.constant 16 : i32
    }
    %scan3A_7 = arith.constant 5 : i32
    %barrier3A_8 = arith.constant 0 : index
    tpu.barrier barrier_id(%barrier3A_8)
    %mul3A_9 = arith.constant 10240 : i32
    %mul3A_10 = arith.muli %arg0, %mul3A_9 : i32
    %add3A_11 = arith.addi %mul3A_10, %mul3A_2 : i32
    "tpu.region"() ({
      %run_scoped3A = tpu.sem_alloc : memref<!tpu.dma_semaphore, #tpu.memory_space<semaphore_mem>>
      %dma_start3A = arith.constant 0 : i32
      %dma_start3A_12 = tpu.memref_slice %arg5[%add3A_11, %dma_start3A] : memref<20480x128xf32, #tpu.memory_space<hbm>> -> memref<640x128xf32, #tpu.memory_space<hbm>>
      %dma_start3A_13 = arith.constant 0 : i32
      %dma_start3A_14 = tpu.memref_slice %arg6[%mul3A_2, %dma_start3A_13] : memref<10240x128xf32, #tpu.memory_space<vmem_shared>> -> memref<640x128xf32, #tpu.memory_space<vmem_shared>>
      tpu.enqueue_dma source(%dma_start3A_14 : memref<640x128xf32, #tpu.memory_space<vmem_shared>>) target(%dma_start3A_12 : memref<640x128xf32, #tpu.memory_space<hbm>>) target_semaphore(%run_scoped3A : memref<!tpu.dma_semaphore, #tpu.memory_space<semaphore_mem>>)
      %dma_wait3A = arith.constant 0 : i32
      %dma_wait3A_15 = tpu.memref_slice %arg5[%add3A_11, %dma_wait3A] : memref<20480x128xf32, #tpu.memory_space<hbm>> -> memref<640x128xf32, #tpu.memory_space<hbm>>
      %dma_wait3A_16 = arith.constant 0 : i32
      %dma_wait3A_17 = tpu.memref_slice %arg6[%mul3A_2, %dma_wait3A_16] : memref<10240x128xf32, #tpu.memory_space<vmem_shared>> -> memref<640x128xf32, #tpu.memory_space<vmem_shared>>
      tpu.wait_dma2 semaphore(%run_scoped3A : memref<!tpu.dma_semaphore, #tpu.memory_space<semaphore_mem>>) src(%dma_wait3A_17 : memref<640x128xf32, #tpu.memory_space<vmem_shared>>) dst(%dma_wait3A_15 : memref<640x128xf32, #tpu.memory_space<hbm>>)
      tpu.yield
    }) : () -> ()
    return
  }
}

#map = affine_map<(d0, d1) -> (0, 0)>
#map1 = affine_map<(d0, d1) -> (0, 0, 0)>
module attributes {stable_mosaic.version = 14 : i64} {
  func.func @body(%arg0: i32, %arg1: i32, %arg2: memref<20480x128xf32, #tpu.memory_space<hbm>>, %arg3: memref<32x160x128xi32, #tpu.memory_space<hbm>>, %arg4: memref<16x160x128xi32, #tpu.memory_space<hbm>>, %arg5: memref<20480x128xf32, #tpu.memory_space<hbm>>, %arg6: memref<16x128xi32, #tpu.memory_space<vmem>>, %arg7: memref<16x128xi32, #tpu.memory_space<vmem>>, %arg8: memref<10240x128xf32, #tpu.memory_space<vmem_shared>>, %arg9: memref<128x128xf32, #tpu.memory_space<vmem>>, %arg10: memref<128x128xf32, #tpu.memory_space<vmem>>, %arg11: memref<!tpu.dma_semaphore, #tpu.memory_space<semaphore_mem>>, %arg12: memref<!tpu.dma_semaphore, #tpu.memory_space<semaphore_mem>>, %arg13: memref<!tpu.dma_semaphore, #tpu.memory_space<semaphore_mem>>) attributes {dimension_semantics = [#tpu.dimension_semantics<core_parallel>, #tpu.dimension_semantics<subcore_parallel>], iteration_bounds = array<i64: 2, 16>, scalar_prefetch = 0 : i64, scratch_operands = 8 : i64, tpu.core_type = #tpu.core_type<sc_vector_subcore>, window_params = [{transform_indices = #map}, {transform_indices = #map1}, {transform_indices = #map1}, {transform_indices = #map}]} {
    %mul3A = arith.constant 16 : i32
    %mul3A_0 = arith.muli %arg0, %mul3A : i32
    %add3A = arith.addi %mul3A_0, %arg1 : i32
    %mul3A_1 = arith.constant 640 : i32
    %mul3A_2 = arith.muli %arg1, %mul3A_1 : i32
    %mul3A_3 = arith.constant 10240 : i32
    %mul3A_4 = arith.muli %arg0, %mul3A_3 : i32
    %add3A_5 = arith.addi %mul3A_4, %mul3A_2 : i32
    "tpu.region"() ({
      %run_scoped3A = tpu.sem_alloc : memref<!tpu.dma_semaphore, #tpu.memory_space<semaphore_mem>>
      %dma_start3A = arith.constant 0 : i32
      %dma_start3A_15 = tpu.memref_slice %arg8[%mul3A_2, %dma_start3A] : memref<10240x128xf32, #tpu.memory_space<vmem_shared>> -> memref<640x128xf32, #tpu.memory_space<vmem_shared>>
      %dma_start3A_16 = arith.constant 0 : i32
      %dma_start3A_17 = tpu.memref_slice %arg2[%add3A_5, %dma_start3A_16] : memref<20480x128xf32, #tpu.memory_space<hbm>> -> memref<640x128xf32, #tpu.memory_space<hbm>>
      tpu.enqueue_dma source(%dma_start3A_17 : memref<640x128xf32, #tpu.memory_space<hbm>>) target(%dma_start3A_15 : memref<640x128xf32, #tpu.memory_space<vmem_shared>>) target_semaphore(%run_scoped3A : memref<!tpu.dma_semaphore, #tpu.memory_space<semaphore_mem>>)
      %dma_wait3A = arith.constant 0 : i32
      %dma_wait3A_18 = tpu.memref_slice %arg8[%mul3A_2, %dma_wait3A] : memref<10240x128xf32, #tpu.memory_space<vmem_shared>> -> memref<640x128xf32, #tpu.memory_space<vmem_shared>>
      %dma_wait3A_19 = arith.constant 0 : i32
      %dma_wait3A_20 = tpu.memref_slice %arg2[%add3A_5, %dma_wait3A_19] : memref<20480x128xf32, #tpu.memory_space<hbm>> -> memref<640x128xf32, #tpu.memory_space<hbm>>
      tpu.wait_dma2 semaphore(%run_scoped3A : memref<!tpu.dma_semaphore, #tpu.memory_space<semaphore_mem>>) src(%dma_wait3A_20 : memref<640x128xf32, #tpu.memory_space<hbm>>) dst(%dma_wait3A_18 : memref<640x128xf32, #tpu.memory_space<vmem_shared>>)
      tpu.yield
    }) : () -> ()
    %barrier3A = arith.constant 0 : index
    tpu.barrier barrier_id(%barrier3A)
    %scan3A = arith.constant 0 : i32
    %scan3A_6 = arith.constant 0 : i32
    %scan3A_7 = arith.constant 10 : i32
    %scan3A_8 = arith.addi %scan3A_6, %scan3A_7 : i32
    %scan3A_9 = arith.constant 1 : i32
    scf.for %scan3A_15 = %scan3A_6 to %scan3A_8 step %scan3A_9  : i32 {
      %mul3A_16 = arith.constant 16 : i32
      %mul3A_17 = arith.muli %scan3A_15, %mul3A_16 : i32
      "tpu.region"() ({
        %run_scoped3A_257 = tpu.sem_alloc : memref<!tpu.dma_semaphore, #tpu.memory_space<semaphore_mem>>
        %dma_start3A_258 = arith.constant 0 : i32
        %dma_start3A_259 = tpu.memref_slice %arg3[%add3A, %mul3A_17, %dma_start3A_258] : memref<32x160x128xi32, #tpu.memory_space<hbm>> -> memref<1x16x128xi32, #tpu.memory_space<hbm>>
        %dma_start3A_260 = tpu.memref_squeeze %dma_start3A_259 : memref<1x16x128xi32, #tpu.memory_space<hbm>> -> memref<16x128xi32, #tpu.memory_space<hbm>>
        %dma_start3A_261 = arith.constant 0 : i32
        %dma_start3A_262 = tpu.memref_slice %arg3[%add3A, %mul3A_17, %dma_start3A_261] : memref<32x160x128xi32, #tpu.memory_space<hbm>> -> memref<1x16x128xi32, #tpu.memory_space<hbm>>
        %dma_start3A_263 = tpu.memref_squeeze %dma_start3A_262 : memref<1x16x128xi32, #tpu.memory_space<hbm>> -> memref<16x128xi32, #tpu.memory_space<hbm>>
        tpu.enqueue_dma source(%dma_start3A_263 : memref<16x128xi32, #tpu.memory_space<hbm>>) target(%arg6 : memref<16x128xi32, #tpu.memory_space<vmem>>) target_semaphore(%run_scoped3A_257 : memref<!tpu.dma_semaphore, #tpu.memory_space<semaphore_mem>>)
        %dma_wait3A_264 = arith.constant 0 : i32
        %dma_wait3A_265 = tpu.memref_slice %arg3[%add3A, %mul3A_17, %dma_wait3A_264] : memref<32x160x128xi32, #tpu.memory_space<hbm>> -> memref<1x16x128xi32, #tpu.memory_space<hbm>>
        %dma_wait3A_266 = tpu.memref_squeeze %dma_wait3A_265 : memref<1x16x128xi32, #tpu.memory_space<hbm>> -> memref<16x128xi32, #tpu.memory_space<hbm>>
        %dma_wait3A_267 = arith.constant 0 : i32
        %dma_wait3A_268 = tpu.memref_slice %arg3[%add3A, %mul3A_17, %dma_wait3A_267] : memref<32x160x128xi32, #tpu.memory_space<hbm>> -> memref<1x16x128xi32, #tpu.memory_space<hbm>>
        %dma_wait3A_269 = tpu.memref_squeeze %dma_wait3A_268 : memref<1x16x128xi32, #tpu.memory_space<hbm>> -> memref<16x128xi32, #tpu.memory_space<hbm>>
        tpu.wait_dma2 semaphore(%run_scoped3A_257 : memref<!tpu.dma_semaphore, #tpu.memory_space<semaphore_mem>>) src(%dma_wait3A_269 : memref<16x128xi32, #tpu.memory_space<hbm>>) dst(%arg6 : memref<16x128xi32, #tpu.memory_space<vmem>>)
        tpu.yield
      }) : () -> ()
      %mul3A_18 = arith.constant 16 : i32
      %mul3A_19 = arith.muli %scan3A_15, %mul3A_18 : i32
      "tpu.region"() ({
        %run_scoped3A_257 = tpu.sem_alloc : memref<!tpu.dma_semaphore, #tpu.memory_space<semaphore_mem>>
        %dma_start3A_258 = arith.constant 0 : i32
        %dma_start3A_259 = tpu.memref_slice %arg4[%arg1, %mul3A_19, %dma_start3A_258] : memref<16x160x128xi32, #tpu.memory_space<hbm>> -> memref<1x16x128xi32, #tpu.memory_space<hbm>>
        %dma_start3A_260 = tpu.memref_squeeze %dma_start3A_259 : memref<1x16x128xi32, #tpu.memory_space<hbm>> -> memref<16x128xi32, #tpu.memory_space<hbm>>
        %dma_start3A_261 = arith.constant 0 : i32
        %dma_start3A_262 = tpu.memref_slice %arg4[%arg1, %mul3A_19, %dma_start3A_261] : memref<16x160x128xi32, #tpu.memory_space<hbm>> -> memref<1x16x128xi32, #tpu.memory_space<hbm>>
        %dma_start3A_263 = tpu.memref_squeeze %dma_start3A_262 : memref<1x16x128xi32, #tpu.memory_space<hbm>> -> memref<16x128xi32, #tpu.memory_space<hbm>>
        tpu.enqueue_dma source(%dma_start3A_263 : memref<16x128xi32, #tpu.memory_space<hbm>>) target(%arg7 : memref<16x128xi32, #tpu.memory_space<vmem>>) target_semaphore(%run_scoped3A_257 : memref<!tpu.dma_semaphore, #tpu.memory_space<semaphore_mem>>)
        %dma_wait3A_264 = arith.constant 0 : i32
        %dma_wait3A_265 = tpu.memref_slice %arg4[%arg1, %mul3A_19, %dma_wait3A_264] : memref<16x160x128xi32, #tpu.memory_space<hbm>> -> memref<1x16x128xi32, #tpu.memory_space<hbm>>
        %dma_wait3A_266 = tpu.memref_squeeze %dma_wait3A_265 : memref<1x16x128xi32, #tpu.memory_space<hbm>> -> memref<16x128xi32, #tpu.memory_space<hbm>>
        %dma_wait3A_267 = arith.constant 0 : i32
        %dma_wait3A_268 = tpu.memref_slice %arg4[%arg1, %mul3A_19, %dma_wait3A_267] : memref<16x160x128xi32, #tpu.memory_space<hbm>> -> memref<1x16x128xi32, #tpu.memory_space<hbm>>
        %dma_wait3A_269 = tpu.memref_squeeze %dma_wait3A_268 : memref<1x16x128xi32, #tpu.memory_space<hbm>> -> memref<16x128xi32, #tpu.memory_space<hbm>>
        tpu.wait_dma2 semaphore(%run_scoped3A_257 : memref<!tpu.dma_semaphore, #tpu.memory_space<semaphore_mem>>) src(%dma_wait3A_269 : memref<16x128xi32, #tpu.memory_space<hbm>>) dst(%arg7 : memref<16x128xi32, #tpu.memory_space<vmem>>)
        tpu.yield
      }) : () -> ()
      %dma_start3A = arith.constant 0 : i32
      %dma_start3A_20 = arith.constant 0 : i32
      %dma_start3A_21 = tpu.memref_slice %arg6[%dma_start3A, %dma_start3A_20] : memref<16x128xi32, #tpu.memory_space<vmem>> -> memref<1x128xi32, #tpu.memory_space<vmem>>
      %dma_start3A_22 = tpu.memref_squeeze %dma_start3A_21 : memref<1x128xi32, #tpu.memory_space<vmem>> -> memref<128xi32, #tpu.memory_space<vmem>>
      %dma_start3A_23 = arith.constant 0 : i32
      %dma_start3A_24 = arith.constant 0 : i32
      %dma_start3A_25 = tpu.memref_slice %arg2[%dma_start3A_23, %dma_start3A_24] : memref<20480x128xf32, #tpu.memory_space<hbm>> -> memref<20480x128xf32, #tpu.memory_space<hbm>>
      tpu.enqueue_indirect_dma source(%dma_start3A_25 : memref<20480x128xf32, #tpu.memory_space<hbm>>) target(%arg9 : memref<128x128xf32, #tpu.memory_space<vmem>>) offsets(%dma_start3A_22 : memref<128xi32, #tpu.memory_space<vmem>>) semaphore(%arg11 : memref<!tpu.dma_semaphore, #tpu.memory_space<semaphore_mem>>)
      %dma_start3A_26 = arith.constant 1 : i32
      %dma_start3A_27 = arith.constant 0 : i32
      %dma_start3A_28 = tpu.memref_slice %arg6[%dma_start3A_26, %dma_start3A_27] : memref<16x128xi32, #tpu.memory_space<vmem>> -> memref<1x128xi32, #tpu.memory_space<vmem>>
      %dma_start3A_29 = tpu.memref_squeeze %dma_start3A_28 : memref<1x128xi32, #tpu.memory_space<vmem>> -> memref<128xi32, #tpu.memory_space<vmem>>
      %dma_start3A_30 = arith.constant 0 : i32
      %dma_start3A_31 = arith.constant 0 : i32
      %dma_start3A_32 = tpu.memref_slice %arg2[%dma_start3A_30, %dma_start3A_31] : memref<20480x128xf32, #tpu.memory_space<hbm>> -> memref<20480x128xf32, #tpu.memory_space<hbm>>
      tpu.enqueue_indirect_dma source(%dma_start3A_32 : memref<20480x128xf32, #tpu.memory_space<hbm>>) target(%arg10 : memref<128x128xf32, #tpu.memory_space<vmem>>) offsets(%dma_start3A_29 : memref<128xi32, #tpu.memory_space<vmem>>) semaphore(%arg12 : memref<!tpu.dma_semaphore, #tpu.memory_space<semaphore_mem>>)
      %dma_wait3A = arith.constant 0 : i32
      %dma_wait3A_33 = arith.constant 0 : i32
      %dma_wait3A_34 = tpu.memref_slice %arg6[%dma_wait3A, %dma_wait3A_33] : memref<16x128xi32, #tpu.memory_space<vmem>> -> memref<1x128xi32, #tpu.memory_space<vmem>>
      %dma_wait3A_35 = tpu.memref_squeeze %dma_wait3A_34 : memref<1x128xi32, #tpu.memory_space<vmem>> -> memref<128xi32, #tpu.memory_space<vmem>>
      %dma_wait3A_36 = arith.constant 0 : i32
      %dma_wait3A_37 = arith.constant 0 : i32
      %dma_wait3A_38 = tpu.memref_slice %arg2[%dma_wait3A_36, %dma_wait3A_37] : memref<20480x128xf32, #tpu.memory_space<hbm>> -> memref<20480x128xf32, #tpu.memory_space<hbm>>
      tpu.wait_indirect_dma semaphore(%arg11 : memref<!tpu.dma_semaphore, #tpu.memory_space<semaphore_mem>>) src(%dma_wait3A_38 : memref<20480x128xf32, #tpu.memory_space<hbm>>) dst(%arg9 : memref<128x128xf32, #tpu.memory_space<vmem>>)
      %run_scoped3A = arith.constant 0 : i32
      "tpu.region"() ({
        %run_scoped3A_257 = tpu.sem_alloc : memref<!tpu.dma_semaphore, #tpu.memory_space<semaphore_mem>>
        %dma_start3A_258 = arith.constant 0 : i32
        %dma_start3A_259 = tpu.memref_slice %arg7[%run_scoped3A, %dma_start3A_258] : memref<16x128xi32, #tpu.memory_space<vmem>> -> memref<1x128xi32, #tpu.memory_space<vmem>>
        %dma_start3A_260 = tpu.memref_squeeze %dma_start3A_259 : memref<1x128xi32, #tpu.memory_space<vmem>> -> memref<128xi32, #tpu.memory_space<vmem>>
        %dma_start3A_261 = arith.constant 0 : i32
        %dma_start3A_262 = arith.constant 0 : i32
        %dma_start3A_263 = tpu.memref_slice %arg8[%dma_start3A_261, %dma_start3A_262] : memref<10240x128xf32, #tpu.memory_space<vmem_shared>> -> memref<10240x128xf32, #tpu.memory_space<vmem_shared>>
        tpu.enqueue_indirect_dma source(%arg9 : memref<128x128xf32, #tpu.memory_space<vmem>>) target(%dma_start3A_263 : memref<10240x128xf32, #tpu.memory_space<vmem_shared>>) offsets(%dma_start3A_260 : memref<128xi32, #tpu.memory_space<vmem>>) semaphore(%run_scoped3A_257 : memref<!tpu.dma_semaphore, #tpu.memory_space<semaphore_mem>>) {add = true}
        %dma_wait3A_264 = arith.constant 0 : i32
        %dma_wait3A_265 = tpu.memref_slice %arg7[%run_scoped3A, %dma_wait3A_264] : memref<16x128xi32, #tpu.memory_space<vmem>> -> memref<1x128xi32, #tpu.memory_space<vmem>>
        %dma_wait3A_266 = tpu.memref_squeeze %dma_wait3A_265 : memref<1x128xi32, #tpu.memory_space<vmem>> -> memref<128xi32, #tpu.memory_space<vmem>>
        %dma_wait3A_267 = arith.constant 0 : i32
        %dma_wait3A_268 = arith.constant 0 : i32
        %dma_wait3A_269 = tpu.memref_slice %arg8[%dma_wait3A_267, %dma_wait3A_268] : memref<10240x128xf32, #tpu.memory_space<vmem_shared>> -> memref<10240x128xf32, #tpu.memory_space<vmem_shared>>
        tpu.wait_indirect_dma semaphore(%run_scoped3A_257 : memref<!tpu.dma_semaphore, #tpu.memory_space<semaphore_mem>>) src(%arg9 : memref<128x128xf32, #tpu.memory_space<vmem>>) dst(%dma_wait3A_269 : memref<10240x128xf32, #tpu.memory_space<vmem_shared>>)
        tpu.yield
      }) : () -> ()
      %dma_start3A_39 = arith.constant 2 : i32
      %dma_start3A_40 = arith.constant 0 : i32
      %dma_start3A_41 = tpu.memref_slice %arg6[%dma_start3A_39, %dma_start3A_40] : memref<16x128xi32, #tpu.memory_space<vmem>> -> memref<1x128xi32, #tpu.memory_space<vmem>>
      %dma_start3A_42 = tpu.memref_squeeze %dma_start3A_41 : memref<1x128xi32, #tpu.memory_space<vmem>> -> memref<128xi32, #tpu.memory_space<vmem>>
      %dma_start3A_43 = arith.constant 0 : i32
      %dma_start3A_44 = arith.constant 0 : i32
      %dma_start3A_45 = tpu.memref_slice %arg2[%dma_start3A_43, %dma_start3A_44] : memref<20480x128xf32, #tpu.memory_space<hbm>> -> memref<20480x128xf32, #tpu.memory_space<hbm>>
      tpu.enqueue_indirect_dma source(%dma_start3A_45 : memref<20480x128xf32, #tpu.memory_space<hbm>>) target(%arg9 : memref<128x128xf32, #tpu.memory_space<vmem>>) offsets(%dma_start3A_42 : memref<128xi32, #tpu.memory_space<vmem>>) semaphore(%arg11 : memref<!tpu.dma_semaphore, #tpu.memory_space<semaphore_mem>>)
      %dma_wait3A_46 = arith.constant 1 : i32
      %dma_wait3A_47 = arith.constant 0 : i32
      %dma_wait3A_48 = tpu.memref_slice %arg6[%dma_wait3A_46, %dma_wait3A_47] : memref<16x128xi32, #tpu.memory_space<vmem>> -> memref<1x128xi32, #tpu.memory_space<vmem>>
      %dma_wait3A_49 = tpu.memref_squeeze %dma_wait3A_48 : memref<1x128xi32, #tpu.memory_space<vmem>> -> memref<128xi32, #tpu.memory_space<vmem>>
      %dma_wait3A_50 = arith.constant 0 : i32
      %dma_wait3A_51 = arith.constant 0 : i32
      %dma_wait3A_52 = tpu.memref_slice %arg2[%dma_wait3A_50, %dma_wait3A_51] : memref<20480x128xf32, #tpu.memory_space<hbm>> -> memref<20480x128xf32, #tpu.memory_space<hbm>>
      tpu.wait_indirect_dma semaphore(%arg12 : memref<!tpu.dma_semaphore, #tpu.memory_space<semaphore_mem>>) src(%dma_wait3A_52 : memref<20480x128xf32, #tpu.memory_space<hbm>>) dst(%arg10 : memref<128x128xf32, #tpu.memory_space<vmem>>)
      %run_scoped3A_53 = arith.constant 1 : i32
      "tpu.region"() ({
        %run_scoped3A_257 = tpu.sem_alloc : memref<!tpu.dma_semaphore, #tpu.memory_space<semaphore_mem>>
        %dma_start3A_258 = arith.constant 0 : i32
        %dma_start3A_259 = tpu.memref_slice %arg7[%run_scoped3A_53, %dma_start3A_258] : memref<16x128xi32, #tpu.memory_space<vmem>> -> memref<1x128xi32, #tpu.memory_space<vmem>>
        %dma_start3A_260 = tpu.memref_squeeze %dma_start3A_259 : memref<1x128xi32, #tpu.memory_space<vmem>> -> memref<128xi32, #tpu.memory_space<vmem>>
        %dma_start3A_261 = arith.constant 0 : i32
        %dma_start3A_262 = arith.constant 0 : i32
        %dma_start3A_263 = tpu.memref_slice %arg8[%dma_start3A_261, %dma_start3A_262] : memref<10240x128xf32, #tpu.memory_space<vmem_shared>> -> memref<10240x128xf32, #tpu.memory_space<vmem_shared>>
        tpu.enqueue_indirect_dma source(%arg10 : memref<128x128xf32, #tpu.memory_space<vmem>>) target(%dma_start3A_263 : memref<10240x128xf32, #tpu.memory_space<vmem_shared>>) offsets(%dma_start3A_260 : memref<128xi32, #tpu.memory_space<vmem>>) semaphore(%run_scoped3A_257 : memref<!tpu.dma_semaphore, #tpu.memory_space<semaphore_mem>>) {add = true}
        %dma_wait3A_264 = arith.constant 0 : i32
        %dma_wait3A_265 = tpu.memref_slice %arg7[%run_scoped3A_53, %dma_wait3A_264] : memref<16x128xi32, #tpu.memory_space<vmem>> -> memref<1x128xi32, #tpu.memory_space<vmem>>
        %dma_wait3A_266 = tpu.memref_squeeze %dma_wait3A_265 : memref<1x128xi32, #tpu.memory_space<vmem>> -> memref<128xi32, #tpu.memory_space<vmem>>
        %dma_wait3A_267 = arith.constant 0 : i32
        %dma_wait3A_268 = arith.constant 0 : i32
        %dma_wait3A_269 = tpu.memref_slice %arg8[%dma_wait3A_267, %dma_wait3A_268] : memref<10240x128xf32, #tpu.memory_space<vmem_shared>> -> memref<10240x128xf32, #tpu.memory_space<vmem_shared>>
        tpu.wait_indirect_dma semaphore(%run_scoped3A_257 : memref<!tpu.dma_semaphore, #tpu.memory_space<semaphore_mem>>) src(%arg10 : memref<128x128xf32, #tpu.memory_space<vmem>>) dst(%dma_wait3A_269 : memref<10240x128xf32, #tpu.memory_space<vmem_shared>>)
        tpu.yield
      }) : () -> ()
      %dma_start3A_54 = arith.constant 3 : i32
      %dma_start3A_55 = arith.constant 0 : i32
      %dma_start3A_56 = tpu.memref_slice %arg6[%dma_start3A_54, %dma_start3A_55] : memref<16x128xi32, #tpu.memory_space<vmem>> -> memref<1x128xi32, #tpu.memory_space<vmem>>
      %dma_start3A_57 = tpu.memref_squeeze %dma_start3A_56 : memref<1x128xi32, #tpu.memory_space<vmem>> -> memref<128xi32, #tpu.memory_space<vmem>>
      %dma_start3A_58 = arith.constant 0 : i32
      %dma_start3A_59 = arith.constant 0 : i32
      %dma_start3A_60 = tpu.memref_slice %arg2[%dma_start3A_58, %dma_start3A_59] : memref<20480x128xf32, #tpu.memory_space<hbm>> -> memref<20480x128xf32, #tpu.memory_space<hbm>>
      tpu.enqueue_indirect_dma source(%dma_start3A_60 : memref<20480x128xf32, #tpu.memory_space<hbm>>) target(%arg10 : memref<128x128xf32, #tpu.memory_space<vmem>>) offsets(%dma_start3A_57 : memref<128xi32, #tpu.memory_space<vmem>>) semaphore(%arg12 : memref<!tpu.dma_semaphore, #tpu.memory_space<semaphore_mem>>)
      %dma_wait3A_61 = arith.constant 2 : i32
      %dma_wait3A_62 = arith.constant 0 : i32
      %dma_wait3A_63 = tpu.memref_slice %arg6[%dma_wait3A_61, %dma_wait3A_62] : memref<16x128xi32, #tpu.memory_space<vmem>> -> memref<1x128xi32, #tpu.memory_space<vmem>>
      %dma_wait3A_64 = tpu.memref_squeeze %dma_wait3A_63 : memref<1x128xi32, #tpu.memory_space<vmem>> -> memref<128xi32, #tpu.memory_space<vmem>>
      %dma_wait3A_65 = arith.constant 0 : i32
      %dma_wait3A_66 = arith.constant 0 : i32
      %dma_wait3A_67 = tpu.memref_slice %arg2[%dma_wait3A_65, %dma_wait3A_66] : memref<20480x128xf32, #tpu.memory_space<hbm>> -> memref<20480x128xf32, #tpu.memory_space<hbm>>
      tpu.wait_indirect_dma semaphore(%arg11 : memref<!tpu.dma_semaphore, #tpu.memory_space<semaphore_mem>>) src(%dma_wait3A_67 : memref<20480x128xf32, #tpu.memory_space<hbm>>) dst(%arg9 : memref<128x128xf32, #tpu.memory_space<vmem>>)
      %run_scoped3A_68 = arith.constant 2 : i32
      "tpu.region"() ({
        %run_scoped3A_257 = tpu.sem_alloc : memref<!tpu.dma_semaphore, #tpu.memory_space<semaphore_mem>>
        %dma_start3A_258 = arith.constant 0 : i32
        %dma_start3A_259 = tpu.memref_slice %arg7[%run_scoped3A_68, %dma_start3A_258] : memref<16x128xi32, #tpu.memory_space<vmem>> -> memref<1x128xi32, #tpu.memory_space<vmem>>
        %dma_start3A_260 = tpu.memref_squeeze %dma_start3A_259 : memref<1x128xi32, #tpu.memory_space<vmem>> -> memref<128xi32, #tpu.memory_space<vmem>>
        %dma_start3A_261 = arith.constant 0 : i32
        %dma_start3A_262 = arith.constant 0 : i32
        %dma_start3A_263 = tpu.memref_slice %arg8[%dma_start3A_261, %dma_start3A_262] : memref<10240x128xf32, #tpu.memory_space<vmem_shared>> -> memref<10240x128xf32, #tpu.memory_space<vmem_shared>>
        tpu.enqueue_indirect_dma source(%arg9 : memref<128x128xf32, #tpu.memory_space<vmem>>) target(%dma_start3A_263 : memref<10240x128xf32, #tpu.memory_space<vmem_shared>>) offsets(%dma_start3A_260 : memref<128xi32, #tpu.memory_space<vmem>>) semaphore(%run_scoped3A_257 : memref<!tpu.dma_semaphore, #tpu.memory_space<semaphore_mem>>) {add = true}
        %dma_wait3A_264 = arith.constant 0 : i32
        %dma_wait3A_265 = tpu.memref_slice %arg7[%run_scoped3A_68, %dma_wait3A_264] : memref<16x128xi32, #tpu.memory_space<vmem>> -> memref<1x128xi32, #tpu.memory_space<vmem>>
        %dma_wait3A_266 = tpu.memref_squeeze %dma_wait3A_265 : memref<1x128xi32, #tpu.memory_space<vmem>> -> memref<128xi32, #tpu.memory_space<vmem>>
        %dma_wait3A_267 = arith.constant 0 : i32
        %dma_wait3A_268 = arith.constant 0 : i32
        %dma_wait3A_269 = tpu.memref_slice %arg8[%dma_wait3A_267, %dma_wait3A_268] : memref<10240x128xf32, #tpu.memory_space<vmem_shared>> -> memref<10240x128xf32, #tpu.memory_space<vmem_shared>>
        tpu.wait_indirect_dma semaphore(%run_scoped3A_257 : memref<!tpu.dma_semaphore, #tpu.memory_space<semaphore_mem>>) src(%arg9 : memref<128x128xf32, #tpu.memory_space<vmem>>) dst(%dma_wait3A_269 : memref<10240x128xf32, #tpu.memory_space<vmem_shared>>)
        tpu.yield
      }) : () -> ()
      %dma_start3A_69 = arith.constant 4 : i32
      %dma_start3A_70 = arith.constant 0 : i32
      %dma_start3A_71 = tpu.memref_slice %arg6[%dma_start3A_69, %dma_start3A_70] : memref<16x128xi32, #tpu.memory_space<vmem>> -> memref<1x128xi32, #tpu.memory_space<vmem>>
      %dma_start3A_72 = tpu.memref_squeeze %dma_start3A_71 : memref<1x128xi32, #tpu.memory_space<vmem>> -> memref<128xi32, #tpu.memory_space<vmem>>
      %dma_start3A_73 = arith.constant 0 : i32
      %dma_start3A_74 = arith.constant 0 : i32
      %dma_start3A_75 = tpu.memref_slice %arg2[%dma_start3A_73, %dma_start3A_74] : memref<20480x128xf32, #tpu.memory_space<hbm>> -> memref<20480x128xf32, #tpu.memory_space<hbm>>
      tpu.enqueue_indirect_dma source(%dma_start3A_75 : memref<20480x128xf32, #tpu.memory_space<hbm>>) target(%arg9 : memref<128x128xf32, #tpu.memory_space<vmem>>) offsets(%dma_start3A_72 : memref<128xi32, #tpu.memory_space<vmem>>) semaphore(%arg11 : memref<!tpu.dma_semaphore, #tpu.memory_space<semaphore_mem>>)
      %dma_wait3A_76 = arith.constant 3 : i32
      %dma_wait3A_77 = arith.constant 0 : i32
      %dma_wait3A_78 = tpu.memref_slice %arg6[%dma_wait3A_76, %dma_wait3A_77] : memref<16x128xi32, #tpu.memory_space<vmem>> -> memref<1x128xi32, #tpu.memory_space<vmem>>
      %dma_wait3A_79 = tpu.memref_squeeze %dma_wait3A_78 : memref<1x128xi32, #tpu.memory_space<vmem>> -> memref<128xi32, #tpu.memory_space<vmem>>
      %dma_wait3A_80 = arith.constant 0 : i32
      %dma_wait3A_81 = arith.constant 0 : i32
      %dma_wait3A_82 = tpu.memref_slice %arg2[%dma_wait3A_80, %dma_wait3A_81] : memref<20480x128xf32, #tpu.memory_space<hbm>> -> memref<20480x128xf32, #tpu.memory_space<hbm>>
      tpu.wait_indirect_dma semaphore(%arg12 : memref<!tpu.dma_semaphore, #tpu.memory_space<semaphore_mem>>) src(%dma_wait3A_82 : memref<20480x128xf32, #tpu.memory_space<hbm>>) dst(%arg10 : memref<128x128xf32, #tpu.memory_space<vmem>>)
      %run_scoped3A_83 = arith.constant 3 : i32
      "tpu.region"() ({
        %run_scoped3A_257 = tpu.sem_alloc : memref<!tpu.dma_semaphore, #tpu.memory_space<semaphore_mem>>
        %dma_start3A_258 = arith.constant 0 : i32
        %dma_start3A_259 = tpu.memref_slice %arg7[%run_scoped3A_83, %dma_start3A_258] : memref<16x128xi32, #tpu.memory_space<vmem>> -> memref<1x128xi32, #tpu.memory_space<vmem>>
        %dma_start3A_260 = tpu.memref_squeeze %dma_start3A_259 : memref<1x128xi32, #tpu.memory_space<vmem>> -> memref<128xi32, #tpu.memory_space<vmem>>
        %dma_start3A_261 = arith.constant 0 : i32
        %dma_start3A_262 = arith.constant 0 : i32
        %dma_start3A_263 = tpu.memref_slice %arg8[%dma_start3A_261, %dma_start3A_262] : memref<10240x128xf32, #tpu.memory_space<vmem_shared>> -> memref<10240x128xf32, #tpu.memory_space<vmem_shared>>
        tpu.enqueue_indirect_dma source(%arg10 : memref<128x128xf32, #tpu.memory_space<vmem>>) target(%dma_start3A_263 : memref<10240x128xf32, #tpu.memory_space<vmem_shared>>) offsets(%dma_start3A_260 : memref<128xi32, #tpu.memory_space<vmem>>) semaphore(%run_scoped3A_257 : memref<!tpu.dma_semaphore, #tpu.memory_space<semaphore_mem>>) {add = true}
        %dma_wait3A_264 = arith.constant 0 : i32
        %dma_wait3A_265 = tpu.memref_slice %arg7[%run_scoped3A_83, %dma_wait3A_264] : memref<16x128xi32, #tpu.memory_space<vmem>> -> memref<1x128xi32, #tpu.memory_space<vmem>>
        %dma_wait3A_266 = tpu.memref_squeeze %dma_wait3A_265 : memref<1x128xi32, #tpu.memory_space<vmem>> -> memref<128xi32, #tpu.memory_space<vmem>>
        %dma_wait3A_267 = arith.constant 0 : i32
        %dma_wait3A_268 = arith.constant 0 : i32
        %dma_wait3A_269 = tpu.memref_slice %arg8[%dma_wait3A_267, %dma_wait3A_268] : memref<10240x128xf32, #tpu.memory_space<vmem_shared>> -> memref<10240x128xf32, #tpu.memory_space<vmem_shared>>
        tpu.wait_indirect_dma semaphore(%run_scoped3A_257 : memref<!tpu.dma_semaphore, #tpu.memory_space<semaphore_mem>>) src(%arg10 : memref<128x128xf32, #tpu.memory_space<vmem>>) dst(%dma_wait3A_269 : memref<10240x128xf32, #tpu.memory_space<vmem_shared>>)
        tpu.yield
      }) : () -> ()
      %dma_start3A_84 = arith.constant 5 : i32
      %dma_start3A_85 = arith.constant 0 : i32
      %dma_start3A_86 = tpu.memref_slice %arg6[%dma_start3A_84, %dma_start3A_85] : memref<16x128xi32, #tpu.memory_space<vmem>> -> memref<1x128xi32, #tpu.memory_space<vmem>>
      %dma_start3A_87 = tpu.memref_squeeze %dma_start3A_86 : memref<1x128xi32, #tpu.memory_space<vmem>> -> memref<128xi32, #tpu.memory_space<vmem>>
      %dma_start3A_88 = arith.constant 0 : i32
      %dma_start3A_89 = arith.constant 0 : i32
      %dma_start3A_90 = tpu.memref_slice %arg2[%dma_start3A_88, %dma_start3A_89] : memref<20480x128xf32, #tpu.memory_space<hbm>> -> memref<20480x128xf32, #tpu.memory_space<hbm>>
      tpu.enqueue_indirect_dma source(%dma_start3A_90 : memref<20480x128xf32, #tpu.memory_space<hbm>>) target(%arg10 : memref<128x128xf32, #tpu.memory_space<vmem>>) offsets(%dma_start3A_87 : memref<128xi32, #tpu.memory_space<vmem>>) semaphore(%arg12 : memref<!tpu.dma_semaphore, #tpu.memory_space<semaphore_mem>>)
      %dma_wait3A_91 = arith.constant 4 : i32
      %dma_wait3A_92 = arith.constant 0 : i32
      %dma_wait3A_93 = tpu.memref_slice %arg6[%dma_wait3A_91, %dma_wait3A_92] : memref<16x128xi32, #tpu.memory_space<vmem>> -> memref<1x128xi32, #tpu.memory_space<vmem>>
      %dma_wait3A_94 = tpu.memref_squeeze %dma_wait3A_93 : memref<1x128xi32, #tpu.memory_space<vmem>> -> memref<128xi32, #tpu.memory_space<vmem>>
      %dma_wait3A_95 = arith.constant 0 : i32
      %dma_wait3A_96 = arith.constant 0 : i32
      %dma_wait3A_97 = tpu.memref_slice %arg2[%dma_wait3A_95, %dma_wait3A_96] : memref<20480x128xf32, #tpu.memory_space<hbm>> -> memref<20480x128xf32, #tpu.memory_space<hbm>>
      tpu.wait_indirect_dma semaphore(%arg11 : memref<!tpu.dma_semaphore, #tpu.memory_space<semaphore_mem>>) src(%dma_wait3A_97 : memref<20480x128xf32, #tpu.memory_space<hbm>>) dst(%arg9 : memref<128x128xf32, #tpu.memory_space<vmem>>)
      %run_scoped3A_98 = arith.constant 4 : i32
      "tpu.region"() ({
        %run_scoped3A_257 = tpu.sem_alloc : memref<!tpu.dma_semaphore, #tpu.memory_space<semaphore_mem>>
        %dma_start3A_258 = arith.constant 0 : i32
        %dma_start3A_259 = tpu.memref_slice %arg7[%run_scoped3A_98, %dma_start3A_258] : memref<16x128xi32, #tpu.memory_space<vmem>> -> memref<1x128xi32, #tpu.memory_space<vmem>>
        %dma_start3A_260 = tpu.memref_squeeze %dma_start3A_259 : memref<1x128xi32, #tpu.memory_space<vmem>> -> memref<128xi32, #tpu.memory_space<vmem>>
        %dma_start3A_261 = arith.constant 0 : i32
        %dma_start3A_262 = arith.constant 0 : i32
        %dma_start3A_263 = tpu.memref_slice %arg8[%dma_start3A_261, %dma_start3A_262] : memref<10240x128xf32, #tpu.memory_space<vmem_shared>> -> memref<10240x128xf32, #tpu.memory_space<vmem_shared>>
        tpu.enqueue_indirect_dma source(%arg9 : memref<128x128xf32, #tpu.memory_space<vmem>>) target(%dma_start3A_263 : memref<10240x128xf32, #tpu.memory_space<vmem_shared>>) offsets(%dma_start3A_260 : memref<128xi32, #tpu.memory_space<vmem>>) semaphore(%run_scoped3A_257 : memref<!tpu.dma_semaphore, #tpu.memory_space<semaphore_mem>>) {add = true}
        %dma_wait3A_264 = arith.constant 0 : i32
        %dma_wait3A_265 = tpu.memref_slice %arg7[%run_scoped3A_98, %dma_wait3A_264] : memref<16x128xi32, #tpu.memory_space<vmem>> -> memref<1x128xi32, #tpu.memory_space<vmem>>
        %dma_wait3A_266 = tpu.memref_squeeze %dma_wait3A_265 : memref<1x128xi32, #tpu.memory_space<vmem>> -> memref<128xi32, #tpu.memory_space<vmem>>
        %dma_wait3A_267 = arith.constant 0 : i32
        %dma_wait3A_268 = arith.constant 0 : i32
        %dma_wait3A_269 = tpu.memref_slice %arg8[%dma_wait3A_267, %dma_wait3A_268] : memref<10240x128xf32, #tpu.memory_space<vmem_shared>> -> memref<10240x128xf32, #tpu.memory_space<vmem_shared>>
        tpu.wait_indirect_dma semaphore(%run_scoped3A_257 : memref<!tpu.dma_semaphore, #tpu.memory_space<semaphore_mem>>) src(%arg9 : memref<128x128xf32, #tpu.memory_space<vmem>>) dst(%dma_wait3A_269 : memref<10240x128xf32, #tpu.memory_space<vmem_shared>>)
        tpu.yield
      }) : () -> ()
      %dma_start3A_99 = arith.constant 6 : i32
      %dma_start3A_100 = arith.constant 0 : i32
      %dma_start3A_101 = tpu.memref_slice %arg6[%dma_start3A_99, %dma_start3A_100] : memref<16x128xi32, #tpu.memory_space<vmem>> -> memref<1x128xi32, #tpu.memory_space<vmem>>
      %dma_start3A_102 = tpu.memref_squeeze %dma_start3A_101 : memref<1x128xi32, #tpu.memory_space<vmem>> -> memref<128xi32, #tpu.memory_space<vmem>>
      %dma_start3A_103 = arith.constant 0 : i32
      %dma_start3A_104 = arith.constant 0 : i32
      %dma_start3A_105 = tpu.memref_slice %arg2[%dma_start3A_103, %dma_start3A_104] : memref<20480x128xf32, #tpu.memory_space<hbm>> -> memref<20480x128xf32, #tpu.memory_space<hbm>>
      tpu.enqueue_indirect_dma source(%dma_start3A_105 : memref<20480x128xf32, #tpu.memory_space<hbm>>) target(%arg9 : memref<128x128xf32, #tpu.memory_space<vmem>>) offsets(%dma_start3A_102 : memref<128xi32, #tpu.memory_space<vmem>>) semaphore(%arg11 : memref<!tpu.dma_semaphore, #tpu.memory_space<semaphore_mem>>)
      %dma_wait3A_106 = arith.constant 5 : i32
      %dma_wait3A_107 = arith.constant 0 : i32
      %dma_wait3A_108 = tpu.memref_slice %arg6[%dma_wait3A_106, %dma_wait3A_107] : memref<16x128xi32, #tpu.memory_space<vmem>> -> memref<1x128xi32, #tpu.memory_space<vmem>>
      %dma_wait3A_109 = tpu.memref_squeeze %dma_wait3A_108 : memref<1x128xi32, #tpu.memory_space<vmem>> -> memref<128xi32, #tpu.memory_space<vmem>>
      %dma_wait3A_110 = arith.constant 0 : i32
      %dma_wait3A_111 = arith.constant 0 : i32
      %dma_wait3A_112 = tpu.memref_slice %arg2[%dma_wait3A_110, %dma_wait3A_111] : memref<20480x128xf32, #tpu.memory_space<hbm>> -> memref<20480x128xf32, #tpu.memory_space<hbm>>
      tpu.wait_indirect_dma semaphore(%arg12 : memref<!tpu.dma_semaphore, #tpu.memory_space<semaphore_mem>>) src(%dma_wait3A_112 : memref<20480x128xf32, #tpu.memory_space<hbm>>) dst(%arg10 : memref<128x128xf32, #tpu.memory_space<vmem>>)
      %run_scoped3A_113 = arith.constant 5 : i32
      "tpu.region"() ({
        %run_scoped3A_257 = tpu.sem_alloc : memref<!tpu.dma_semaphore, #tpu.memory_space<semaphore_mem>>
        %dma_start3A_258 = arith.constant 0 : i32
        %dma_start3A_259 = tpu.memref_slice %arg7[%run_scoped3A_113, %dma_start3A_258] : memref<16x128xi32, #tpu.memory_space<vmem>> -> memref<1x128xi32, #tpu.memory_space<vmem>>
        %dma_start3A_260 = tpu.memref_squeeze %dma_start3A_259 : memref<1x128xi32, #tpu.memory_space<vmem>> -> memref<128xi32, #tpu.memory_space<vmem>>
        %dma_start3A_261 = arith.constant 0 : i32
        %dma_start3A_262 = arith.constant 0 : i32
        %dma_start3A_263 = tpu.memref_slice %arg8[%dma_start3A_261, %dma_start3A_262] : memref<10240x128xf32, #tpu.memory_space<vmem_shared>> -> memref<10240x128xf32, #tpu.memory_space<vmem_shared>>
        tpu.enqueue_indirect_dma source(%arg10 : memref<128x128xf32, #tpu.memory_space<vmem>>) target(%dma_start3A_263 : memref<10240x128xf32, #tpu.memory_space<vmem_shared>>) offsets(%dma_start3A_260 : memref<128xi32, #tpu.memory_space<vmem>>) semaphore(%run_scoped3A_257 : memref<!tpu.dma_semaphore, #tpu.memory_space<semaphore_mem>>) {add = true}
        %dma_wait3A_264 = arith.constant 0 : i32
        %dma_wait3A_265 = tpu.memref_slice %arg7[%run_scoped3A_113, %dma_wait3A_264] : memref<16x128xi32, #tpu.memory_space<vmem>> -> memref<1x128xi32, #tpu.memory_space<vmem>>
        %dma_wait3A_266 = tpu.memref_squeeze %dma_wait3A_265 : memref<1x128xi32, #tpu.memory_space<vmem>> -> memref<128xi32, #tpu.memory_space<vmem>>
        %dma_wait3A_267 = arith.constant 0 : i32
        %dma_wait3A_268 = arith.constant 0 : i32
        %dma_wait3A_269 = tpu.memref_slice %arg8[%dma_wait3A_267, %dma_wait3A_268] : memref<10240x128xf32, #tpu.memory_space<vmem_shared>> -> memref<10240x128xf32, #tpu.memory_space<vmem_shared>>
        tpu.wait_indirect_dma semaphore(%run_scoped3A_257 : memref<!tpu.dma_semaphore, #tpu.memory_space<semaphore_mem>>) src(%arg10 : memref<128x128xf32, #tpu.memory_space<vmem>>) dst(%dma_wait3A_269 : memref<10240x128xf32, #tpu.memory_space<vmem_shared>>)
        tpu.yield
      }) : () -> ()
      %dma_start3A_114 = arith.constant 7 : i32
      %dma_start3A_115 = arith.constant 0 : i32
      %dma_start3A_116 = tpu.memref_slice %arg6[%dma_start3A_114, %dma_start3A_115] : memref<16x128xi32, #tpu.memory_space<vmem>> -> memref<1x128xi32, #tpu.memory_space<vmem>>
      %dma_start3A_117 = tpu.memref_squeeze %dma_start3A_116 : memref<1x128xi32, #tpu.memory_space<vmem>> -> memref<128xi32, #tpu.memory_space<vmem>>
      %dma_start3A_118 = arith.constant 0 : i32
      %dma_start3A_119 = arith.constant 0 : i32
      %dma_start3A_120 = tpu.memref_slice %arg2[%dma_start3A_118, %dma_start3A_119] : memref<20480x128xf32, #tpu.memory_space<hbm>> -> memref<20480x128xf32, #tpu.memory_space<hbm>>
      tpu.enqueue_indirect_dma source(%dma_start3A_120 : memref<20480x128xf32, #tpu.memory_space<hbm>>) target(%arg10 : memref<128x128xf32, #tpu.memory_space<vmem>>) offsets(%dma_start3A_117 : memref<128xi32, #tpu.memory_space<vmem>>) semaphore(%arg12 : memref<!tpu.dma_semaphore, #tpu.memory_space<semaphore_mem>>)
      %dma_wait3A_121 = arith.constant 6 : i32
      %dma_wait3A_122 = arith.constant 0 : i32
      %dma_wait3A_123 = tpu.memref_slice %arg6[%dma_wait3A_121, %dma_wait3A_122] : memref<16x128xi32, #tpu.memory_space<vmem>> -> memref<1x128xi32, #tpu.memory_space<vmem>>
      %dma_wait3A_124 = tpu.memref_squeeze %dma_wait3A_123 : memref<1x128xi32, #tpu.memory_space<vmem>> -> memref<128xi32, #tpu.memory_space<vmem>>
      %dma_wait3A_125 = arith.constant 0 : i32
      %dma_wait3A_126 = arith.constant 0 : i32
      %dma_wait3A_127 = tpu.memref_slice %arg2[%dma_wait3A_125, %dma_wait3A_126] : memref<20480x128xf32, #tpu.memory_space<hbm>> -> memref<20480x128xf32, #tpu.memory_space<hbm>>
      tpu.wait_indirect_dma semaphore(%arg11 : memref<!tpu.dma_semaphore, #tpu.memory_space<semaphore_mem>>) src(%dma_wait3A_127 : memref<20480x128xf32, #tpu.memory_space<hbm>>) dst(%arg9 : memref<128x128xf32, #tpu.memory_space<vmem>>)
      %run_scoped3A_128 = arith.constant 6 : i32
      "tpu.region"() ({
        %run_scoped3A_257 = tpu.sem_alloc : memref<!tpu.dma_semaphore, #tpu.memory_space<semaphore_mem>>
        %dma_start3A_258 = arith.constant 0 : i32
        %dma_start3A_259 = tpu.memref_slice %arg7[%run_scoped3A_128, %dma_start3A_258] : memref<16x128xi32, #tpu.memory_space<vmem>> -> memref<1x128xi32, #tpu.memory_space<vmem>>
        %dma_start3A_260 = tpu.memref_squeeze %dma_start3A_259 : memref<1x128xi32, #tpu.memory_space<vmem>> -> memref<128xi32, #tpu.memory_space<vmem>>
        %dma_start3A_261 = arith.constant 0 : i32
        %dma_start3A_262 = arith.constant 0 : i32
        %dma_start3A_263 = tpu.memref_slice %arg8[%dma_start3A_261, %dma_start3A_262] : memref<10240x128xf32, #tpu.memory_space<vmem_shared>> -> memref<10240x128xf32, #tpu.memory_space<vmem_shared>>
        tpu.enqueue_indirect_dma source(%arg9 : memref<128x128xf32, #tpu.memory_space<vmem>>) target(%dma_start3A_263 : memref<10240x128xf32, #tpu.memory_space<vmem_shared>>) offsets(%dma_start3A_260 : memref<128xi32, #tpu.memory_space<vmem>>) semaphore(%run_scoped3A_257 : memref<!tpu.dma_semaphore, #tpu.memory_space<semaphore_mem>>) {add = true}
        %dma_wait3A_264 = arith.constant 0 : i32
        %dma_wait3A_265 = tpu.memref_slice %arg7[%run_scoped3A_128, %dma_wait3A_264] : memref<16x128xi32, #tpu.memory_space<vmem>> -> memref<1x128xi32, #tpu.memory_space<vmem>>
        %dma_wait3A_266 = tpu.memref_squeeze %dma_wait3A_265 : memref<1x128xi32, #tpu.memory_space<vmem>> -> memref<128xi32, #tpu.memory_space<vmem>>
        %dma_wait3A_267 = arith.constant 0 : i32
        %dma_wait3A_268 = arith.constant 0 : i32
        %dma_wait3A_269 = tpu.memref_slice %arg8[%dma_wait3A_267, %dma_wait3A_268] : memref<10240x128xf32, #tpu.memory_space<vmem_shared>> -> memref<10240x128xf32, #tpu.memory_space<vmem_shared>>
        tpu.wait_indirect_dma semaphore(%run_scoped3A_257 : memref<!tpu.dma_semaphore, #tpu.memory_space<semaphore_mem>>) src(%arg9 : memref<128x128xf32, #tpu.memory_space<vmem>>) dst(%dma_wait3A_269 : memref<10240x128xf32, #tpu.memory_space<vmem_shared>>)
        tpu.yield
      }) : () -> ()
      %dma_start3A_129 = arith.constant 8 : i32
      %dma_start3A_130 = arith.constant 0 : i32
      %dma_start3A_131 = tpu.memref_slice %arg6[%dma_start3A_129, %dma_start3A_130] : memref<16x128xi32, #tpu.memory_space<vmem>> -> memref<1x128xi32, #tpu.memory_space<vmem>>
      %dma_start3A_132 = tpu.memref_squeeze %dma_start3A_131 : memref<1x128xi32, #tpu.memory_space<vmem>> -> memref<128xi32, #tpu.memory_space<vmem>>
      %dma_start3A_133 = arith.constant 0 : i32
      %dma_start3A_134 = arith.constant 0 : i32
      %dma_start3A_135 = tpu.memref_slice %arg2[%dma_start3A_133, %dma_start3A_134] : memref<20480x128xf32, #tpu.memory_space<hbm>> -> memref<20480x128xf32, #tpu.memory_space<hbm>>
      tpu.enqueue_indirect_dma source(%dma_start3A_135 : memref<20480x128xf32, #tpu.memory_space<hbm>>) target(%arg9 : memref<128x128xf32, #tpu.memory_space<vmem>>) offsets(%dma_start3A_132 : memref<128xi32, #tpu.memory_space<vmem>>) semaphore(%arg11 : memref<!tpu.dma_semaphore, #tpu.memory_space<semaphore_mem>>)
      %dma_wait3A_136 = arith.constant 7 : i32
      %dma_wait3A_137 = arith.constant 0 : i32
      %dma_wait3A_138 = tpu.memref_slice %arg6[%dma_wait3A_136, %dma_wait3A_137] : memref<16x128xi32, #tpu.memory_space<vmem>> -> memref<1x128xi32, #tpu.memory_space<vmem>>
      %dma_wait3A_139 = tpu.memref_squeeze %dma_wait3A_138 : memref<1x128xi32, #tpu.memory_space<vmem>> -> memref<128xi32, #tpu.memory_space<vmem>>
      %dma_wait3A_140 = arith.constant 0 : i32
      %dma_wait3A_141 = arith.constant 0 : i32
      %dma_wait3A_142 = tpu.memref_slice %arg2[%dma_wait3A_140, %dma_wait3A_141] : memref<20480x128xf32, #tpu.memory_space<hbm>> -> memref<20480x128xf32, #tpu.memory_space<hbm>>
      tpu.wait_indirect_dma semaphore(%arg12 : memref<!tpu.dma_semaphore, #tpu.memory_space<semaphore_mem>>) src(%dma_wait3A_142 : memref<20480x128xf32, #tpu.memory_space<hbm>>) dst(%arg10 : memref<128x128xf32, #tpu.memory_space<vmem>>)
      %run_scoped3A_143 = arith.constant 7 : i32
      "tpu.region"() ({
        %run_scoped3A_257 = tpu.sem_alloc : memref<!tpu.dma_semaphore, #tpu.memory_space<semaphore_mem>>
        %dma_start3A_258 = arith.constant 0 : i32
        %dma_start3A_259 = tpu.memref_slice %arg7[%run_scoped3A_143, %dma_start3A_258] : memref<16x128xi32, #tpu.memory_space<vmem>> -> memref<1x128xi32, #tpu.memory_space<vmem>>
        %dma_start3A_260 = tpu.memref_squeeze %dma_start3A_259 : memref<1x128xi32, #tpu.memory_space<vmem>> -> memref<128xi32, #tpu.memory_space<vmem>>
        %dma_start3A_261 = arith.constant 0 : i32
        %dma_start3A_262 = arith.constant 0 : i32
        %dma_start3A_263 = tpu.memref_slice %arg8[%dma_start3A_261, %dma_start3A_262] : memref<10240x128xf32, #tpu.memory_space<vmem_shared>> -> memref<10240x128xf32, #tpu.memory_space<vmem_shared>>
        tpu.enqueue_indirect_dma source(%arg10 : memref<128x128xf32, #tpu.memory_space<vmem>>) target(%dma_start3A_263 : memref<10240x128xf32, #tpu.memory_space<vmem_shared>>) offsets(%dma_start3A_260 : memref<128xi32, #tpu.memory_space<vmem>>) semaphore(%run_scoped3A_257 : memref<!tpu.dma_semaphore, #tpu.memory_space<semaphore_mem>>) {add = true}
        %dma_wait3A_264 = arith.constant 0 : i32
        %dma_wait3A_265 = tpu.memref_slice %arg7[%run_scoped3A_143, %dma_wait3A_264] : memref<16x128xi32, #tpu.memory_space<vmem>> -> memref<1x128xi32, #tpu.memory_space<vmem>>
        %dma_wait3A_266 = tpu.memref_squeeze %dma_wait3A_265 : memref<1x128xi32, #tpu.memory_space<vmem>> -> memref<128xi32, #tpu.memory_space<vmem>>
        %dma_wait3A_267 = arith.constant 0 : i32
        %dma_wait3A_268 = arith.constant 0 : i32
        %dma_wait3A_269 = tpu.memref_slice %arg8[%dma_wait3A_267, %dma_wait3A_268] : memref<10240x128xf32, #tpu.memory_space<vmem_shared>> -> memref<10240x128xf32, #tpu.memory_space<vmem_shared>>
        tpu.wait_indirect_dma semaphore(%run_scoped3A_257 : memref<!tpu.dma_semaphore, #tpu.memory_space<semaphore_mem>>) src(%arg10 : memref<128x128xf32, #tpu.memory_space<vmem>>) dst(%dma_wait3A_269 : memref<10240x128xf32, #tpu.memory_space<vmem_shared>>)
        tpu.yield
      }) : () -> ()
      %dma_start3A_144 = arith.constant 9 : i32
      %dma_start3A_145 = arith.constant 0 : i32
      %dma_start3A_146 = tpu.memref_slice %arg6[%dma_start3A_144, %dma_start3A_145] : memref<16x128xi32, #tpu.memory_space<vmem>> -> memref<1x128xi32, #tpu.memory_space<vmem>>
      %dma_start3A_147 = tpu.memref_squeeze %dma_start3A_146 : memref<1x128xi32, #tpu.memory_space<vmem>> -> memref<128xi32, #tpu.memory_space<vmem>>
      %dma_start3A_148 = arith.constant 0 : i32
      %dma_start3A_149 = arith.constant 0 : i32
      %dma_start3A_150 = tpu.memref_slice %arg2[%dma_start3A_148, %dma_start3A_149] : memref<20480x128xf32, #tpu.memory_space<hbm>> -> memref<20480x128xf32, #tpu.memory_space<hbm>>
      tpu.enqueue_indirect_dma source(%dma_start3A_150 : memref<20480x128xf32, #tpu.memory_space<hbm>>) target(%arg10 : memref<128x128xf32, #tpu.memory_space<vmem>>) offsets(%dma_start3A_147 : memref<128xi32, #tpu.memory_space<vmem>>) semaphore(%arg12 : memref<!tpu.dma_semaphore, #tpu.memory_space<semaphore_mem>>)
      %dma_wait3A_151 = arith.constant 8 : i32
      %dma_wait3A_152 = arith.constant 0 : i32
      %dma_wait3A_153 = tpu.memref_slice %arg6[%dma_wait3A_151, %dma_wait3A_152] : memref<16x128xi32, #tpu.memory_space<vmem>> -> memref<1x128xi32, #tpu.memory_space<vmem>>
      %dma_wait3A_154 = tpu.memref_squeeze %dma_wait3A_153 : memref<1x128xi32, #tpu.memory_space<vmem>> -> memref<128xi32, #tpu.memory_space<vmem>>
      %dma_wait3A_155 = arith.constant 0 : i32
      %dma_wait3A_156 = arith.constant 0 : i32
      %dma_wait3A_157 = tpu.memref_slice %arg2[%dma_wait3A_155, %dma_wait3A_156] : memref<20480x128xf32, #tpu.memory_space<hbm>> -> memref<20480x128xf32, #tpu.memory_space<hbm>>
      tpu.wait_indirect_dma semaphore(%arg11 : memref<!tpu.dma_semaphore, #tpu.memory_space<semaphore_mem>>) src(%dma_wait3A_157 : memref<20480x128xf32, #tpu.memory_space<hbm>>) dst(%arg9 : memref<128x128xf32, #tpu.memory_space<vmem>>)
      %run_scoped3A_158 = arith.constant 8 : i32
      "tpu.region"() ({
        %run_scoped3A_257 = tpu.sem_alloc : memref<!tpu.dma_semaphore, #tpu.memory_space<semaphore_mem>>
        %dma_start3A_258 = arith.constant 0 : i32
        %dma_start3A_259 = tpu.memref_slice %arg7[%run_scoped3A_158, %dma_start3A_258] : memref<16x128xi32, #tpu.memory_space<vmem>> -> memref<1x128xi32, #tpu.memory_space<vmem>>
        %dma_start3A_260 = tpu.memref_squeeze %dma_start3A_259 : memref<1x128xi32, #tpu.memory_space<vmem>> -> memref<128xi32, #tpu.memory_space<vmem>>
        %dma_start3A_261 = arith.constant 0 : i32
        %dma_start3A_262 = arith.constant 0 : i32
        %dma_start3A_263 = tpu.memref_slice %arg8[%dma_start3A_261, %dma_start3A_262] : memref<10240x128xf32, #tpu.memory_space<vmem_shared>> -> memref<10240x128xf32, #tpu.memory_space<vmem_shared>>
        tpu.enqueue_indirect_dma source(%arg9 : memref<128x128xf32, #tpu.memory_space<vmem>>) target(%dma_start3A_263 : memref<10240x128xf32, #tpu.memory_space<vmem_shared>>) offsets(%dma_start3A_260 : memref<128xi32, #tpu.memory_space<vmem>>) semaphore(%run_scoped3A_257 : memref<!tpu.dma_semaphore, #tpu.memory_space<semaphore_mem>>) {add = true}
        %dma_wait3A_264 = arith.constant 0 : i32
        %dma_wait3A_265 = tpu.memref_slice %arg7[%run_scoped3A_158, %dma_wait3A_264] : memref<16x128xi32, #tpu.memory_space<vmem>> -> memref<1x128xi32, #tpu.memory_space<vmem>>
        %dma_wait3A_266 = tpu.memref_squeeze %dma_wait3A_265 : memref<1x128xi32, #tpu.memory_space<vmem>> -> memref<128xi32, #tpu.memory_space<vmem>>
        %dma_wait3A_267 = arith.constant 0 : i32
        %dma_wait3A_268 = arith.constant 0 : i32
        %dma_wait3A_269 = tpu.memref_slice %arg8[%dma_wait3A_267, %dma_wait3A_268] : memref<10240x128xf32, #tpu.memory_space<vmem_shared>> -> memref<10240x128xf32, #tpu.memory_space<vmem_shared>>
        tpu.wait_indirect_dma semaphore(%run_scoped3A_257 : memref<!tpu.dma_semaphore, #tpu.memory_space<semaphore_mem>>) src(%arg9 : memref<128x128xf32, #tpu.memory_space<vmem>>) dst(%dma_wait3A_269 : memref<10240x128xf32, #tpu.memory_space<vmem_shared>>)
        tpu.yield
      }) : () -> ()
      %dma_start3A_159 = arith.constant 10 : i32
      %dma_start3A_160 = arith.constant 0 : i32
      %dma_start3A_161 = tpu.memref_slice %arg6[%dma_start3A_159, %dma_start3A_160] : memref<16x128xi32, #tpu.memory_space<vmem>> -> memref<1x128xi32, #tpu.memory_space<vmem>>
      %dma_start3A_162 = tpu.memref_squeeze %dma_start3A_161 : memref<1x128xi32, #tpu.memory_space<vmem>> -> memref<128xi32, #tpu.memory_space<vmem>>
      %dma_start3A_163 = arith.constant 0 : i32
      %dma_start3A_164 = arith.constant 0 : i32
      %dma_start3A_165 = tpu.memref_slice %arg2[%dma_start3A_163, %dma_start3A_164] : memref<20480x128xf32, #tpu.memory_space<hbm>> -> memref<20480x128xf32, #tpu.memory_space<hbm>>
      tpu.enqueue_indirect_dma source(%dma_start3A_165 : memref<20480x128xf32, #tpu.memory_space<hbm>>) target(%arg9 : memref<128x128xf32, #tpu.memory_space<vmem>>) offsets(%dma_start3A_162 : memref<128xi32, #tpu.memory_space<vmem>>) semaphore(%arg11 : memref<!tpu.dma_semaphore, #tpu.memory_space<semaphore_mem>>)
      %dma_wait3A_166 = arith.constant 9 : i32
      %dma_wait3A_167 = arith.constant 0 : i32
      %dma_wait3A_168 = tpu.memref_slice %arg6[%dma_wait3A_166, %dma_wait3A_167] : memref<16x128xi32, #tpu.memory_space<vmem>> -> memref<1x128xi32, #tpu.memory_space<vmem>>
      %dma_wait3A_169 = tpu.memref_squeeze %dma_wait3A_168 : memref<1x128xi32, #tpu.memory_space<vmem>> -> memref<128xi32, #tpu.memory_space<vmem>>
      %dma_wait3A_170 = arith.constant 0 : i32
      %dma_wait3A_171 = arith.constant 0 : i32
      %dma_wait3A_172 = tpu.memref_slice %arg2[%dma_wait3A_170, %dma_wait3A_171] : memref<20480x128xf32, #tpu.memory_space<hbm>> -> memref<20480x128xf32, #tpu.memory_space<hbm>>
      tpu.wait_indirect_dma semaphore(%arg12 : memref<!tpu.dma_semaphore, #tpu.memory_space<semaphore_mem>>) src(%dma_wait3A_172 : memref<20480x128xf32, #tpu.memory_space<hbm>>) dst(%arg10 : memref<128x128xf32, #tpu.memory_space<vmem>>)
      %run_scoped3A_173 = arith.constant 9 : i32
      "tpu.region"() ({
        %run_scoped3A_257 = tpu.sem_alloc : memref<!tpu.dma_semaphore, #tpu.memory_space<semaphore_mem>>
        %dma_start3A_258 = arith.constant 0 : i32
        %dma_start3A_259 = tpu.memref_slice %arg7[%run_scoped3A_173, %dma_start3A_258] : memref<16x128xi32, #tpu.memory_space<vmem>> -> memref<1x128xi32, #tpu.memory_space<vmem>>
        %dma_start3A_260 = tpu.memref_squeeze %dma_start3A_259 : memref<1x128xi32, #tpu.memory_space<vmem>> -> memref<128xi32, #tpu.memory_space<vmem>>
        %dma_start3A_261 = arith.constant 0 : i32
        %dma_start3A_262 = arith.constant 0 : i32
        %dma_start3A_263 = tpu.memref_slice %arg8[%dma_start3A_261, %dma_start3A_262] : memref<10240x128xf32, #tpu.memory_space<vmem_shared>> -> memref<10240x128xf32, #tpu.memory_space<vmem_shared>>
        tpu.enqueue_indirect_dma source(%arg10 : memref<128x128xf32, #tpu.memory_space<vmem>>) target(%dma_start3A_263 : memref<10240x128xf32, #tpu.memory_space<vmem_shared>>) offsets(%dma_start3A_260 : memref<128xi32, #tpu.memory_space<vmem>>) semaphore(%run_scoped3A_257 : memref<!tpu.dma_semaphore, #tpu.memory_space<semaphore_mem>>) {add = true}
        %dma_wait3A_264 = arith.constant 0 : i32
        %dma_wait3A_265 = tpu.memref_slice %arg7[%run_scoped3A_173, %dma_wait3A_264] : memref<16x128xi32, #tpu.memory_space<vmem>> -> memref<1x128xi32, #tpu.memory_space<vmem>>
        %dma_wait3A_266 = tpu.memref_squeeze %dma_wait3A_265 : memref<1x128xi32, #tpu.memory_space<vmem>> -> memref<128xi32, #tpu.memory_space<vmem>>
        %dma_wait3A_267 = arith.constant 0 : i32
        %dma_wait3A_268 = arith.constant 0 : i32
        %dma_wait3A_269 = tpu.memref_slice %arg8[%dma_wait3A_267, %dma_wait3A_268] : memref<10240x128xf32, #tpu.memory_space<vmem_shared>> -> memref<10240x128xf32, #tpu.memory_space<vmem_shared>>
        tpu.wait_indirect_dma semaphore(%run_scoped3A_257 : memref<!tpu.dma_semaphore, #tpu.memory_space<semaphore_mem>>) src(%arg10 : memref<128x128xf32, #tpu.memory_space<vmem>>) dst(%dma_wait3A_269 : memref<10240x128xf32, #tpu.memory_space<vmem_shared>>)
        tpu.yield
      }) : () -> ()
      %dma_start3A_174 = arith.constant 11 : i32
      %dma_start3A_175 = arith.constant 0 : i32
      %dma_start3A_176 = tpu.memref_slice %arg6[%dma_start3A_174, %dma_start3A_175] : memref<16x128xi32, #tpu.memory_space<vmem>> -> memref<1x128xi32, #tpu.memory_space<vmem>>
      %dma_start3A_177 = tpu.memref_squeeze %dma_start3A_176 : memref<1x128xi32, #tpu.memory_space<vmem>> -> memref<128xi32, #tpu.memory_space<vmem>>
      %dma_start3A_178 = arith.constant 0 : i32
      %dma_start3A_179 = arith.constant 0 : i32
      %dma_start3A_180 = tpu.memref_slice %arg2[%dma_start3A_178, %dma_start3A_179] : memref<20480x128xf32, #tpu.memory_space<hbm>> -> memref<20480x128xf32, #tpu.memory_space<hbm>>
      tpu.enqueue_indirect_dma source(%dma_start3A_180 : memref<20480x128xf32, #tpu.memory_space<hbm>>) target(%arg10 : memref<128x128xf32, #tpu.memory_space<vmem>>) offsets(%dma_start3A_177 : memref<128xi32, #tpu.memory_space<vmem>>) semaphore(%arg12 : memref<!tpu.dma_semaphore, #tpu.memory_space<semaphore_mem>>)
      %dma_wait3A_181 = arith.constant 10 : i32
      %dma_wait3A_182 = arith.constant 0 : i32
      %dma_wait3A_183 = tpu.memref_slice %arg6[%dma_wait3A_181, %dma_wait3A_182] : memref<16x128xi32, #tpu.memory_space<vmem>> -> memref<1x128xi32, #tpu.memory_space<vmem>>
      %dma_wait3A_184 = tpu.memref_squeeze %dma_wait3A_183 : memref<1x128xi32, #tpu.memory_space<vmem>> -> memref<128xi32, #tpu.memory_space<vmem>>
      %dma_wait3A_185 = arith.constant 0 : i32
      %dma_wait3A_186 = arith.constant 0 : i32
      %dma_wait3A_187 = tpu.memref_slice %arg2[%dma_wait3A_185, %dma_wait3A_186] : memref<20480x128xf32, #tpu.memory_space<hbm>> -> memref<20480x128xf32, #tpu.memory_space<hbm>>
      tpu.wait_indirect_dma semaphore(%arg11 : memref<!tpu.dma_semaphore, #tpu.memory_space<semaphore_mem>>) src(%dma_wait3A_187 : memref<20480x128xf32, #tpu.memory_space<hbm>>) dst(%arg9 : memref<128x128xf32, #tpu.memory_space<vmem>>)
      %run_scoped3A_188 = arith.constant 10 : i32
      "tpu.region"() ({
        %run_scoped3A_257 = tpu.sem_alloc : memref<!tpu.dma_semaphore, #tpu.memory_space<semaphore_mem>>
        %dma_start3A_258 = arith.constant 0 : i32
        %dma_start3A_259 = tpu.memref_slice %arg7[%run_scoped3A_188, %dma_start3A_258] : memref<16x128xi32, #tpu.memory_space<vmem>> -> memref<1x128xi32, #tpu.memory_space<vmem>>
        %dma_start3A_260 = tpu.memref_squeeze %dma_start3A_259 : memref<1x128xi32, #tpu.memory_space<vmem>> -> memref<128xi32, #tpu.memory_space<vmem>>
        %dma_start3A_261 = arith.constant 0 : i32
        %dma_start3A_262 = arith.constant 0 : i32
        %dma_start3A_263 = tpu.memref_slice %arg8[%dma_start3A_261, %dma_start3A_262] : memref<10240x128xf32, #tpu.memory_space<vmem_shared>> -> memref<10240x128xf32, #tpu.memory_space<vmem_shared>>
        tpu.enqueue_indirect_dma source(%arg9 : memref<128x128xf32, #tpu.memory_space<vmem>>) target(%dma_start3A_263 : memref<10240x128xf32, #tpu.memory_space<vmem_shared>>) offsets(%dma_start3A_260 : memref<128xi32, #tpu.memory_space<vmem>>) semaphore(%run_scoped3A_257 : memref<!tpu.dma_semaphore, #tpu.memory_space<semaphore_mem>>) {add = true}
        %dma_wait3A_264 = arith.constant 0 : i32
        %dma_wait3A_265 = tpu.memref_slice %arg7[%run_scoped3A_188, %dma_wait3A_264] : memref<16x128xi32, #tpu.memory_space<vmem>> -> memref<1x128xi32, #tpu.memory_space<vmem>>
        %dma_wait3A_266 = tpu.memref_squeeze %dma_wait3A_265 : memref<1x128xi32, #tpu.memory_space<vmem>> -> memref<128xi32, #tpu.memory_space<vmem>>
        %dma_wait3A_267 = arith.constant 0 : i32
        %dma_wait3A_268 = arith.constant 0 : i32
        %dma_wait3A_269 = tpu.memref_slice %arg8[%dma_wait3A_267, %dma_wait3A_268] : memref<10240x128xf32, #tpu.memory_space<vmem_shared>> -> memref<10240x128xf32, #tpu.memory_space<vmem_shared>>
        tpu.wait_indirect_dma semaphore(%run_scoped3A_257 : memref<!tpu.dma_semaphore, #tpu.memory_space<semaphore_mem>>) src(%arg9 : memref<128x128xf32, #tpu.memory_space<vmem>>) dst(%dma_wait3A_269 : memref<10240x128xf32, #tpu.memory_space<vmem_shared>>)
        tpu.yield
      }) : () -> ()
      %dma_start3A_189 = arith.constant 12 : i32
      %dma_start3A_190 = arith.constant 0 : i32
      %dma_start3A_191 = tpu.memref_slice %arg6[%dma_start3A_189, %dma_start3A_190] : memref<16x128xi32, #tpu.memory_space<vmem>> -> memref<1x128xi32, #tpu.memory_space<vmem>>
      %dma_start3A_192 = tpu.memref_squeeze %dma_start3A_191 : memref<1x128xi32, #tpu.memory_space<vmem>> -> memref<128xi32, #tpu.memory_space<vmem>>
      %dma_start3A_193 = arith.constant 0 : i32
      %dma_start3A_194 = arith.constant 0 : i32
      %dma_start3A_195 = tpu.memref_slice %arg2[%dma_start3A_193, %dma_start3A_194] : memref<20480x128xf32, #tpu.memory_space<hbm>> -> memref<20480x128xf32, #tpu.memory_space<hbm>>
      tpu.enqueue_indirect_dma source(%dma_start3A_195 : memref<20480x128xf32, #tpu.memory_space<hbm>>) target(%arg9 : memref<128x128xf32, #tpu.memory_space<vmem>>) offsets(%dma_start3A_192 : memref<128xi32, #tpu.memory_space<vmem>>) semaphore(%arg11 : memref<!tpu.dma_semaphore, #tpu.memory_space<semaphore_mem>>)
      %dma_wait3A_196 = arith.constant 11 : i32
      %dma_wait3A_197 = arith.constant 0 : i32
      %dma_wait3A_198 = tpu.memref_slice %arg6[%dma_wait3A_196, %dma_wait3A_197] : memref<16x128xi32, #tpu.memory_space<vmem>> -> memref<1x128xi32, #tpu.memory_space<vmem>>
      %dma_wait3A_199 = tpu.memref_squeeze %dma_wait3A_198 : memref<1x128xi32, #tpu.memory_space<vmem>> -> memref<128xi32, #tpu.memory_space<vmem>>
      %dma_wait3A_200 = arith.constant 0 : i32
      %dma_wait3A_201 = arith.constant 0 : i32
      %dma_wait3A_202 = tpu.memref_slice %arg2[%dma_wait3A_200, %dma_wait3A_201] : memref<20480x128xf32, #tpu.memory_space<hbm>> -> memref<20480x128xf32, #tpu.memory_space<hbm>>
      tpu.wait_indirect_dma semaphore(%arg12 : memref<!tpu.dma_semaphore, #tpu.memory_space<semaphore_mem>>) src(%dma_wait3A_202 : memref<20480x128xf32, #tpu.memory_space<hbm>>) dst(%arg10 : memref<128x128xf32, #tpu.memory_space<vmem>>)
      %run_scoped3A_203 = arith.constant 11 : i32
      "tpu.region"() ({
        %run_scoped3A_257 = tpu.sem_alloc : memref<!tpu.dma_semaphore, #tpu.memory_space<semaphore_mem>>
        %dma_start3A_258 = arith.constant 0 : i32
        %dma_start3A_259 = tpu.memref_slice %arg7[%run_scoped3A_203, %dma_start3A_258] : memref<16x128xi32, #tpu.memory_space<vmem>> -> memref<1x128xi32, #tpu.memory_space<vmem>>
        %dma_start3A_260 = tpu.memref_squeeze %dma_start3A_259 : memref<1x128xi32, #tpu.memory_space<vmem>> -> memref<128xi32, #tpu.memory_space<vmem>>
        %dma_start3A_261 = arith.constant 0 : i32
        %dma_start3A_262 = arith.constant 0 : i32
        %dma_start3A_263 = tpu.memref_slice %arg8[%dma_start3A_261, %dma_start3A_262] : memref<10240x128xf32, #tpu.memory_space<vmem_shared>> -> memref<10240x128xf32, #tpu.memory_space<vmem_shared>>
        tpu.enqueue_indirect_dma source(%arg10 : memref<128x128xf32, #tpu.memory_space<vmem>>) target(%dma_start3A_263 : memref<10240x128xf32, #tpu.memory_space<vmem_shared>>) offsets(%dma_start3A_260 : memref<128xi32, #tpu.memory_space<vmem>>) semaphore(%run_scoped3A_257 : memref<!tpu.dma_semaphore, #tpu.memory_space<semaphore_mem>>) {add = true}
        %dma_wait3A_264 = arith.constant 0 : i32
        %dma_wait3A_265 = tpu.memref_slice %arg7[%run_scoped3A_203, %dma_wait3A_264] : memref<16x128xi32, #tpu.memory_space<vmem>> -> memref<1x128xi32, #tpu.memory_space<vmem>>
        %dma_wait3A_266 = tpu.memref_squeeze %dma_wait3A_265 : memref<1x128xi32, #tpu.memory_space<vmem>> -> memref<128xi32, #tpu.memory_space<vmem>>
        %dma_wait3A_267 = arith.constant 0 : i32
        %dma_wait3A_268 = arith.constant 0 : i32
        %dma_wait3A_269 = tpu.memref_slice %arg8[%dma_wait3A_267, %dma_wait3A_268] : memref<10240x128xf32, #tpu.memory_space<vmem_shared>> -> memref<10240x128xf32, #tpu.memory_space<vmem_shared>>
        tpu.wait_indirect_dma semaphore(%run_scoped3A_257 : memref<!tpu.dma_semaphore, #tpu.memory_space<semaphore_mem>>) src(%arg10 : memref<128x128xf32, #tpu.memory_space<vmem>>) dst(%dma_wait3A_269 : memref<10240x128xf32, #tpu.memory_space<vmem_shared>>)
        tpu.yield
      }) : () -> ()
      %dma_start3A_204 = arith.constant 13 : i32
      %dma_start3A_205 = arith.constant 0 : i32
      %dma_start3A_206 = tpu.memref_slice %arg6[%dma_start3A_204, %dma_start3A_205] : memref<16x128xi32, #tpu.memory_space<vmem>> -> memref<1x128xi32, #tpu.memory_space<vmem>>
      %dma_start3A_207 = tpu.memref_squeeze %dma_start3A_206 : memref<1x128xi32, #tpu.memory_space<vmem>> -> memref<128xi32, #tpu.memory_space<vmem>>
      %dma_start3A_208 = arith.constant 0 : i32
      %dma_start3A_209 = arith.constant 0 : i32
      %dma_start3A_210 = tpu.memref_slice %arg2[%dma_start3A_208, %dma_start3A_209] : memref<20480x128xf32, #tpu.memory_space<hbm>> -> memref<20480x128xf32, #tpu.memory_space<hbm>>
      tpu.enqueue_indirect_dma source(%dma_start3A_210 : memref<20480x128xf32, #tpu.memory_space<hbm>>) target(%arg10 : memref<128x128xf32, #tpu.memory_space<vmem>>) offsets(%dma_start3A_207 : memref<128xi32, #tpu.memory_space<vmem>>) semaphore(%arg12 : memref<!tpu.dma_semaphore, #tpu.memory_space<semaphore_mem>>)
      %dma_wait3A_211 = arith.constant 12 : i32
      %dma_wait3A_212 = arith.constant 0 : i32
      %dma_wait3A_213 = tpu.memref_slice %arg6[%dma_wait3A_211, %dma_wait3A_212] : memref<16x128xi32, #tpu.memory_space<vmem>> -> memref<1x128xi32, #tpu.memory_space<vmem>>
      %dma_wait3A_214 = tpu.memref_squeeze %dma_wait3A_213 : memref<1x128xi32, #tpu.memory_space<vmem>> -> memref<128xi32, #tpu.memory_space<vmem>>
      %dma_wait3A_215 = arith.constant 0 : i32
      %dma_wait3A_216 = arith.constant 0 : i32
      %dma_wait3A_217 = tpu.memref_slice %arg2[%dma_wait3A_215, %dma_wait3A_216] : memref<20480x128xf32, #tpu.memory_space<hbm>> -> memref<20480x128xf32, #tpu.memory_space<hbm>>
      tpu.wait_indirect_dma semaphore(%arg11 : memref<!tpu.dma_semaphore, #tpu.memory_space<semaphore_mem>>) src(%dma_wait3A_217 : memref<20480x128xf32, #tpu.memory_space<hbm>>) dst(%arg9 : memref<128x128xf32, #tpu.memory_space<vmem>>)
      %run_scoped3A_218 = arith.constant 12 : i32
      "tpu.region"() ({
        %run_scoped3A_257 = tpu.sem_alloc : memref<!tpu.dma_semaphore, #tpu.memory_space<semaphore_mem>>
        %dma_start3A_258 = arith.constant 0 : i32
        %dma_start3A_259 = tpu.memref_slice %arg7[%run_scoped3A_218, %dma_start3A_258] : memref<16x128xi32, #tpu.memory_space<vmem>> -> memref<1x128xi32, #tpu.memory_space<vmem>>
        %dma_start3A_260 = tpu.memref_squeeze %dma_start3A_259 : memref<1x128xi32, #tpu.memory_space<vmem>> -> memref<128xi32, #tpu.memory_space<vmem>>
        %dma_start3A_261 = arith.constant 0 : i32
        %dma_start3A_262 = arith.constant 0 : i32
        %dma_start3A_263 = tpu.memref_slice %arg8[%dma_start3A_261, %dma_start3A_262] : memref<10240x128xf32, #tpu.memory_space<vmem_shared>> -> memref<10240x128xf32, #tpu.memory_space<vmem_shared>>
        tpu.enqueue_indirect_dma source(%arg9 : memref<128x128xf32, #tpu.memory_space<vmem>>) target(%dma_start3A_263 : memref<10240x128xf32, #tpu.memory_space<vmem_shared>>) offsets(%dma_start3A_260 : memref<128xi32, #tpu.memory_space<vmem>>) semaphore(%run_scoped3A_257 : memref<!tpu.dma_semaphore, #tpu.memory_space<semaphore_mem>>) {add = true}
        %dma_wait3A_264 = arith.constant 0 : i32
        %dma_wait3A_265 = tpu.memref_slice %arg7[%run_scoped3A_218, %dma_wait3A_264] : memref<16x128xi32, #tpu.memory_space<vmem>> -> memref<1x128xi32, #tpu.memory_space<vmem>>
        %dma_wait3A_266 = tpu.memref_squeeze %dma_wait3A_265 : memref<1x128xi32, #tpu.memory_space<vmem>> -> memref<128xi32, #tpu.memory_space<vmem>>
        %dma_wait3A_267 = arith.constant 0 : i32
        %dma_wait3A_268 = arith.constant 0 : i32
        %dma_wait3A_269 = tpu.memref_slice %arg8[%dma_wait3A_267, %dma_wait3A_268] : memref<10240x128xf32, #tpu.memory_space<vmem_shared>> -> memref<10240x128xf32, #tpu.memory_space<vmem_shared>>
        tpu.wait_indirect_dma semaphore(%run_scoped3A_257 : memref<!tpu.dma_semaphore, #tpu.memory_space<semaphore_mem>>) src(%arg9 : memref<128x128xf32, #tpu.memory_space<vmem>>) dst(%dma_wait3A_269 : memref<10240x128xf32, #tpu.memory_space<vmem_shared>>)
        tpu.yield
      }) : () -> ()
      %dma_start3A_219 = arith.constant 14 : i32
      %dma_start3A_220 = arith.constant 0 : i32
      %dma_start3A_221 = tpu.memref_slice %arg6[%dma_start3A_219, %dma_start3A_220] : memref<16x128xi32, #tpu.memory_space<vmem>> -> memref<1x128xi32, #tpu.memory_space<vmem>>
      %dma_start3A_222 = tpu.memref_squeeze %dma_start3A_221 : memref<1x128xi32, #tpu.memory_space<vmem>> -> memref<128xi32, #tpu.memory_space<vmem>>
      %dma_start3A_223 = arith.constant 0 : i32
      %dma_start3A_224 = arith.constant 0 : i32
      %dma_start3A_225 = tpu.memref_slice %arg2[%dma_start3A_223, %dma_start3A_224] : memref<20480x128xf32, #tpu.memory_space<hbm>> -> memref<20480x128xf32, #tpu.memory_space<hbm>>
      tpu.enqueue_indirect_dma source(%dma_start3A_225 : memref<20480x128xf32, #tpu.memory_space<hbm>>) target(%arg9 : memref<128x128xf32, #tpu.memory_space<vmem>>) offsets(%dma_start3A_222 : memref<128xi32, #tpu.memory_space<vmem>>) semaphore(%arg11 : memref<!tpu.dma_semaphore, #tpu.memory_space<semaphore_mem>>)
      %dma_wait3A_226 = arith.constant 13 : i32
      %dma_wait3A_227 = arith.constant 0 : i32
      %dma_wait3A_228 = tpu.memref_slice %arg6[%dma_wait3A_226, %dma_wait3A_227] : memref<16x128xi32, #tpu.memory_space<vmem>> -> memref<1x128xi32, #tpu.memory_space<vmem>>
      %dma_wait3A_229 = tpu.memref_squeeze %dma_wait3A_228 : memref<1x128xi32, #tpu.memory_space<vmem>> -> memref<128xi32, #tpu.memory_space<vmem>>
      %dma_wait3A_230 = arith.constant 0 : i32
      %dma_wait3A_231 = arith.constant 0 : i32
      %dma_wait3A_232 = tpu.memref_slice %arg2[%dma_wait3A_230, %dma_wait3A_231] : memref<20480x128xf32, #tpu.memory_space<hbm>> -> memref<20480x128xf32, #tpu.memory_space<hbm>>
      tpu.wait_indirect_dma semaphore(%arg12 : memref<!tpu.dma_semaphore, #tpu.memory_space<semaphore_mem>>) src(%dma_wait3A_232 : memref<20480x128xf32, #tpu.memory_space<hbm>>) dst(%arg10 : memref<128x128xf32, #tpu.memory_space<vmem>>)
      %run_scoped3A_233 = arith.constant 13 : i32
      "tpu.region"() ({
        %run_scoped3A_257 = tpu.sem_alloc : memref<!tpu.dma_semaphore, #tpu.memory_space<semaphore_mem>>
        %dma_start3A_258 = arith.constant 0 : i32
        %dma_start3A_259 = tpu.memref_slice %arg7[%run_scoped3A_233, %dma_start3A_258] : memref<16x128xi32, #tpu.memory_space<vmem>> -> memref<1x128xi32, #tpu.memory_space<vmem>>
        %dma_start3A_260 = tpu.memref_squeeze %dma_start3A_259 : memref<1x128xi32, #tpu.memory_space<vmem>> -> memref<128xi32, #tpu.memory_space<vmem>>
        %dma_start3A_261 = arith.constant 0 : i32
        %dma_start3A_262 = arith.constant 0 : i32
        %dma_start3A_263 = tpu.memref_slice %arg8[%dma_start3A_261, %dma_start3A_262] : memref<10240x128xf32, #tpu.memory_space<vmem_shared>> -> memref<10240x128xf32, #tpu.memory_space<vmem_shared>>
        tpu.enqueue_indirect_dma source(%arg10 : memref<128x128xf32, #tpu.memory_space<vmem>>) target(%dma_start3A_263 : memref<10240x128xf32, #tpu.memory_space<vmem_shared>>) offsets(%dma_start3A_260 : memref<128xi32, #tpu.memory_space<vmem>>) semaphore(%run_scoped3A_257 : memref<!tpu.dma_semaphore, #tpu.memory_space<semaphore_mem>>) {add = true}
        %dma_wait3A_264 = arith.constant 0 : i32
        %dma_wait3A_265 = tpu.memref_slice %arg7[%run_scoped3A_233, %dma_wait3A_264] : memref<16x128xi32, #tpu.memory_space<vmem>> -> memref<1x128xi32, #tpu.memory_space<vmem>>
        %dma_wait3A_266 = tpu.memref_squeeze %dma_wait3A_265 : memref<1x128xi32, #tpu.memory_space<vmem>> -> memref<128xi32, #tpu.memory_space<vmem>>
        %dma_wait3A_267 = arith.constant 0 : i32
        %dma_wait3A_268 = arith.constant 0 : i32
        %dma_wait3A_269 = tpu.memref_slice %arg8[%dma_wait3A_267, %dma_wait3A_268] : memref<10240x128xf32, #tpu.memory_space<vmem_shared>> -> memref<10240x128xf32, #tpu.memory_space<vmem_shared>>
        tpu.wait_indirect_dma semaphore(%run_scoped3A_257 : memref<!tpu.dma_semaphore, #tpu.memory_space<semaphore_mem>>) src(%arg10 : memref<128x128xf32, #tpu.memory_space<vmem>>) dst(%dma_wait3A_269 : memref<10240x128xf32, #tpu.memory_space<vmem_shared>>)
        tpu.yield
      }) : () -> ()
      %dma_start3A_234 = arith.constant 15 : i32
      %dma_start3A_235 = arith.constant 0 : i32
      %dma_start3A_236 = tpu.memref_slice %arg6[%dma_start3A_234, %dma_start3A_235] : memref<16x128xi32, #tpu.memory_space<vmem>> -> memref<1x128xi32, #tpu.memory_space<vmem>>
      %dma_start3A_237 = tpu.memref_squeeze %dma_start3A_236 : memref<1x128xi32, #tpu.memory_space<vmem>> -> memref<128xi32, #tpu.memory_space<vmem>>
      %dma_start3A_238 = arith.constant 0 : i32
      %dma_start3A_239 = arith.constant 0 : i32
      %dma_start3A_240 = tpu.memref_slice %arg2[%dma_start3A_238, %dma_start3A_239] : memref<20480x128xf32, #tpu.memory_space<hbm>> -> memref<20480x128xf32, #tpu.memory_space<hbm>>
      tpu.enqueue_indirect_dma source(%dma_start3A_240 : memref<20480x128xf32, #tpu.memory_space<hbm>>) target(%arg10 : memref<128x128xf32, #tpu.memory_space<vmem>>) offsets(%dma_start3A_237 : memref<128xi32, #tpu.memory_space<vmem>>) semaphore(%arg12 : memref<!tpu.dma_semaphore, #tpu.memory_space<semaphore_mem>>)
      %dma_wait3A_241 = arith.constant 14 : i32
      %dma_wait3A_242 = arith.constant 0 : i32
      %dma_wait3A_243 = tpu.memref_slice %arg6[%dma_wait3A_241, %dma_wait3A_242] : memref<16x128xi32, #tpu.memory_space<vmem>> -> memref<1x128xi32, #tpu.memory_space<vmem>>
      %dma_wait3A_244 = tpu.memref_squeeze %dma_wait3A_243 : memref<1x128xi32, #tpu.memory_space<vmem>> -> memref<128xi32, #tpu.memory_space<vmem>>
      %dma_wait3A_245 = arith.constant 0 : i32
      %dma_wait3A_246 = arith.constant 0 : i32
      %dma_wait3A_247 = tpu.memref_slice %arg2[%dma_wait3A_245, %dma_wait3A_246] : memref<20480x128xf32, #tpu.memory_space<hbm>> -> memref<20480x128xf32, #tpu.memory_space<hbm>>
      tpu.wait_indirect_dma semaphore(%arg11 : memref<!tpu.dma_semaphore, #tpu.memory_space<semaphore_mem>>) src(%dma_wait3A_247 : memref<20480x128xf32, #tpu.memory_space<hbm>>) dst(%arg9 : memref<128x128xf32, #tpu.memory_space<vmem>>)
      %run_scoped3A_248 = arith.constant 14 : i32
      "tpu.region"() ({
        %run_scoped3A_257 = tpu.sem_alloc : memref<!tpu.dma_semaphore, #tpu.memory_space<semaphore_mem>>
        %dma_start3A_258 = arith.constant 0 : i32
        %dma_start3A_259 = tpu.memref_slice %arg7[%run_scoped3A_248, %dma_start3A_258] : memref<16x128xi32, #tpu.memory_space<vmem>> -> memref<1x128xi32, #tpu.memory_space<vmem>>
        %dma_start3A_260 = tpu.memref_squeeze %dma_start3A_259 : memref<1x128xi32, #tpu.memory_space<vmem>> -> memref<128xi32, #tpu.memory_space<vmem>>
        %dma_start3A_261 = arith.constant 0 : i32
        %dma_start3A_262 = arith.constant 0 : i32
        %dma_start3A_263 = tpu.memref_slice %arg8[%dma_start3A_261, %dma_start3A_262] : memref<10240x128xf32, #tpu.memory_space<vmem_shared>> -> memref<10240x128xf32, #tpu.memory_space<vmem_shared>>
        tpu.enqueue_indirect_dma source(%arg9 : memref<128x128xf32, #tpu.memory_space<vmem>>) target(%dma_start3A_263 : memref<10240x128xf32, #tpu.memory_space<vmem_shared>>) offsets(%dma_start3A_260 : memref<128xi32, #tpu.memory_space<vmem>>) semaphore(%run_scoped3A_257 : memref<!tpu.dma_semaphore, #tpu.memory_space<semaphore_mem>>) {add = true}
        %dma_wait3A_264 = arith.constant 0 : i32
        %dma_wait3A_265 = tpu.memref_slice %arg7[%run_scoped3A_248, %dma_wait3A_264] : memref<16x128xi32, #tpu.memory_space<vmem>> -> memref<1x128xi32, #tpu.memory_space<vmem>>
        %dma_wait3A_266 = tpu.memref_squeeze %dma_wait3A_265 : memref<1x128xi32, #tpu.memory_space<vmem>> -> memref<128xi32, #tpu.memory_space<vmem>>
        %dma_wait3A_267 = arith.constant 0 : i32
        %dma_wait3A_268 = arith.constant 0 : i32
        %dma_wait3A_269 = tpu.memref_slice %arg8[%dma_wait3A_267, %dma_wait3A_268] : memref<10240x128xf32, #tpu.memory_space<vmem_shared>> -> memref<10240x128xf32, #tpu.memory_space<vmem_shared>>
        tpu.wait_indirect_dma semaphore(%run_scoped3A_257 : memref<!tpu.dma_semaphore, #tpu.memory_space<semaphore_mem>>) src(%arg9 : memref<128x128xf32, #tpu.memory_space<vmem>>) dst(%dma_wait3A_269 : memref<10240x128xf32, #tpu.memory_space<vmem_shared>>)
        tpu.yield
      }) : () -> ()
      %dma_wait3A_249 = arith.constant 15 : i32
      %dma_wait3A_250 = arith.constant 0 : i32
      %dma_wait3A_251 = tpu.memref_slice %arg6[%dma_wait3A_249, %dma_wait3A_250] : memref<16x128xi32, #tpu.memory_space<vmem>> -> memref<1x128xi32, #tpu.memory_space<vmem>>
      %dma_wait3A_252 = tpu.memref_squeeze %dma_wait3A_251 : memref<1x128xi32, #tpu.memory_space<vmem>> -> memref<128xi32, #tpu.memory_space<vmem>>
      %dma_wait3A_253 = arith.constant 0 : i32
      %dma_wait3A_254 = arith.constant 0 : i32
      %dma_wait3A_255 = tpu.memref_slice %arg2[%dma_wait3A_253, %dma_wait3A_254] : memref<20480x128xf32, #tpu.memory_space<hbm>> -> memref<20480x128xf32, #tpu.memory_space<hbm>>
      tpu.wait_indirect_dma semaphore(%arg12 : memref<!tpu.dma_semaphore, #tpu.memory_space<semaphore_mem>>) src(%dma_wait3A_255 : memref<20480x128xf32, #tpu.memory_space<hbm>>) dst(%arg10 : memref<128x128xf32, #tpu.memory_space<vmem>>)
      %run_scoped3A_256 = arith.constant 15 : i32
      "tpu.region"() ({
        %run_scoped3A_257 = tpu.sem_alloc : memref<!tpu.dma_semaphore, #tpu.memory_space<semaphore_mem>>
        %dma_start3A_258 = arith.constant 0 : i32
        %dma_start3A_259 = tpu.memref_slice %arg7[%run_scoped3A_256, %dma_start3A_258] : memref<16x128xi32, #tpu.memory_space<vmem>> -> memref<1x128xi32, #tpu.memory_space<vmem>>
        %dma_start3A_260 = tpu.memref_squeeze %dma_start3A_259 : memref<1x128xi32, #tpu.memory_space<vmem>> -> memref<128xi32, #tpu.memory_space<vmem>>
        %dma_start3A_261 = arith.constant 0 : i32
        %dma_start3A_262 = arith.constant 0 : i32
        %dma_start3A_263 = tpu.memref_slice %arg8[%dma_start3A_261, %dma_start3A_262] : memref<10240x128xf32, #tpu.memory_space<vmem_shared>> -> memref<10240x128xf32, #tpu.memory_space<vmem_shared>>
        tpu.enqueue_indirect_dma source(%arg10 : memref<128x128xf32, #tpu.memory_space<vmem>>) target(%dma_start3A_263 : memref<10240x128xf32, #tpu.memory_space<vmem_shared>>) offsets(%dma_start3A_260 : memref<128xi32, #tpu.memory_space<vmem>>) semaphore(%run_scoped3A_257 : memref<!tpu.dma_semaphore, #tpu.memory_space<semaphore_mem>>) {add = true}
        %dma_wait3A_264 = arith.constant 0 : i32
        %dma_wait3A_265 = tpu.memref_slice %arg7[%run_scoped3A_256, %dma_wait3A_264] : memref<16x128xi32, #tpu.memory_space<vmem>> -> memref<1x128xi32, #tpu.memory_space<vmem>>
        %dma_wait3A_266 = tpu.memref_squeeze %dma_wait3A_265 : memref<1x128xi32, #tpu.memory_space<vmem>> -> memref<128xi32, #tpu.memory_space<vmem>>
        %dma_wait3A_267 = arith.constant 0 : i32
        %dma_wait3A_268 = arith.constant 0 : i32
        %dma_wait3A_269 = tpu.memref_slice %arg8[%dma_wait3A_267, %dma_wait3A_268] : memref<10240x128xf32, #tpu.memory_space<vmem_shared>> -> memref<10240x128xf32, #tpu.memory_space<vmem_shared>>
        tpu.wait_indirect_dma semaphore(%run_scoped3A_257 : memref<!tpu.dma_semaphore, #tpu.memory_space<semaphore_mem>>) src(%arg10 : memref<128x128xf32, #tpu.memory_space<vmem>>) dst(%dma_wait3A_269 : memref<10240x128xf32, #tpu.memory_space<vmem_shared>>)
        tpu.yield
      }) : () -> ()
    }
    %scan3A_10 = arith.constant 10 : i32
    %barrier3A_11 = arith.constant 0 : index
    tpu.barrier barrier_id(%barrier3A_11)
    %mul3A_12 = arith.constant 10240 : i32
    %mul3A_13 = arith.muli %arg0, %mul3A_12 : i32
    %add3A_14 = arith.addi %mul3A_13, %mul3A_2 : i32
    "tpu.region"() ({
      %run_scoped3A = tpu.sem_alloc : memref<!tpu.dma_semaphore, #tpu.memory_space<semaphore_mem>>
      %dma_start3A = arith.constant 0 : i32
      %dma_start3A_15 = tpu.memref_slice %arg5[%add3A_14, %dma_start3A] : memref<20480x128xf32, #tpu.memory_space<hbm>> -> memref<640x128xf32, #tpu.memory_space<hbm>>
      %dma_start3A_16 = arith.constant 0 : i32
      %dma_start3A_17 = tpu.memref_slice %arg8[%mul3A_2, %dma_start3A_16] : memref<10240x128xf32, #tpu.memory_space<vmem_shared>> -> memref<640x128xf32, #tpu.memory_space<vmem_shared>>
      tpu.enqueue_dma source(%dma_start3A_17 : memref<640x128xf32, #tpu.memory_space<vmem_shared>>) target(%dma_start3A_15 : memref<640x128xf32, #tpu.memory_space<hbm>>) target_semaphore(%run_scoped3A : memref<!tpu.dma_semaphore, #tpu.memory_space<semaphore_mem>>)
      %dma_wait3A = arith.constant 0 : i32
      %dma_wait3A_18 = tpu.memref_slice %arg5[%add3A_14, %dma_wait3A] : memref<20480x128xf32, #tpu.memory_space<hbm>> -> memref<640x128xf32, #tpu.memory_space<hbm>>
      %dma_wait3A_19 = arith.constant 0 : i32
      %dma_wait3A_20 = tpu.memref_slice %arg8[%mul3A_2, %dma_wait3A_19] : memref<10240x128xf32, #tpu.memory_space<vmem_shared>> -> memref<640x128xf32, #tpu.memory_space<vmem_shared>>
      tpu.wait_dma2 semaphore(%run_scoped3A : memref<!tpu.dma_semaphore, #tpu.memory_space<semaphore_mem>>) src(%dma_wait3A_20 : memref<640x128xf32, #tpu.memory_space<vmem_shared>>) dst(%dma_wait3A_18 : memref<640x128xf32, #tpu.memory_space<hbm>>)
      tpu.yield
    }) : () -> ()
    return
  }
}

module attributes {stable_mosaic.version = 14 : i64} {
  func.func @_first_mm_body(%arg0: i32, %arg1: i32, %arg2: memref<512x128xf32, #tpu.memory_space<vmem>>, %arg3: memref<128x256xf32, #tpu.memory_space<vmem>>, %arg4: memref<512x1xf32, #tpu.memory_space<vmem>>, %arg5: memref<512x128xf32, #tpu.memory_space<vmem>>) attributes {dimension_semantics = [#tpu.dimension_semantics<arbitrary>, #tpu.dimension_semantics<arbitrary>], iteration_bounds = array<i64: 20, 2>, scalar_prefetch = 0 : i64, scratch_operands = 0 : i64, tpu.core_type = #tpu.core_type<tc>, window_params = [{transform_indices = @transform_0, window_bounds = array<i64: 512, 128>}, {pipeline_mode = #tpu.pipeline_mode<synchronous>, transform_indices = @transform_1, window_bounds = array<i64: 128, 256>}, {transform_indices = @transform_2, window_bounds = array<i64: 512, 1>}, {transform_indices = @transform_3, window_bounds = array<i64: 512, 128>}]} {
    %get3A = arith.constant 0 : index
    %get3A_0 = arith.constant 0 : index
    %get3A_1 = vector.load %arg2[%get3A, %get3A_0] : memref<512x128xf32, #tpu.memory_space<vmem>>, vector<512x128xf32>
    %get3A_2 = arith.constant 0 : index
    %get3A_3 = arith.constant 0 : index
    %get3A_4 = vector.load %arg3[%get3A_2, %get3A_3] : memref<128x256xf32, #tpu.memory_space<vmem>>, vector<128x256xf32>
    %dot_general3A = arith.constant dense<0.000000e+00> : vector<512x256xf32>
    %dot_general3A_5 = tpu.matmul %get3A_1, %get3A_4, %dot_general3A {dimension_numbers = #tpu.dot_dimension_numbers<[1], [0], [0], [1], [0, 0, 1, 1], [], []>, transpose_lhs_hint = false} : vector<512x128xf32>, vector<128x256xf32>, vector<512x256xf32> -> vector<512x256xf32>
    %get3A_6 = arith.constant 0 : index
    %get3A_7 = arith.constant 0 : index
    %get3A_8 = vector.load %arg4[%get3A_6, %get3A_7] : memref<512x1xf32, #tpu.memory_space<vmem>>, vector<512x1xf32>
    %mul3A = vector.broadcast %get3A_8 : vector<512x1xf32> to vector<512x256xf32>
    %mul3A_9 = arith.mulf %dot_general3A_5, %mul3A : vector<512x256xf32>
    %eq3A = arith.constant 0 : i32
    %eq3A_10 = arith.cmpi eq, %arg1, %eq3A : i32
    %slice3A = vector.extract_strided_slice %mul3A_9 {offsets = [0, 0], sizes = [512, 128], strides = [1, 1]} : vector<512x256xf32> to vector<512x128xf32>
    %slice3A_11 = vector.extract_strided_slice %mul3A_9 {offsets = [0, 128], sizes = [512, 128], strides = [1, 1]} : vector<512x256xf32> to vector<512x128xf32>
    %select_n3A = arith.select %eq3A_10, %slice3A, %slice3A_11 : vector<512x128xf32>
    %swap3A = arith.constant 0 : index
    %swap3A_12 = arith.constant 0 : index
    %swap3A_13 = vector.load %arg5[%swap3A, %swap3A_12] : memref<512x128xf32, #tpu.memory_space<vmem>>, vector<512x128xf32>
    tpu.vector_store %arg5[%swap3A, %swap3A_12], %select_n3A {strides = array<i32>} : memref<512x128xf32, #tpu.memory_space<vmem>>, vector<512x128xf32>,
    return
  }
  func.func @transform_0(%arg0: i32, %arg1: i32) -> (i32, i32) {
    %c0_i32 = arith.constant 0 : i32
    %c0_i32_0 = arith.constant 0 : i32
    return %arg0, %c0_i32 : i32, i32
  }
  func.func @transform_1(%arg0: i32, %arg1: i32) -> (i32, i32) {
    %c0_i32 = arith.constant 0 : i32
    %c0_i32_0 = arith.constant 0 : i32
    %c0_i32_1 = arith.constant 0 : i32
    return %c0_i32, %c0_i32_0 : i32, i32
  }
  func.func @transform_2(%arg0: i32, %arg1: i32) -> (i32, i32) {
    %c0_i32 = arith.constant 0 : i32
    %c0_i32_0 = arith.constant 0 : i32
    return %arg0, %c0_i32 : i32, i32
  }
  func.func @transform_3(%arg0: i32, %arg1: i32) -> (i32, i32) {
    %mul3A = arith.constant 20 : i32
    %mul3A_0 = arith.muli %arg1, %mul3A : i32
    %add3A = arith.addi %mul3A_0, %arg0 : i32
    %c0_i32 = arith.constant 0 : i32
    %c0_i32_1 = arith.constant 0 : i32
    return %add3A, %c0_i32 : i32, i32
  }
}

module attributes {stable_mosaic.version = 14 : i64} {
  func.func @_mid_mm_body(%arg0: i32, %arg1: i32, %arg2: memref<512x128xf32, #tpu.memory_space<vmem>>, %arg3: memref<512x128xf32, #tpu.memory_space<vmem>>, %arg4: memref<512x1xf32, #tpu.memory_space<vmem>>, %arg5: memref<1x256xf32, #tpu.memory_space<vmem>>, %arg6: memref<256x256xf32, #tpu.memory_space<vmem>>, %arg7: memref<512x128xf32, #tpu.memory_space<vmem>>) attributes {dimension_semantics = [#tpu.dimension_semantics<arbitrary>, #tpu.dimension_semantics<arbitrary>], iteration_bounds = array<i64: 20, 2>, scalar_prefetch = 0 : i64, scratch_operands = 0 : i64, tpu.core_type = #tpu.core_type<tc>, window_params = [{transform_indices = @transform_0, window_bounds = array<i64: 512, 128>}, {transform_indices = @transform_1, window_bounds = array<i64: 512, 128>}, {transform_indices = @transform_2, window_bounds = array<i64: 512, 1>}, {pipeline_mode = #tpu.pipeline_mode<synchronous>, transform_indices = @transform_3, window_bounds = array<i64: 1, 256>}, {pipeline_mode = #tpu.pipeline_mode<synchronous>, transform_indices = @transform_4, window_bounds = array<i64: 256, 256>}, {transform_indices = @transform_5, window_bounds = array<i64: 512, 128>}]} {
    %get3A = arith.constant 0 : index
    %get3A_0 = arith.constant 0 : index
    %get3A_1 = vector.load %arg4[%get3A, %get3A_0] : memref<512x1xf32, #tpu.memory_space<vmem>>, vector<512x1xf32>
    %get3A_2 = arith.constant 0 : index
    %get3A_3 = arith.constant 0 : index
    %get3A_4 = vector.load %arg2[%get3A_2, %get3A_3] : memref<512x128xf32, #tpu.memory_space<vmem>>, vector<512x128xf32>
    %get3A_5 = arith.constant 0 : index
    %get3A_6 = arith.constant 0 : index
    %get3A_7 = vector.load %arg3[%get3A_5, %get3A_6] : memref<512x128xf32, #tpu.memory_space<vmem>>, vector<512x128xf32>
    %concatenate3A = tpu.concatenate %get3A_4, %get3A_7 in 1 : vector<512x128xf32>, vector<512x128xf32> -> vector<512x256xf32>
    %mul3A = vector.broadcast %get3A_1 : vector<512x1xf32> to vector<512x256xf32>
    %mul3A_8 = arith.mulf %concatenate3A, %mul3A : vector<512x256xf32>
    %get3A_9 = arith.constant 0 : index
    %get3A_10 = arith.constant 0 : index
    %get3A_11 = vector.load %arg5[%get3A_9, %get3A_10] : memref<1x256xf32, #tpu.memory_space<vmem>>, vector<1x256xf32>
    %add3A = vector.broadcast %get3A_11 : vector<1x256xf32> to vector<512x256xf32>
    %add3A_12 = arith.addf %mul3A_8, %add3A : vector<512x256xf32>
    %max3A = arith.constant 0.000000e+00 : f32
    %max3A_13 = vector.broadcast %max3A : f32 to vector<512x256xf32>
    %max3A_14 = arith.maximumf %add3A_12, %max3A_13 : vector<512x256xf32>
    %get3A_15 = arith.constant 0 : index
    %get3A_16 = arith.constant 0 : index
    %get3A_17 = vector.load %arg6[%get3A_15, %get3A_16] : memref<256x256xf32, #tpu.memory_space<vmem>>, vector<256x256xf32>
    %dot_general3A = arith.constant dense<0.000000e+00> : vector<512x256xf32>
    %dot_general3A_18 = tpu.matmul %max3A_14, %get3A_17, %dot_general3A {dimension_numbers = #tpu.dot_dimension_numbers<[1], [0], [0], [1], [0, 0, 1, 1], [], []>, transpose_lhs_hint = false} : vector<512x256xf32>, vector<256x256xf32>, vector<512x256xf32> -> vector<512x256xf32>
    %mul3A_19 = vector.broadcast %get3A_1 : vector<512x1xf32> to vector<512x256xf32>
    %mul3A_20 = arith.mulf %dot_general3A_18, %mul3A_19 : vector<512x256xf32>
    %eq3A = arith.constant 0 : i32
    %eq3A_21 = arith.cmpi eq, %arg1, %eq3A : i32
    %slice3A = vector.extract_strided_slice %mul3A_20 {offsets = [0, 0], sizes = [512, 128], strides = [1, 1]} : vector<512x256xf32> to vector<512x128xf32>
    %slice3A_22 = vector.extract_strided_slice %mul3A_20 {offsets = [0, 128], sizes = [512, 128], strides = [1, 1]} : vector<512x256xf32> to vector<512x128xf32>
    %select_n3A = arith.select %eq3A_21, %slice3A, %slice3A_22 : vector<512x128xf32>
    %swap3A = arith.constant 0 : index
    %swap3A_23 = arith.constant 0 : index
    %swap3A_24 = vector.load %arg7[%swap3A, %swap3A_23] : memref<512x128xf32, #tpu.memory_space<vmem>>, vector<512x128xf32>
    tpu.vector_store %arg7[%swap3A, %swap3A_23], %select_n3A {strides = array<i32>} : memref<512x128xf32, #tpu.memory_space<vmem>>, vector<512x128xf32>,
    return
  }
  func.func @transform_0(%arg0: i32, %arg1: i32) -> (i32, i32) {
    %c0_i32 = arith.constant 0 : i32
    %c0_i32_0 = arith.constant 0 : i32
    return %arg0, %c0_i32 : i32, i32
  }
  func.func @transform_1(%arg0: i32, %arg1: i32) -> (i32, i32) {
    %add3A = arith.constant 20 : i32
    %add3A_0 = arith.addi %arg0, %add3A : i32
    %c0_i32 = arith.constant 0 : i32
    %c0_i32_1 = arith.constant 0 : i32
    return %add3A_0, %c0_i32 : i32, i32
  }
  func.func @transform_2(%arg0: i32, %arg1: i32) -> (i32, i32) {
    %c0_i32 = arith.constant 0 : i32
    %c0_i32_0 = arith.constant 0 : i32
    return %arg0, %c0_i32 : i32, i32
  }
  func.func @transform_3(%arg0: i32, %arg1: i32) -> (i32, i32) {
    %c0_i32 = arith.constant 0 : i32
    %c0_i32_0 = arith.constant 0 : i32
    %c0_i32_1 = arith.constant 0 : i32
    return %c0_i32, %c0_i32_0 : i32, i32
  }
  func.func @transform_4(%arg0: i32, %arg1: i32) -> (i32, i32) {
    %c0_i32 = arith.constant 0 : i32
    %c0_i32_0 = arith.constant 0 : i32
    %c0_i32_1 = arith.constant 0 : i32
    return %c0_i32, %c0_i32_0 : i32, i32
  }
  func.func @transform_5(%arg0: i32, %arg1: i32) -> (i32, i32) {
    %mul3A = arith.constant 20 : i32
    %mul3A_0 = arith.muli %arg1, %mul3A : i32
    %add3A = arith.addi %mul3A_0, %arg0 : i32
    %c0_i32 = arith.constant 0 : i32
    %c0_i32_1 = arith.constant 0 : i32
    return %add3A, %c0_i32 : i32, i32
  }
}

module attributes {stable_mosaic.version = 14 : i64} {
  func.func @_final_body(%arg0: i32, %arg1: memref<512x128xf32, #tpu.memory_space<vmem>>, %arg2: memref<512x128xf32, #tpu.memory_space<vmem>>, %arg3: memref<512x1xf32, #tpu.memory_space<vmem>>, %arg4: memref<1x256xf32, #tpu.memory_space<vmem>>, %arg5: memref<512x1xi32, #tpu.memory_space<vmem>>, %arg6: memref<256x10xf32, #tpu.memory_space<vmem>>, %arg7: memref<1x10xf32, #tpu.memory_space<vmem>>, %arg8: memref<64x10xf32, #tpu.memory_space<vmem>>, %arg9: memref<64x256xf32, #tpu.memory_space<vmem>>, %arg10: memref<64x256xf32, #tpu.memory_space<vmem>>) attributes {dimension_semantics = [#tpu.dimension_semantics<arbitrary>], iteration_bounds = array<i64: 20>, scalar_prefetch = 0 : i64, scratch_operands = 2 : i64, tpu.core_type = #tpu.core_type<tc>, window_params = [{transform_indices = @transform_0, window_bounds = array<i64: 512, 128>}, {transform_indices = @transform_1, window_bounds = array<i64: 512, 128>}, {transform_indices = @transform_2, window_bounds = array<i64: 512, 1>}, {pipeline_mode = #tpu.pipeline_mode<synchronous>, transform_indices = @transform_3, window_bounds = array<i64: 1, 256>}, {transform_indices = @transform_4, window_bounds = array<i64: 512, 1>}, {pipeline_mode = #tpu.pipeline_mode<synchronous>, transform_indices = @transform_5, window_bounds = array<i64: 256, 10>}, {pipeline_mode = #tpu.pipeline_mode<synchronous>, transform_indices = @transform_6, window_bounds = array<i64: 1, 10>}, {pipeline_mode = #tpu.pipeline_mode<synchronous>, transform_indices = @transform_7, window_bounds = array<i64: 64, 10>}]} {
    %eq3A = arith.constant 0 : i32
    %eq3A_0 = arith.cmpi eq, %arg0, %eq3A : i32
    %convert_element_type3A = arith.extui %eq3A_0 : i1 to i32
    %cond3A = arith.constant 0 : i32
    %cond3A_1 = arith.cmpi ne, %convert_element_type3A, %cond3A : i32
    scf.if %cond3A_1 {
      %broadcast_in_dim3A_44 = arith.constant 0.000000e+00 : f32
      %broadcast_in_dim3A_45 = vector.broadcast %broadcast_in_dim3A_44 : f32 to vector<64x256xf32>
      %swap3A_46 = arith.constant 0 : index
      %swap3A_47 = arith.constant 0 : index
      %swap3A_48 = vector.load %arg9[%swap3A_46, %swap3A_47] : memref<64x256xf32, #tpu.memory_space<vmem>>, vector<64x256xf32>
      tpu.vector_store %arg9[%swap3A_46, %swap3A_47], %broadcast_in_dim3A_45 {strides = array<i32>} : memref<64x256xf32, #tpu.memory_space<vmem>>, vector<64x256xf32>,
      %broadcast_in_dim3A_49 = arith.constant 0.000000e+00 : f32
      %broadcast_in_dim3A_50 = vector.broadcast %broadcast_in_dim3A_49 : f32 to vector<64x256xf32>
      %swap3A_51 = arith.constant 0 : index
      %swap3A_52 = arith.constant 0 : index
      %swap3A_53 = vector.load %arg10[%swap3A_51, %swap3A_52] : memref<64x256xf32, #tpu.memory_space<vmem>>, vector<64x256xf32>
      tpu.vector_store %arg10[%swap3A_51, %swap3A_52], %broadcast_in_dim3A_50 {strides = array<i32>} : memref<64x256xf32, #tpu.memory_space<vmem>>, vector<64x256xf32>,
    } else {
    }
    %get3A = arith.constant 0 : index
    %get3A_2 = arith.constant 0 : index
    %get3A_3 = vector.load %arg1[%get3A, %get3A_2] : memref<512x128xf32, #tpu.memory_space<vmem>>, vector<512x128xf32>
    %get3A_4 = arith.constant 0 : index
    %get3A_5 = arith.constant 0 : index
    %get3A_6 = vector.load %arg2[%get3A_4, %get3A_5] : memref<512x128xf32, #tpu.memory_space<vmem>>, vector<512x128xf32>
    %concatenate3A = tpu.concatenate %get3A_3, %get3A_6 in 1 : vector<512x128xf32>, vector<512x128xf32> -> vector<512x256xf32>
    %get3A_7 = arith.constant 0 : index
    %get3A_8 = arith.constant 0 : index
    %get3A_9 = vector.load %arg3[%get3A_7, %get3A_8] : memref<512x1xf32, #tpu.memory_space<vmem>>, vector<512x1xf32>
    %mul3A = vector.broadcast %get3A_9 : vector<512x1xf32> to vector<512x256xf32>
    %mul3A_10 = arith.mulf %concatenate3A, %mul3A : vector<512x256xf32>
    %get3A_11 = arith.constant 0 : index
    %get3A_12 = arith.constant 0 : index
    %get3A_13 = vector.load %arg4[%get3A_11, %get3A_12] : memref<1x256xf32, #tpu.memory_space<vmem>>, vector<1x256xf32>
    %add3A = vector.broadcast %get3A_13 : vector<1x256xf32> to vector<512x256xf32>
    %add3A_14 = arith.addf %mul3A_10, %add3A : vector<512x256xf32>
    %get3A_15 = arith.constant 0 : index
    %get3A_16 = arith.constant 0 : index
    %get3A_17 = vector.load %arg5[%get3A_15, %get3A_16] : memref<512x1xi32, #tpu.memory_space<vmem>>, vector<512x1xi32>
    %iota3A = tpu.iota {dimensions = array<i32: 1>} : vector<512x64xi32>
    %eq3A_18 = vector.broadcast %get3A_17 : vector<512x1xi32> to vector<512x64xi32>
    %eq3A_19 = arith.cmpi eq, %eq3A_18, %iota3A : vector<512x64xi32>
    %convert_element_type3A_20 = arith.extui %eq3A_19 : vector<512x64xi1> to vector<512x64xi32>
    %convert_element_type3A_21 = arith.sitofp %convert_element_type3A_20 : vector<512x64xi32> to vector<512x64xf32>
    %get3A_22 = arith.constant 0 : index
    %get3A_23 = arith.constant 0 : index
    %get3A_24 = vector.load %arg9[%get3A_22, %get3A_23] : memref<64x256xf32, #tpu.memory_space<vmem>>, vector<64x256xf32>
    %dot_general3A = arith.constant dense<0.000000e+00> : vector<64x256xf32>
    %dot_general3A_25 = tpu.matmul %convert_element_type3A_21, %add3A_14, %dot_general3A {dimension_numbers = #tpu.dot_dimension_numbers<[0], [0], [1], [1], [0, 1, 1, 1], [], []>, transpose_lhs_hint = false} : vector<512x64xf32>, vector<512x256xf32>, vector<64x256xf32> -> vector<64x256xf32>
    %add3A_26 = arith.addf %get3A_24, %dot_general3A_25 : vector<64x256xf32>
    %swap3A = arith.constant 0 : index
    %swap3A_27 = arith.constant 0 : index
    %swap3A_28 = vector.load %arg9[%swap3A, %swap3A_27] : memref<64x256xf32, #tpu.memory_space<vmem>>, vector<64x256xf32>
    tpu.vector_store %arg9[%swap3A, %swap3A_27], %add3A_26 {strides = array<i32>} : memref<64x256xf32, #tpu.memory_space<vmem>>, vector<64x256xf32>,
    %get3A_29 = arith.constant 0 : index
    %get3A_30 = arith.constant 0 : index
    %get3A_31 = vector.load %arg10[%get3A_29, %get3A_30] : memref<64x256xf32, #tpu.memory_space<vmem>>, vector<64x256xf32>
    %broadcast_in_dim3A = arith.constant 1.000000e+00 : f32
    %broadcast_in_dim3A_32 = vector.broadcast %broadcast_in_dim3A : f32 to vector<512x256xf32>
    %dot_general3A_33 = arith.constant dense<0.000000e+00> : vector<64x256xf32>
    %dot_general3A_34 = tpu.matmul %convert_element_type3A_21, %broadcast_in_dim3A_32, %dot_general3A_33 {dimension_numbers = #tpu.dot_dimension_numbers<[0], [0], [1], [1], [0, 1, 1, 1], [], []>, transpose_lhs_hint = false} : vector<512x64xf32>, vector<512x256xf32>, vector<64x256xf32> -> vector<64x256xf32>
    %add3A_35 = arith.addf %get3A_31, %dot_general3A_34 : vector<64x256xf32>
    %swap3A_36 = arith.constant 0 : index
    %swap3A_37 = arith.constant 0 : index
    %swap3A_38 = vector.load %arg10[%swap3A_36, %swap3A_37] : memref<64x256xf32, #tpu.memory_space<vmem>>, vector<64x256xf32>
    tpu.vector_store %arg10[%swap3A_36, %swap3A_37], %add3A_35 {strides = array<i32>} : memref<64x256xf32, #tpu.memory_space<vmem>>, vector<64x256xf32>,
    %eq3A_39 = arith.constant 19 : i32
    %eq3A_40 = arith.cmpi eq, %arg0, %eq3A_39 : i32
    %convert_element_type3A_41 = arith.extui %eq3A_40 : i1 to i32
    %cond3A_42 = arith.constant 0 : i32
    %cond3A_43 = arith.cmpi ne, %convert_element_type3A_41, %cond3A_42 : i32
    scf.if %cond3A_43 {
      %get3A_44 = arith.constant 0 : index
      %get3A_45 = arith.constant 0 : index
      %get3A_46 = vector.load %arg9[%get3A_44, %get3A_45] : memref<64x256xf32, #tpu.memory_space<vmem>>, vector<64x256xf32>
      %get3A_47 = arith.constant 0 : index
      %get3A_48 = arith.constant 0 : index
      %get3A_49 = vector.load %arg10[%get3A_47, %get3A_48] : memref<64x256xf32, #tpu.memory_space<vmem>>, vector<64x256xf32>
      %max3A = arith.constant 1.000000e+00 : f32
      %max3A_50 = vector.broadcast %max3A : f32 to vector<64x256xf32>
      %max3A_51 = arith.maximumf %get3A_49, %max3A_50 : vector<64x256xf32>
      %div3A = arith.divf %get3A_46, %max3A_51 : vector<64x256xf32>
      %get3A_52 = arith.constant 0 : index
      %get3A_53 = arith.constant 0 : index
      %get3A_54 = vector.load %arg6[%get3A_52, %get3A_53] : memref<256x10xf32, #tpu.memory_space<vmem>>, vector<256x10xf32>
      %dot_general3A_55 = arith.constant dense<0.000000e+00> : vector<64x10xf32>
      %dot_general3A_56 = tpu.matmul %div3A, %get3A_54, %dot_general3A_55 {dimension_numbers = #tpu.dot_dimension_numbers<[1], [0], [0], [1], [0, 0, 1, 1], [], []>, transpose_lhs_hint = false} : vector<64x256xf32>, vector<256x10xf32>, vector<64x10xf32> -> vector<64x10xf32>
      %get3A_57 = arith.constant 0 : index
      %get3A_58 = arith.constant 0 : index
      %get3A_59 = vector.load %arg7[%get3A_57, %get3A_58] : memref<1x10xf32, #tpu.memory_space<vmem>>, vector<1x10xf32>
      %add3A_60 = vector.broadcast %get3A_59 : vector<1x10xf32> to vector<64x10xf32>
      %add3A_61 = arith.addf %dot_general3A_56, %add3A_60 : vector<64x10xf32>
      %reduce_max3A = arith.constant dense<0xFF800000> : vector<64xf32>
      %reduce_max3A_62 = vector.multi_reduction <maximumf>, %add3A_61, %reduce_max3A [1] : vector<64x10xf32> to vector<64xf32>
      %broadcast_in_dim3A_63 = vector.shape_cast %reduce_max3A_62 : vector<64xf32> to vector<64x1xf32>
      %sub3A = vector.broadcast %broadcast_in_dim3A_63 : vector<64x1xf32> to vector<64x10xf32>
      %sub3A_64 = arith.subf %add3A_61, %sub3A : vector<64x10xf32>
      %exp3A = math.exp %sub3A_64 : vector<64x10xf32>
      %reduce_sum3A = arith.constant dense<0.000000e+00> : vector<64xf32>
      %reduce_sum3A_65 = vector.multi_reduction <add>, %exp3A, %reduce_sum3A [1] : vector<64x10xf32> to vector<64xf32>
      %broadcast_in_dim3A_66 = vector.shape_cast %reduce_sum3A_65 : vector<64xf32> to vector<64x1xf32>
      %div3A_67 = vector.broadcast %broadcast_in_dim3A_66 : vector<64x1xf32> to vector<64x10xf32>
      %div3A_68 = arith.divf %exp3A, %div3A_67 : vector<64x10xf32>
      %swap3A_69 = arith.constant 0 : index
      %swap3A_70 = arith.constant 0 : index
      %swap3A_71 = vector.load %arg8[%swap3A_69, %swap3A_70] : memref<64x10xf32, #tpu.memory_space<vmem>>, vector<64x10xf32>
      tpu.vector_store %arg8[%swap3A_69, %swap3A_70], %div3A_68 {strides = array<i32>} : memref<64x10xf32, #tpu.memory_space<vmem>>, vector<64x10xf32>,
    } else {
    }
    return
  }
  func.func @transform_0(%arg0: i32) -> (i32, i32) {
    %c0_i32 = arith.constant 0 : i32
    %c0_i32_0 = arith.constant 0 : i32
    return %arg0, %c0_i32 : i32, i32
  }
  func.func @transform_1(%arg0: i32) -> (i32, i32) {
    %add3A = arith.constant 20 : i32
    %add3A_0 = arith.addi %arg0, %add3A : i32
    %c0_i32 = arith.constant 0 : i32
    %c0_i32_1 = arith.constant 0 : i32
    return %add3A_0, %c0_i32 : i32, i32
  }
  func.func @transform_2(%arg0: i32) -> (i32, i32) {
    %c0_i32 = arith.constant 0 : i32
    %c0_i32_0 = arith.constant 0 : i32
    return %arg0, %c0_i32 : i32, i32
  }
  func.func @transform_3(%arg0: i32) -> (i32, i32) {
    %c0_i32 = arith.constant 0 : i32
    %c0_i32_0 = arith.constant 0 : i32
    %c0_i32_1 = arith.constant 0 : i32
    return %c0_i32, %c0_i32_0 : i32, i32
  }
  func.func @transform_4(%arg0: i32) -> (i32, i32) {
    %c0_i32 = arith.constant 0 : i32
    %c0_i32_0 = arith.constant 0 : i32
    return %arg0, %c0_i32 : i32, i32
  }
  func.func @transform_5(%arg0: i32) -> (i32, i32) {
    %c0_i32 = arith.constant 0 : i32
    %c0_i32_0 = arith.constant 0 : i32
    %c0_i32_1 = arith.constant 0 : i32
    return %c0_i32, %c0_i32_0 : i32, i32
  }
  func.func @transform_6(%arg0: i32) -> (i32, i32) {
    %c0_i32 = arith.constant 0 : i32
    %c0_i32_0 = arith.constant 0 : i32
    %c0_i32_1 = arith.constant 0 : i32
    return %c0_i32, %c0_i32_0 : i32, i32
  }
  func.func @transform_7(%arg0: i32) -> (i32, i32) {
    %c0_i32 = arith.constant 0 : i32
    %c0_i32_0 = arith.constant 0 : i32
    %c0_i32_1 = arith.constant 0 : i32
    return %c0_i32, %c0_i32_0 : i32, i32
  }
}

</mosaic_0001>

<sc_bundles>
// kernel: kernel.10.cloned.1.call-start
scs
__scs_entry_jumppad:
0x0: {  	(pc) =	sbr.rel $0x88, $3  }
0x1: {  	(tag) =	ssettag $0x0;
	lr =	simm.s32 $0x1  }
0x2: {  	[smem:$0x3F96] =	sst lr;
	_ =	strace $0xD0000000  }
0x3: {  	_ = 	snop  }
0x4: {  	_ = 	snop  }
0x5: {  	_ = 	snop  }
0x6: {  	_ = 	snop  }
0x7: {  	_ = 	snop  }
__scs_overlays_trampoline_lowered:
0x8: {  	[smem:$0x3FA5] =	sst s0  }
0x9: {  	[smem:$0x3FA6] =	sst s1  }
0xa: {  	[smem:$0x3FA7] =	sst s2  }
0xb: {  	[smem:$0x3FA8] =	sst s3  }
0xc: {  	[smem:$0x3FA9] =	sst s4  }
0xd: {  	[smem:$0x3FAA] =	sst s5  }
0xe: {  	[smem:$0x3FAB] =	sst s6  }
0xf: {  	[smem:$0x3FAC] =	sst s7  }
0x10: {  	[smem:$0x3FAD] =	sst s8  }
0x11: {  	[smem:$0x3FAE] =	sst s9;
	s0 =	simm.s32 @!p0 $0x0  }
0x12: {  	s1 =	sld [smem:$0x3F94];
	s0 =	simm.s32 @p0 $0x1  }
0x13: {  	[smem:$0x3FAF] =	sst s0;
	s0 =	simm.s32 @!p1 $0x0  }
0x14: {  	s2 =	sld [smem:$0x3F93];
	s0 =	simm.s32 @p1 $0x1  }
0x15: {  	[smem:$0x3FB0] =	sst s0;
	s0 =	simm.s32 @!p2 $0x0  }
0x16: {  	s3 =	sld [smem:$0x3FDB];
	s0 =	simm.s32 @p2 $0x1  }
0x17: {  	s4 =	simm.s32 $0x1BF5;
	[smem:$0x3FB2] =	sst s0  }
0x18: {  	s0 =	sld [smem:$0x3F95];
	_ =	swait.ge [sflag:s4], $0x0  }
0x19: {  	s7 =	sld [smem:$0x3F96]  }
0x1a: {  	s8 =	sadd.s32 $0xFFFFE003, lr  }
0x1b: {  	s9 =	sadd.s32 $0xFFFFFEF7, lr;
	s5 =	simm.s32 $0xFFFFFFFF;
	p2 =	slt.u32 s8, $0xFFFFF086  }
0x1c: {  	p1 =	slt.u32 s9, $0xF7A;
	s5 =	simm.s32 @!p2 $0x0  }
0x1d: {  	s5 =	simm.s32 @p1 $0x1;
	p0 =	seq.s32 s7, s2  }
0x1e: {  	s7 =	smul.u32 @!p0 $0xF7A, s2;
	p2 =	seq.s32 @!p0 s5, $0x0  }
0x1f: {  	s9 =	smul.u32 $0xF7A, s1;
	s8 =	simm.s32 @!p0 $0x1BF5;
	p2 =	por !p2, p0  }
0x20: {  	[sflag:s8] =	ssyncset.s32 @!p0 $0xFFFFF086;
	s6 =	sadd.s32 @!p0 s3, s7;
	s7 =	simm.s32 @!p0 $0x108  }
0x21: {  	s3 =	sadd.s32 s3, s9;
	s6 =	sadd.s32 @!p0 $0x88, s6;
	s7 =	simm.s32 @p2 $0x1082  }
0x22: {  	[simem:s7], [sflag:s8] =	dma.local @!p0 [hbm:s6], $0xF7A  }
0x23: {  	s9 =	sor.u32 $0xD0000000, s2;
	s6 =	simm.s32 $0x108;
	_ =	swait.ge @!p0 [sflag:s8], $0x0  }
0x24: {  	s3 =	sadd.s32 $0x88, s3;
	s6 =	simm.s32 @!p1 $0x1082;
	[sflag:s4] =	ssyncset.s32 $0xFFFFF086  }
0x25: {  	[simem:s6], [sflag:s4] =	dma.local [hbm:s3], $0xF7A  }
0x26: {  	[smem:$0x3F96] =	sst s1;
	(tag) =	ssettag s2;
	_ =	strace s9  }
0x27: {  	s1 =	sld [smem:$0x3FA6]  }
0x28: {  	s2 =	sld [smem:$0x3FA7]  }
0x29: {  	s4 =	sld [smem:$0x3FA9]  }
0x2a: {  	p0 =	seq.s32 s5, $0x0;
	s5 =	sld [smem:$0x3FAA]  }
0x2b: {  	s6 =	sld [smem:$0x3FAB]  }
0x2c: {  	s7 =	sld [smem:$0x3FAC]  }
0x2d: {  	s3 =	simm.s32 $0x108;
	s8 =	sld [smem:$0x3FAD]  }
0x2e: {  	s3 =	simm.s32 @!p0 $0x1082;
	s9 =	sld [smem:$0x3FAE]  }
0x2f: {  	lr =	sadd.s32 s0, s3;
	s0 =	sld [smem:$0x3FA5]  }
0x30: {  	s3 =	sld [smem:$0x3FA8]  }
0x31: {  	[smem:$0x3FB1] =	sst s10  }
0x32: {  	s10 =	sld [smem:$0x3FAF];
	_ =	sdelay $0x3  }
0x33: {  	p0 =	seq.s32 s10, $0x1;
	s10 =	sld [smem:$0x3FB1];
	_ =	sdelay $0x3  }
0x34: {  	[smem:$0x3FB1] =	sst s10  }
0x35: {  	s10 =	sld [smem:$0x3FB0];
	_ =	sdelay $0x3  }
0x36: {  	p1 =	seq.s32 s10, $0x1;
	s10 =	sld [smem:$0x3FB1];
	_ =	sdelay $0x3  }
0x37: {  	[smem:$0x3FB1] =	sst s10  }
0x38: {  	s10 =	sld [smem:$0x3FB2]  }
0x39: {  	_ = 	snop;
	(pc) =	sbr.ind lr, $3  }
0x3a: {  	_ = 	snop  }
0x3b: {  	_ = 	snop  }
0x3c: {  	p2 =	seq.s32 s10, $0x1;
	s10 =	sld [smem:$0x3FB1]  }
0x3d: {  	_ =	shalt  }
0x3e: {  	_ =	shalt  }
0x3f: {  	_ =	shalt  }
0x40: {  	_ =	shalt  }
0x41: {  	_ =	shalt  }
0x42: {  	_ =	shalt  }
0x43: {  	_ =	shalt  }
0x44: {  	_ =	shalt  }
0x45: {  	_ =	shalt  }
0x46: {  	_ =	shalt  }
0x47: {  	_ =	shalt  }
0x48: {  	_ =	shalt  }
0x49: {  	_ =	shalt  }
0x4a: {  	_ =	shalt  }
0x4b: {  	_ =	shalt  }
0x4c: {  	_ =	shalt  }
0x4d: {  	_ =	shalt  }
0x4e: {  	_ =	shalt  }
0x4f: {  	_ =	shalt  }
0x50: {  	_ =	shalt  }
0x51: {  	_ =	shalt  }
0x52: {  	_ =	shalt  }
0x53: {  	_ =	shalt  }
0x54: {  	_ =	shalt  }
0x55: {  	_ =	shalt  }
0x56: {  	_ =	shalt  }
0x57: {  	_ =	shalt  }
0x58: {  	_ =	shalt  }
0x59: {  	_ =	shalt  }
0x5a: {  	_ =	shalt  }
0x5b: {  	_ =	shalt  }
0x5c: {  	_ =	shalt  }
0x5d: {  	_ =	shalt  }
0x5e: {  	_ =	shalt  }
0x5f: {  	_ =	shalt  }
0x60: {  	_ =	shalt  }
0x61: {  	_ =	shalt  }
0x62: {  	_ =	shalt  }
0x63: {  	_ =	shalt  }
0x64: {  	_ =	shalt  }
0x65: {  	_ =	shalt  }
0x66: {  	_ =	shalt  }
0x67: {  	_ =	shalt  }
0x68: {  	_ =	shalt  }
0x69: {  	_ =	shalt  }
0x6a: {  	_ =	shalt  }
0x6b: {  	_ =	shalt  }
0x6c: {  	_ =	shalt  }
0x6d: {  	_ =	shalt  }
0x6e: {  	_ =	shalt  }
0x6f: {  	_ =	shalt  }
0x70: {  	_ =	shalt  }
0x71: {  	_ =	shalt  }
0x72: {  	_ =	shalt  }
0x73: {  	_ =	shalt  }
0x74: {  	_ =	shalt  }
0x75: {  	_ =	shalt  }
0x76: {  	_ =	shalt  }
0x77: {  	_ =	shalt  }
0x78: {  	_ =	shalt  }
0x79: {  	_ =	shalt  }
0x7a: {  	_ =	shalt  }
0x7b: {  	_ =	shalt  }
0x7c: {  	_ =	shalt  }
0x7d: {  	_ =	shalt  }
0x7e: {  	_ =	shalt  }
0x7f: {  	_ =	shalt  }
0x80: {  	_ =	shalt  }
0x81: {  	_ =	shalt  }
0x82: {  	_ =	shalt  }
0x83: {  	_ =	shalt  }
0x84: {  	_ =	shalt  }
0x85: {  	_ =	shalt  }
0x86: {  	_ =	shalt  }
0x87: {  	_ =	shalt  }
.Lfunc_end0:
.L_simem_size_0:
called_computation_lowered:
.L_overlay_start_0:
0x88: {  	s2 =	sld [smem:$0x3FD9]  }
0x89: {  	s3 =	sld [smem:$0x3FFE];
	_ =	sdelay $0x1  }
0x8a: {  	s1 =	srdreg.scid  }
0x8b: {  	s0 =	sand.u32 $0x1, s1  }
0x8c: {  	s16 =	sshll.u32 s0, $0xA;
	s2 =	sadd.s32 s3, s2  }
0x8d: {  	s2 =	sadd.s32 s2, s16  }
0x8e: {  	[smem:$0x3FBD] =	sst s2  }
0x8f: {  	_ = 	snop  }
0x90: {  	(tm) =	ssettm $0x1  }
0x91: {  	s17 =	sld [smem:$0x3FFB];
	_ =	sdelay $0x3  }
0x92: {  	_ =	strace s17  }
0x93: {  	s2 =	sld [smem:$0x3FFC];
	_ =	sdelay $0x3  }
0x94: {  	_ =	strace s2  }
0x95: {  	s2 =	sld [smem:$0x3FFD];
	_ =	sdelay $0x3  }
0x96: {  	_ =	strace s2  }
0x97: {  	_ =	strace $0x8FFFFFFF  }
0x98: {  	s18 =	sld [smem:$0x3FDB];
	_ =	sdelay $0x1  }
0x99: {  	s19 =	simm.s32 $_scs_section_size  }
0x9a: {  	s4 =	simm.s32 $_size__tile_overlayer_lowered;
	s5 =	simm.s32 $_tile_overlayer_lowered  }
0x9b: {  	s22 =	simm.s32 $0x1BFF;
	s21 =	sshll.u32 s5, $0x1;
	s2 =	sadd.s32 s19, s18  }
0x9c: {  	s6 =	simm.s32 $0x0;
	s20 =	sshll.u32 s4, $0x1;
	s4 =	sadd.s32 s21, s2  }
0x9d: {  	[timem:s6], [sflag:s22] =	dma.local [hbm:s4], s20  }
0x9e: {  	_ =	swait.ge [sflag:s22], s20  }
0x9f: {  	s3 =	ssub.s32 $0x0, s20;
	[sflag:s22] =	ssyncset.done $0x0  }
0xa0: {  	[sflag:s22] =	ssyncadd.s32 s3;
	_ =	sdelay $0x1  }
0xa1: {  	s23 =	simm.s32 $0x1B8B  }
0xa2: {  	_ =	swait.ge [sflag:s23], $0x1  }
0xa3: {  	[sflag:s23] =	ssyncset.done $0x0  }
0xa4: {  	s25 =	simm.s32 $0x1B8E;
	s24 =	sld [smem:$0x3FFE];
	[sflag:s23] =	ssyncadd.s32 $0xFFFFFFFF  }
0xa5: {  	s26 =	simm.s32 $execute0_lowered;
	[smem:$0x3FD2] =	sst s25  }
0xa6: {  	s4 =	sshll.u32 s26, $0x1;
	_ =	strace $0x80000046;
	[dreg:$0x1] =	wrdreg $0xFFFFFFFF  }
0xa7: {  	s28 =	simm.s32 $_size_execute0_lowered;
	s2 =	sadd.s32 s2, s4;
	[dreg:$0x0] =	wrdreg $0x0  }
0xa8: {  	s4 =	sshll.u32 s28, $0x1;
	[dreg:$0x2] =	wrdreg s2  }
0xa9: {  	[dreg:$0x3] =	wrdreg s4  }
0xaa: {  	[dreg:$0x4] =	wrdreg $0xC0  }
0xab: {  	_ =	task [dreg:s6], $0x5FFFF  }
0xac: {  	[dreg:$0x1] =	wrdreg $0xFFFFFFFF  }
0xad: {  	[dreg:$0x0] =	wrdreg $0x60  }
0xae: {  	[dreg:$0x2] =	wrdreg s24  }
0xaf: {  	[dreg:$0x3] =	wrdreg $0x0  }
0xb0: {  	[dreg:$0x4] =	wrdreg $0x9  }
0xb1: {  	_ =	task.clear_ibuf [dreg:s6], $0x5FFFF;
	_ =	strace $0x90000046  }
0xb2: {  	s29 =	simm.s32 $0x9;
	_ =	strace $0x80000048  }
0xb3: {  	_ =	swait.ge [sflag:s29], $0x1  }
0xb4: {  	[sflag:s29] =	ssyncadd.s32 $0xFFFFFFFF  }
0xb5: {  	_ =	strace $0x90000048  }
0xb6: {  	_ =	sfence  }
0xb7: {  	s30 =	sld [smem:$0x0];
	_ =	sdelay $0x2  }
0xb8: {  	s31 =	sshll.u32 s1, $0xD;
	s1 =	sshrl.u32 s1, $0x2  }
0xb9: {  	s3 =	sand.u32 $0x4000, s31;
	s1 =	sadd.s32 s1, s30  }
0xba: {  	s0 =	sor.u32 s3, s0;
	s1 =	sshll.u32 s1, $0x11  }
0xbb: {  	s0 =	sor.u32 s1, s0  }
0xbc: {  	s0 =	sadd.s32 $0x8F2B, s0  }
0xbd: {  	[sflag:s0] =	ssyncadd.remote.s32 $0x1  }
0xbe: {  	_ =	sfence.sel $0xFFFF  }
0xbf: {  	[dreg:$0x0] =	wrdreg $0xFFFFFFFF;
	(pc) =	sbr.abs _section_cstart, $3  }
0xc0: {  	[dreg:$0x1] =	wrdreg $0xFFFFFFFF  }
0xc1: {  	_ =	task.clear_ibuf [dreg:s6], $0x2FFFF;
	_ =	strace $0x9FFFFFFF  }
0xc2: {  	(tm) =	ssettm $0x7FFFFFFF  }
0xc3: {  	_ =	shalt  }
tec
execute0_lowered:
.L_overlay_start_1:
0x0: {  	(tag) =	ssettag $0x1  }
0x1: {  	s0 =	srdreg.scid  }
0x2: {  	s7 =	stileid.u32;
	s4 =	rddreg [dreg:$0x0]  }
0x3: {  	s2 =	rddreg [dreg:$0x1];
	s3 =	simm.s32 $0x0;
	s11 =	simm.s32 $0x1  }
0x4: {  	s12 =	simm.s32 $0x14800;
	s13 =	simm.s32 $0x14000;
	s14 =	simm.s32 $0x80  }
0x5: {  	s15 =	simm.s32 $0x14080;
	s16 =	simm.s32 $0x14100;
	s17 =	simm.s32 $0x14180  }
0x6: {  	s18 =	simm.s32 $0x14200;
	s19 =	simm.s32 $0x14280;
	s20 =	simm.s32 $0x14300  }
0x7: {  	s21 =	simm.s32 $0x14380;
	s22 =	simm.s32 $0x14400;
	s28 =	simm.s32 $0x14680  }
0x8: {  	s29 =	simm.s32 $0x14700;
	s30 =	simm.s32 $0x14780;
	s31 =	simm.s32 $0x0  }
0x9: {  	s0 =	sand.u32 $0x1, s0;
	s1 =	smul.u32 $0x2800, s7;
	[smem:$0x7FF] =	sst s3  }
0xa: {  	s23 =	smul.u32 $0x50000, s7;
	s8 =	sadd.s32 $0x34600, s4;
	s26 =	sshll.u32 s7, $0x6  }
0xb: {  	s5 =	smul.u32 $0x28000, s0;
	_ =	strace $0x80000047;
	s0 =	ssub.s32 $0x2, s0  }
0xc: {  	[dreg:$0x3] =	wrdreg s8;
	s24 =	sshrl.u32 s0, $0x1;
	s25 =	sshrl.u32 s23, $0x2  }
0xd: {  	s23 =	simm.s32 $0x14480;
	s5 =	sadd.s32 s1, s5;
	s1 =	sadd.s32 s1, s4  }
0xe: {  	s0 =	ssub.s32 s0, s24;
	s10 =	sadd.s32 s25, s2;
	s24 =	simm.s32 $0x14500  }
0xf: {  	s25 =	simm.s32 $0x14580;
	s6 =	sshrl.u32 s5, $0x3;
	s1 =	sadd.s32 $0xC600, s1  }
0x10: {  	s8 =	smax.u32 s0, $0x1;
	s10 =	sshrl.u32 s10, $0x3;
	s9 =	sadd.s32 s6, s4  }
0x11: {  	s4 =	sadd.s32 s5, s4;
	[dreg:$0x4] =	wrdreg s1;
	s6 =	sor.u32 $0x1C01, s26  }
0x12: {  	s26 =	simm.s32 $0x14600;
	s7 =	sadd.s32 $0x34E00, s4;
	s9 =	sadd.s32 $0x2600, s9  }
.LBB2_1:
0x13: {  	s0 =	rddreg [dreg:$0x4]  }
0x14: {  	[spmem:s10], [sflag:s6] =	dma.local [hbm:s0], $0x2800  }
0x15: {  	_ =	swait.ge [sflag:s11], $0x2800  }
0x16: {  	[sflag:s11] =	ssyncset.done $0x0  }
0x17: {  	s4 =	rddreg [dreg:$0x3];
	[sflag:s11] =	ssyncadd.s32 $0xFFFFD800  }
0x18: {  	[tilespmem:s12], [sflag:$0x1] =	stream.linear.gather [hbm4b:s4+s3], $0x4000, $0x38;
	[tilespmem:$0x18800] =	vst v63  }
0x19: {  	_ =	swait.ge [sflag:s11], $0x4000  }
0x1a: {  	[sflag:s11] =	ssyncset.done $0x0  }
0x1b: {  	[sflag:s11] =	ssyncadd.s32 $0xFFFFC000  }
0x1c: {  	s5 =	sadd.s32 $0x0, s9;
	[bflag:$0x0] =	sbarrier.arrive $0xFFFF  }
0x1d: {  	[tilespmem:s13], [sflag:$0x1] =	stream.linear.gather [hbm4b:s5+s3], $0x800, $0x38;
	[tilespmem:$0x18800] =	vst v63  }
0x1e: {  	_ =	swait.ge [sflag:s11], $0x800  }
0x1f: {  	[sflag:s11] =	ssyncset.done $0x0  }
0x20: {  	[sflag:s11] =	ssyncadd.s32 $0xFFFFF800  }
0x21: {  	[spmem:s2] =	stream.indirect.scatter.add.f32 [tilespmem:s12], [sflag:$0x1], $0x80, s13, s14, $0xb8;
	[tilespmem:$0x18800] =	vst v63  }
0x22: {  	_ =	swait.ge [sflag:s11], $0x4000  }
0x23: {  	[sflag:s11] =	ssyncset.done $0x0  }
0x24: {  	[sflag:s11] =	ssyncadd.s32 $0xFFFFC000  }
0x25: {  	[spmem:s2] =	stream.indirect.scatter.add.f32 [tilespmem:s12], [sflag:$0x1], $0x80, s15, s14, $0xb8;
	[tilespmem:$0x18800] =	vst v63  }
0x26: {  	_ =	swait.ge [sflag:s11], $0x4000  }
0x27: {  	[sflag:s11] =	ssyncset.done $0x0  }
0x28: {  	[sflag:s11] =	ssyncadd.s32 $0xFFFFC000  }
0x29: {  	[spmem:s2] =	stream.indirect.scatter.add.f32 [tilespmem:s12], [sflag:$0x1], $0x80, s16, s14, $0xb8;
	[tilespmem:$0x18800] =	vst v63  }
0x2a: {  	_ =	swait.ge [sflag:s11], $0x4000  }
0x2b: {  	[sflag:s11] =	ssyncset.done $0x0  }
0x2c: {  	[sflag:s11] =	ssyncadd.s32 $0xFFFFC000  }
0x2d: {  	[spmem:s2] =	stream.indirect.scatter.add.f32 [tilespmem:s12], [sflag:$0x1], $0x80, s17, s14, $0xb8;
	[tilespmem:$0x18800] =	vst v63  }
0x2e: {  	_ =	swait.ge [sflag:s11], $0x4000  }
0x2f: {  	[sflag:s11] =	ssyncset.done $0x0  }
0x30: {  	[sflag:s11] =	ssyncadd.s32 $0xFFFFC000  }
0x31: {  	[spmem:s2] =	stream.indirect.scatter.add.f32 [tilespmem:s12], [sflag:$0x1], $0x80, s18, s14, $0xb8;
	[tilespmem:$0x18800] =	vst v63  }
0x32: {  	_ =	swait.ge [sflag:s11], $0x4000  }
0x33: {  	[sflag:s11] =	ssyncset.done $0x0  }
0x34: {  	[sflag:s11] =	ssyncadd.s32 $0xFFFFC000  }
0x35: {  	[spmem:s2] =	stream.indirect.scatter.add.f32 [tilespmem:s12], [sflag:$0x1], $0x80, s19, s14, $0xb8;
	[tilespmem:$0x18800] =	vst v63  }
0x36: {  	_ =	swait.ge [sflag:s11], $0x4000  }
0x37: {  	[sflag:s11] =	ssyncset.done $0x0  }
0x38: {  	[sflag:s11] =	ssyncadd.s32 $0xFFFFC000  }
0x39: {  	[spmem:s2] =	stream.indirect.scatter.add.f32 [tilespmem:s12], [sflag:$0x1], $0x80, s20, s14, $0xb8;
	[tilespmem:$0x18800] =	vst v63  }
0x3a: {  	_ =	swait.ge [sflag:s11], $0x4000  }
0x3b: {  	[sflag:s11] =	ssyncset.done $0x0  }
0x3c: {  	[sflag:s11] =	ssyncadd.s32 $0xFFFFC000  }
0x3d: {  	[spmem:s2] =	stream.indirect.scatter.add.f32 [tilespmem:s12], [sflag:$0x1], $0x80, s21, s14, $0xb8;
	[tilespmem:$0x18800] =	vst v63  }
0x3e: {  	_ =	swait.ge [sflag:s11], $0x4000  }
0x3f: {  	[sflag:s11] =	ssyncset.done $0x0  }
0x40: {  	[sflag:s11] =	ssyncadd.s32 $0xFFFFC000  }
0x41: {  	[spmem:s2] =	stream.indirect.scatter.add.f32 [tilespmem:s12], [sflag:$0x1], $0x80, s22, s14, $0xb8;
	[tilespmem:$0x18800] =	vst v63  }
0x42: {  	_ =	swait.ge [sflag:s11], $0x4000  }
0x43: {  	[sflag:s11] =	ssyncset.done $0x0  }
0x44: {  	[sflag:s11] =	ssyncadd.s32 $0xFFFFC000  }
0x45: {  	[spmem:s2] =	stream.indirect.scatter.add.f32 [tilespmem:s12], [sflag:$0x1], $0x80, s23, s14, $0xb8;
	[tilespmem:$0x18800] =	vst v63  }
0x46: {  	_ =	swait.ge [sflag:s11], $0x4000  }
0x47: {  	[sflag:s11] =	ssyncset.done $0x0  }
0x48: {  	[sflag:s11] =	ssyncadd.s32 $0xFFFFC000  }
0x49: {  	[spmem:s2] =	stream.indirect.scatter.add.f32 [tilespmem:s12], [sflag:$0x1], $0x80, s24, s14, $0xb8;
	[tilespmem:$0x18800] =	vst v63  }
0x4a: {  	_ =	swait.ge [sflag:s11], $0x4000  }
0x4b: {  	[sflag:s11] =	ssyncset.done $0x0  }
0x4c: {  	[sflag:s11] =	ssyncadd.s32 $0xFFFFC000  }
0x4d: {  	[spmem:s2] =	stream.indirect.scatter.add.f32 [tilespmem:s12], [sflag:$0x1], $0x80, s25, s14, $0xb8;
	[tilespmem:$0x18800] =	vst v63  }
0x4e: {  	_ =	swait.ge [sflag:s11], $0x4000  }
0x4f: {  	[sflag:s11] =	ssyncset.done $0x0  }
0x50: {  	[sflag:s11] =	ssyncadd.s32 $0xFFFFC000  }
0x51: {  	[spmem:s2] =	stream.indirect.scatter.add.f32 [tilespmem:s12], [sflag:$0x1], $0x80, s26, s14, $0xb8;
	[tilespmem:$0x18800] =	vst v63  }
0x52: {  	_ =	swait.ge [sflag:s11], $0x4000  }
0x53: {  	[sflag:s11] =	ssyncset.done $0x0  }
0x54: {  	[sflag:s11] =	ssyncadd.s32 $0xFFFFC000  }
0x55: {  	[spmem:s2] =	stream.indirect.scatter.add.f32 [tilespmem:s12], [sflag:$0x1], $0x80, s28, s14, $0xb8;
	[tilespmem:$0x18800] =	vst v63  }
0x56: {  	_ =	swait.ge [sflag:s11], $0x4000  }
0x57: {  	[sflag:s11] =	ssyncset.done $0x0  }
0x58: {  	[sflag:s11] =	ssyncadd.s32 $0xFFFFC000  }
0x59: {  	[spmem:s2] =	stream.indirect.scatter.add.f32 [tilespmem:s12], [sflag:$0x1], $0x80, s29, s14, $0xb8;
	[tilespmem:$0x18800] =	vst v63  }
0x5a: {  	_ =	swait.ge [sflag:s11], $0x4000  }
0x5b: {  	[sflag:s11] =	ssyncset.done $0x0  }
0x5c: {  	[sflag:s11] =	ssyncadd.s32 $0xFFFFC000  }
0x5d: {  	[spmem:s2] =	stream.indirect.scatter.add.f32 [tilespmem:s12], [sflag:$0x1], $0x80, s30, s14, $0xb8;
	[tilespmem:$0x18800] =	vst v63  }
0x5e: {  	_ =	swait.ge [sflag:s11], $0x4000  }
0x5f: {  	s1 =	simm.s32 $0x100;
	s0 =	simm.s32 $0x200;
	[sflag:s11] =	ssyncset.done $0x0  }
.LBB2_2:
0x60: {  	s5 =	sadd.s32 s1, s9  }
0x61: {  	[sflag:s11] =	ssyncadd.s32 $0xFFFFC000;
	s1 =	smov.u32 s0;
	s4 =	sadd.s32 $0x100, s0  }
0x62: {  	[tilespmem:s13], [sflag:$0x1] =	stream.linear.gather [hbm4b:s5+s3], $0x800, $0x38;
	[tilespmem:$0x18800] =	vst v63  }
0x63: {  	p0 =	sne.s32 s0, $0x400;
	_ =	swait.ge [sflag:s11], $0x800  }
0x64: {  	[sflag:s11] =	ssyncset.done $0x0  }
0x65: {  	[sflag:s11] =	ssyncadd.s32 $0xFFFFF800  }
0x66: {  	[spmem:s2] =	stream.indirect.scatter.add.f32 [tilespmem:s12], [sflag:$0x1], $0x80, s13, s14, $0xb8;
	[tilespmem:$0x18800] =	vst v63  }
0x67: {  	_ =	swait.ge [sflag:s11], $0x4000  }
0x68: {  	[sflag:s11] =	ssyncset.done $0x0  }
0x69: {  	[sflag:s11] =	ssyncadd.s32 $0xFFFFC000  }
0x6a: {  	[spmem:s2] =	stream.indirect.scatter.add.f32 [tilespmem:s12], [sflag:$0x1], $0x80, s15, s14, $0xb8;
	[tilespmem:$0x18800] =	vst v63  }
0x6b: {  	_ =	swait.ge [sflag:s11], $0x4000  }
0x6c: {  	[sflag:s11] =	ssyncset.done $0x0  }
0x6d: {  	[sflag:s11] =	ssyncadd.s32 $0xFFFFC000  }
0x6e: {  	[spmem:s2] =	stream.indirect.scatter.add.f32 [tilespmem:s12], [sflag:$0x1], $0x80, s16, s14, $0xb8;
	[tilespmem:$0x18800] =	vst v63  }
0x6f: {  	_ =	swait.ge [sflag:s11], $0x4000  }
0x70: {  	[sflag:s11] =	ssyncset.done $0x0  }
0x71: {  	[sflag:s11] =	ssyncadd.s32 $0xFFFFC000  }
0x72: {  	[spmem:s2] =	stream.indirect.scatter.add.f32 [tilespmem:s12], [sflag:$0x1], $0x80, s17, s14, $0xb8;
	[tilespmem:$0x18800] =	vst v63  }
0x73: {  	_ =	swait.ge [sflag:s11], $0x4000  }
0x74: {  	[sflag:s11] =	ssyncset.done $0x0  }
0x75: {  	[sflag:s11] =	ssyncadd.s32 $0xFFFFC000  }
0x76: {  	[spmem:s2] =	stream.indirect.scatter.add.f32 [tilespmem:s12], [sflag:$0x1], $0x80, s18, s14, $0xb8;
	[tilespmem:$0x18800] =	vst v63  }
0x77: {  	_ =	swait.ge [sflag:s11], $0x4000  }
0x78: {  	[sflag:s11] =	ssyncset.done $0x0  }
0x79: {  	[sflag:s11] =	ssyncadd.s32 $0xFFFFC000  }
0x7a: {  	[spmem:s2] =	stream.indirect.scatter.add.f32 [tilespmem:s12], [sflag:$0x1], $0x80, s19, s14, $0xb8;
	[tilespmem:$0x18800] =	vst v63  }
0x7b: {  	_ =	swait.ge [sflag:s11], $0x4000  }
0x7c: {  	[sflag:s11] =	ssyncset.done $0x0  }
0x7d: {  	[sflag:s11] =	ssyncadd.s32 $0xFFFFC000  }
0x7e: {  	[spmem:s2] =	stream.indirect.scatter.add.f32 [tilespmem:s12], [sflag:$0x1], $0x80, s20, s14, $0xb8;
	[tilespmem:$0x18800] =	vst v63  }
0x7f: {  	_ =	swait.ge [sflag:s11], $0x4000  }
0x80: {  	[sflag:s11] =	ssyncset.done $0x0  }
0x81: {  	[sflag:s11] =	ssyncadd.s32 $0xFFFFC000  }
0x82: {  	[spmem:s2] =	stream.indirect.scatter.add.f32 [tilespmem:s12], [sflag:$0x1], $0x80, s21, s14, $0xb8;
	[tilespmem:$0x18800] =	vst v63  }
0x83: {  	_ =	swait.ge [sflag:s11], $0x4000  }
0x84: {  	[sflag:s11] =	ssyncset.done $0x0  }
0x85: {  	[sflag:s11] =	ssyncadd.s32 $0xFFFFC000  }
0x86: {  	[spmem:s2] =	stream.indirect.scatter.add.f32 [tilespmem:s12], [sflag:$0x1], $0x80, s22, s14, $0xb8;
	[tilespmem:$0x18800] =	vst v63  }
0x87: {  	_ =	swait.ge [sflag:s11], $0x4000  }
0x88: {  	[sflag:s11] =	ssyncset.done $0x0  }
0x89: {  	[sflag:s11] =	ssyncadd.s32 $0xFFFFC000  }
0x8a: {  	[spmem:s2] =	stream.indirect.scatter.add.f32 [tilespmem:s12], [sflag:$0x1], $0x80, s23, s14, $0xb8;
	[tilespmem:$0x18800] =	vst v63  }
0x8b: {  	_ =	swait.ge [sflag:s11], $0x4000  }
0x8c: {  	[sflag:s11] =	ssyncset.done $0x0  }
0x8d: {  	[sflag:s11] =	ssyncadd.s32 $0xFFFFC000  }
0x8e: {  	[spmem:s2] =	stream.indirect.scatter.add.f32 [tilespmem:s12], [sflag:$0x1], $0x80, s24, s14, $0xb8;
	[tilespmem:$0x18800] =	vst v63  }
0x8f: {  	_ =	swait.ge [sflag:s11], $0x4000  }
0x90: {  	[sflag:s11] =	ssyncset.done $0x0  }
0x91: {  	[sflag:s11] =	ssyncadd.s32 $0xFFFFC000  }
0x92: {  	[spmem:s2] =	stream.indirect.scatter.add.f32 [tilespmem:s12], [sflag:$0x1], $0x80, s25, s14, $0xb8;
	[tilespmem:$0x18800] =	vst v63  }
0x93: {  	_ =	swait.ge [sflag:s11], $0x4000  }
0x94: {  	[sflag:s11] =	ssyncset.done $0x0  }
0x95: {  	[sflag:s11] =	ssyncadd.s32 $0xFFFFC000  }
0x96: {  	[spmem:s2] =	stream.indirect.scatter.add.f32 [tilespmem:s12], [sflag:$0x1], $0x80, s26, s14, $0xb8;
	[tilespmem:$0x18800] =	vst v63  }
0x97: {  	_ =	swait.ge [sflag:s11], $0x4000  }
0x98: {  	[sflag:s11] =	ssyncset.done $0x0  }
0x99: {  	[sflag:s11] =	ssyncadd.s32 $0xFFFFC000  }
0x9a: {  	[spmem:s2] =	stream.indirect.scatter.add.f32 [tilespmem:s12], [sflag:$0x1], $0x80, s28, s14, $0xb8;
	[tilespmem:$0x18800] =	vst v63  }
0x9b: {  	_ =	swait.ge [sflag:s11], $0x4000  }
0x9c: {  	[sflag:s11] =	ssyncset.done $0x0  }
0x9d: {  	[sflag:s11] =	ssyncadd.s32 $0xFFFFC000  }
0x9e: {  	[spmem:s2] =	stream.indirect.scatter.add.f32 [tilespmem:s12], [sflag:$0x1], $0x80, s29, s14, $0xb8;
	[tilespmem:$0x18800] =	vst v63  }
0x9f: {  	_ =	swait.ge [sflag:s11], $0x4000  }
.Ltmp0:
0xa0: {  	[sflag:s11] =	ssyncset.done $0x0;
	(pc) =	sbr.rel @p0 .LBB2_2-.Ltmp0, $4  }
0xa1: {  	[sflag:s11] =	ssyncadd.s32 $0xFFFFC000  }
0xa2: {  	[spmem:s2] =	stream.indirect.scatter.add.f32 [tilespmem:s12], [sflag:$0x1], $0x80, s30, s14, $0xb8;
	[tilespmem:$0x18800] =	vst v63  }
0xa3: {  	_ =	swait.ge [sflag:s11], $0x4000  }
0xa4: {  	s0 =	smov.u32 s4;
	[sflag:s11] =	ssyncset.done $0x0  }
0xa5: {  	s0 =	sadd.s32 s1, s9;
	[sflag:s11] =	ssyncadd.s32 $0xFFFFC000  }
0xa6: {  	[tilespmem:s13], [sflag:$0x1] =	stream.linear.gather [hbm4b:s0+s3], $0x800, $0x38;
	[tilespmem:$0x18800] =	vst v63  }
0xa7: {  	_ =	swait.ge [sflag:s11], $0x800  }
0xa8: {  	[sflag:s11] =	ssyncset.done $0x0  }
0xa9: {  	[sflag:s11] =	ssyncadd.s32 $0xFFFFF800  }
0xaa: {  	[spmem:s2] =	stream.indirect.scatter.add.f32 [tilespmem:s12], [sflag:$0x1], $0x80, s13, s14, $0xb8;
	[tilespmem:$0x18800] =	vst v63  }
0xab: {  	_ =	swait.ge [sflag:s11], $0x4000  }
0xac: {  	[sflag:s11] =	ssyncset.done $0x0  }
0xad: {  	[sflag:s11] =	ssyncadd.s32 $0xFFFFC000  }
0xae: {  	[spmem:s2] =	stream.indirect.scatter.add.f32 [tilespmem:s12], [sflag:$0x1], $0x80, s15, s14, $0xb8;
	[tilespmem:$0x18800] =	vst v63  }
0xaf: {  	_ =	swait.ge [sflag:s11], $0x4000  }
0xb0: {  	[sflag:s11] =	ssyncset.done $0x0  }
0xb1: {  	[sflag:s11] =	ssyncadd.s32 $0xFFFFC000  }
0xb2: {  	[spmem:s2] =	stream.indirect.scatter.add.f32 [tilespmem:s12], [sflag:$0x1], $0x80, s16, s14, $0xb8;
	[tilespmem:$0x18800] =	vst v63  }
0xb3: {  	_ =	swait.ge [sflag:s11], $0x4000  }
0xb4: {  	[sflag:s11] =	ssyncset.done $0x0  }
0xb5: {  	[sflag:s11] =	ssyncadd.s32 $0xFFFFC000  }
0xb6: {  	[spmem:s2] =	stream.indirect.scatter.add.f32 [tilespmem:s12], [sflag:$0x1], $0x80, s17, s14, $0xb8;
	[tilespmem:$0x18800] =	vst v63  }
0xb7: {  	_ =	swait.ge [sflag:s11], $0x4000  }
0xb8: {  	[sflag:s11] =	ssyncset.done $0x0  }
0xb9: {  	[sflag:s11] =	ssyncadd.s32 $0xFFFFC000  }
0xba: {  	[spmem:s2] =	stream.indirect.scatter.add.f32 [tilespmem:s12], [sflag:$0x1], $0x80, s18, s14, $0xb8;
	[tilespmem:$0x18800] =	vst v63  }
0xbb: {  	_ =	swait.ge [sflag:s11], $0x4000  }
0xbc: {  	[sflag:s11] =	ssyncset.done $0x0  }
0xbd: {  	[sflag:s11] =	ssyncadd.s32 $0xFFFFC000  }
0xbe: {  	[spmem:s2] =	stream.indirect.scatter.add.f32 [tilespmem:s12], [sflag:$0x1], $0x80, s19, s14, $0xb8;
	[tilespmem:$0x18800] =	vst v63  }
0xbf: {  	_ =	swait.ge [sflag:s11], $0x4000  }
0xc0: {  	[sflag:s11] =	ssyncset.done $0x0  }
0xc1: {  	[sflag:s11] =	ssyncadd.s32 $0xFFFFC000  }
0xc2: {  	[spmem:s2] =	stream.indirect.scatter.add.f32 [tilespmem:s12], [sflag:$0x1], $0x80, s20, s14, $0xb8;
	[tilespmem:$0x18800] =	vst v63  }
0xc3: {  	_ =	swait.ge [sflag:s11], $0x4000  }
0xc4: {  	[sflag:s11] =	ssyncset.done $0x0  }
0xc5: {  	[sflag:s11] =	ssyncadd.s32 $0xFFFFC000  }
0xc6: {  	[spmem:s2] =	stream.indirect.scatter.add.f32 [tilespmem:s12], [sflag:$0x1], $0x80, s21, s14, $0xb8;
	[tilespmem:$0x18800] =	vst v63  }
0xc7: {  	_ =	swait.ge [sflag:s11], $0x4000  }
0xc8: {  	[sflag:s11] =	ssyncset.done $0x0  }
0xc9: {  	[sflag:s11] =	ssyncadd.s32 $0xFFFFC000  }
0xca: {  	[spmem:s2] =	stream.indirect.scatter.add.f32 [tilespmem:s12], [sflag:$0x1], $0x80, s22, s14, $0xb8;
	[tilespmem:$0x18800] =	vst v63  }
0xcb: {  	_ =	swait.ge [sflag:s11], $0x4000  }
0xcc: {  	[sflag:s11] =	ssyncset.done $0x0  }
0xcd: {  	[sflag:s11] =	ssyncadd.s32 $0xFFFFC000  }
0xce: {  	[spmem:s2] =	stream.indirect.scatter.add.f32 [tilespmem:s12], [sflag:$0x1], $0x80, s23, s14, $0xb8;
	[tilespmem:$0x18800] =	vst v63  }
0xcf: {  	_ =	swait.ge [sflag:s11], $0x4000  }
0xd0: {  	[sflag:s11] =	ssyncset.done $0x0  }
0xd1: {  	[sflag:s11] =	ssyncadd.s32 $0xFFFFC000  }
0xd2: {  	[spmem:s2] =	stream.indirect.scatter.add.f32 [tilespmem:s12], [sflag:$0x1], $0x80, s24, s14, $0xb8;
	[tilespmem:$0x18800] =	vst v63  }
0xd3: {  	_ =	swait.ge [sflag:s11], $0x4000  }
0xd4: {  	[sflag:s11] =	ssyncset.done $0x0  }
0xd5: {  	[sflag:s11] =	ssyncadd.s32 $0xFFFFC000  }
0xd6: {  	[spmem:s2] =	stream.indirect.scatter.add.f32 [tilespmem:s12], [sflag:$0x1], $0x80, s25, s14, $0xb8;
	[tilespmem:$0x18800] =	vst v63  }
0xd7: {  	_ =	swait.ge [sflag:s11], $0x4000  }
0xd8: {  	[sflag:s11] =	ssyncset.done $0x0  }
0xd9: {  	[sflag:s11] =	ssyncadd.s32 $0xFFFFC000  }
0xda: {  	[spmem:s2] =	stream.indirect.scatter.add.f32 [tilespmem:s12], [sflag:$0x1], $0x80, s26, s14, $0xb8;
	[tilespmem:$0x18800] =	vst v63  }
0xdb: {  	_ =	swait.ge [sflag:s11], $0x4000  }
0xdc: {  	[sflag:s11] =	ssyncset.done $0x0  }
0xdd: {  	[sflag:s11] =	ssyncadd.s32 $0xFFFFC000  }
0xde: {  	[spmem:s2] =	stream.indirect.scatter.add.f32 [tilespmem:s12], [sflag:$0x1], $0x80, s28, s14, $0xb8;
	[tilespmem:$0x18800] =	vst v63  }
0xdf: {  	_ =	swait.ge [sflag:s11], $0x4000  }
0xe0: {  	[sflag:s11] =	ssyncset.done $0x0  }
0xe1: {  	[sflag:s11] =	ssyncadd.s32 $0xFFFFC000  }
0xe2: {  	[spmem:s2] =	stream.indirect.scatter.add.f32 [tilespmem:s12], [sflag:$0x1], $0x80, s29, s14, $0xb8;
	[tilespmem:$0x18800] =	vst v63  }
0xe3: {  	_ =	swait.ge [sflag:s11], $0x4000  }
0xe4: {  	[sflag:s11] =	ssyncset.done $0x0  }
0xe5: {  	[sflag:s11] =	ssyncadd.s32 $0xFFFFC000  }
0xe6: {  	[spmem:s2] =	stream.indirect.scatter.add.f32 [tilespmem:s12], [sflag:$0x1], $0x80, s30, s14, $0xb8;
	[tilespmem:$0x18800] =	vst v63  }
0xe7: {  	_ =	swait.ge [sflag:s11], $0x4000  }
0xe8: {  	s31 =	sadd.s32 $0x1, s31;
	[sflag:s11] =	ssyncset.done $0x0  }
0xe9: {  	p0 =	sne.s32 s31, s8;
	[sflag:s11] =	ssyncadd.s32 $0xFFFFC000  }
.Ltmp1:
0xea: {  	[bflag:$0x0] =	sbarrier.arrive $0xFFFF;
	(pc) =	sbr.rel @p0 .LBB2_1-.Ltmp1, $4  }
0xeb: {  	[hbm:s7], [sflag:s6] =	dma.local [spmem:s10], $0x2800  }
0xec: {  	_ =	swait.ge [sflag:s11], $0x2800  }
0xed: {  	[sflag:s11] =	ssyncset.done $0x0  }
0xee: {  	[sflag:s11] =	ssyncadd.s32 $0xFFFFD800  }
0xef: {  	_ =	sfence.sel $0x180000  }
0xf0: {  	[bflag:$0x0] =	sbarrier.arrive $0xFFFF  }
0xf1: {  	_ =	strace $0x90000047  }
0xf2: {  	s0 =	stileid.u32;
	[bflag:$0x2] =	sbarrier.arrive $0xFFFF  }
0xf3: {  	p0 =	sne.s32 s0, $0x0;
	s0 =	rddreg [dreg:$0x2]  }
0xf4: {  	s0 =	sadd.s32 @!p0 $0x100000, s0  }
0xf5: {  	[sflag:s0] =	ssyncadd.tile.s32 @!p0 $0x1;
	_ =	shalt  }
.Lfunc_end2:
_tile_overlayer_lowered:
.L_overlay_start_2:
0xf6: {  	(tag) =	ssettag $0x2  }
0xf7: {  	s0 =	rddreg [dreg:$0x0];
	s2 =	stileid.u32  }
0xf8: {  	s1 =	rddreg [dreg:$0x1];
	p0 =	sne.s32 s2, $0x0  }
0xf9: {  	s3 =	rddreg [dreg:$0x2];
	[bflag:$0x3] =	sbarrier.arrive $0xFFFF;
	s2 =	simm.s32 @!p0 $0x1C01  }
0xfa: {  	[timem:s3], [sflag:s2] =	dma.local @!p0 [hbm:s0], s1  }
0xfb: {  	s0 =	simm.s32 @!p0 $0x1  }
0xfc: {  	_ =	swait.ge @!p0 [sflag:s0], s1  }
0xfd: {  	s1 =	ssub.s32 @!p0 $0x0, s1;
	[sflag:s0] =	ssyncset.done @!p0 $0x0  }
0xfe: {  	[sflag:s0] =	ssyncadd.s32 @!p0 s1  }
0xff: {  	[bflag:$0x3] =	sbarrier.arrive $0xFFFF  }
0x100: {  	_ =	shalt  }

// kernel: kernel.13.cloned.1.call-start
scs
__scs_entry_jumppad:
0x0: {  	(pc) =	sbr.rel $0x88, $3  }
0x1: {  	(tag) =	ssettag $0x0;
	lr =	simm.s32 $0x1  }
0x2: {  	[smem:$0x3F96] =	sst lr;
	_ =	strace $0xD0000000  }
0x3: {  	_ = 	snop  }
0x4: {  	_ = 	snop  }
0x5: {  	_ = 	snop  }
0x6: {  	_ = 	snop  }
0x7: {  	_ = 	snop  }
__scs_overlays_trampoline_lowered:
0x8: {  	[smem:$0x3FA5] =	sst s0  }
0x9: {  	[smem:$0x3FA6] =	sst s1  }
0xa: {  	[smem:$0x3FA7] =	sst s2  }
0xb: {  	[smem:$0x3FA8] =	sst s3  }
0xc: {  	[smem:$0x3FA9] =	sst s4  }
0xd: {  	[smem:$0x3FAA] =	sst s5  }
0xe: {  	[smem:$0x3FAB] =	sst s6  }
0xf: {  	[smem:$0x3FAC] =	sst s7  }
0x10: {  	[smem:$0x3FAD] =	sst s8  }
0x11: {  	[smem:$0x3FAE] =	sst s9;
	s0 =	simm.s32 @!p0 $0x0  }
0x12: {  	s1 =	sld [smem:$0x3F94];
	s0 =	simm.s32 @p0 $0x1  }
0x13: {  	[smem:$0x3FAF] =	sst s0;
	s0 =	simm.s32 @!p1 $0x0  }
0x14: {  	s2 =	sld [smem:$0x3F93];
	s0 =	simm.s32 @p1 $0x1  }
0x15: {  	[smem:$0x3FB0] =	sst s0;
	s0 =	simm.s32 @!p2 $0x0  }
0x16: {  	s3 =	sld [smem:$0x3FDB];
	s0 =	simm.s32 @p2 $0x1  }
0x17: {  	s4 =	simm.s32 $0x1BF5;
	[smem:$0x3FB2] =	sst s0  }
0x18: {  	s0 =	sld [smem:$0x3F95];
	_ =	swait.ge [sflag:s4], $0x0  }
0x19: {  	s7 =	sld [smem:$0x3F96]  }
0x1a: {  	s8 =	sadd.s32 $0xFFFFE003, lr  }
0x1b: {  	s9 =	sadd.s32 $0xFFFFFEF7, lr;
	s5 =	simm.s32 $0xFFFFFFFF;
	p2 =	slt.u32 s8, $0xFFFFF086  }
0x1c: {  	p1 =	slt.u32 s9, $0xF7A;
	s5 =	simm.s32 @!p2 $0x0  }
0x1d: {  	s5 =	simm.s32 @p1 $0x1;
	p0 =	seq.s32 s7, s2  }
0x1e: {  	s7 =	smul.u32 @!p0 $0xF7A, s2;
	p2 =	seq.s32 @!p0 s5, $0x0  }
0x1f: {  	s9 =	smul.u32 $0xF7A, s1;
	s8 =	simm.s32 @!p0 $0x1BF5;
	p2 =	por !p2, p0  }
0x20: {  	[sflag:s8] =	ssyncset.s32 @!p0 $0xFFFFF086;
	s6 =	sadd.s32 @!p0 s3, s7;
	s7 =	simm.s32 @!p0 $0x108  }
0x21: {  	s3 =	sadd.s32 s3, s9;
	s6 =	sadd.s32 @!p0 $0x88, s6;
	s7 =	simm.s32 @p2 $0x1082  }
0x22: {  	[simem:s7], [sflag:s8] =	dma.local @!p0 [hbm:s6], $0xF7A  }
0x23: {  	s9 =	sor.u32 $0xD0000000, s2;
	s6 =	simm.s32 $0x108;
	_ =	swait.ge @!p0 [sflag:s8], $0x0  }
0x24: {  	s3 =	sadd.s32 $0x88, s3;
	s6 =	simm.s32 @!p1 $0x1082;
	[sflag:s4] =	ssyncset.s32 $0xFFFFF086  }
0x25: {  	[simem:s6], [sflag:s4] =	dma.local [hbm:s3], $0xF7A  }
0x26: {  	[smem:$0x3F96] =	sst s1;
	(tag) =	ssettag s2;
	_ =	strace s9  }
0x27: {  	s1 =	sld [smem:$0x3FA6]  }
0x28: {  	s2 =	sld [smem:$0x3FA7]  }
0x29: {  	s4 =	sld [smem:$0x3FA9]  }
0x2a: {  	p0 =	seq.s32 s5, $0x0;
	s5 =	sld [smem:$0x3FAA]  }
0x2b: {  	s6 =	sld [smem:$0x3FAB]  }
0x2c: {  	s7 =	sld [smem:$0x3FAC]  }
0x2d: {  	s3 =	simm.s32 $0x108;
	s8 =	sld [smem:$0x3FAD]  }
0x2e: {  	s3 =	simm.s32 @!p0 $0x1082;
	s9 =	sld [smem:$0x3FAE]  }
0x2f: {  	lr =	sadd.s32 s0, s3;
	s0 =	sld [smem:$0x3FA5]  }
0x30: {  	s3 =	sld [smem:$0x3FA8]  }
0x31: {  	[smem:$0x3FB1] =	sst s10  }
0x32: {  	s10 =	sld [smem:$0x3FAF];
	_ =	sdelay $0x3  }
0x33: {  	p0 =	seq.s32 s10, $0x1;
	s10 =	sld [smem:$0x3FB1];
	_ =	sdelay $0x3  }
0x34: {  	[smem:$0x3FB1] =	sst s10  }
0x35: {  	s10 =	sld [smem:$0x3FB0];
	_ =	sdelay $0x3  }
0x36: {  	p1 =	seq.s32 s10, $0x1;
	s10 =	sld [smem:$0x3FB1];
	_ =	sdelay $0x3  }
0x37: {  	[smem:$0x3FB1] =	sst s10  }
0x38: {  	s10 =	sld [smem:$0x3FB2]  }
0x39: {  	_ = 	snop;
	(pc) =	sbr.ind lr, $3  }
0x3a: {  	_ = 	snop  }
0x3b: {  	_ = 	snop  }
0x3c: {  	p2 =	seq.s32 s10, $0x1;
	s10 =	sld [smem:$0x3FB1]  }
0x3d: {  	_ =	shalt  }
0x3e: {  	_ =	shalt  }
0x3f: {  	_ =	shalt  }
0x40: {  	_ =	shalt  }
0x41: {  	_ =	shalt  }
0x42: {  	_ =	shalt  }
0x43: {  	_ =	shalt  }
0x44: {  	_ =	shalt  }
0x45: {  	_ =	shalt  }
0x46: {  	_ =	shalt  }
0x47: {  	_ =	shalt  }
0x48: {  	_ =	shalt  }
0x49: {  	_ =	shalt  }
0x4a: {  	_ =	shalt  }
0x4b: {  	_ =	shalt  }
0x4c: {  	_ =	shalt  }
0x4d: {  	_ =	shalt  }
0x4e: {  	_ =	shalt  }
0x4f: {  	_ =	shalt  }
0x50: {  	_ =	shalt  }
0x51: {  	_ =	shalt  }
0x52: {  	_ =	shalt  }
0x53: {  	_ =	shalt  }
0x54: {  	_ =	shalt  }
0x55: {  	_ =	shalt  }
0x56: {  	_ =	shalt  }
0x57: {  	_ =	shalt  }
0x58: {  	_ =	shalt  }
0x59: {  	_ =	shalt  }
0x5a: {  	_ =	shalt  }
0x5b: {  	_ =	shalt  }
0x5c: {  	_ =	shalt  }
0x5d: {  	_ =	shalt  }
0x5e: {  	_ =	shalt  }
0x5f: {  	_ =	shalt  }
0x60: {  	_ =	shalt  }
0x61: {  	_ =	shalt  }
0x62: {  	_ =	shalt  }
0x63: {  	_ =	shalt  }
0x64: {  	_ =	shalt  }
0x65: {  	_ =	shalt  }
0x66: {  	_ =	shalt  }
0x67: {  	_ =	shalt  }
0x68: {  	_ =	shalt  }
0x69: {  	_ =	shalt  }
0x6a: {  	_ =	shalt  }
0x6b: {  	_ =	shalt  }
0x6c: {  	_ =	shalt  }
0x6d: {  	_ =	shalt  }
0x6e: {  	_ =	shalt  }
0x6f: {  	_ =	shalt  }
0x70: {  	_ =	shalt  }
0x71: {  	_ =	shalt  }
0x72: {  	_ =	shalt  }
0x73: {  	_ =	shalt  }
0x74: {  	_ =	shalt  }
0x75: {  	_ =	shalt  }
0x76: {  	_ =	shalt  }
0x77: {  	_ =	shalt  }
0x78: {  	_ =	shalt  }
0x79: {  	_ =	shalt  }
0x7a: {  	_ =	shalt  }
0x7b: {  	_ =	shalt  }
0x7c: {  	_ =	shalt  }
0x7d: {  	_ =	shalt  }
0x7e: {  	_ =	shalt  }
0x7f: {  	_ =	shalt  }
0x80: {  	_ =	shalt  }
0x81: {  	_ =	shalt  }
0x82: {  	_ =	shalt  }
0x83: {  	_ =	shalt  }
0x84: {  	_ =	shalt  }
0x85: {  	_ =	shalt  }
0x86: {  	_ =	shalt  }
0x87: {  	_ =	shalt  }
.Lfunc_end0:
.L_simem_size_0:
called_computation.1_lowered:
.L_overlay_start_0:
0x88: {  	s2 =	sld [smem:$0x3FD9]  }
0x89: {  	s3 =	sld [smem:$0x3FFE];
	_ =	sdelay $0x1  }
0x8a: {  	s1 =	srdreg.scid  }
0x8b: {  	s0 =	sand.u32 $0x1, s1  }
0x8c: {  	s16 =	sshll.u32 s0, $0xA;
	s2 =	sadd.s32 s3, s2  }
0x8d: {  	s2 =	sadd.s32 s2, s16  }
0x8e: {  	[smem:$0x3FBD] =	sst s2  }
0x8f: {  	_ = 	snop  }
0x90: {  	(tm) =	ssettm $0x1  }
0x91: {  	s17 =	sld [smem:$0x3FFB];
	_ =	sdelay $0x3  }
0x92: {  	_ =	strace s17  }
0x93: {  	s2 =	sld [smem:$0x3FFC];
	_ =	sdelay $0x3  }
0x94: {  	_ =	strace s2  }
0x95: {  	s2 =	sld [smem:$0x3FFD];
	_ =	sdelay $0x3  }
0x96: {  	_ =	strace s2  }
0x97: {  	_ =	strace $0x8FFFFFFF  }
0x98: {  	s18 =	sld [smem:$0x3FDB];
	_ =	sdelay $0x1  }
0x99: {  	s19 =	simm.s32 $_scs_section_size  }
0x9a: {  	s4 =	simm.s32 $_size__tile_overlayer_lowered;
	s5 =	simm.s32 $_tile_overlayer_lowered  }
0x9b: {  	s22 =	simm.s32 $0x1BFF;
	s21 =	sshll.u32 s5, $0x1;
	s2 =	sadd.s32 s19, s18  }
0x9c: {  	s6 =	simm.s32 $0x0;
	s20 =	sshll.u32 s4, $0x1;
	s4 =	sadd.s32 s21, s2  }
0x9d: {  	[timem:s6], [sflag:s22] =	dma.local [hbm:s4], s20  }
0x9e: {  	_ =	swait.ge [sflag:s22], s20  }
0x9f: {  	s3 =	ssub.s32 $0x0, s20;
	[sflag:s22] =	ssyncset.done $0x0  }
0xa0: {  	[sflag:s22] =	ssyncadd.s32 s3;
	_ =	sdelay $0x1  }
0xa1: {  	s23 =	simm.s32 $0x1B8B  }
0xa2: {  	_ =	swait.ge [sflag:s23], $0x1  }
0xa3: {  	[sflag:s23] =	ssyncset.done $0x0  }
0xa4: {  	s25 =	simm.s32 $0x1B8E;
	s24 =	sld [smem:$0x3FFE];
	[sflag:s23] =	ssyncadd.s32 $0xFFFFFFFF  }
0xa5: {  	s26 =	simm.s32 $execute0_lowered;
	[smem:$0x3FD2] =	sst s25  }
0xa6: {  	s4 =	sshll.u32 s26, $0x1;
	_ =	strace $0x80000049;
	[dreg:$0x1] =	wrdreg $0xFFFFFFFF  }
0xa7: {  	s28 =	simm.s32 $_size_execute0_lowered;
	s2 =	sadd.s32 s2, s4;
	[dreg:$0x0] =	wrdreg $0x0  }
0xa8: {  	s4 =	sshll.u32 s28, $0x1;
	[dreg:$0x2] =	wrdreg s2  }
0xa9: {  	[dreg:$0x3] =	wrdreg s4  }
0xaa: {  	[dreg:$0x4] =	wrdreg $0xC0  }
0xab: {  	_ =	task [dreg:s6], $0x5FFFF  }
0xac: {  	[dreg:$0x1] =	wrdreg $0xFFFFFFFF  }
0xad: {  	[dreg:$0x0] =	wrdreg $0x60  }
0xae: {  	[dreg:$0x2] =	wrdreg s24  }
0xaf: {  	[dreg:$0x3] =	wrdreg $0x10000  }
0xb0: {  	[dreg:$0x4] =	wrdreg $0x9  }
0xb1: {  	_ =	task.clear_ibuf [dreg:s6], $0x5FFFF;
	_ =	strace $0x90000049  }
0xb2: {  	s29 =	simm.s32 $0x9;
	_ =	strace $0x8000004B  }
0xb3: {  	_ =	swait.ge [sflag:s29], $0x1  }
0xb4: {  	[sflag:s29] =	ssyncadd.s32 $0xFFFFFFFF  }
0xb5: {  	_ =	strace $0x9000004B  }
0xb6: {  	_ =	sfence  }
0xb7: {  	s30 =	sld [smem:$0x0];
	_ =	sdelay $0x2  }
0xb8: {  	s31 =	sshll.u32 s1, $0xD;
	s1 =	sshrl.u32 s1, $0x2  }
0xb9: {  	s3 =	sand.u32 $0x4000, s31;
	s1 =	sadd.s32 s1, s30  }
0xba: {  	s0 =	sor.u32 s3, s0;
	s1 =	sshll.u32 s1, $0x11  }
0xbb: {  	s0 =	sor.u32 s1, s0  }
0xbc: {  	s0 =	sadd.s32 $0x8F2B, s0  }
0xbd: {  	[sflag:s0] =	ssyncadd.remote.s32 $0x1  }
0xbe: {  	_ =	sfence.sel $0xFFFF  }
0xbf: {  	[dreg:$0x0] =	wrdreg $0xFFFFFFFF;
	(pc) =	sbr.abs _section_cstart, $3  }
0xc0: {  	[dreg:$0x1] =	wrdreg $0xFFFFFFFF  }
0xc1: {  	_ =	task.clear_ibuf [dreg:s6], $0x2FFFF;
	_ =	strace $0x9FFFFFFF  }
0xc2: {  	(tm) =	ssettm $0x7FFFFFFF  }
0xc3: {  	_ =	shalt  }
tec
execute0_lowered:
.L_overlay_start_1:
0x0: {  	(tag) =	ssettag $0x1  }
0x1: {  	s0 =	srdreg.scid;
	s1 =	rddreg [dreg:$0x0]  }
0x2: {  	s10 =	stileid.u32;
	s2 =	rddreg [dreg:$0x1]  }
0x3: {  	s3 =	simm.s32 $0x0;
	s14 =	simm.s32 $0x100;
	s15 =	simm.s32 $0x880  }
0x4: {  	s17 =	simm.s32 $0x180;
	s18 =	simm.s32 $0x900;
	[smem:$0x7FF] =	sst s3  }
0x5: {  	s19 =	simm.s32 $0x200;
	_ =	strace $0x8000004A;
	[dreg:$0x5] =	wrdreg s14  }
0x6: {  	s20 =	simm.s32 $0x980;
	s21 =	simm.s32 $0x280;
	[dreg:$0x6] =	wrdreg s15  }
0x7: {  	s22 =	simm.s32 $0xA00;
	s23 =	simm.s32 $0x300;
	[dreg:$0x7] =	wrdreg s17  }
0x8: {  	s24 =	simm.s32 $0xA80;
	s25 =	simm.s32 $0x380;
	[dreg:$0x8] =	wrdreg s18  }
0x9: {  	s26 =	simm.s32 $0xB00;
	s28 =	simm.s32 $0x680;
	[dreg:$0x9] =	wrdreg s19  }
0xa: {  	s29 =	simm.s32 $0xE00;
	s4 =	smul.u32 $0x5000, s10;
	[dreg:$0xa] =	wrdreg s20  }
0xb: {  	s30 =	simm.s32 $0x700;
	s6 =	smul.u32 $0xA00, s10;
	[dreg:$0xb] =	wrdreg s21  }
0xc: {  	s0 =	sand.u32 $0x1, s0;
	s8 =	smul.u32 $0x280, s10;
	[dreg:$0xc] =	wrdreg s22  }
0xd: {  	s31 =	simm.s32 $0xE80;
	s5 =	smul.u32 $0x50000, s0;
	[dreg:$0xd] =	wrdreg s23  }
0xe: {  	s16 =	sshll.u32 s10, $0x6;
	s9 =	smul.u32 $0x2800, s0;
	[dreg:$0xe] =	wrdreg s24  }
0xf: {  	s0 =	ssub.s32 $0x2, s0;
	s14 =	simm.s32 $0x19000;
	[dreg:$0xf] =	wrdreg s25  }
0x10: {  	s15 =	simm.s32 $0x1;
	[dreg:$0x10] =	wrdreg s26;
	s17 =	simm.s32 $0x400  }
0x11: {  	s18 =	simm.s32 $0xB80;
	s19 =	simm.s32 $0x480;
	s20 =	simm.s32 $0xC00  }
0x12: {  	s21 =	simm.s32 $0x500;
	s22 =	simm.s32 $0xC80;
	s23 =	simm.s32 $0x580  }
0x13: {  	s24 =	simm.s32 $0xD00;
	s25 =	simm.s32 $0x600;
	s26 =	simm.s32 $0xD80  }
0x14: {  	s6 =	sadd.s32 s6, s1;
	s11 =	sshrl.u32 s0, $0x1;
	s4 =	sadd.s32 s4, s5  }
0x15: {  	s5 =	sadd.s32 s8, s9;
	s9 =	smul.u32 $0x50000, s10;
	s0 =	ssub.s32 s0, s11  }
0x16: {  	s6 =	sadd.s32 $0x2600, s6;
	s8 =	sor.u32 $0x1C03, s16;
	s10 =	simm.s32 $0x3  }
0x17: {  	s11 =	simm.s32 $0x800;
	s16 =	simm.s32 $0x2;
	s7 =	sshrl.u32 s4, $0x3  }
0x18: {  	s4 =	sadd.s32 $0xC600, s1;
	s5 =	sshll.u32 s5, $0x4;
	[dreg:$0x4] =	wrdreg s6  }
0x19: {  	s0 =	smax.u32 s0, $0x1;
	[dreg:$0x12] =	wrdreg s8;
	s7 =	sadd.s32 s7, s1  }
0x1a: {  	s1 =	sadd.s32 s5, s1;
	s12 =	sshrl.u32 s9, $0x2;
	s5 =	sadd.s32 s4, s5  }
0x1b: {  	[dreg:$0x14] =	wrdreg s0;
	s0 =	simm.s32 $0xF00;
	s9 =	simm.s32 $0x0  }
0x1c: {  	s7 =	sadd.s32 $0x84E00, s7;
	s13 =	sadd.s32 s12, s2;
	[dreg:$0x11] =	wrdreg s5  }
0x1d: {  	s1 =	sadd.s32 $0x98E00, s1;
	s12 =	simm.s32 $0x80;
	[dreg:$0x3] =	wrdreg s7  }
0x1e: {  	s5 =	simm.s32 $0xF80;
	[dreg:$0x13] =	wrdreg s1;
	s7 =	sshrl.u32 s13, $0x3  }
0x1f: {  	s13 =	simm.s32 $0x15000;
	s1 =	simm.s32 $0x780;
	[dreg:$0x15] =	wrdreg s7  }
.LBB2_1:
0x20: {  	[dreg:$0x16] =	wrdreg s9  }
0x21: {  	s6 =	rddreg [dreg:$0x11]  }
0x22: {  	[spmem:s7], [sflag:s8] =	dma.local [hbm:s6], $0x2800  }
0x23: {  	_ =	swait.ge [sflag:s10], $0x2800  }
0x24: {  	[sflag:s10] =	ssyncset.done $0x0  }
0x25: {  	[sflag:s10] =	ssyncadd.s32 $0xFFFFD800  }
0x26: {  	[bflag:$0x0] =	sbarrier.arrive $0xFFFF  }
0x27: {  	s8 =	rddreg [dreg:$0x3]  }
0x28: {  	s6 =	sadd.s32 $0x0, s8  }
0x29: {  	[tilespmem:s3], [sflag:$0x3] =	stream.linear.gather [hbm4b:s6+s3], $0x800, $0x38;
	[tilespmem:$0x1D000] =	vst v63  }
0x2a: {  	_ =	swait.ge [sflag:s10], $0x800  }
0x2b: {  	s9 =	rddreg [dreg:$0x4];
	[sflag:s10] =	ssyncset.done $0x0  }
0x2c: {  	[sflag:s10] =	ssyncadd.s32 $0xFFFFF800;
	s6 =	sadd.s32 $0x0, s9  }
0x2d: {  	[tilespmem:s11], [sflag:$0x3] =	stream.linear.gather [hbm4b:s6+s3], $0x800, $0x38;
	[tilespmem:$0x1D000] =	vst v63  }
0x2e: {  	_ =	swait.ge [sflag:s10], $0x800  }
0x2f: {  	[sflag:s10] =	ssyncset.done $0x0  }
0x30: {  	[sflag:s10] =	ssyncadd.s32 $0xFFFFF800  }
0x31: {  	[tilespmem:s13], [sflag:$0x1] =	stream.indirect.gather [hbm4b:s4+s12], $0x80, s3, s12, $0xb8;
	[tilespmem:$0x1D000] =	vst v63  }
0x32: {  	_ = 	snop  }
0x33: {  	[tilespmem:s14], [sflag:$0x2] =	stream.indirect.gather [hbm4b:s4+s12], $0x80, s12, s12, $0xb8;
	[tilespmem:$0x1D000] =	vst v63  }
0x34: {  	_ =	swait.ge [sflag:s15], $0x4000  }
0x35: {  	[sflag:s15] =	ssyncset.done $0x0  }
0x36: {  	[sflag:s15] =	ssyncadd.s32 $0xFFFFC000  }
0x37: {  	[spmem:s2] =	stream.indirect.scatter.add.f32 [tilespmem:s13], [sflag:$0x3], $0x80, s11, s12, $0xb8;
	[tilespmem:$0x1D000] =	vst v63  }
0x38: {  	_ =	swait.ge [sflag:s10], $0x4000  }
0x39: {  	[sflag:s10] =	ssyncset.done $0x0  }
0x3a: {  	s7 =	rddreg [dreg:$0x5];
	[sflag:s10] =	ssyncadd.s32 $0xFFFFC000  }
0x3b: {  	[tilespmem:s13], [sflag:$0x1] =	stream.indirect.gather [hbm4b:s4+s12], $0x80, s7, s12, $0xb8;
	[tilespmem:$0x1D000] =	vst v63  }
0x3c: {  	_ =	swait.ge [sflag:s16], $0x4000  }
0x3d: {  	[sflag:s16] =	ssyncset.done $0x0  }
0x3e: {  	s8 =	rddreg [dreg:$0x6];
	[sflag:s16] =	ssyncadd.s32 $0xFFFFC000  }
0x3f: {  	[spmem:s2] =	stream.indirect.scatter.add.f32 [tilespmem:s14], [sflag:$0x3], $0x80, s8, s12, $0xb8;
	[tilespmem:$0x1D000] =	vst v63  }
0x40: {  	_ =	swait.ge [sflag:s10], $0x4000  }
0x41: {  	[sflag:s10] =	ssyncset.done $0x0  }
0x42: {  	s9 =	rddreg [dreg:$0x7];
	[sflag:s10] =	ssyncadd.s32 $0xFFFFC000  }
0x43: {  	[tilespmem:s14], [sflag:$0x2] =	stream.indirect.gather [hbm4b:s4+s12], $0x80, s9, s12, $0xb8;
	[tilespmem:$0x1D000] =	vst v63  }
0x44: {  	_ =	swait.ge [sflag:s15], $0x4000  }
0x45: {  	[sflag:s15] =	ssyncset.done $0x0  }
0x46: {  	s7 =	rddreg [dreg:$0x8];
	[sflag:s15] =	ssyncadd.s32 $0xFFFFC000  }
0x47: {  	[spmem:s2] =	stream.indirect.scatter.add.f32 [tilespmem:s13], [sflag:$0x3], $0x80, s7, s12, $0xb8;
	[tilespmem:$0x1D000] =	vst v63  }
0x48: {  	_ =	swait.ge [sflag:s10], $0x4000  }
0x49: {  	[sflag:s10] =	ssyncset.done $0x0  }
0x4a: {  	s8 =	rddreg [dreg:$0x9];
	[sflag:s10] =	ssyncadd.s32 $0xFFFFC000  }
0x4b: {  	[tilespmem:s13], [sflag:$0x1] =	stream.indirect.gather [hbm4b:s4+s12], $0x80, s8, s12, $0xb8;
	[tilespmem:$0x1D000] =	vst v63  }
0x4c: {  	_ =	swait.ge [sflag:s16], $0x4000  }
0x4d: {  	[sflag:s16] =	ssyncset.done $0x0  }
0x4e: {  	s9 =	rddreg [dreg:$0xa];
	[sflag:s16] =	ssyncadd.s32 $0xFFFFC000  }
0x4f: {  	[spmem:s2] =	stream.indirect.scatter.add.f32 [tilespmem:s14], [sflag:$0x3], $0x80, s9, s12, $0xb8;
	[tilespmem:$0x1D000] =	vst v63  }
0x50: {  	_ =	swait.ge [sflag:s10], $0x4000  }
0x51: {  	[sflag:s10] =	ssyncset.done $0x0  }
0x52: {  	s7 =	rddreg [dreg:$0xb];
	[sflag:s10] =	ssyncadd.s32 $0xFFFFC000  }
0x53: {  	[tilespmem:s14], [sflag:$0x2] =	stream.indirect.gather [hbm4b:s4+s12], $0x80, s7, s12, $0xb8;
	[tilespmem:$0x1D000] =	vst v63  }
0x54: {  	_ =	swait.ge [sflag:s15], $0x4000  }
0x55: {  	[sflag:s15] =	ssyncset.done $0x0  }
0x56: {  	s8 =	rddreg [dreg:$0xc];
	[sflag:s15] =	ssyncadd.s32 $0xFFFFC000  }
0x57: {  	[spmem:s2] =	stream.indirect.scatter.add.f32 [tilespmem:s13], [sflag:$0x3], $0x80, s8, s12, $0xb8;
	[tilespmem:$0x1D000] =	vst v63  }
0x58: {  	_ =	swait.ge [sflag:s10], $0x4000  }
0x59: {  	[sflag:s10] =	ssyncset.done $0x0  }
0x5a: {  	s9 =	rddreg [dreg:$0xd];
	[sflag:s10] =	ssyncadd.s32 $0xFFFFC000  }
0x5b: {  	[tilespmem:s13], [sflag:$0x1] =	stream.indirect.gather [hbm4b:s4+s12], $0x80, s9, s12, $0xb8;
	[tilespmem:$0x1D000] =	vst v63  }
0x5c: {  	_ =	swait.ge [sflag:s16], $0x4000  }
0x5d: {  	[sflag:s16] =	ssyncset.done $0x0  }
0x5e: {  	s7 =	rddreg [dreg:$0xe];
	[sflag:s16] =	ssyncadd.s32 $0xFFFFC000  }
0x5f: {  	[spmem:s2] =	stream.indirect.scatter.add.f32 [tilespmem:s14], [sflag:$0x3], $0x80, s7, s12, $0xb8;
	[tilespmem:$0x1D000] =	vst v63  }
0x60: {  	_ =	swait.ge [sflag:s10], $0x4000  }
0x61: {  	[sflag:s10] =	ssyncset.done $0x0  }
0x62: {  	s8 =	rddreg [dreg:$0xf];
	[sflag:s10] =	ssyncadd.s32 $0xFFFFC000  }
0x63: {  	[tilespmem:s14], [sflag:$0x2] =	stream.indirect.gather [hbm4b:s4+s12], $0x80, s8, s12, $0xb8;
	[tilespmem:$0x1D000] =	vst v63  }
0x64: {  	_ =	swait.ge [sflag:s15], $0x4000  }
0x65: {  	[sflag:s15] =	ssyncset.done $0x0  }
0x66: {  	s9 =	rddreg [dreg:$0x10];
	[sflag:s15] =	ssyncadd.s32 $0xFFFFC000  }
0x67: {  	[spmem:s2] =	stream.indirect.scatter.add.f32 [tilespmem:s13], [sflag:$0x3], $0x80, s9, s12, $0xb8;
	[tilespmem:$0x1D000] =	vst v63  }
0x68: {  	_ =	swait.ge [sflag:s10], $0x4000  }
0x69: {  	[sflag:s10] =	ssyncset.done $0x0  }
0x6a: {  	[sflag:s10] =	ssyncadd.s32 $0xFFFFC000  }
0x6b: {  	[tilespmem:s13], [sflag:$0x1] =	stream.indirect.gather [hbm4b:s4+s12], $0x80, s17, s12, $0xb8;
	[tilespmem:$0x1D000] =	vst v63  }
0x6c: {  	_ =	swait.ge [sflag:s16], $0x4000  }
0x6d: {  	[sflag:s16] =	ssyncset.done $0x0  }
0x6e: {  	[sflag:s16] =	ssyncadd.s32 $0xFFFFC000  }
0x6f: {  	[spmem:s2] =	stream.indirect.scatter.add.f32 [tilespmem:s14], [sflag:$0x3], $0x80, s18, s12, $0xb8;
	[tilespmem:$0x1D000] =	vst v63  }
0x70: {  	_ =	swait.ge [sflag:s10], $0x4000  }
0x71: {  	[sflag:s10] =	ssyncset.done $0x0  }
0x72: {  	[sflag:s10] =	ssyncadd.s32 $0xFFFFC000  }
0x73: {  	[tilespmem:s14], [sflag:$0x2] =	stream.indirect.gather [hbm4b:s4+s12], $0x80, s19, s12, $0xb8;
	[tilespmem:$0x1D000] =	vst v63  }
0x74: {  	_ =	swait.ge [sflag:s15], $0x4000  }
0x75: {  	[sflag:s15] =	ssyncset.done $0x0  }
0x76: {  	[sflag:s15] =	ssyncadd.s32 $0xFFFFC000  }
0x77: {  	[spmem:s2] =	stream.indirect.scatter.add.f32 [tilespmem:s13], [sflag:$0x3], $0x80, s20, s12, $0xb8;
	[tilespmem:$0x1D000] =	vst v63  }
0x78: {  	_ =	swait.ge [sflag:s10], $0x4000  }
0x79: {  	[sflag:s10] =	ssyncset.done $0x0  }
0x7a: {  	[sflag:s10] =	ssyncadd.s32 $0xFFFFC000  }
0x7b: {  	[tilespmem:s13], [sflag:$0x1] =	stream.indirect.gather [hbm4b:s4+s12], $0x80, s21, s12, $0xb8;
	[tilespmem:$0x1D000] =	vst v63  }
0x7c: {  	_ =	swait.ge [sflag:s16], $0x4000  }
0x7d: {  	[sflag:s16] =	ssyncset.done $0x0  }
0x7e: {  	[sflag:s16] =	ssyncadd.s32 $0xFFFFC000  }
0x7f: {  	[spmem:s2] =	stream.indirect.scatter.add.f32 [tilespmem:s14], [sflag:$0x3], $0x80, s22, s12, $0xb8;
	[tilespmem:$0x1D000] =	vst v63  }
0x80: {  	_ =	swait.ge [sflag:s10], $0x4000  }
0x81: {  	[sflag:s10] =	ssyncset.done $0x0  }
0x82: {  	[sflag:s10] =	ssyncadd.s32 $0xFFFFC000  }
0x83: {  	[tilespmem:s14], [sflag:$0x2] =	stream.indirect.gather [hbm4b:s4+s12], $0x80, s23, s12, $0xb8;
	[tilespmem:$0x1D000] =	vst v63  }
0x84: {  	_ =	swait.ge [sflag:s15], $0x4000  }
0x85: {  	[sflag:s15] =	ssyncset.done $0x0  }
0x86: {  	[sflag:s15] =	ssyncadd.s32 $0xFFFFC000  }
0x87: {  	[spmem:s2] =	stream.indirect.scatter.add.f32 [tilespmem:s13], [sflag:$0x3], $0x80, s24, s12, $0xb8;
	[tilespmem:$0x1D000] =	vst v63  }
0x88: {  	_ =	swait.ge [sflag:s10], $0x4000  }
0x89: {  	[sflag:s10] =	ssyncset.done $0x0  }
0x8a: {  	[sflag:s10] =	ssyncadd.s32 $0xFFFFC000  }
0x8b: {  	[tilespmem:s13], [sflag:$0x1] =	stream.indirect.gather [hbm4b:s4+s12], $0x80, s25, s12, $0xb8;
	[tilespmem:$0x1D000] =	vst v63  }
0x8c: {  	_ =	swait.ge [sflag:s16], $0x4000  }
0x8d: {  	[sflag:s16] =	ssyncset.done $0x0  }
0x8e: {  	[sflag:s16] =	ssyncadd.s32 $0xFFFFC000  }
0x8f: {  	[spmem:s2] =	stream.indirect.scatter.add.f32 [tilespmem:s14], [sflag:$0x3], $0x80, s26, s12, $0xb8;
	[tilespmem:$0x1D000] =	vst v63  }
0x90: {  	_ =	swait.ge [sflag:s10], $0x4000  }
0x91: {  	[sflag:s10] =	ssyncset.done $0x0  }
0x92: {  	[sflag:s10] =	ssyncadd.s32 $0xFFFFC000  }
0x93: {  	[tilespmem:s14], [sflag:$0x2] =	stream.indirect.gather [hbm4b:s4+s12], $0x80, s28, s12, $0xb8;
	[tilespmem:$0x1D000] =	vst v63  }
0x94: {  	_ =	swait.ge [sflag:s15], $0x4000  }
0x95: {  	[sflag:s15] =	ssyncset.done $0x0  }
0x96: {  	[sflag:s15] =	ssyncadd.s32 $0xFFFFC000  }
0x97: {  	[spmem:s2] =	stream.indirect.scatter.add.f32 [tilespmem:s13], [sflag:$0x3], $0x80, s29, s12, $0xb8;
	[tilespmem:$0x1D000] =	vst v63  }
0x98: {  	_ =	swait.ge [sflag:s10], $0x4000  }
0x99: {  	[sflag:s10] =	ssyncset.done $0x0  }
0x9a: {  	[sflag:s10] =	ssyncadd.s32 $0xFFFFC000  }
0x9b: {  	[tilespmem:s13], [sflag:$0x1] =	stream.indirect.gather [hbm4b:s4+s12], $0x80, s30, s12, $0xb8;
	[tilespmem:$0x1D000] =	vst v63  }
0x9c: {  	_ =	swait.ge [sflag:s16], $0x4000  }
0x9d: {  	[sflag:s16] =	ssyncset.done $0x0  }
0x9e: {  	[sflag:s16] =	ssyncadd.s32 $0xFFFFC000  }
0x9f: {  	[spmem:s2] =	stream.indirect.scatter.add.f32 [tilespmem:s14], [sflag:$0x3], $0x80, s31, s12, $0xb8;
	[tilespmem:$0x1D000] =	vst v63  }
0xa0: {  	_ =	swait.ge [sflag:s10], $0x4000  }
0xa1: {  	[sflag:s10] =	ssyncset.done $0x0  }
0xa2: {  	[sflag:s10] =	ssyncadd.s32 $0xFFFFC000  }
0xa3: {  	[tilespmem:s14], [sflag:$0x2] =	stream.indirect.gather [hbm4b:s4+s12], $0x80, s1, s12, $0xb8;
	[tilespmem:$0x1D000] =	vst v63  }
0xa4: {  	_ =	swait.ge [sflag:s15], $0x4000  }
0xa5: {  	[sflag:s15] =	ssyncset.done $0x0  }
0xa6: {  	[sflag:s15] =	ssyncadd.s32 $0xFFFFC000  }
0xa7: {  	[spmem:s2] =	stream.indirect.scatter.add.f32 [tilespmem:s13], [sflag:$0x3], $0x80, s0, s12, $0xb8;
	[tilespmem:$0x1D000] =	vst v63  }
0xa8: {  	_ =	swait.ge [sflag:s10], $0x4000  }
0xa9: {  	[sflag:s10] =	ssyncset.done $0x0  }
0xaa: {  	[sflag:s10] =	ssyncadd.s32 $0xFFFFC000  }
0xab: {  	_ =	swait.ge [sflag:s16], $0x4000  }
0xac: {  	[sflag:s16] =	ssyncset.done $0x0  }
0xad: {  	[sflag:s16] =	ssyncadd.s32 $0xFFFFC000  }
0xae: {  	[spmem:s2] =	stream.indirect.scatter.add.f32 [tilespmem:s14], [sflag:$0x3], $0x80, s5, s12, $0xb8;
	[tilespmem:$0x1D000] =	vst v63  }
0xaf: {  	s6 =	simm.s32 $0x200;
	_ =	swait.ge [sflag:s10], $0x4000  }
0xb0: {  	s8 =	simm.s32 $0x100;
	s9 =	rddreg [dreg:$0x3];
	[sflag:s10] =	ssyncset.done $0x0  }
.LBB2_2:
0xb1: {  	[sflag:s10] =	ssyncadd.s32 $0xFFFFC000;
	s9 =	sadd.s32 s8, s9  }
0xb2: {  	[tilespmem:s3], [sflag:$0x3] =	stream.linear.gather [hbm4b:s9+s3], $0x800, $0x38;
	[tilespmem:$0x1D000] =	vst v63  }
0xb3: {  	_ =	swait.ge [sflag:s10], $0x800  }
0xb4: {  	s9 =	rddreg [dreg:$0x4];
	[sflag:s10] =	ssyncset.done $0x0  }
0xb5: {  	[sflag:s10] =	ssyncadd.s32 $0xFFFFF800;
	s9 =	sadd.s32 s8, s9  }
0xb6: {  	[tilespmem:s11], [sflag:$0x3] =	stream.linear.gather [hbm4b:s9+s3], $0x800, $0x38;
	[tilespmem:$0x1D000] =	vst v63  }
0xb7: {  	_ =	swait.ge [sflag:s10], $0x800  }
0xb8: {  	[sflag:s10] =	ssyncset.done $0x0  }
0xb9: {  	[sflag:s10] =	ssyncadd.s32 $0xFFFFF800  }
0xba: {  	[tilespmem:s13], [sflag:$0x1] =	stream.indirect.gather [hbm4b:s4+s12], $0x80, s3, s12, $0xb8;
	[tilespmem:$0x1D000] =	vst v63  }
0xbb: {  	_ = 	snop  }
0xbc: {  	[tilespmem:s14], [sflag:$0x2] =	stream.indirect.gather [hbm4b:s4+s12], $0x80, s12, s12, $0xb8;
	[tilespmem:$0x1D000] =	vst v63  }
0xbd: {  	_ =	swait.ge [sflag:s15], $0x4000  }
0xbe: {  	[sflag:s15] =	ssyncset.done $0x0  }
0xbf: {  	[sflag:s15] =	ssyncadd.s32 $0xFFFFC000  }
0xc0: {  	[spmem:s2] =	stream.indirect.scatter.add.f32 [tilespmem:s13], [sflag:$0x3], $0x80, s11, s12, $0xb8;
	[tilespmem:$0x1D000] =	vst v63  }
0xc1: {  	_ =	swait.ge [sflag:s10], $0x4000  }
0xc2: {  	[sflag:s10] =	ssyncset.done $0x0  }
0xc3: {  	s9 =	rddreg [dreg:$0x5];
	[sflag:s10] =	ssyncadd.s32 $0xFFFFC000  }
0xc4: {  	[tilespmem:s13], [sflag:$0x1] =	stream.indirect.gather [hbm4b:s4+s12], $0x80, s9, s12, $0xb8;
	[tilespmem:$0x1D000] =	vst v63  }
0xc5: {  	_ =	swait.ge [sflag:s16], $0x4000  }
0xc6: {  	[sflag:s16] =	ssyncset.done $0x0  }
0xc7: {  	s9 =	rddreg [dreg:$0x6];
	[sflag:s16] =	ssyncadd.s32 $0xFFFFC000  }
0xc8: {  	[spmem:s2] =	stream.indirect.scatter.add.f32 [tilespmem:s14], [sflag:$0x3], $0x80, s9, s12, $0xb8;
	[tilespmem:$0x1D000] =	vst v63  }
0xc9: {  	_ =	swait.ge [sflag:s10], $0x4000  }
0xca: {  	[sflag:s10] =	ssyncset.done $0x0  }
0xcb: {  	s9 =	rddreg [dreg:$0x7];
	[sflag:s10] =	ssyncadd.s32 $0xFFFFC000  }
0xcc: {  	[tilespmem:s14], [sflag:$0x2] =	stream.indirect.gather [hbm4b:s4+s12], $0x80, s9, s12, $0xb8;
	[tilespmem:$0x1D000] =	vst v63  }
0xcd: {  	_ =	swait.ge [sflag:s15], $0x4000  }
0xce: {  	[sflag:s15] =	ssyncset.done $0x0  }
0xcf: {  	s9 =	rddreg [dreg:$0x8];
	[sflag:s15] =	ssyncadd.s32 $0xFFFFC000  }
0xd0: {  	[spmem:s2] =	stream.indirect.scatter.add.f32 [tilespmem:s13], [sflag:$0x3], $0x80, s9, s12, $0xb8;
	[tilespmem:$0x1D000] =	vst v63  }
0xd1: {  	_ =	swait.ge [sflag:s10], $0x4000  }
0xd2: {  	[sflag:s10] =	ssyncset.done $0x0  }
0xd3: {  	s9 =	rddreg [dreg:$0x9];
	[sflag:s10] =	ssyncadd.s32 $0xFFFFC000  }
0xd4: {  	[tilespmem:s13], [sflag:$0x1] =	stream.indirect.gather [hbm4b:s4+s12], $0x80, s9, s12, $0xb8;
	[tilespmem:$0x1D000] =	vst v63  }
0xd5: {  	_ =	swait.ge [sflag:s16], $0x4000  }
0xd6: {  	[sflag:s16] =	ssyncset.done $0x0  }
0xd7: {  	s9 =	rddreg [dreg:$0xa];
	[sflag:s16] =	ssyncadd.s32 $0xFFFFC000  }
0xd8: {  	[spmem:s2] =	stream.indirect.scatter.add.f32 [tilespmem:s14], [sflag:$0x3], $0x80, s9, s12, $0xb8;
	[tilespmem:$0x1D000] =	vst v63  }
0xd9: {  	_ =	swait.ge [sflag:s10], $0x4000  }
0xda: {  	[sflag:s10] =	ssyncset.done $0x0  }
0xdb: {  	s9 =	rddreg [dreg:$0xb];
	[sflag:s10] =	ssyncadd.s32 $0xFFFFC000  }
0xdc: {  	[tilespmem:s14], [sflag:$0x2] =	stream.indirect.gather [hbm4b:s4+s12], $0x80, s9, s12, $0xb8;
	[tilespmem:$0x1D000] =	vst v63  }
0xdd: {  	_ =	swait.ge [sflag:s15], $0x4000  }
0xde: {  	[sflag:s15] =	ssyncset.done $0x0  }
0xdf: {  	s9 =	rddreg [dreg:$0xc];
	[sflag:s15] =	ssyncadd.s32 $0xFFFFC000  }
0xe0: {  	[spmem:s2] =	stream.indirect.scatter.add.f32 [tilespmem:s13], [sflag:$0x3], $0x80, s9, s12, $0xb8;
	[tilespmem:$0x1D000] =	vst v63  }
0xe1: {  	_ =	swait.ge [sflag:s10], $0x4000  }
0xe2: {  	[sflag:s10] =	ssyncset.done $0x0  }
0xe3: {  	s9 =	rddreg [dreg:$0xd];
	[sflag:s10] =	ssyncadd.s32 $0xFFFFC000  }
0xe4: {  	[tilespmem:s13], [sflag:$0x1] =	stream.indirect.gather [hbm4b:s4+s12], $0x80, s9, s12, $0xb8;
	[tilespmem:$0x1D000] =	vst v63  }
0xe5: {  	_ =	swait.ge [sflag:s16], $0x4000  }
0xe6: {  	[sflag:s16] =	ssyncset.done $0x0  }
0xe7: {  	s9 =	rddreg [dreg:$0xe];
	[sflag:s16] =	ssyncadd.s32 $0xFFFFC000  }
0xe8: {  	[spmem:s2] =	stream.indirect.scatter.add.f32 [tilespmem:s14], [sflag:$0x3], $0x80, s9, s12, $0xb8;
	[tilespmem:$0x1D000] =	vst v63  }
0xe9: {  	_ =	swait.ge [sflag:s10], $0x4000  }
0xea: {  	[sflag:s10] =	ssyncset.done $0x0  }
0xeb: {  	s9 =	rddreg [dreg:$0xf];
	[sflag:s10] =	ssyncadd.s32 $0xFFFFC000  }
0xec: {  	[tilespmem:s14], [sflag:$0x2] =	stream.indirect.gather [hbm4b:s4+s12], $0x80, s9, s12, $0xb8;
	[tilespmem:$0x1D000] =	vst v63  }
0xed: {  	_ =	swait.ge [sflag:s15], $0x4000  }
0xee: {  	[sflag:s15] =	ssyncset.done $0x0  }
0xef: {  	s9 =	rddreg [dreg:$0x10];
	[sflag:s15] =	ssyncadd.s32 $0xFFFFC000  }
0xf0: {  	[spmem:s2] =	stream.indirect.scatter.add.f32 [tilespmem:s13], [sflag:$0x3], $0x80, s9, s12, $0xb8;
	[tilespmem:$0x1D000] =	vst v63  }
0xf1: {  	_ =	swait.ge [sflag:s10], $0x4000  }
0xf2: {  	[sflag:s10] =	ssyncset.done $0x0  }
0xf3: {  	[sflag:s10] =	ssyncadd.s32 $0xFFFFC000  }
0xf4: {  	[tilespmem:s13], [sflag:$0x1] =	stream.indirect.gather [hbm4b:s4+s12], $0x80, s17, s12, $0xb8;
	[tilespmem:$0x1D000] =	vst v63  }
0xf5: {  	_ =	swait.ge [sflag:s16], $0x4000  }
0xf6: {  	[sflag:s16] =	ssyncset.done $0x0  }
0xf7: {  	[sflag:s16] =	ssyncadd.s32 $0xFFFFC000  }
0xf8: {  	[spmem:s2] =	stream.indirect.scatter.add.f32 [tilespmem:s14], [sflag:$0x3], $0x80, s18, s12, $0xb8;
	[tilespmem:$0x1D000] =	vst v63  }
0xf9: {  	_ =	swait.ge [sflag:s10], $0x4000  }
0xfa: {  	[sflag:s10] =	ssyncset.done $0x0  }
0xfb: {  	[sflag:s10] =	ssyncadd.s32 $0xFFFFC000  }
0xfc: {  	[tilespmem:s14], [sflag:$0x2] =	stream.indirect.gather [hbm4b:s4+s12], $0x80, s19, s12, $0xb8;
	[tilespmem:$0x1D000] =	vst v63  }
0xfd: {  	_ =	swait.ge [sflag:s15], $0x4000  }
0xfe: {  	[sflag:s15] =	ssyncset.done $0x0  }
0xff: {  	[sflag:s15] =	ssyncadd.s32 $0xFFFFC000  }
0x100: {  	[spmem:s2] =	stream.indirect.scatter.add.f32 [tilespmem:s13], [sflag:$0x3], $0x80, s20, s12, $0xb8;
	[tilespmem:$0x1D000] =	vst v63  }
0x101: {  	_ =	swait.ge [sflag:s10], $0x4000  }
0x102: {  	[sflag:s10] =	ssyncset.done $0x0  }
0x103: {  	[sflag:s10] =	ssyncadd.s32 $0xFFFFC000  }
0x104: {  	[tilespmem:s13], [sflag:$0x1] =	stream.indirect.gather [hbm4b:s4+s12], $0x80, s21, s12, $0xb8;
	[tilespmem:$0x1D000] =	vst v63  }
0x105: {  	_ =	swait.ge [sflag:s16], $0x4000  }
0x106: {  	[sflag:s16] =	ssyncset.done $0x0  }
0x107: {  	[sflag:s16] =	ssyncadd.s32 $0xFFFFC000  }
0x108: {  	[spmem:s2] =	stream.indirect.scatter.add.f32 [tilespmem:s14], [sflag:$0x3], $0x80, s22, s12, $0xb8;
	[tilespmem:$0x1D000] =	vst v63  }
0x109: {  	_ =	swait.ge [sflag:s10], $0x4000  }
0x10a: {  	[sflag:s10] =	ssyncset.done $0x0  }
0x10b: {  	[sflag:s10] =	ssyncadd.s32 $0xFFFFC000  }
0x10c: {  	[tilespmem:s14], [sflag:$0x2] =	stream.indirect.gather [hbm4b:s4+s12], $0x80, s23, s12, $0xb8;
	[tilespmem:$0x1D000] =	vst v63  }
0x10d: {  	_ =	swait.ge [sflag:s15], $0x4000  }
0x10e: {  	[sflag:s15] =	ssyncset.done $0x0  }
0x10f: {  	[sflag:s15] =	ssyncadd.s32 $0xFFFFC000  }
0x110: {  	[spmem:s2] =	stream.indirect.scatter.add.f32 [tilespmem:s13], [sflag:$0x3], $0x80, s24, s12, $0xb8;
	[tilespmem:$0x1D000] =	vst v63  }
0x111: {  	_ =	swait.ge [sflag:s10], $0x4000  }
0x112: {  	[sflag:s10] =	ssyncset.done $0x0  }
0x113: {  	[sflag:s10] =	ssyncadd.s32 $0xFFFFC000  }
0x114: {  	[tilespmem:s13], [sflag:$0x1] =	stream.indirect.gather [hbm4b:s4+s12], $0x80, s25, s12, $0xb8;
	[tilespmem:$0x1D000] =	vst v63  }
0x115: {  	_ =	swait.ge [sflag:s16], $0x4000  }
0x116: {  	[sflag:s16] =	ssyncset.done $0x0  }
0x117: {  	[sflag:s16] =	ssyncadd.s32 $0xFFFFC000  }
0x118: {  	[spmem:s2] =	stream.indirect.scatter.add.f32 [tilespmem:s14], [sflag:$0x3], $0x80, s26, s12, $0xb8;
	[tilespmem:$0x1D000] =	vst v63  }
0x119: {  	_ =	swait.ge [sflag:s10], $0x4000  }
0x11a: {  	[sflag:s10] =	ssyncset.done $0x0  }
0x11b: {  	[sflag:s10] =	ssyncadd.s32 $0xFFFFC000  }
0x11c: {  	[tilespmem:s14], [sflag:$0x2] =	stream.indirect.gather [hbm4b:s4+s12], $0x80, s28, s12, $0xb8;
	[tilespmem:$0x1D000] =	vst v63  }
0x11d: {  	_ =	swait.ge [sflag:s15], $0x4000  }
0x11e: {  	[sflag:s15] =	ssyncset.done $0x0  }
0x11f: {  	[sflag:s15] =	ssyncadd.s32 $0xFFFFC000  }
0x120: {  	[spmem:s2] =	stream.indirect.scatter.add.f32 [tilespmem:s13], [sflag:$0x3], $0x80, s29, s12, $0xb8;
	[tilespmem:$0x1D000] =	vst v63  }
0x121: {  	_ =	swait.ge [sflag:s10], $0x4000  }
0x122: {  	[sflag:s10] =	ssyncset.done $0x0  }
0x123: {  	[sflag:s10] =	ssyncadd.s32 $0xFFFFC000  }
0x124: {  	[tilespmem:s13], [sflag:$0x1] =	stream.indirect.gather [hbm4b:s4+s12], $0x80, s30, s12, $0xb8;
	[tilespmem:$0x1D000] =	vst v63  }
0x125: {  	_ =	swait.ge [sflag:s16], $0x4000  }
0x126: {  	[sflag:s16] =	ssyncset.done $0x0  }
0x127: {  	[sflag:s16] =	ssyncadd.s32 $0xFFFFC000  }
0x128: {  	[spmem:s2] =	stream.indirect.scatter.add.f32 [tilespmem:s14], [sflag:$0x3], $0x80, s31, s12, $0xb8;
	[tilespmem:$0x1D000] =	vst v63  }
0x129: {  	_ =	swait.ge [sflag:s10], $0x4000  }
0x12a: {  	[sflag:s10] =	ssyncset.done $0x0  }
0x12b: {  	[sflag:s10] =	ssyncadd.s32 $0xFFFFC000  }
0x12c: {  	[tilespmem:s14], [sflag:$0x2] =	stream.indirect.gather [hbm4b:s4+s12], $0x80, s1, s12, $0xb8;
	[tilespmem:$0x1D000] =	vst v63  }
0x12d: {  	_ =	swait.ge [sflag:s15], $0x4000  }
0x12e: {  	[sflag:s15] =	ssyncset.done $0x0  }
0x12f: {  	[sflag:s15] =	ssyncadd.s32 $0xFFFFC000  }
0x130: {  	[spmem:s2] =	stream.indirect.scatter.add.f32 [tilespmem:s13], [sflag:$0x3], $0x80, s0, s12, $0xb8;
	[tilespmem:$0x1D000] =	vst v63  }
0x131: {  	_ =	swait.ge [sflag:s10], $0x4000  }
0x132: {  	[sflag:s10] =	ssyncset.done $0x0  }
0x133: {  	[sflag:s10] =	ssyncadd.s32 $0xFFFFC000  }
0x134: {  	p0 =	sne.s32 s6, $0x900;
	_ =	swait.ge [sflag:s16], $0x4000  }
.Ltmp0:
0x135: {  	[sflag:s16] =	ssyncset.done $0x0;
	(pc) =	sbr.rel @p0 .LBB2_2-.Ltmp0, $4  }
0x136: {  	[sflag:s16] =	ssyncadd.s32 $0xFFFFC000  }
0x137: {  	[spmem:s2] =	stream.indirect.scatter.add.f32 [tilespmem:s14], [sflag:$0x3], $0x80, s5, s12, $0xb8;
	[tilespmem:$0x1D000] =	vst v63  }
0x138: {  	s7 =	smov.u32 s6;
	s6 =	sadd.s32 $0x100, s6;
	_ =	swait.ge [sflag:s10], $0x4000  }
0x139: {  	s8 =	smov.u32 s7;
	s9 =	rddreg [dreg:$0x3];
	[sflag:s10] =	ssyncset.done $0x0  }
0x13a: {  	[sflag:s10] =	ssyncadd.s32 $0xFFFFC000;
	s6 =	sadd.s32 s8, s9  }
0x13b: {  	[tilespmem:s3], [sflag:$0x3] =	stream.linear.gather [hbm4b:s6+s3], $0x800, $0x38;
	[tilespmem:$0x1D000] =	vst v63  }
0x13c: {  	_ =	swait.ge [sflag:s10], $0x800  }
0x13d: {  	s7 =	rddreg [dreg:$0x4];
	[sflag:s10] =	ssyncset.done $0x0  }
0x13e: {  	s6 =	sadd.s32 s8, s7;
	[sflag:s10] =	ssyncadd.s32 $0xFFFFF800  }
0x13f: {  	[tilespmem:s11], [sflag:$0x3] =	stream.linear.gather [hbm4b:s6+s3], $0x800, $0x38;
	[tilespmem:$0x1D000] =	vst v63  }
0x140: {  	_ =	swait.ge [sflag:s10], $0x800  }
0x141: {  	[sflag:s10] =	ssyncset.done $0x0  }
0x142: {  	[sflag:s10] =	ssyncadd.s32 $0xFFFFF800  }
0x143: {  	[tilespmem:s13], [sflag:$0x1] =	stream.indirect.gather [hbm4b:s4+s12], $0x80, s3, s12, $0xb8;
	[tilespmem:$0x1D000] =	vst v63  }
0x144: {  	_ = 	snop  }
0x145: {  	[tilespmem:s14], [sflag:$0x2] =	stream.indirect.gather [hbm4b:s4+s12], $0x80, s12, s12, $0xb8;
	[tilespmem:$0x1D000] =	vst v63  }
0x146: {  	_ =	swait.ge [sflag:s15], $0x4000  }
0x147: {  	[sflag:s15] =	ssyncset.done $0x0  }
0x148: {  	[sflag:s15] =	ssyncadd.s32 $0xFFFFC000  }
0x149: {  	[spmem:s2] =	stream.indirect.scatter.add.f32 [tilespmem:s13], [sflag:$0x3], $0x80, s11, s12, $0xb8;
	[tilespmem:$0x1D000] =	vst v63  }
0x14a: {  	_ =	swait.ge [sflag:s10], $0x4000  }
0x14b: {  	[sflag:s10] =	ssyncset.done $0x0  }
0x14c: {  	s9 =	rddreg [dreg:$0x5];
	[sflag:s10] =	ssyncadd.s32 $0xFFFFC000  }
0x14d: {  	[tilespmem:s13], [sflag:$0x1] =	stream.indirect.gather [hbm4b:s4+s12], $0x80, s9, s12, $0xb8;
	[tilespmem:$0x1D000] =	vst v63  }
0x14e: {  	_ =	swait.ge [sflag:s16], $0x4000  }
0x14f: {  	[sflag:s16] =	ssyncset.done $0x0  }
0x150: {  	s7 =	rddreg [dreg:$0x6];
	[sflag:s16] =	ssyncadd.s32 $0xFFFFC000  }
0x151: {  	[spmem:s2] =	stream.indirect.scatter.add.f32 [tilespmem:s14], [sflag:$0x3], $0x80, s7, s12, $0xb8;
	[tilespmem:$0x1D000] =	vst v63  }
0x152: {  	_ =	swait.ge [sflag:s10], $0x4000  }
0x153: {  	[sflag:s10] =	ssyncset.done $0x0  }
0x154: {  	s8 =	rddreg [dreg:$0x7];
	[sflag:s10] =	ssyncadd.s32 $0xFFFFC000  }
0x155: {  	[tilespmem:s14], [sflag:$0x2] =	stream.indirect.gather [hbm4b:s4+s12], $0x80, s8, s12, $0xb8;
	[tilespmem:$0x1D000] =	vst v63  }
0x156: {  	_ =	swait.ge [sflag:s15], $0x4000  }
0x157: {  	[sflag:s15] =	ssyncset.done $0x0  }
0x158: {  	s9 =	rddreg [dreg:$0x8];
	[sflag:s15] =	ssyncadd.s32 $0xFFFFC000  }
0x159: {  	[spmem:s2] =	stream.indirect.scatter.add.f32 [tilespmem:s13], [sflag:$0x3], $0x80, s9, s12, $0xb8;
	[tilespmem:$0x1D000] =	vst v63  }
0x15a: {  	_ =	swait.ge [sflag:s10], $0x4000  }
0x15b: {  	[sflag:s10] =	ssyncset.done $0x0  }
0x15c: {  	s7 =	rddreg [dreg:$0x9];
	[sflag:s10] =	ssyncadd.s32 $0xFFFFC000  }
0x15d: {  	[tilespmem:s13], [sflag:$0x1] =	stream.indirect.gather [hbm4b:s4+s12], $0x80, s7, s12, $0xb8;
	[tilespmem:$0x1D000] =	vst v63  }
0x15e: {  	_ =	swait.ge [sflag:s16], $0x4000  }
0x15f: {  	[sflag:s16] =	ssyncset.done $0x0  }
0x160: {  	s8 =	rddreg [dreg:$0xa];
	[sflag:s16] =	ssyncadd.s32 $0xFFFFC000  }
0x161: {  	[spmem:s2] =	stream.indirect.scatter.add.f32 [tilespmem:s14], [sflag:$0x3], $0x80, s8, s12, $0xb8;
	[tilespmem:$0x1D000] =	vst v63  }
0x162: {  	_ =	swait.ge [sflag:s10], $0x4000  }
0x163: {  	[sflag:s10] =	ssyncset.done $0x0  }
0x164: {  	s9 =	rddreg [dreg:$0xb];
	[sflag:s10] =	ssyncadd.s32 $0xFFFFC000  }
0x165: {  	[tilespmem:s14], [sflag:$0x2] =	stream.indirect.gather [hbm4b:s4+s12], $0x80, s9, s12, $0xb8;
	[tilespmem:$0x1D000] =	vst v63  }
0x166: {  	_ =	swait.ge [sflag:s15], $0x4000  }
0x167: {  	[sflag:s15] =	ssyncset.done $0x0  }
0x168: {  	s7 =	rddreg [dreg:$0xc];
	[sflag:s15] =	ssyncadd.s32 $0xFFFFC000  }
0x169: {  	[spmem:s2] =	stream.indirect.scatter.add.f32 [tilespmem:s13], [sflag:$0x3], $0x80, s7, s12, $0xb8;
	[tilespmem:$0x1D000] =	vst v63  }
0x16a: {  	_ =	swait.ge [sflag:s10], $0x4000  }
0x16b: {  	[sflag:s10] =	ssyncset.done $0x0  }
0x16c: {  	s8 =	rddreg [dreg:$0xd];
	[sflag:s10] =	ssyncadd.s32 $0xFFFFC000  }
0x16d: {  	[tilespmem:s13], [sflag:$0x1] =	stream.indirect.gather [hbm4b:s4+s12], $0x80, s8, s12, $0xb8;
	[tilespmem:$0x1D000] =	vst v63  }
0x16e: {  	_ =	swait.ge [sflag:s16], $0x4000  }
0x16f: {  	[sflag:s16] =	ssyncset.done $0x0  }
0x170: {  	s9 =	rddreg [dreg:$0xe];
	[sflag:s16] =	ssyncadd.s32 $0xFFFFC000  }
0x171: {  	[spmem:s2] =	stream.indirect.scatter.add.f32 [tilespmem:s14], [sflag:$0x3], $0x80, s9, s12, $0xb8;
	[tilespmem:$0x1D000] =	vst v63  }
0x172: {  	_ =	swait.ge [sflag:s10], $0x4000  }
0x173: {  	[sflag:s10] =	ssyncset.done $0x0  }
0x174: {  	s7 =	rddreg [dreg:$0xf];
	[sflag:s10] =	ssyncadd.s32 $0xFFFFC000  }
0x175: {  	[tilespmem:s14], [sflag:$0x2] =	stream.indirect.gather [hbm4b:s4+s12], $0x80, s7, s12, $0xb8;
	[tilespmem:$0x1D000] =	vst v63  }
0x176: {  	_ =	swait.ge [sflag:s15], $0x4000  }
0x177: {  	[sflag:s15] =	ssyncset.done $0x0  }
0x178: {  	s8 =	rddreg [dreg:$0x10];
	[sflag:s15] =	ssyncadd.s32 $0xFFFFC000  }
0x179: {  	[spmem:s2] =	stream.indirect.scatter.add.f32 [tilespmem:s13], [sflag:$0x3], $0x80, s8, s12, $0xb8;
	[tilespmem:$0x1D000] =	vst v63  }
0x17a: {  	_ =	swait.ge [sflag:s10], $0x4000  }
0x17b: {  	[sflag:s10] =	ssyncset.done $0x0  }
0x17c: {  	[sflag:s10] =	ssyncadd.s32 $0xFFFFC000  }
0x17d: {  	[tilespmem:s13], [sflag:$0x1] =	stream.indirect.gather [hbm4b:s4+s12], $0x80, s17, s12, $0xb8;
	[tilespmem:$0x1D000] =	vst v63  }
0x17e: {  	_ =	swait.ge [sflag:s16], $0x4000  }
0x17f: {  	[sflag:s16] =	ssyncset.done $0x0  }
0x180: {  	[sflag:s16] =	ssyncadd.s32 $0xFFFFC000  }
0x181: {  	[spmem:s2] =	stream.indirect.scatter.add.f32 [tilespmem:s14], [sflag:$0x3], $0x80, s18, s12, $0xb8;
	[tilespmem:$0x1D000] =	vst v63  }
0x182: {  	_ =	swait.ge [sflag:s10], $0x4000  }
0x183: {  	[sflag:s10] =	ssyncset.done $0x0  }
0x184: {  	[sflag:s10] =	ssyncadd.s32 $0xFFFFC000  }
0x185: {  	[tilespmem:s14], [sflag:$0x2] =	stream.indirect.gather [hbm4b:s4+s12], $0x80, s19, s12, $0xb8;
	[tilespmem:$0x1D000] =	vst v63  }
0x186: {  	_ =	swait.ge [sflag:s15], $0x4000  }
0x187: {  	[sflag:s15] =	ssyncset.done $0x0  }
0x188: {  	[sflag:s15] =	ssyncadd.s32 $0xFFFFC000  }
0x189: {  	[spmem:s2] =	stream.indirect.scatter.add.f32 [tilespmem:s13], [sflag:$0x3], $0x80, s20, s12, $0xb8;
	[tilespmem:$0x1D000] =	vst v63  }
0x18a: {  	_ =	swait.ge [sflag:s10], $0x4000  }
0x18b: {  	[sflag:s10] =	ssyncset.done $0x0  }
0x18c: {  	[sflag:s10] =	ssyncadd.s32 $0xFFFFC000  }
0x18d: {  	[tilespmem:s13], [sflag:$0x1] =	stream.indirect.gather [hbm4b:s4+s12], $0x80, s21, s12, $0xb8;
	[tilespmem:$0x1D000] =	vst v63  }
0x18e: {  	_ =	swait.ge [sflag:s16], $0x4000  }
0x18f: {  	[sflag:s16] =	ssyncset.done $0x0  }
0x190: {  	[sflag:s16] =	ssyncadd.s32 $0xFFFFC000  }
0x191: {  	[spmem:s2] =	stream.indirect.scatter.add.f32 [tilespmem:s14], [sflag:$0x3], $0x80, s22, s12, $0xb8;
	[tilespmem:$0x1D000] =	vst v63  }
0x192: {  	_ =	swait.ge [sflag:s10], $0x4000  }
0x193: {  	[sflag:s10] =	ssyncset.done $0x0  }
0x194: {  	[sflag:s10] =	ssyncadd.s32 $0xFFFFC000  }
0x195: {  	[tilespmem:s14], [sflag:$0x2] =	stream.indirect.gather [hbm4b:s4+s12], $0x80, s23, s12, $0xb8;
	[tilespmem:$0x1D000] =	vst v63  }
0x196: {  	_ =	swait.ge [sflag:s15], $0x4000  }
0x197: {  	[sflag:s15] =	ssyncset.done $0x0  }
0x198: {  	[sflag:s15] =	ssyncadd.s32 $0xFFFFC000  }
0x199: {  	[spmem:s2] =	stream.indirect.scatter.add.f32 [tilespmem:s13], [sflag:$0x3], $0x80, s24, s12, $0xb8;
	[tilespmem:$0x1D000] =	vst v63  }
0x19a: {  	_ =	swait.ge [sflag:s10], $0x4000  }
0x19b: {  	[sflag:s10] =	ssyncset.done $0x0  }
0x19c: {  	[sflag:s10] =	ssyncadd.s32 $0xFFFFC000  }
0x19d: {  	[tilespmem:s13], [sflag:$0x1] =	stream.indirect.gather [hbm4b:s4+s12], $0x80, s25, s12, $0xb8;
	[tilespmem:$0x1D000] =	vst v63  }
0x19e: {  	_ =	swait.ge [sflag:s16], $0x4000  }
0x19f: {  	[sflag:s16] =	ssyncset.done $0x0  }
0x1a0: {  	[sflag:s16] =	ssyncadd.s32 $0xFFFFC000  }
0x1a1: {  	[spmem:s2] =	stream.indirect.scatter.add.f32 [tilespmem:s14], [sflag:$0x3], $0x80, s26, s12, $0xb8;
	[tilespmem:$0x1D000] =	vst v63  }
0x1a2: {  	_ =	swait.ge [sflag:s10], $0x4000  }
0x1a3: {  	[sflag:s10] =	ssyncset.done $0x0  }
0x1a4: {  	[sflag:s10] =	ssyncadd.s32 $0xFFFFC000  }
0x1a5: {  	[tilespmem:s14], [sflag:$0x2] =	stream.indirect.gather [hbm4b:s4+s12], $0x80, s28, s12, $0xb8;
	[tilespmem:$0x1D000] =	vst v63  }
0x1a6: {  	_ =	swait.ge [sflag:s15], $0x4000  }
0x1a7: {  	[sflag:s15] =	ssyncset.done $0x0  }
0x1a8: {  	[sflag:s15] =	ssyncadd.s32 $0xFFFFC000  }
0x1a9: {  	[spmem:s2] =	stream.indirect.scatter.add.f32 [tilespmem:s13], [sflag:$0x3], $0x80, s29, s12, $0xb8;
	[tilespmem:$0x1D000] =	vst v63  }
0x1aa: {  	_ =	swait.ge [sflag:s10], $0x4000  }
0x1ab: {  	[sflag:s10] =	ssyncset.done $0x0  }
0x1ac: {  	[sflag:s10] =	ssyncadd.s32 $0xFFFFC000  }
0x1ad: {  	[tilespmem:s13], [sflag:$0x1] =	stream.indirect.gather [hbm4b:s4+s12], $0x80, s30, s12, $0xb8;
	[tilespmem:$0x1D000] =	vst v63  }
0x1ae: {  	_ =	swait.ge [sflag:s16], $0x4000  }
0x1af: {  	[sflag:s16] =	ssyncset.done $0x0  }
0x1b0: {  	[sflag:s16] =	ssyncadd.s32 $0xFFFFC000  }
0x1b1: {  	[spmem:s2] =	stream.indirect.scatter.add.f32 [tilespmem:s14], [sflag:$0x3], $0x80, s31, s12, $0xb8;
	[tilespmem:$0x1D000] =	vst v63  }
0x1b2: {  	_ =	swait.ge [sflag:s10], $0x4000  }
0x1b3: {  	[sflag:s10] =	ssyncset.done $0x0  }
0x1b4: {  	[sflag:s10] =	ssyncadd.s32 $0xFFFFC000  }
0x1b5: {  	[tilespmem:s14], [sflag:$0x2] =	stream.indirect.gather [hbm4b:s4+s12], $0x80, s1, s12, $0xb8;
	[tilespmem:$0x1D000] =	vst v63  }
0x1b6: {  	_ =	swait.ge [sflag:s15], $0x4000  }
0x1b7: {  	[sflag:s15] =	ssyncset.done $0x0  }
0x1b8: {  	[sflag:s15] =	ssyncadd.s32 $0xFFFFC000  }
0x1b9: {  	[spmem:s2] =	stream.indirect.scatter.add.f32 [tilespmem:s13], [sflag:$0x3], $0x80, s0, s12, $0xb8;
	[tilespmem:$0x1D000] =	vst v63  }
0x1ba: {  	_ =	swait.ge [sflag:s10], $0x4000  }
0x1bb: {  	[sflag:s10] =	ssyncset.done $0x0  }
0x1bc: {  	[sflag:s10] =	ssyncadd.s32 $0xFFFFC000  }
0x1bd: {  	_ =	swait.ge [sflag:s16], $0x4000  }
0x1be: {  	[sflag:s16] =	ssyncset.done $0x0  }
0x1bf: {  	[sflag:s16] =	ssyncadd.s32 $0xFFFFC000  }
0x1c0: {  	[spmem:s2] =	stream.indirect.scatter.add.f32 [tilespmem:s14], [sflag:$0x3], $0x80, s5, s12, $0xb8;
	[tilespmem:$0x1D000] =	vst v63  }
0x1c1: {  	_ =	swait.ge [sflag:s10], $0x4000  }
0x1c2: {  	[sflag:s10] =	ssyncset.done $0x0  }
0x1c3: {  	[sflag:s10] =	ssyncadd.s32 $0xFFFFC000  }
0x1c4: {  	[bflag:$0x0] =	sbarrier.arrive $0xFFFF  }
0x1c5: {  	s8 =	rddreg [dreg:$0x12]  }
0x1c6: {  	s9 =	rddreg [dreg:$0x13]  }
0x1c7: {  	s7 =	rddreg [dreg:$0x15]  }
0x1c8: {  	[hbm:s9], [sflag:s8] =	dma.local [spmem:s7], $0x2800  }
0x1c9: {  	_ =	swait.ge [sflag:s10], $0x2800  }
0x1ca: {  	s6 =	rddreg [dreg:$0x16]  }
0x1cb: {  	s9 =	sadd.s32 $0x1, s6;
	s6 =	rddreg [dreg:$0x14]  }
0x1cc: {  	p0 =	sne.s32 s9, s6  }
.Ltmp1:
0x1cd: {  	_ = 	snop;
	(pc) =	sbr.rel @p0 .LBB2_1-.Ltmp1, $3  }
0x1ce: {  	_ =	sdelay $0x1  }
0x1cf: {  	[sflag:s10] =	ssyncset.done $0x0  }
0x1d0: {  	[sflag:s10] =	ssyncadd.s32 $0xFFFFD800  }
0x1d1: {  	_ =	sfence.sel $0x180000  }
0x1d2: {  	[bflag:$0x0] =	sbarrier.arrive $0xFFFF  }
0x1d3: {  	_ =	strace $0x9000004A  }
0x1d4: {  	s0 =	stileid.u32;
	[bflag:$0x2] =	sbarrier.arrive $0xFFFF  }
0x1d5: {  	p0 =	sne.s32 s0, $0x0;
	s0 =	rddreg [dreg:$0x2]  }
0x1d6: {  	s0 =	sadd.s32 @!p0 $0x100000, s0  }
0x1d7: {  	[sflag:s0] =	ssyncadd.tile.s32 @!p0 $0x1;
	_ =	shalt  }
.Lfunc_end2:
_tile_overlayer_lowered:
.L_overlay_start_2:
0x1d8: {  	(tag) =	ssettag $0x2  }
0x1d9: {  	s0 =	rddreg [dreg:$0x0];
	s2 =	stileid.u32  }
0x1da: {  	s1 =	rddreg [dreg:$0x1];
	p0 =	sne.s32 s2, $0x0  }
0x1db: {  	s3 =	rddreg [dreg:$0x2];
	[bflag:$0x3] =	sbarrier.arrive $0xFFFF;
	s2 =	simm.s32 @!p0 $0x1C03  }
0x1dc: {  	[timem:s3], [sflag:s2] =	dma.local @!p0 [hbm:s0], s1  }
0x1dd: {  	s0 =	simm.s32 @!p0 $0x3  }
0x1de: {  	_ =	swait.ge @!p0 [sflag:s0], s1  }
0x1df: {  	s1 =	ssub.s32 @!p0 $0x0, s1;
	[sflag:s0] =	ssyncset.done @!p0 $0x0  }
0x1e0: {  	[sflag:s0] =	ssyncadd.s32 @!p0 s1  }
0x1e1: {  	[bflag:$0x3] =	sbarrier.arrive $0xFFFF  }
0x1e2: {  	_ =	shalt  }

// kernel: kernel.16.cloned.1.call-start
scs
__scs_entry_jumppad:
0x0: {  	(pc) =	sbr.rel $0x88, $3  }
0x1: {  	(tag) =	ssettag $0x0;
	lr =	simm.s32 $0x1  }
0x2: {  	[smem:$0x3F96] =	sst lr;
	_ =	strace $0xD0000000  }
0x3: {  	_ = 	snop  }
0x4: {  	_ = 	snop  }
0x5: {  	_ = 	snop  }
0x6: {  	_ = 	snop  }
0x7: {  	_ = 	snop  }
__scs_overlays_trampoline_lowered:
0x8: {  	[smem:$0x3FA5] =	sst s0  }
0x9: {  	[smem:$0x3FA6] =	sst s1  }
0xa: {  	[smem:$0x3FA7] =	sst s2  }
0xb: {  	[smem:$0x3FA8] =	sst s3  }
0xc: {  	[smem:$0x3FA9] =	sst s4  }
0xd: {  	[smem:$0x3FAA] =	sst s5  }
0xe: {  	[smem:$0x3FAB] =	sst s6  }
0xf: {  	[smem:$0x3FAC] =	sst s7  }
0x10: {  	[smem:$0x3FAD] =	sst s8  }
0x11: {  	[smem:$0x3FAE] =	sst s9;
	s0 =	simm.s32 @!p0 $0x0  }
0x12: {  	s1 =	sld [smem:$0x3F94];
	s0 =	simm.s32 @p0 $0x1  }
0x13: {  	[smem:$0x3FAF] =	sst s0;
	s0 =	simm.s32 @!p1 $0x0  }
0x14: {  	s2 =	sld [smem:$0x3F93];
	s0 =	simm.s32 @p1 $0x1  }
0x15: {  	[smem:$0x3FB0] =	sst s0;
	s0 =	simm.s32 @!p2 $0x0  }
0x16: {  	s3 =	sld [smem:$0x3FDB];
	s0 =	simm.s32 @p2 $0x1  }
0x17: {  	s4 =	simm.s32 $0x1BF5;
	[smem:$0x3FB2] =	sst s0  }
0x18: {  	s0 =	sld [smem:$0x3F95];
	_ =	swait.ge [sflag:s4], $0x0  }
0x19: {  	s7 =	sld [smem:$0x3F96]  }
0x1a: {  	s8 =	sadd.s32 $0xFFFFE003, lr  }
0x1b: {  	s9 =	sadd.s32 $0xFFFFFEF7, lr;
	s5 =	simm.s32 $0xFFFFFFFF;
	p2 =	slt.u32 s8, $0xFFFFF086  }
0x1c: {  	p1 =	slt.u32 s9, $0xF7A;
	s5 =	simm.s32 @!p2 $0x0  }
0x1d: {  	s5 =	simm.s32 @p1 $0x1;
	p0 =	seq.s32 s7, s2  }
0x1e: {  	s7 =	smul.u32 @!p0 $0xF7A, s2;
	p2 =	seq.s32 @!p0 s5, $0x0  }
0x1f: {  	s9 =	smul.u32 $0xF7A, s1;
	s8 =	simm.s32 @!p0 $0x1BF5;
	p2 =	por !p2, p0  }
0x20: {  	[sflag:s8] =	ssyncset.s32 @!p0 $0xFFFFF086;
	s6 =	sadd.s32 @!p0 s3, s7;
	s7 =	simm.s32 @!p0 $0x108  }
0x21: {  	s3 =	sadd.s32 s3, s9;
	s6 =	sadd.s32 @!p0 $0x88, s6;
	s7 =	simm.s32 @p2 $0x1082  }
0x22: {  	[simem:s7], [sflag:s8] =	dma.local @!p0 [hbm:s6], $0xF7A  }
0x23: {  	s9 =	sor.u32 $0xD0000000, s2;
	s6 =	simm.s32 $0x108;
	_ =	swait.ge @!p0 [sflag:s8], $0x0  }
0x24: {  	s3 =	sadd.s32 $0x88, s3;
	s6 =	simm.s32 @!p1 $0x1082;
	[sflag:s4] =	ssyncset.s32 $0xFFFFF086  }
0x25: {  	[simem:s6], [sflag:s4] =	dma.local [hbm:s3], $0xF7A  }
0x26: {  	[smem:$0x3F96] =	sst s1;
	(tag) =	ssettag s2;
	_ =	strace s9  }
0x27: {  	s1 =	sld [smem:$0x3FA6]  }
0x28: {  	s2 =	sld [smem:$0x3FA7]  }
0x29: {  	s4 =	sld [smem:$0x3FA9]  }
0x2a: {  	p0 =	seq.s32 s5, $0x0;
	s5 =	sld [smem:$0x3FAA]  }
0x2b: {  	s6 =	sld [smem:$0x3FAB]  }
0x2c: {  	s7 =	sld [smem:$0x3FAC]  }
0x2d: {  	s3 =	simm.s32 $0x108;
	s8 =	sld [smem:$0x3FAD]  }
0x2e: {  	s3 =	simm.s32 @!p0 $0x1082;
	s9 =	sld [smem:$0x3FAE]  }
0x2f: {  	lr =	sadd.s32 s0, s3;
	s0 =	sld [smem:$0x3FA5]  }
0x30: {  	s3 =	sld [smem:$0x3FA8]  }
0x31: {  	[smem:$0x3FB1] =	sst s10  }
0x32: {  	s10 =	sld [smem:$0x3FAF];
	_ =	sdelay $0x3  }
0x33: {  	p0 =	seq.s32 s10, $0x1;
	s10 =	sld [smem:$0x3FB1];
	_ =	sdelay $0x3  }
0x34: {  	[smem:$0x3FB1] =	sst s10  }
0x35: {  	s10 =	sld [smem:$0x3FB0];
	_ =	sdelay $0x3  }
0x36: {  	p1 =	seq.s32 s10, $0x1;
	s10 =	sld [smem:$0x3FB1];
	_ =	sdelay $0x3  }
0x37: {  	[smem:$0x3FB1] =	sst s10  }
0x38: {  	s10 =	sld [smem:$0x3FB2]  }
0x39: {  	_ = 	snop;
	(pc) =	sbr.ind lr, $3  }
0x3a: {  	_ = 	snop  }
0x3b: {  	_ = 	snop  }
0x3c: {  	p2 =	seq.s32 s10, $0x1;
	s10 =	sld [smem:$0x3FB1]  }
0x3d: {  	_ =	shalt  }
0x3e: {  	_ =	shalt  }
0x3f: {  	_ =	shalt  }
0x40: {  	_ =	shalt  }
0x41: {  	_ =	shalt  }
0x42: {  	_ =	shalt  }
0x43: {  	_ =	shalt  }
0x44: {  	_ =	shalt  }
0x45: {  	_ =	shalt  }
0x46: {  	_ =	shalt  }
0x47: {  	_ =	shalt  }
0x48: {  	_ =	shalt  }
0x49: {  	_ =	shalt  }
0x4a: {  	_ =	shalt  }
0x4b: {  	_ =	shalt  }
0x4c: {  	_ =	shalt  }
0x4d: {  	_ =	shalt  }
0x4e: {  	_ =	shalt  }
0x4f: {  	_ =	shalt  }
0x50: {  	_ =	shalt  }
0x51: {  	_ =	shalt  }
0x52: {  	_ =	shalt  }
0x53: {  	_ =	shalt  }
0x54: {  	_ =	shalt  }
0x55: {  	_ =	shalt  }
0x56: {  	_ =	shalt  }
0x57: {  	_ =	shalt  }
0x58: {  	_ =	shalt  }
0x59: {  	_ =	shalt  }
0x5a: {  	_ =	shalt  }
0x5b: {  	_ =	shalt  }
0x5c: {  	_ =	shalt  }
0x5d: {  	_ =	shalt  }
0x5e: {  	_ =	shalt  }
0x5f: {  	_ =	shalt  }
0x60: {  	_ =	shalt  }
0x61: {  	_ =	shalt  }
0x62: {  	_ =	shalt  }
0x63: {  	_ =	shalt  }
0x64: {  	_ =	shalt  }
0x65: {  	_ =	shalt  }
0x66: {  	_ =	shalt  }
0x67: {  	_ =	shalt  }
0x68: {  	_ =	shalt  }
0x69: {  	_ =	shalt  }
0x6a: {  	_ =	shalt  }
0x6b: {  	_ =	shalt  }
0x6c: {  	_ =	shalt  }
0x6d: {  	_ =	shalt  }
0x6e: {  	_ =	shalt  }
0x6f: {  	_ =	shalt  }
0x70: {  	_ =	shalt  }
0x71: {  	_ =	shalt  }
0x72: {  	_ =	shalt  }
0x73: {  	_ =	shalt  }
0x74: {  	_ =	shalt  }
0x75: {  	_ =	shalt  }
0x76: {  	_ =	shalt  }
0x77: {  	_ =	shalt  }
0x78: {  	_ =	shalt  }
0x79: {  	_ =	shalt  }
0x7a: {  	_ =	shalt  }
0x7b: {  	_ =	shalt  }
0x7c: {  	_ =	shalt  }
0x7d: {  	_ =	shalt  }
0x7e: {  	_ =	shalt  }
0x7f: {  	_ =	shalt  }
0x80: {  	_ =	shalt  }
0x81: {  	_ =	shalt  }
0x82: {  	_ =	shalt  }
0x83: {  	_ =	shalt  }
0x84: {  	_ =	shalt  }
0x85: {  	_ =	shalt  }
0x86: {  	_ =	shalt  }
0x87: {  	_ =	shalt  }
.Lfunc_end0:
.L_simem_size_0:
called_computation.2_lowered:
.L_overlay_start_0:
0x88: {  	s2 =	sld [smem:$0x3FD9]  }
0x89: {  	s3 =	sld [smem:$0x3FFE];
	_ =	sdelay $0x1  }
0x8a: {  	s1 =	srdreg.scid  }
0x8b: {  	s0 =	sand.u32 $0x1, s1  }
0x8c: {  	s16 =	sshll.u32 s0, $0xA;
	s2 =	sadd.s32 s3, s2  }
0x8d: {  	s2 =	sadd.s32 s2, s16  }
0x8e: {  	[smem:$0x3FBD] =	sst s2  }
0x8f: {  	_ = 	snop  }
0x90: {  	(tm) =	ssettm $0x1  }
0x91: {  	s17 =	sld [smem:$0x3FFB];
	_ =	sdelay $0x3  }
0x92: {  	_ =	strace s17  }
0x93: {  	s2 =	sld [smem:$0x3FFC];
	_ =	sdelay $0x3  }
0x94: {  	_ =	strace s2  }
0x95: {  	s2 =	sld [smem:$0x3FFD];
	_ =	sdelay $0x3  }
0x96: {  	_ =	strace s2  }
0x97: {  	_ =	strace $0x8FFFFFFF  }
0x98: {  	s18 =	sld [smem:$0x3FDB];
	_ =	sdelay $0x1  }
0x99: {  	s19 =	simm.s32 $_scs_section_size  }
0x9a: {  	s4 =	simm.s32 $_size__tile_overlayer_lowered;
	s5 =	simm.s32 $_tile_overlayer_lowered  }
0x9b: {  	s22 =	simm.s32 $0x1BFF;
	s21 =	sshll.u32 s5, $0x1;
	s2 =	sadd.s32 s19, s18  }
0x9c: {  	s6 =	simm.s32 $0x0;
	s20 =	sshll.u32 s4, $0x1;
	s4 =	sadd.s32 s21, s2  }
0x9d: {  	[timem:s6], [sflag:s22] =	dma.local [hbm:s4], s20  }
0x9e: {  	_ =	swait.ge [sflag:s22], s20  }
0x9f: {  	s3 =	ssub.s32 $0x0, s20;
	[sflag:s22] =	ssyncset.done $0x0  }
0xa0: {  	[sflag:s22] =	ssyncadd.s32 s3;
	_ =	sdelay $0x1  }
0xa1: {  	s23 =	simm.s32 $0x1B8B  }
0xa2: {  	_ =	swait.ge [sflag:s23], $0x1  }
0xa3: {  	[sflag:s23] =	ssyncset.done $0x0  }
0xa4: {  	s25 =	simm.s32 $0x1B8E;
	s24 =	sld [smem:$0x3FFE];
	[sflag:s23] =	ssyncadd.s32 $0xFFFFFFFF  }
0xa5: {  	s26 =	simm.s32 $execute0_lowered;
	[smem:$0x3FD2] =	sst s25  }
0xa6: {  	s4 =	sshll.u32 s26, $0x1;
	_ =	strace $0x8000004C;
	[dreg:$0x1] =	wrdreg $0xFFFFFFFF  }
0xa7: {  	s28 =	simm.s32 $_size_execute0_lowered;
	s2 =	sadd.s32 s2, s4;
	[dreg:$0x0] =	wrdreg $0x0  }
0xa8: {  	s4 =	sshll.u32 s28, $0x1;
	[dreg:$0x2] =	wrdreg s2  }
0xa9: {  	[dreg:$0x3] =	wrdreg s4  }
0xaa: {  	[dreg:$0x4] =	wrdreg $0xC0  }
0xab: {  	_ =	task [dreg:s6], $0x5FFFF  }
0xac: {  	[dreg:$0x1] =	wrdreg $0xFFFFFFFF  }
0xad: {  	[dreg:$0x0] =	wrdreg $0x60  }
0xae: {  	[dreg:$0x2] =	wrdreg s24  }
0xaf: {  	[dreg:$0x3] =	wrdreg $0x10000  }
0xb0: {  	[dreg:$0x4] =	wrdreg $0x9  }
0xb1: {  	_ =	task.clear_ibuf [dreg:s6], $0x5FFFF;
	_ =	strace $0x9000004C  }
0xb2: {  	s29 =	simm.s32 $0x9;
	_ =	strace $0x8000004E  }
0xb3: {  	_ =	swait.ge [sflag:s29], $0x1  }
0xb4: {  	[sflag:s29] =	ssyncadd.s32 $0xFFFFFFFF  }
0xb5: {  	_ =	strace $0x9000004E  }
0xb6: {  	_ =	sfence  }
0xb7: {  	s30 =	sld [smem:$0x0];
	_ =	sdelay $0x2  }
0xb8: {  	s31 =	sshll.u32 s1, $0xD;
	s1 =	sshrl.u32 s1, $0x2  }
0xb9: {  	s3 =	sand.u32 $0x4000, s31;
	s1 =	sadd.s32 s1, s30  }
0xba: {  	s0 =	sor.u32 s3, s0;
	s1 =	sshll.u32 s1, $0x11  }
0xbb: {  	s0 =	sor.u32 s1, s0  }
0xbc: {  	s0 =	sadd.s32 $0x8F2B, s0  }
0xbd: {  	[sflag:s0] =	ssyncadd.remote.s32 $0x1  }
0xbe: {  	_ =	sfence.sel $0xFFFF  }
0xbf: {  	[dreg:$0x0] =	wrdreg $0xFFFFFFFF;
	(pc) =	sbr.abs _section_cstart, $3  }
0xc0: {  	[dreg:$0x1] =	wrdreg $0xFFFFFFFF  }
0xc1: {  	_ =	task.clear_ibuf [dreg:s6], $0x2FFFF;
	_ =	strace $0x9FFFFFFF  }
0xc2: {  	(tm) =	ssettm $0x7FFFFFFF  }
0xc3: {  	_ =	shalt  }
tec
execute0_lowered:
.L_overlay_start_1:
0x0: {  	(tag) =	ssettag $0x1  }
0x1: {  	s0 =	srdreg.scid;
	s1 =	rddreg [dreg:$0x0]  }
0x2: {  	s10 =	stileid.u32;
	s2 =	rddreg [dreg:$0x1]  }
0x3: {  	s3 =	simm.s32 $0x0;
	s14 =	simm.s32 $0x100;
	s15 =	simm.s32 $0x880  }
0x4: {  	s17 =	simm.s32 $0x180;
	s18 =	simm.s32 $0x900;
	[smem:$0x7FF] =	sst s3  }
0x5: {  	s19 =	simm.s32 $0x200;
	_ =	strace $0x8000004D;
	[dreg:$0x5] =	wrdreg s14  }
0x6: {  	s20 =	simm.s32 $0x980;
	s21 =	simm.s32 $0x280;
	[dreg:$0x6] =	wrdreg s15  }
0x7: {  	s22 =	simm.s32 $0xA00;
	s23 =	simm.s32 $0x300;
	[dreg:$0x7] =	wrdreg s17  }
0x8: {  	s24 =	simm.s32 $0xA80;
	s25 =	simm.s32 $0x380;
	[dreg:$0x8] =	wrdreg s18  }
0x9: {  	s26 =	simm.s32 $0xB00;
	s28 =	simm.s32 $0x680;
	[dreg:$0x9] =	wrdreg s19  }
0xa: {  	s29 =	simm.s32 $0xE00;
	s4 =	smul.u32 $0x5000, s10;
	[dreg:$0xa] =	wrdreg s20  }
0xb: {  	s30 =	simm.s32 $0x700;
	s6 =	smul.u32 $0xA00, s10;
	[dreg:$0xb] =	wrdreg s21  }
0xc: {  	s0 =	sand.u32 $0x1, s0;
	s8 =	smul.u32 $0x280, s10;
	[dreg:$0xc] =	wrdreg s22  }
0xd: {  	s31 =	simm.s32 $0xE80;
	s5 =	smul.u32 $0x50000, s0;
	[dreg:$0xd] =	wrdreg s23  }
0xe: {  	s16 =	sshll.u32 s10, $0x6;
	s9 =	smul.u32 $0x2800, s0;
	[dreg:$0xe] =	wrdreg s24  }
0xf: {  	s0 =	ssub.s32 $0x2, s0;
	s14 =	simm.s32 $0x19000;
	[dreg:$0xf] =	wrdreg s25  }
0x10: {  	s15 =	simm.s32 $0x1;
	[dreg:$0x10] =	wrdreg s26;
	s17 =	simm.s32 $0x400  }
0x11: {  	s18 =	simm.s32 $0xB80;
	s19 =	simm.s32 $0x480;
	s20 =	simm.s32 $0xC00  }
0x12: {  	s21 =	simm.s32 $0x500;
	s22 =	simm.s32 $0xC80;
	s23 =	simm.s32 $0x580  }
0x13: {  	s24 =	simm.s32 $0xD00;
	s25 =	simm.s32 $0x600;
	s26 =	simm.s32 $0xD80  }
0x14: {  	s6 =	sadd.s32 s6, s1;
	s11 =	sshrl.u32 s0, $0x1;
	s4 =	sadd.s32 s4, s5  }
0x15: {  	s5 =	sadd.s32 s8, s9;
	s9 =	smul.u32 $0x50000, s10;
	s0 =	ssub.s32 s0, s11  }
0x16: {  	s6 =	sadd.s32 $0x2600, s6;
	s8 =	sor.u32 $0x1C03, s16;
	s10 =	simm.s32 $0x3  }
0x17: {  	s11 =	simm.s32 $0x800;
	s16 =	simm.s32 $0x2;
	s7 =	sshrl.u32 s4, $0x3  }
0x18: {  	s4 =	sadd.s32 $0xC600, s1;
	s5 =	sshll.u32 s5, $0x4;
	[dreg:$0x4] =	wrdreg s6  }
0x19: {  	s0 =	smax.u32 s0, $0x1;
	[dreg:$0x12] =	wrdreg s8;
	s7 =	sadd.s32 s7, s1  }
0x1a: {  	s1 =	sadd.s32 s5, s1;
	s12 =	sshrl.u32 s9, $0x2;
	s5 =	sadd.s32 s4, s5  }
0x1b: {  	[dreg:$0x14] =	wrdreg s0;
	s0 =	simm.s32 $0xF00;
	s9 =	simm.s32 $0x0  }
0x1c: {  	s7 =	sadd.s32 $0x84E00, s7;
	s13 =	sadd.s32 s12, s2;
	[dreg:$0x11] =	wrdreg s5  }
0x1d: {  	s1 =	sadd.s32 $0x98E00, s1;
	s12 =	simm.s32 $0x80;
	[dreg:$0x3] =	wrdreg s7  }
0x1e: {  	s5 =	simm.s32 $0xF80;
	[dreg:$0x13] =	wrdreg s1;
	s7 =	sshrl.u32 s13, $0x3  }
0x1f: {  	s13 =	simm.s32 $0x15000;
	s1 =	simm.s32 $0x780;
	[dreg:$0x15] =	wrdreg s7  }
.LBB2_1:
0x20: {  	[dreg:$0x16] =	wrdreg s9  }
0x21: {  	s6 =	rddreg [dreg:$0x11]  }
0x22: {  	[spmem:s7], [sflag:s8] =	dma.local [hbm:s6], $0x2800  }
0x23: {  	_ =	swait.ge [sflag:s10], $0x2800  }
0x24: {  	[sflag:s10] =	ssyncset.done $0x0  }
0x25: {  	[sflag:s10] =	ssyncadd.s32 $0xFFFFD800  }
0x26: {  	[bflag:$0x0] =	sbarrier.arrive $0xFFFF  }
0x27: {  	s8 =	rddreg [dreg:$0x3]  }
0x28: {  	s6 =	sadd.s32 $0x0, s8  }
0x29: {  	[tilespmem:s3], [sflag:$0x3] =	stream.linear.gather [hbm4b:s6+s3], $0x800, $0x38;
	[tilespmem:$0x1D000] =	vst v63  }
0x2a: {  	_ =	swait.ge [sflag:s10], $0x800  }
0x2b: {  	s9 =	rddreg [dreg:$0x4];
	[sflag:s10] =	ssyncset.done $0x0  }
0x2c: {  	[sflag:s10] =	ssyncadd.s32 $0xFFFFF800;
	s6 =	sadd.s32 $0x0, s9  }
0x2d: {  	[tilespmem:s11], [sflag:$0x3] =	stream.linear.gather [hbm4b:s6+s3], $0x800, $0x38;
	[tilespmem:$0x1D000] =	vst v63  }
0x2e: {  	_ =	swait.ge [sflag:s10], $0x800  }
0x2f: {  	[sflag:s10] =	ssyncset.done $0x0  }
0x30: {  	[sflag:s10] =	ssyncadd.s32 $0xFFFFF800  }
0x31: {  	[tilespmem:s13], [sflag:$0x1] =	stream.indirect.gather [hbm4b:s4+s12], $0x80, s3, s12, $0xb8;
	[tilespmem:$0x1D000] =	vst v63  }
0x32: {  	_ = 	snop  }
0x33: {  	[tilespmem:s14], [sflag:$0x2] =	stream.indirect.gather [hbm4b:s4+s12], $0x80, s12, s12, $0xb8;
	[tilespmem:$0x1D000] =	vst v63  }
0x34: {  	_ =	swait.ge [sflag:s15], $0x4000  }
0x35: {  	[sflag:s15] =	ssyncset.done $0x0  }
0x36: {  	[sflag:s15] =	ssyncadd.s32 $0xFFFFC000  }
0x37: {  	[spmem:s2] =	stream.indirect.scatter.add.f32 [tilespmem:s13], [sflag:$0x3], $0x80, s11, s12, $0xb8;
	[tilespmem:$0x1D000] =	vst v63  }
0x38: {  	_ =	swait.ge [sflag:s10], $0x4000  }
0x39: {  	[sflag:s10] =	ssyncset.done $0x0  }
0x3a: {  	s7 =	rddreg [dreg:$0x5];
	[sflag:s10] =	ssyncadd.s32 $0xFFFFC000  }
0x3b: {  	[tilespmem:s13], [sflag:$0x1] =	stream.indirect.gather [hbm4b:s4+s12], $0x80, s7, s12, $0xb8;
	[tilespmem:$0x1D000] =	vst v63  }
0x3c: {  	_ =	swait.ge [sflag:s16], $0x4000  }
0x3d: {  	[sflag:s16] =	ssyncset.done $0x0  }
0x3e: {  	s8 =	rddreg [dreg:$0x6];
	[sflag:s16] =	ssyncadd.s32 $0xFFFFC000  }
0x3f: {  	[spmem:s2] =	stream.indirect.scatter.add.f32 [tilespmem:s14], [sflag:$0x3], $0x80, s8, s12, $0xb8;
	[tilespmem:$0x1D000] =	vst v63  }
0x40: {  	_ =	swait.ge [sflag:s10], $0x4000  }
0x41: {  	[sflag:s10] =	ssyncset.done $0x0  }
0x42: {  	s9 =	rddreg [dreg:$0x7];
	[sflag:s10] =	ssyncadd.s32 $0xFFFFC000  }
0x43: {  	[tilespmem:s14], [sflag:$0x2] =	stream.indirect.gather [hbm4b:s4+s12], $0x80, s9, s12, $0xb8;
	[tilespmem:$0x1D000] =	vst v63  }
0x44: {  	_ =	swait.ge [sflag:s15], $0x4000  }
0x45: {  	[sflag:s15] =	ssyncset.done $0x0  }
0x46: {  	s7 =	rddreg [dreg:$0x8];
	[sflag:s15] =	ssyncadd.s32 $0xFFFFC000  }
0x47: {  	[spmem:s2] =	stream.indirect.scatter.add.f32 [tilespmem:s13], [sflag:$0x3], $0x80, s7, s12, $0xb8;
	[tilespmem:$0x1D000] =	vst v63  }
0x48: {  	_ =	swait.ge [sflag:s10], $0x4000  }
0x49: {  	[sflag:s10] =	ssyncset.done $0x0  }
0x4a: {  	s8 =	rddreg [dreg:$0x9];
	[sflag:s10] =	ssyncadd.s32 $0xFFFFC000  }
0x4b: {  	[tilespmem:s13], [sflag:$0x1] =	stream.indirect.gather [hbm4b:s4+s12], $0x80, s8, s12, $0xb8;
	[tilespmem:$0x1D000] =	vst v63  }
0x4c: {  	_ =	swait.ge [sflag:s16], $0x4000  }
0x4d: {  	[sflag:s16] =	ssyncset.done $0x0  }
0x4e: {  	s9 =	rddreg [dreg:$0xa];
	[sflag:s16] =	ssyncadd.s32 $0xFFFFC000  }
0x4f: {  	[spmem:s2] =	stream.indirect.scatter.add.f32 [tilespmem:s14], [sflag:$0x3], $0x80, s9, s12, $0xb8;
	[tilespmem:$0x1D000] =	vst v63  }
0x50: {  	_ =	swait.ge [sflag:s10], $0x4000  }
0x51: {  	[sflag:s10] =	ssyncset.done $0x0  }
0x52: {  	s7 =	rddreg [dreg:$0xb];
	[sflag:s10] =	ssyncadd.s32 $0xFFFFC000  }
0x53: {  	[tilespmem:s14], [sflag:$0x2] =	stream.indirect.gather [hbm4b:s4+s12], $0x80, s7, s12, $0xb8;
	[tilespmem:$0x1D000] =	vst v63  }
0x54: {  	_ =	swait.ge [sflag:s15], $0x4000  }
0x55: {  	[sflag:s15] =	ssyncset.done $0x0  }
0x56: {  	s8 =	rddreg [dreg:$0xc];
	[sflag:s15] =	ssyncadd.s32 $0xFFFFC000  }
0x57: {  	[spmem:s2] =	stream.indirect.scatter.add.f32 [tilespmem:s13], [sflag:$0x3], $0x80, s8, s12, $0xb8;
	[tilespmem:$0x1D000] =	vst v63  }
0x58: {  	_ =	swait.ge [sflag:s10], $0x4000  }
0x59: {  	[sflag:s10] =	ssyncset.done $0x0  }
0x5a: {  	s9 =	rddreg [dreg:$0xd];
	[sflag:s10] =	ssyncadd.s32 $0xFFFFC000  }
0x5b: {  	[tilespmem:s13], [sflag:$0x1] =	stream.indirect.gather [hbm4b:s4+s12], $0x80, s9, s12, $0xb8;
	[tilespmem:$0x1D000] =	vst v63  }
0x5c: {  	_ =	swait.ge [sflag:s16], $0x4000  }
0x5d: {  	[sflag:s16] =	ssyncset.done $0x0  }
0x5e: {  	s7 =	rddreg [dreg:$0xe];
	[sflag:s16] =	ssyncadd.s32 $0xFFFFC000  }
0x5f: {  	[spmem:s2] =	stream.indirect.scatter.add.f32 [tilespmem:s14], [sflag:$0x3], $0x80, s7, s12, $0xb8;
	[tilespmem:$0x1D000] =	vst v63  }
0x60: {  	_ =	swait.ge [sflag:s10], $0x4000  }
0x61: {  	[sflag:s10] =	ssyncset.done $0x0  }
0x62: {  	s8 =	rddreg [dreg:$0xf];
	[sflag:s10] =	ssyncadd.s32 $0xFFFFC000  }
0x63: {  	[tilespmem:s14], [sflag:$0x2] =	stream.indirect.gather [hbm4b:s4+s12], $0x80, s8, s12, $0xb8;
	[tilespmem:$0x1D000] =	vst v63  }
0x64: {  	_ =	swait.ge [sflag:s15], $0x4000  }
0x65: {  	[sflag:s15] =	ssyncset.done $0x0  }
0x66: {  	s9 =	rddreg [dreg:$0x10];
	[sflag:s15] =	ssyncadd.s32 $0xFFFFC000  }
0x67: {  	[spmem:s2] =	stream.indirect.scatter.add.f32 [tilespmem:s13], [sflag:$0x3], $0x80, s9, s12, $0xb8;
	[tilespmem:$0x1D000] =	vst v63  }
0x68: {  	_ =	swait.ge [sflag:s10], $0x4000  }
0x69: {  	[sflag:s10] =	ssyncset.done $0x0  }
0x6a: {  	[sflag:s10] =	ssyncadd.s32 $0xFFFFC000  }
0x6b: {  	[tilespmem:s13], [sflag:$0x1] =	stream.indirect.gather [hbm4b:s4+s12], $0x80, s17, s12, $0xb8;
	[tilespmem:$0x1D000] =	vst v63  }
0x6c: {  	_ =	swait.ge [sflag:s16], $0x4000  }
0x6d: {  	[sflag:s16] =	ssyncset.done $0x0  }
0x6e: {  	[sflag:s16] =	ssyncadd.s32 $0xFFFFC000  }
0x6f: {  	[spmem:s2] =	stream.indirect.scatter.add.f32 [tilespmem:s14], [sflag:$0x3], $0x80, s18, s12, $0xb8;
	[tilespmem:$0x1D000] =	vst v63  }
0x70: {  	_ =	swait.ge [sflag:s10], $0x4000  }
0x71: {  	[sflag:s10] =	ssyncset.done $0x0  }
0x72: {  	[sflag:s10] =	ssyncadd.s32 $0xFFFFC000  }
0x73: {  	[tilespmem:s14], [sflag:$0x2] =	stream.indirect.gather [hbm4b:s4+s12], $0x80, s19, s12, $0xb8;
	[tilespmem:$0x1D000] =	vst v63  }
0x74: {  	_ =	swait.ge [sflag:s15], $0x4000  }
0x75: {  	[sflag:s15] =	ssyncset.done $0x0  }
0x76: {  	[sflag:s15] =	ssyncadd.s32 $0xFFFFC000  }
0x77: {  	[spmem:s2] =	stream.indirect.scatter.add.f32 [tilespmem:s13], [sflag:$0x3], $0x80, s20, s12, $0xb8;
	[tilespmem:$0x1D000] =	vst v63  }
0x78: {  	_ =	swait.ge [sflag:s10], $0x4000  }
0x79: {  	[sflag:s10] =	ssyncset.done $0x0  }
0x7a: {  	[sflag:s10] =	ssyncadd.s32 $0xFFFFC000  }
0x7b: {  	[tilespmem:s13], [sflag:$0x1] =	stream.indirect.gather [hbm4b:s4+s12], $0x80, s21, s12, $0xb8;
	[tilespmem:$0x1D000] =	vst v63  }
0x7c: {  	_ =	swait.ge [sflag:s16], $0x4000  }
0x7d: {  	[sflag:s16] =	ssyncset.done $0x0  }
0x7e: {  	[sflag:s16] =	ssyncadd.s32 $0xFFFFC000  }
0x7f: {  	[spmem:s2] =	stream.indirect.scatter.add.f32 [tilespmem:s14], [sflag:$0x3], $0x80, s22, s12, $0xb8;
	[tilespmem:$0x1D000] =	vst v63  }
0x80: {  	_ =	swait.ge [sflag:s10], $0x4000  }
0x81: {  	[sflag:s10] =	ssyncset.done $0x0  }
0x82: {  	[sflag:s10] =	ssyncadd.s32 $0xFFFFC000  }
0x83: {  	[tilespmem:s14], [sflag:$0x2] =	stream.indirect.gather [hbm4b:s4+s12], $0x80, s23, s12, $0xb8;
	[tilespmem:$0x1D000] =	vst v63  }
0x84: {  	_ =	swait.ge [sflag:s15], $0x4000  }
0x85: {  	[sflag:s15] =	ssyncset.done $0x0  }
0x86: {  	[sflag:s15] =	ssyncadd.s32 $0xFFFFC000  }
0x87: {  	[spmem:s2] =	stream.indirect.scatter.add.f32 [tilespmem:s13], [sflag:$0x3], $0x80, s24, s12, $0xb8;
	[tilespmem:$0x1D000] =	vst v63  }
0x88: {  	_ =	swait.ge [sflag:s10], $0x4000  }
0x89: {  	[sflag:s10] =	ssyncset.done $0x0  }
0x8a: {  	[sflag:s10] =	ssyncadd.s32 $0xFFFFC000  }
0x8b: {  	[tilespmem:s13], [sflag:$0x1] =	stream.indirect.gather [hbm4b:s4+s12], $0x80, s25, s12, $0xb8;
	[tilespmem:$0x1D000] =	vst v63  }
0x8c: {  	_ =	swait.ge [sflag:s16], $0x4000  }
0x8d: {  	[sflag:s16] =	ssyncset.done $0x0  }
0x8e: {  	[sflag:s16] =	ssyncadd.s32 $0xFFFFC000  }
0x8f: {  	[spmem:s2] =	stream.indirect.scatter.add.f32 [tilespmem:s14], [sflag:$0x3], $0x80, s26, s12, $0xb8;
	[tilespmem:$0x1D000] =	vst v63  }
0x90: {  	_ =	swait.ge [sflag:s10], $0x4000  }
0x91: {  	[sflag:s10] =	ssyncset.done $0x0  }
0x92: {  	[sflag:s10] =	ssyncadd.s32 $0xFFFFC000  }
0x93: {  	[tilespmem:s14], [sflag:$0x2] =	stream.indirect.gather [hbm4b:s4+s12], $0x80, s28, s12, $0xb8;
	[tilespmem:$0x1D000] =	vst v63  }
0x94: {  	_ =	swait.ge [sflag:s15], $0x4000  }
0x95: {  	[sflag:s15] =	ssyncset.done $0x0  }
0x96: {  	[sflag:s15] =	ssyncadd.s32 $0xFFFFC000  }
0x97: {  	[spmem:s2] =	stream.indirect.scatter.add.f32 [tilespmem:s13], [sflag:$0x3], $0x80, s29, s12, $0xb8;
	[tilespmem:$0x1D000] =	vst v63  }
0x98: {  	_ =	swait.ge [sflag:s10], $0x4000  }
0x99: {  	[sflag:s10] =	ssyncset.done $0x0  }
0x9a: {  	[sflag:s10] =	ssyncadd.s32 $0xFFFFC000  }
0x9b: {  	[tilespmem:s13], [sflag:$0x1] =	stream.indirect.gather [hbm4b:s4+s12], $0x80, s30, s12, $0xb8;
	[tilespmem:$0x1D000] =	vst v63  }
0x9c: {  	_ =	swait.ge [sflag:s16], $0x4000  }
0x9d: {  	[sflag:s16] =	ssyncset.done $0x0  }
0x9e: {  	[sflag:s16] =	ssyncadd.s32 $0xFFFFC000  }
0x9f: {  	[spmem:s2] =	stream.indirect.scatter.add.f32 [tilespmem:s14], [sflag:$0x3], $0x80, s31, s12, $0xb8;
	[tilespmem:$0x1D000] =	vst v63  }
0xa0: {  	_ =	swait.ge [sflag:s10], $0x4000  }
0xa1: {  	[sflag:s10] =	ssyncset.done $0x0  }
0xa2: {  	[sflag:s10] =	ssyncadd.s32 $0xFFFFC000  }
0xa3: {  	[tilespmem:s14], [sflag:$0x2] =	stream.indirect.gather [hbm4b:s4+s12], $0x80, s1, s12, $0xb8;
	[tilespmem:$0x1D000] =	vst v63  }
0xa4: {  	_ =	swait.ge [sflag:s15], $0x4000  }
0xa5: {  	[sflag:s15] =	ssyncset.done $0x0  }
0xa6: {  	[sflag:s15] =	ssyncadd.s32 $0xFFFFC000  }
0xa7: {  	[spmem:s2] =	stream.indirect.scatter.add.f32 [tilespmem:s13], [sflag:$0x3], $0x80, s0, s12, $0xb8;
	[tilespmem:$0x1D000] =	vst v63  }
0xa8: {  	_ =	swait.ge [sflag:s10], $0x4000  }
0xa9: {  	[sflag:s10] =	ssyncset.done $0x0  }
0xaa: {  	[sflag:s10] =	ssyncadd.s32 $0xFFFFC000  }
0xab: {  	_ =	swait.ge [sflag:s16], $0x4000  }
0xac: {  	[sflag:s16] =	ssyncset.done $0x0  }
0xad: {  	[sflag:s16] =	ssyncadd.s32 $0xFFFFC000  }
0xae: {  	[spmem:s2] =	stream.indirect.scatter.add.f32 [tilespmem:s14], [sflag:$0x3], $0x80, s5, s12, $0xb8;
	[tilespmem:$0x1D000] =	vst v63  }
0xaf: {  	s6 =	simm.s32 $0x200;
	_ =	swait.ge [sflag:s10], $0x4000  }
0xb0: {  	s8 =	simm.s32 $0x100;
	s9 =	rddreg [dreg:$0x3];
	[sflag:s10] =	ssyncset.done $0x0  }
.LBB2_2:
0xb1: {  	[sflag:s10] =	ssyncadd.s32 $0xFFFFC000;
	s9 =	sadd.s32 s8, s9  }
0xb2: {  	[tilespmem:s3], [sflag:$0x3] =	stream.linear.gather [hbm4b:s9+s3], $0x800, $0x38;
	[tilespmem:$0x1D000] =	vst v63  }
0xb3: {  	_ =	swait.ge [sflag:s10], $0x800  }
0xb4: {  	s9 =	rddreg [dreg:$0x4];
	[sflag:s10] =	ssyncset.done $0x0  }
0xb5: {  	[sflag:s10] =	ssyncadd.s32 $0xFFFFF800;
	s9 =	sadd.s32 s8, s9  }
0xb6: {  	[tilespmem:s11], [sflag:$0x3] =	stream.linear.gather [hbm4b:s9+s3], $0x800, $0x38;
	[tilespmem:$0x1D000] =	vst v63  }
0xb7: {  	_ =	swait.ge [sflag:s10], $0x800  }
0xb8: {  	[sflag:s10] =	ssyncset.done $0x0  }
0xb9: {  	[sflag:s10] =	ssyncadd.s32 $0xFFFFF800  }
0xba: {  	[tilespmem:s13], [sflag:$0x1] =	stream.indirect.gather [hbm4b:s4+s12], $0x80, s3, s12, $0xb8;
	[tilespmem:$0x1D000] =	vst v63  }
0xbb: {  	_ = 	snop  }
0xbc: {  	[tilespmem:s14], [sflag:$0x2] =	stream.indirect.gather [hbm4b:s4+s12], $0x80, s12, s12, $0xb8;
	[tilespmem:$0x1D000] =	vst v63  }
0xbd: {  	_ =	swait.ge [sflag:s15], $0x4000  }
0xbe: {  	[sflag:s15] =	ssyncset.done $0x0  }
0xbf: {  	[sflag:s15] =	ssyncadd.s32 $0xFFFFC000  }
0xc0: {  	[spmem:s2] =	stream.indirect.scatter.add.f32 [tilespmem:s13], [sflag:$0x3], $0x80, s11, s12, $0xb8;
	[tilespmem:$0x1D000] =	vst v63  }
0xc1: {  	_ =	swait.ge [sflag:s10], $0x4000  }
0xc2: {  	[sflag:s10] =	ssyncset.done $0x0  }
0xc3: {  	s9 =	rddreg [dreg:$0x5];
	[sflag:s10] =	ssyncadd.s32 $0xFFFFC000  }
0xc4: {  	[tilespmem:s13], [sflag:$0x1] =	stream.indirect.gather [hbm4b:s4+s12], $0x80, s9, s12, $0xb8;
	[tilespmem:$0x1D000] =	vst v63  }
0xc5: {  	_ =	swait.ge [sflag:s16], $0x4000  }
0xc6: {  	[sflag:s16] =	ssyncset.done $0x0  }
0xc7: {  	s9 =	rddreg [dreg:$0x6];
	[sflag:s16] =	ssyncadd.s32 $0xFFFFC000  }
0xc8: {  	[spmem:s2] =	stream.indirect.scatter.add.f32 [tilespmem:s14], [sflag:$0x3], $0x80, s9, s12, $0xb8;
	[tilespmem:$0x1D000] =	vst v63  }
0xc9: {  	_ =	swait.ge [sflag:s10], $0x4000  }
0xca: {  	[sflag:s10] =	ssyncset.done $0x0  }
0xcb: {  	s9 =	rddreg [dreg:$0x7];
	[sflag:s10] =	ssyncadd.s32 $0xFFFFC000  }
0xcc: {  	[tilespmem:s14], [sflag:$0x2] =	stream.indirect.gather [hbm4b:s4+s12], $0x80, s9, s12, $0xb8;
	[tilespmem:$0x1D000] =	vst v63  }
0xcd: {  	_ =	swait.ge [sflag:s15], $0x4000  }
0xce: {  	[sflag:s15] =	ssyncset.done $0x0  }
0xcf: {  	s9 =	rddreg [dreg:$0x8];
	[sflag:s15] =	ssyncadd.s32 $0xFFFFC000  }
0xd0: {  	[spmem:s2] =	stream.indirect.scatter.add.f32 [tilespmem:s13], [sflag:$0x3], $0x80, s9, s12, $0xb8;
	[tilespmem:$0x1D000] =	vst v63  }
0xd1: {  	_ =	swait.ge [sflag:s10], $0x4000  }
0xd2: {  	[sflag:s10] =	ssyncset.done $0x0  }
0xd3: {  	s9 =	rddreg [dreg:$0x9];
	[sflag:s10] =	ssyncadd.s32 $0xFFFFC000  }
0xd4: {  	[tilespmem:s13], [sflag:$0x1] =	stream.indirect.gather [hbm4b:s4+s12], $0x80, s9, s12, $0xb8;
	[tilespmem:$0x1D000] =	vst v63  }
0xd5: {  	_ =	swait.ge [sflag:s16], $0x4000  }
0xd6: {  	[sflag:s16] =	ssyncset.done $0x0  }
0xd7: {  	s9 =	rddreg [dreg:$0xa];
	[sflag:s16] =	ssyncadd.s32 $0xFFFFC000  }
0xd8: {  	[spmem:s2] =	stream.indirect.scatter.add.f32 [tilespmem:s14], [sflag:$0x3], $0x80, s9, s12, $0xb8;
	[tilespmem:$0x1D000] =	vst v63  }
0xd9: {  	_ =	swait.ge [sflag:s10], $0x4000  }
0xda: {  	[sflag:s10] =	ssyncset.done $0x0  }
0xdb: {  	s9 =	rddreg [dreg:$0xb];
	[sflag:s10] =	ssyncadd.s32 $0xFFFFC000  }
0xdc: {  	[tilespmem:s14], [sflag:$0x2] =	stream.indirect.gather [hbm4b:s4+s12], $0x80, s9, s12, $0xb8;
	[tilespmem:$0x1D000] =	vst v63  }
0xdd: {  	_ =	swait.ge [sflag:s15], $0x4000  }
0xde: {  	[sflag:s15] =	ssyncset.done $0x0  }
0xdf: {  	s9 =	rddreg [dreg:$0xc];
	[sflag:s15] =	ssyncadd.s32 $0xFFFFC000  }
0xe0: {  	[spmem:s2] =	stream.indirect.scatter.add.f32 [tilespmem:s13], [sflag:$0x3], $0x80, s9, s12, $0xb8;
	[tilespmem:$0x1D000] =	vst v63  }
0xe1: {  	_ =	swait.ge [sflag:s10], $0x4000  }
0xe2: {  	[sflag:s10] =	ssyncset.done $0x0  }
0xe3: {  	s9 =	rddreg [dreg:$0xd];
	[sflag:s10] =	ssyncadd.s32 $0xFFFFC000  }
0xe4: {  	[tilespmem:s13], [sflag:$0x1] =	stream.indirect.gather [hbm4b:s4+s12], $0x80, s9, s12, $0xb8;
	[tilespmem:$0x1D000] =	vst v63  }
0xe5: {  	_ =	swait.ge [sflag:s16], $0x4000  }
0xe6: {  	[sflag:s16] =	ssyncset.done $0x0  }
0xe7: {  	s9 =	rddreg [dreg:$0xe];
	[sflag:s16] =	ssyncadd.s32 $0xFFFFC000  }
0xe8: {  	[spmem:s2] =	stream.indirect.scatter.add.f32 [tilespmem:s14], [sflag:$0x3], $0x80, s9, s12, $0xb8;
	[tilespmem:$0x1D000] =	vst v63  }
0xe9: {  	_ =	swait.ge [sflag:s10], $0x4000  }
0xea: {  	[sflag:s10] =	ssyncset.done $0x0  }
0xeb: {  	s9 =	rddreg [dreg:$0xf];
	[sflag:s10] =	ssyncadd.s32 $0xFFFFC000  }
0xec: {  	[tilespmem:s14], [sflag:$0x2] =	stream.indirect.gather [hbm4b:s4+s12], $0x80, s9, s12, $0xb8;
	[tilespmem:$0x1D000] =	vst v63  }
0xed: {  	_ =	swait.ge [sflag:s15], $0x4000  }
0xee: {  	[sflag:s15] =	ssyncset.done $0x0  }
0xef: {  	s9 =	rddreg [dreg:$0x10];
	[sflag:s15] =	ssyncadd.s32 $0xFFFFC000  }
0xf0: {  	[spmem:s2] =	stream.indirect.scatter.add.f32 [tilespmem:s13], [sflag:$0x3], $0x80, s9, s12, $0xb8;
	[tilespmem:$0x1D000] =	vst v63  }
0xf1: {  	_ =	swait.ge [sflag:s10], $0x4000  }
0xf2: {  	[sflag:s10] =	ssyncset.done $0x0  }
0xf3: {  	[sflag:s10] =	ssyncadd.s32 $0xFFFFC000  }
0xf4: {  	[tilespmem:s13], [sflag:$0x1] =	stream.indirect.gather [hbm4b:s4+s12], $0x80, s17, s12, $0xb8;
	[tilespmem:$0x1D000] =	vst v63  }
0xf5: {  	_ =	swait.ge [sflag:s16], $0x4000  }
0xf6: {  	[sflag:s16] =	ssyncset.done $0x0  }
0xf7: {  	[sflag:s16] =	ssyncadd.s32 $0xFFFFC000  }
0xf8: {  	[spmem:s2] =	stream.indirect.scatter.add.f32 [tilespmem:s14], [sflag:$0x3], $0x80, s18, s12, $0xb8;
	[tilespmem:$0x1D000] =	vst v63  }
0xf9: {  	_ =	swait.ge [sflag:s10], $0x4000  }
0xfa: {  	[sflag:s10] =	ssyncset.done $0x0  }
0xfb: {  	[sflag:s10] =	ssyncadd.s32 $0xFFFFC000  }
0xfc: {  	[tilespmem:s14], [sflag:$0x2] =	stream.indirect.gather [hbm4b:s4+s12], $0x80, s19, s12, $0xb8;
	[tilespmem:$0x1D000] =	vst v63  }
0xfd: {  	_ =	swait.ge [sflag:s15], $0x4000  }
0xfe: {  	[sflag:s15] =	ssyncset.done $0x0  }
0xff: {  	[sflag:s15] =	ssyncadd.s32 $0xFFFFC000  }
0x100: {  	[spmem:s2] =	stream.indirect.scatter.add.f32 [tilespmem:s13], [sflag:$0x3], $0x80, s20, s12, $0xb8;
	[tilespmem:$0x1D000] =	vst v63  }
0x101: {  	_ =	swait.ge [sflag:s10], $0x4000  }
0x102: {  	[sflag:s10] =	ssyncset.done $0x0  }
0x103: {  	[sflag:s10] =	ssyncadd.s32 $0xFFFFC000  }
0x104: {  	[tilespmem:s13], [sflag:$0x1] =	stream.indirect.gather [hbm4b:s4+s12], $0x80, s21, s12, $0xb8;
	[tilespmem:$0x1D000] =	vst v63  }
0x105: {  	_ =	swait.ge [sflag:s16], $0x4000  }
0x106: {  	[sflag:s16] =	ssyncset.done $0x0  }
0x107: {  	[sflag:s16] =	ssyncadd.s32 $0xFFFFC000  }
0x108: {  	[spmem:s2] =	stream.indirect.scatter.add.f32 [tilespmem:s14], [sflag:$0x3], $0x80, s22, s12, $0xb8;
	[tilespmem:$0x1D000] =	vst v63  }
0x109: {  	_ =	swait.ge [sflag:s10], $0x4000  }
0x10a: {  	[sflag:s10] =	ssyncset.done $0x0  }
0x10b: {  	[sflag:s10] =	ssyncadd.s32 $0xFFFFC000  }
0x10c: {  	[tilespmem:s14], [sflag:$0x2] =	stream.indirect.gather [hbm4b:s4+s12], $0x80, s23, s12, $0xb8;
	[tilespmem:$0x1D000] =	vst v63  }
0x10d: {  	_ =	swait.ge [sflag:s15], $0x4000  }
0x10e: {  	[sflag:s15] =	ssyncset.done $0x0  }
0x10f: {  	[sflag:s15] =	ssyncadd.s32 $0xFFFFC000  }
0x110: {  	[spmem:s2] =	stream.indirect.scatter.add.f32 [tilespmem:s13], [sflag:$0x3], $0x80, s24, s12, $0xb8;
	[tilespmem:$0x1D000] =	vst v63  }
0x111: {  	_ =	swait.ge [sflag:s10], $0x4000  }
0x112: {  	[sflag:s10] =	ssyncset.done $0x0  }
0x113: {  	[sflag:s10] =	ssyncadd.s32 $0xFFFFC000  }
0x114: {  	[tilespmem:s13], [sflag:$0x1] =	stream.indirect.gather [hbm4b:s4+s12], $0x80, s25, s12, $0xb8;
	[tilespmem:$0x1D000] =	vst v63  }
0x115: {  	_ =	swait.ge [sflag:s16], $0x4000  }
0x116: {  	[sflag:s16] =	ssyncset.done $0x0  }
0x117: {  	[sflag:s16] =	ssyncadd.s32 $0xFFFFC000  }
0x118: {  	[spmem:s2] =	stream.indirect.scatter.add.f32 [tilespmem:s14], [sflag:$0x3], $0x80, s26, s12, $0xb8;
	[tilespmem:$0x1D000] =	vst v63  }
0x119: {  	_ =	swait.ge [sflag:s10], $0x4000  }
0x11a: {  	[sflag:s10] =	ssyncset.done $0x0  }
0x11b: {  	[sflag:s10] =	ssyncadd.s32 $0xFFFFC000  }
0x11c: {  	[tilespmem:s14], [sflag:$0x2] =	stream.indirect.gather [hbm4b:s4+s12], $0x80, s28, s12, $0xb8;
	[tilespmem:$0x1D000] =	vst v63  }
0x11d: {  	_ =	swait.ge [sflag:s15], $0x4000  }
0x11e: {  	[sflag:s15] =	ssyncset.done $0x0  }
0x11f: {  	[sflag:s15] =	ssyncadd.s32 $0xFFFFC000  }
0x120: {  	[spmem:s2] =	stream.indirect.scatter.add.f32 [tilespmem:s13], [sflag:$0x3], $0x80, s29, s12, $0xb8;
	[tilespmem:$0x1D000] =	vst v63  }
0x121: {  	_ =	swait.ge [sflag:s10], $0x4000  }
0x122: {  	[sflag:s10] =	ssyncset.done $0x0  }
0x123: {  	[sflag:s10] =	ssyncadd.s32 $0xFFFFC000  }
0x124: {  	[tilespmem:s13], [sflag:$0x1] =	stream.indirect.gather [hbm4b:s4+s12], $0x80, s30, s12, $0xb8;
	[tilespmem:$0x1D000] =	vst v63  }
0x125: {  	_ =	swait.ge [sflag:s16], $0x4000  }
0x126: {  	[sflag:s16] =	ssyncset.done $0x0  }
0x127: {  	[sflag:s16] =	ssyncadd.s32 $0xFFFFC000  }
0x128: {  	[spmem:s2] =	stream.indirect.scatter.add.f32 [tilespmem:s14], [sflag:$0x3], $0x80, s31, s12, $0xb8;
	[tilespmem:$0x1D000] =	vst v63  }
0x129: {  	_ =	swait.ge [sflag:s10], $0x4000  }
0x12a: {  	[sflag:s10] =	ssyncset.done $0x0  }
0x12b: {  	[sflag:s10] =	ssyncadd.s32 $0xFFFFC000  }
0x12c: {  	[tilespmem:s14], [sflag:$0x2] =	stream.indirect.gather [hbm4b:s4+s12], $0x80, s1, s12, $0xb8;
	[tilespmem:$0x1D000] =	vst v63  }
0x12d: {  	_ =	swait.ge [sflag:s15], $0x4000  }
0x12e: {  	[sflag:s15] =	ssyncset.done $0x0  }
0x12f: {  	[sflag:s15] =	ssyncadd.s32 $0xFFFFC000  }
0x130: {  	[spmem:s2] =	stream.indirect.scatter.add.f32 [tilespmem:s13], [sflag:$0x3], $0x80, s0, s12, $0xb8;
	[tilespmem:$0x1D000] =	vst v63  }
0x131: {  	_ =	swait.ge [sflag:s10], $0x4000  }
0x132: {  	[sflag:s10] =	ssyncset.done $0x0  }
0x133: {  	[sflag:s10] =	ssyncadd.s32 $0xFFFFC000  }
0x134: {  	p0 =	sne.s32 s6, $0x900;
	_ =	swait.ge [sflag:s16], $0x4000  }
.Ltmp0:
0x135: {  	[sflag:s16] =	ssyncset.done $0x0;
	(pc) =	sbr.rel @p0 .LBB2_2-.Ltmp0, $4  }
0x136: {  	[sflag:s16] =	ssyncadd.s32 $0xFFFFC000  }
0x137: {  	[spmem:s2] =	stream.indirect.scatter.add.f32 [tilespmem:s14], [sflag:$0x3], $0x80, s5, s12, $0xb8;
	[tilespmem:$0x1D000] =	vst v63  }
0x138: {  	s7 =	smov.u32 s6;
	s6 =	sadd.s32 $0x100, s6;
	_ =	swait.ge [sflag:s10], $0x4000  }
0x139: {  	s8 =	smov.u32 s7;
	s9 =	rddreg [dreg:$0x3];
	[sflag:s10] =	ssyncset.done $0x0  }
0x13a: {  	[sflag:s10] =	ssyncadd.s32 $0xFFFFC000;
	s6 =	sadd.s32 s8, s9  }
0x13b: {  	[tilespmem:s3], [sflag:$0x3] =	stream.linear.gather [hbm4b:s6+s3], $0x800, $0x38;
	[tilespmem:$0x1D000] =	vst v63  }
0x13c: {  	_ =	swait.ge [sflag:s10], $0x800  }
0x13d: {  	s7 =	rddreg [dreg:$0x4];
	[sflag:s10] =	ssyncset.done $0x0  }
0x13e: {  	s6 =	sadd.s32 s8, s7;
	[sflag:s10] =	ssyncadd.s32 $0xFFFFF800  }
0x13f: {  	[tilespmem:s11], [sflag:$0x3] =	stream.linear.gather [hbm4b:s6+s3], $0x800, $0x38;
	[tilespmem:$0x1D000] =	vst v63  }
0x140: {  	_ =	swait.ge [sflag:s10], $0x800  }
0x141: {  	[sflag:s10] =	ssyncset.done $0x0  }
0x142: {  	[sflag:s10] =	ssyncadd.s32 $0xFFFFF800  }
0x143: {  	[tilespmem:s13], [sflag:$0x1] =	stream.indirect.gather [hbm4b:s4+s12], $0x80, s3, s12, $0xb8;
	[tilespmem:$0x1D000] =	vst v63  }
0x144: {  	_ = 	snop  }
0x145: {  	[tilespmem:s14], [sflag:$0x2] =	stream.indirect.gather [hbm4b:s4+s12], $0x80, s12, s12, $0xb8;
	[tilespmem:$0x1D000] =	vst v63  }
0x146: {  	_ =	swait.ge [sflag:s15], $0x4000  }
0x147: {  	[sflag:s15] =	ssyncset.done $0x0  }
0x148: {  	[sflag:s15] =	ssyncadd.s32 $0xFFFFC000  }
0x149: {  	[spmem:s2] =	stream.indirect.scatter.add.f32 [tilespmem:s13], [sflag:$0x3], $0x80, s11, s12, $0xb8;
	[tilespmem:$0x1D000] =	vst v63  }
0x14a: {  	_ =	swait.ge [sflag:s10], $0x4000  }
0x14b: {  	[sflag:s10] =	ssyncset.done $0x0  }
0x14c: {  	s9 =	rddreg [dreg:$0x5];
	[sflag:s10] =	ssyncadd.s32 $0xFFFFC000  }
0x14d: {  	[tilespmem:s13], [sflag:$0x1] =	stream.indirect.gather [hbm4b:s4+s12], $0x80, s9, s12, $0xb8;
	[tilespmem:$0x1D000] =	vst v63  }
0x14e: {  	_ =	swait.ge [sflag:s16], $0x4000  }
0x14f: {  	[sflag:s16] =	ssyncset.done $0x0  }
0x150: {  	s7 =	rddreg [dreg:$0x6];
	[sflag:s16] =	ssyncadd.s32 $0xFFFFC000  }
0x151: {  	[spmem:s2] =	stream.indirect.scatter.add.f32 [tilespmem:s14], [sflag:$0x3], $0x80, s7, s12, $0xb8;
	[tilespmem:$0x1D000] =	vst v63  }
0x152: {  	_ =	swait.ge [sflag:s10], $0x4000  }
0x153: {  	[sflag:s10] =	ssyncset.done $0x0  }
0x154: {  	s8 =	rddreg [dreg:$0x7];
	[sflag:s10] =	ssyncadd.s32 $0xFFFFC000  }
0x155: {  	[tilespmem:s14], [sflag:$0x2] =	stream.indirect.gather [hbm4b:s4+s12], $0x80, s8, s12, $0xb8;
	[tilespmem:$0x1D000] =	vst v63  }
0x156: {  	_ =	swait.ge [sflag:s15], $0x4000  }
0x157: {  	[sflag:s15] =	ssyncset.done $0x0  }
0x158: {  	s9 =	rddreg [dreg:$0x8];
	[sflag:s15] =	ssyncadd.s32 $0xFFFFC000  }
0x159: {  	[spmem:s2] =	stream.indirect.scatter.add.f32 [tilespmem:s13], [sflag:$0x3], $0x80, s9, s12, $0xb8;
	[tilespmem:$0x1D000] =	vst v63  }
0x15a: {  	_ =	swait.ge [sflag:s10], $0x4000  }
0x15b: {  	[sflag:s10] =	ssyncset.done $0x0  }
0x15c: {  	s7 =	rddreg [dreg:$0x9];
	[sflag:s10] =	ssyncadd.s32 $0xFFFFC000  }
0x15d: {  	[tilespmem:s13], [sflag:$0x1] =	stream.indirect.gather [hbm4b:s4+s12], $0x80, s7, s12, $0xb8;
	[tilespmem:$0x1D000] =	vst v63  }
0x15e: {  	_ =	swait.ge [sflag:s16], $0x4000  }
0x15f: {  	[sflag:s16] =	ssyncset.done $0x0  }
0x160: {  	s8 =	rddreg [dreg:$0xa];
	[sflag:s16] =	ssyncadd.s32 $0xFFFFC000  }
0x161: {  	[spmem:s2] =	stream.indirect.scatter.add.f32 [tilespmem:s14], [sflag:$0x3], $0x80, s8, s12, $0xb8;
	[tilespmem:$0x1D000] =	vst v63  }
0x162: {  	_ =	swait.ge [sflag:s10], $0x4000  }
0x163: {  	[sflag:s10] =	ssyncset.done $0x0  }
0x164: {  	s9 =	rddreg [dreg:$0xb];
	[sflag:s10] =	ssyncadd.s32 $0xFFFFC000  }
0x165: {  	[tilespmem:s14], [sflag:$0x2] =	stream.indirect.gather [hbm4b:s4+s12], $0x80, s9, s12, $0xb8;
	[tilespmem:$0x1D000] =	vst v63  }
0x166: {  	_ =	swait.ge [sflag:s15], $0x4000  }
0x167: {  	[sflag:s15] =	ssyncset.done $0x0  }
0x168: {  	s7 =	rddreg [dreg:$0xc];
	[sflag:s15] =	ssyncadd.s32 $0xFFFFC000  }
0x169: {  	[spmem:s2] =	stream.indirect.scatter.add.f32 [tilespmem:s13], [sflag:$0x3], $0x80, s7, s12, $0xb8;
	[tilespmem:$0x1D000] =	vst v63  }
0x16a: {  	_ =	swait.ge [sflag:s10], $0x4000  }
0x16b: {  	[sflag:s10] =	ssyncset.done $0x0  }
0x16c: {  	s8 =	rddreg [dreg:$0xd];
	[sflag:s10] =	ssyncadd.s32 $0xFFFFC000  }
0x16d: {  	[tilespmem:s13], [sflag:$0x1] =	stream.indirect.gather [hbm4b:s4+s12], $0x80, s8, s12, $0xb8;
	[tilespmem:$0x1D000] =	vst v63  }
0x16e: {  	_ =	swait.ge [sflag:s16], $0x4000  }
0x16f: {  	[sflag:s16] =	ssyncset.done $0x0  }
0x170: {  	s9 =	rddreg [dreg:$0xe];
	[sflag:s16] =	ssyncadd.s32 $0xFFFFC000  }
0x171: {  	[spmem:s2] =	stream.indirect.scatter.add.f32 [tilespmem:s14], [sflag:$0x3], $0x80, s9, s12, $0xb8;
	[tilespmem:$0x1D000] =	vst v63  }
0x172: {  	_ =	swait.ge [sflag:s10], $0x4000  }
0x173: {  	[sflag:s10] =	ssyncset.done $0x0  }
0x174: {  	s7 =	rddreg [dreg:$0xf];
	[sflag:s10] =	ssyncadd.s32 $0xFFFFC000  }
0x175: {  	[tilespmem:s14], [sflag:$0x2] =	stream.indirect.gather [hbm4b:s4+s12], $0x80, s7, s12, $0xb8;
	[tilespmem:$0x1D000] =	vst v63  }
0x176: {  	_ =	swait.ge [sflag:s15], $0x4000  }
0x177: {  	[sflag:s15] =	ssyncset.done $0x0  }
0x178: {  	s8 =	rddreg [dreg:$0x10];
	[sflag:s15] =	ssyncadd.s32 $0xFFFFC000  }
0x179: {  	[spmem:s2] =	stream.indirect.scatter.add.f32 [tilespmem:s13], [sflag:$0x3], $0x80, s8, s12, $0xb8;
	[tilespmem:$0x1D000] =	vst v63  }
0x17a: {  	_ =	swait.ge [sflag:s10], $0x4000  }
0x17b: {  	[sflag:s10] =	ssyncset.done $0x0  }
0x17c: {  	[sflag:s10] =	ssyncadd.s32 $0xFFFFC000  }
0x17d: {  	[tilespmem:s13], [sflag:$0x1] =	stream.indirect.gather [hbm4b:s4+s12], $0x80, s17, s12, $0xb8;
	[tilespmem:$0x1D000] =	vst v63  }
0x17e: {  	_ =	swait.ge [sflag:s16], $0x4000  }
0x17f: {  	[sflag:s16] =	ssyncset.done $0x0  }
0x180: {  	[sflag:s16] =	ssyncadd.s32 $0xFFFFC000  }
0x181: {  	[spmem:s2] =	stream.indirect.scatter.add.f32 [tilespmem:s14], [sflag:$0x3], $0x80, s18, s12, $0xb8;
	[tilespmem:$0x1D000] =	vst v63  }
0x182: {  	_ =	swait.ge [sflag:s10], $0x4000  }
0x183: {  	[sflag:s10] =	ssyncset.done $0x0  }
0x184: {  	[sflag:s10] =	ssyncadd.s32 $0xFFFFC000  }
0x185: {  	[tilespmem:s14], [sflag:$0x2] =	stream.indirect.gather [hbm4b:s4+s12], $0x80, s19, s12, $0xb8;
	[tilespmem:$0x1D000] =	vst v63  }
0x186: {  	_ =	swait.ge [sflag:s15], $0x4000  }
0x187: {  	[sflag:s15] =	ssyncset.done $0x0  }
0x188: {  	[sflag:s15] =	ssyncadd.s32 $0xFFFFC000  }
0x189: {  	[spmem:s2] =	stream.indirect.scatter.add.f32 [tilespmem:s13], [sflag:$0x3], $0x80, s20, s12, $0xb8;
	[tilespmem:$0x1D000] =	vst v63  }
0x18a: {  	_ =	swait.ge [sflag:s10], $0x4000  }
0x18b: {  	[sflag:s10] =	ssyncset.done $0x0  }
0x18c: {  	[sflag:s10] =	ssyncadd.s32 $0xFFFFC000  }
0x18d: {  	[tilespmem:s13], [sflag:$0x1] =	stream.indirect.gather [hbm4b:s4+s12], $0x80, s21, s12, $0xb8;
	[tilespmem:$0x1D000] =	vst v63  }
0x18e: {  	_ =	swait.ge [sflag:s16], $0x4000  }
0x18f: {  	[sflag:s16] =	ssyncset.done $0x0  }
0x190: {  	[sflag:s16] =	ssyncadd.s32 $0xFFFFC000  }
0x191: {  	[spmem:s2] =	stream.indirect.scatter.add.f32 [tilespmem:s14], [sflag:$0x3], $0x80, s22, s12, $0xb8;
	[tilespmem:$0x1D000] =	vst v63  }
0x192: {  	_ =	swait.ge [sflag:s10], $0x4000  }
0x193: {  	[sflag:s10] =	ssyncset.done $0x0  }
0x194: {  	[sflag:s10] =	ssyncadd.s32 $0xFFFFC000  }
0x195: {  	[tilespmem:s14], [sflag:$0x2] =	stream.indirect.gather [hbm4b:s4+s12], $0x80, s23, s12, $0xb8;
	[tilespmem:$0x1D000] =	vst v63  }
0x196: {  	_ =	swait.ge [sflag:s15], $0x4000  }
0x197: {  	[sflag:s15] =	ssyncset.done $0x0  }
0x198: {  	[sflag:s15] =	ssyncadd.s32 $0xFFFFC000  }
0x199: {  	[spmem:s2] =	stream.indirect.scatter.add.f32 [tilespmem:s13], [sflag:$0x3], $0x80, s24, s12, $0xb8;
	[tilespmem:$0x1D000] =	vst v63  }
0x19a: {  	_ =	swait.ge [sflag:s10], $0x4000  }
0x19b: {  	[sflag:s10] =	ssyncset.done $0x0  }
0x19c: {  	[sflag:s10] =	ssyncadd.s32 $0xFFFFC000  }
0x19d: {  	[tilespmem:s13], [sflag:$0x1] =	stream.indirect.gather [hbm4b:s4+s12], $0x80, s25, s12, $0xb8;
	[tilespmem:$0x1D000] =	vst v63  }
0x19e: {  	_ =	swait.ge [sflag:s16], $0x4000  }
0x19f: {  	[sflag:s16] =	ssyncset.done $0x0  }
0x1a0: {  	[sflag:s16] =	ssyncadd.s32 $0xFFFFC000  }
0x1a1: {  	[spmem:s2] =	stream.indirect.scatter.add.f32 [tilespmem:s14], [sflag:$0x3], $0x80, s26, s12, $0xb8;
	[tilespmem:$0x1D000] =	vst v63  }
0x1a2: {  	_ =	swait.ge [sflag:s10], $0x4000  }
0x1a3: {  	[sflag:s10] =	ssyncset.done $0x0  }
0x1a4: {  	[sflag:s10] =	ssyncadd.s32 $0xFFFFC000  }
0x1a5: {  	[tilespmem:s14], [sflag:$0x2] =	stream.indirect.gather [hbm4b:s4+s12], $0x80, s28, s12, $0xb8;
	[tilespmem:$0x1D000] =	vst v63  }
0x1a6: {  	_ =	swait.ge [sflag:s15], $0x4000  }
0x1a7: {  	[sflag:s15] =	ssyncset.done $0x0  }
0x1a8: {  	[sflag:s15] =	ssyncadd.s32 $0xFFFFC000  }
0x1a9: {  	[spmem:s2] =	stream.indirect.scatter.add.f32 [tilespmem:s13], [sflag:$0x3], $0x80, s29, s12, $0xb8;
	[tilespmem:$0x1D000] =	vst v63  }
0x1aa: {  	_ =	swait.ge [sflag:s10], $0x4000  }
0x1ab: {  	[sflag:s10] =	ssyncset.done $0x0  }
0x1ac: {  	[sflag:s10] =	ssyncadd.s32 $0xFFFFC000  }
0x1ad: {  	[tilespmem:s13], [sflag:$0x1] =	stream.indirect.gather [hbm4b:s4+s12], $0x80, s30, s12, $0xb8;
	[tilespmem:$0x1D000] =	vst v63  }
0x1ae: {  	_ =	swait.ge [sflag:s16], $0x4000  }
0x1af: {  	[sflag:s16] =	ssyncset.done $0x0  }
0x1b0: {  	[sflag:s16] =	ssyncadd.s32 $0xFFFFC000  }
0x1b1: {  	[spmem:s2] =	stream.indirect.scatter.add.f32 [tilespmem:s14], [sflag:$0x3], $0x80, s31, s12, $0xb8;
	[tilespmem:$0x1D000] =	vst v63  }
0x1b2: {  	_ =	swait.ge [sflag:s10], $0x4000  }
0x1b3: {  	[sflag:s10] =	ssyncset.done $0x0  }
0x1b4: {  	[sflag:s10] =	ssyncadd.s32 $0xFFFFC000  }
0x1b5: {  	[tilespmem:s14], [sflag:$0x2] =	stream.indirect.gather [hbm4b:s4+s12], $0x80, s1, s12, $0xb8;
	[tilespmem:$0x1D000] =	vst v63  }
0x1b6: {  	_ =	swait.ge [sflag:s15], $0x4000  }
0x1b7: {  	[sflag:s15] =	ssyncset.done $0x0  }
0x1b8: {  	[sflag:s15] =	ssyncadd.s32 $0xFFFFC000  }
0x1b9: {  	[spmem:s2] =	stream.indirect.scatter.add.f32 [tilespmem:s13], [sflag:$0x3], $0x80, s0, s12, $0xb8;
	[tilespmem:$0x1D000] =	vst v63  }
0x1ba: {  	_ =	swait.ge [sflag:s10], $0x4000  }
0x1bb: {  	[sflag:s10] =	ssyncset.done $0x0  }
0x1bc: {  	[sflag:s10] =	ssyncadd.s32 $0xFFFFC000  }
0x1bd: {  	_ =	swait.ge [sflag:s16], $0x4000  }
0x1be: {  	[sflag:s16] =	ssyncset.done $0x0  }
0x1bf: {  	[sflag:s16] =	ssyncadd.s32 $0xFFFFC000  }
0x1c0: {  	[spmem:s2] =	stream.indirect.scatter.add.f32 [tilespmem:s14], [sflag:$0x3], $0x80, s5, s12, $0xb8;
	[tilespmem:$0x1D000] =	vst v63  }
0x1c1: {  	_ =	swait.ge [sflag:s10], $0x4000  }
0x1c2: {  	[sflag:s10] =	ssyncset.done $0x0  }
0x1c3: {  	[sflag:s10] =	ssyncadd.s32 $0xFFFFC000  }
0x1c4: {  	[bflag:$0x0] =	sbarrier.arrive $0xFFFF  }
0x1c5: {  	s8 =	rddreg [dreg:$0x12]  }
0x1c6: {  	s9 =	rddreg [dreg:$0x13]  }
0x1c7: {  	s7 =	rddreg [dreg:$0x15]  }
0x1c8: {  	[hbm:s9], [sflag:s8] =	dma.local [spmem:s7], $0x2800  }
0x1c9: {  	_ =	swait.ge [sflag:s10], $0x2800  }
0x1ca: {  	s6 =	rddreg [dreg:$0x16]  }
0x1cb: {  	s9 =	sadd.s32 $0x1, s6;
	s6 =	rddreg [dreg:$0x14]  }
0x1cc: {  	p0 =	sne.s32 s9, s6  }
.Ltmp1:
0x1cd: {  	_ = 	snop;
	(pc) =	sbr.rel @p0 .LBB2_1-.Ltmp1, $3  }
0x1ce: {  	_ =	sdelay $0x1  }
0x1cf: {  	[sflag:s10] =	ssyncset.done $0x0  }
0x1d0: {  	[sflag:s10] =	ssyncadd.s32 $0xFFFFD800  }
0x1d1: {  	_ =	sfence.sel $0x180000  }
0x1d2: {  	[bflag:$0x0] =	sbarrier.arrive $0xFFFF  }
0x1d3: {  	_ =	strace $0x9000004D  }
0x1d4: {  	s0 =	stileid.u32;
	[bflag:$0x2] =	sbarrier.arrive $0xFFFF  }
0x1d5: {  	p0 =	sne.s32 s0, $0x0;
	s0 =	rddreg [dreg:$0x2]  }
0x1d6: {  	s0 =	sadd.s32 @!p0 $0x100000, s0  }
0x1d7: {  	[sflag:s0] =	ssyncadd.tile.s32 @!p0 $0x1;
	_ =	shalt  }
.Lfunc_end2:
_tile_overlayer_lowered:
.L_overlay_start_2:
0x1d8: {  	(tag) =	ssettag $0x2  }
0x1d9: {  	s0 =	rddreg [dreg:$0x0];
	s2 =	stileid.u32  }
0x1da: {  	s1 =	rddreg [dreg:$0x1];
	p0 =	sne.s32 s2, $0x0  }
0x1db: {  	s3 =	rddreg [dreg:$0x2];
	[bflag:$0x3] =	sbarrier.arrive $0xFFFF;
	s2 =	simm.s32 @!p0 $0x1C03  }
0x1dc: {  	[timem:s3], [sflag:s2] =	dma.local @!p0 [hbm:s0], s1  }
0x1dd: {  	s0 =	simm.s32 @!p0 $0x3  }
0x1de: {  	_ =	swait.ge @!p0 [sflag:s0], s1  }
0x1df: {  	s1 =	ssub.s32 @!p0 $0x0, s1;
	[sflag:s0] =	ssyncset.done @!p0 $0x0  }
0x1e0: {  	[sflag:s0] =	ssyncadd.s32 @!p0 s1  }
0x1e1: {  	[bflag:$0x3] =	sbarrier.arrive $0xFFFF  }
0x1e2: {  	_ =	shalt  }

// kernel: kernel.19.cloned.1.call-start
scs
__scs_entry_jumppad:
0x0: {  	(pc) =	sbr.rel $0x88, $3  }
0x1: {  	(tag) =	ssettag $0x0;
	lr =	simm.s32 $0x1  }
0x2: {  	[smem:$0x3F96] =	sst lr;
	_ =	strace $0xD0000000  }
0x3: {  	_ = 	snop  }
0x4: {  	_ = 	snop  }
0x5: {  	_ = 	snop  }
0x6: {  	_ = 	snop  }
0x7: {  	_ = 	snop  }
__scs_overlays_trampoline_lowered:
0x8: {  	[smem:$0x3FA5] =	sst s0  }
0x9: {  	[smem:$0x3FA6] =	sst s1  }
0xa: {  	[smem:$0x3FA7] =	sst s2  }
0xb: {  	[smem:$0x3FA8] =	sst s3  }
0xc: {  	[smem:$0x3FA9] =	sst s4  }
0xd: {  	[smem:$0x3FAA] =	sst s5  }
0xe: {  	[smem:$0x3FAB] =	sst s6  }
0xf: {  	[smem:$0x3FAC] =	sst s7  }
0x10: {  	[smem:$0x3FAD] =	sst s8  }
0x11: {  	[smem:$0x3FAE] =	sst s9;
	s0 =	simm.s32 @!p0 $0x0  }
0x12: {  	s1 =	sld [smem:$0x3F94];
	s0 =	simm.s32 @p0 $0x1  }
0x13: {  	[smem:$0x3FAF] =	sst s0;
	s0 =	simm.s32 @!p1 $0x0  }
0x14: {  	s2 =	sld [smem:$0x3F93];
	s0 =	simm.s32 @p1 $0x1  }
0x15: {  	[smem:$0x3FB0] =	sst s0;
	s0 =	simm.s32 @!p2 $0x0  }
0x16: {  	s3 =	sld [smem:$0x3FDB];
	s0 =	simm.s32 @p2 $0x1  }
0x17: {  	s4 =	simm.s32 $0x1BF5;
	[smem:$0x3FB2] =	sst s0  }
0x18: {  	s0 =	sld [smem:$0x3F95];
	_ =	swait.ge [sflag:s4], $0x0  }
0x19: {  	s7 =	sld [smem:$0x3F96]  }
0x1a: {  	s8 =	sadd.s32 $0xFFFFE003, lr  }
0x1b: {  	s9 =	sadd.s32 $0xFFFFFEF7, lr;
	s5 =	simm.s32 $0xFFFFFFFF;
	p2 =	slt.u32 s8, $0xFFFFF086  }
0x1c: {  	p1 =	slt.u32 s9, $0xF7A;
	s5 =	simm.s32 @!p2 $0x0  }
0x1d: {  	s5 =	simm.s32 @p1 $0x1;
	p0 =	seq.s32 s7, s2  }
0x1e: {  	s7 =	smul.u32 @!p0 $0xF7A, s2;
	p2 =	seq.s32 @!p0 s5, $0x0  }
0x1f: {  	s9 =	smul.u32 $0xF7A, s1;
	s8 =	simm.s32 @!p0 $0x1BF5;
	p2 =	por !p2, p0  }
0x20: {  	[sflag:s8] =	ssyncset.s32 @!p0 $0xFFFFF086;
	s6 =	sadd.s32 @!p0 s3, s7;
	s7 =	simm.s32 @!p0 $0x108  }
0x21: {  	s3 =	sadd.s32 s3, s9;
	s6 =	sadd.s32 @!p0 $0x88, s6;
	s7 =	simm.s32 @p2 $0x1082  }
0x22: {  	[simem:s7], [sflag:s8] =	dma.local @!p0 [hbm:s6], $0xF7A  }
0x23: {  	s9 =	sor.u32 $0xD0000000, s2;
	s6 =	simm.s32 $0x108;
	_ =	swait.ge @!p0 [sflag:s8], $0x0  }
0x24: {  	s3 =	sadd.s32 $0x88, s3;
	s6 =	simm.s32 @!p1 $0x1082;
	[sflag:s4] =	ssyncset.s32 $0xFFFFF086  }
0x25: {  	[simem:s6], [sflag:s4] =	dma.local [hbm:s3], $0xF7A  }
0x26: {  	[smem:$0x3F96] =	sst s1;
	(tag) =	ssettag s2;
	_ =	strace s9  }
0x27: {  	s1 =	sld [smem:$0x3FA6]  }
0x28: {  	s2 =	sld [smem:$0x3FA7]  }
0x29: {  	s4 =	sld [smem:$0x3FA9]  }
0x2a: {  	p0 =	seq.s32 s5, $0x0;
	s5 =	sld [smem:$0x3FAA]  }
0x2b: {  	s6 =	sld [smem:$0x3FAB]  }
0x2c: {  	s7 =	sld [smem:$0x3FAC]  }
0x2d: {  	s3 =	simm.s32 $0x108;
	s8 =	sld [smem:$0x3FAD]  }
0x2e: {  	s3 =	simm.s32 @!p0 $0x1082;
	s9 =	sld [smem:$0x3FAE]  }
0x2f: {  	lr =	sadd.s32 s0, s3;
	s0 =	sld [smem:$0x3FA5]  }
0x30: {  	s3 =	sld [smem:$0x3FA8]  }
0x31: {  	[smem:$0x3FB1] =	sst s10  }
0x32: {  	s10 =	sld [smem:$0x3FAF];
	_ =	sdelay $0x3  }
0x33: {  	p0 =	seq.s32 s10, $0x1;
	s10 =	sld [smem:$0x3FB1];
	_ =	sdelay $0x3  }
0x34: {  	[smem:$0x3FB1] =	sst s10  }
0x35: {  	s10 =	sld [smem:$0x3FB0];
	_ =	sdelay $0x3  }
0x36: {  	p1 =	seq.s32 s10, $0x1;
	s10 =	sld [smem:$0x3FB1];
	_ =	sdelay $0x3  }
0x37: {  	[smem:$0x3FB1] =	sst s10  }
0x38: {  	s10 =	sld [smem:$0x3FB2]  }
0x39: {  	_ = 	snop;
	(pc) =	sbr.ind lr, $3  }
0x3a: {  	_ = 	snop  }
0x3b: {  	_ = 	snop  }
0x3c: {  	p2 =	seq.s32 s10, $0x1;
	s10 =	sld [smem:$0x3FB1]  }
0x3d: {  	_ =	shalt  }
0x3e: {  	_ =	shalt  }
0x3f: {  	_ =	shalt  }
0x40: {  	_ =	shalt  }
0x41: {  	_ =	shalt  }
0x42: {  	_ =	shalt  }
0x43: {  	_ =	shalt  }
0x44: {  	_ =	shalt  }
0x45: {  	_ =	shalt  }
0x46: {  	_ =	shalt  }
0x47: {  	_ =	shalt  }
0x48: {  	_ =	shalt  }
0x49: {  	_ =	shalt  }
0x4a: {  	_ =	shalt  }
0x4b: {  	_ =	shalt  }
0x4c: {  	_ =	shalt  }
0x4d: {  	_ =	shalt  }
0x4e: {  	_ =	shalt  }
0x4f: {  	_ =	shalt  }
0x50: {  	_ =	shalt  }
0x51: {  	_ =	shalt  }
0x52: {  	_ =	shalt  }
0x53: {  	_ =	shalt  }
0x54: {  	_ =	shalt  }
0x55: {  	_ =	shalt  }
0x56: {  	_ =	shalt  }
0x57: {  	_ =	shalt  }
0x58: {  	_ =	shalt  }
0x59: {  	_ =	shalt  }
0x5a: {  	_ =	shalt  }
0x5b: {  	_ =	shalt  }
0x5c: {  	_ =	shalt  }
0x5d: {  	_ =	shalt  }
0x5e: {  	_ =	shalt  }
0x5f: {  	_ =	shalt  }
0x60: {  	_ =	shalt  }
0x61: {  	_ =	shalt  }
0x62: {  	_ =	shalt  }
0x63: {  	_ =	shalt  }
0x64: {  	_ =	shalt  }
0x65: {  	_ =	shalt  }
0x66: {  	_ =	shalt  }
0x67: {  	_ =	shalt  }
0x68: {  	_ =	shalt  }
0x69: {  	_ =	shalt  }
0x6a: {  	_ =	shalt  }
0x6b: {  	_ =	shalt  }
0x6c: {  	_ =	shalt  }
0x6d: {  	_ =	shalt  }
0x6e: {  	_ =	shalt  }
0x6f: {  	_ =	shalt  }
0x70: {  	_ =	shalt  }
0x71: {  	_ =	shalt  }
0x72: {  	_ =	shalt  }
0x73: {  	_ =	shalt  }
0x74: {  	_ =	shalt  }
0x75: {  	_ =	shalt  }
0x76: {  	_ =	shalt  }
0x77: {  	_ =	shalt  }
0x78: {  	_ =	shalt  }
0x79: {  	_ =	shalt  }
0x7a: {  	_ =	shalt  }
0x7b: {  	_ =	shalt  }
0x7c: {  	_ =	shalt  }
0x7d: {  	_ =	shalt  }
0x7e: {  	_ =	shalt  }
0x7f: {  	_ =	shalt  }
0x80: {  	_ =	shalt  }
0x81: {  	_ =	shalt  }
0x82: {  	_ =	shalt  }
0x83: {  	_ =	shalt  }
0x84: {  	_ =	shalt  }
0x85: {  	_ =	shalt  }
0x86: {  	_ =	shalt  }
0x87: {  	_ =	shalt  }
.Lfunc_end0:
.L_simem_size_0:
called_computation.3_lowered:
.L_overlay_start_0:
0x88: {  	s2 =	sld [smem:$0x3FD9]  }
0x89: {  	s3 =	sld [smem:$0x3FFE];
	_ =	sdelay $0x1  }
0x8a: {  	s1 =	srdreg.scid  }
0x8b: {  	s0 =	sand.u32 $0x1, s1  }
0x8c: {  	s16 =	sshll.u32 s0, $0xA;
	s2 =	sadd.s32 s3, s2  }
0x8d: {  	s2 =	sadd.s32 s2, s16  }
0x8e: {  	[smem:$0x3FBD] =	sst s2  }
0x8f: {  	_ = 	snop  }
0x90: {  	(tm) =	ssettm $0x1  }
0x91: {  	s17 =	sld [smem:$0x3FFB];
	_ =	sdelay $0x3  }
0x92: {  	_ =	strace s17  }
0x93: {  	s2 =	sld [smem:$0x3FFC];
	_ =	sdelay $0x3  }
0x94: {  	_ =	strace s2  }
0x95: {  	s2 =	sld [smem:$0x3FFD];
	_ =	sdelay $0x3  }
0x96: {  	_ =	strace s2  }
0x97: {  	_ =	strace $0x8FFFFFFF  }
0x98: {  	s18 =	sld [smem:$0x3FDB];
	_ =	sdelay $0x1  }
0x99: {  	s19 =	simm.s32 $_scs_section_size  }
0x9a: {  	s4 =	simm.s32 $_size__tile_overlayer_lowered;
	s5 =	simm.s32 $_tile_overlayer_lowered  }
0x9b: {  	s22 =	simm.s32 $0x1BFF;
	s21 =	sshll.u32 s5, $0x1;
	s2 =	sadd.s32 s19, s18  }
0x9c: {  	s6 =	simm.s32 $0x0;
	s20 =	sshll.u32 s4, $0x1;
	s4 =	sadd.s32 s21, s2  }
0x9d: {  	[timem:s6], [sflag:s22] =	dma.local [hbm:s4], s20  }
0x9e: {  	_ =	swait.ge [sflag:s22], s20  }
0x9f: {  	s3 =	ssub.s32 $0x0, s20;
	[sflag:s22] =	ssyncset.done $0x0  }
0xa0: {  	[sflag:s22] =	ssyncadd.s32 s3;
	_ =	sdelay $0x1  }
0xa1: {  	s23 =	simm.s32 $0x1B8B  }
0xa2: {  	_ =	swait.ge [sflag:s23], $0x1  }
0xa3: {  	[sflag:s23] =	ssyncset.done $0x0  }
0xa4: {  	s25 =	simm.s32 $0x1B8E;
	s24 =	sld [smem:$0x3FFE];
	[sflag:s23] =	ssyncadd.s32 $0xFFFFFFFF  }
0xa5: {  	s26 =	simm.s32 $execute0_lowered;
	[smem:$0x3FD2] =	sst s25  }
0xa6: {  	s4 =	sshll.u32 s26, $0x1;
	_ =	strace $0x8000004F;
	[dreg:$0x1] =	wrdreg $0xFFFFFFFF  }
0xa7: {  	s28 =	simm.s32 $_size_execute0_lowered;
	s2 =	sadd.s32 s2, s4;
	[dreg:$0x0] =	wrdreg $0x0  }
0xa8: {  	s4 =	sshll.u32 s28, $0x1;
	[dreg:$0x2] =	wrdreg s2  }
0xa9: {  	[dreg:$0x3] =	wrdreg s4  }
0xaa: {  	[dreg:$0x4] =	wrdreg $0xC0  }
0xab: {  	_ =	task [dreg:s6], $0x5FFFF  }
0xac: {  	[dreg:$0x1] =	wrdreg $0xFFFFFFFF  }
0xad: {  	[dreg:$0x0] =	wrdreg $0x60  }
0xae: {  	[dreg:$0x2] =	wrdreg s24  }
0xaf: {  	[dreg:$0x3] =	wrdreg $0x10000  }
0xb0: {  	[dreg:$0x4] =	wrdreg $0x9  }
0xb1: {  	_ =	task.clear_ibuf [dreg:s6], $0x5FFFF;
	_ =	strace $0x9000004F  }
0xb2: {  	s29 =	simm.s32 $0x9;
	_ =	strace $0x80000051  }
0xb3: {  	_ =	swait.ge [sflag:s29], $0x1  }
0xb4: {  	[sflag:s29] =	ssyncadd.s32 $0xFFFFFFFF  }
0xb5: {  	_ =	strace $0x90000051  }
0xb6: {  	_ =	sfence  }
0xb7: {  	s30 =	sld [smem:$0x0];
	_ =	sdelay $0x2  }
0xb8: {  	s31 =	sshll.u32 s1, $0xD;
	s1 =	sshrl.u32 s1, $0x2  }
0xb9: {  	s3 =	sand.u32 $0x4000, s31;
	s1 =	sadd.s32 s1, s30  }
0xba: {  	s0 =	sor.u32 s3, s0;
	s1 =	sshll.u32 s1, $0x11  }
0xbb: {  	s0 =	sor.u32 s1, s0  }
0xbc: {  	s0 =	sadd.s32 $0x8F2B, s0  }
0xbd: {  	[sflag:s0] =	ssyncadd.remote.s32 $0x1  }
0xbe: {  	_ =	sfence.sel $0xFFFF  }
0xbf: {  	[dreg:$0x0] =	wrdreg $0xFFFFFFFF;
	(pc) =	sbr.abs _section_cstart, $3  }
0xc0: {  	[dreg:$0x1] =	wrdreg $0xFFFFFFFF  }
0xc1: {  	_ =	task.clear_ibuf [dreg:s6], $0x2FFFF;
	_ =	strace $0x9FFFFFFF  }
0xc2: {  	(tm) =	ssettm $0x7FFFFFFF  }
0xc3: {  	_ =	shalt  }
tec
execute0_lowered:
.L_overlay_start_1:
0x0: {  	(tag) =	ssettag $0x1  }
0x1: {  	s0 =	srdreg.scid;
	s1 =	rddreg [dreg:$0x0]  }
0x2: {  	s10 =	stileid.u32;
	s2 =	rddreg [dreg:$0x1]  }
0x3: {  	s3 =	simm.s32 $0x0;
	s14 =	simm.s32 $0x100;
	s15 =	simm.s32 $0x880  }
0x4: {  	s17 =	simm.s32 $0x180;
	s18 =	simm.s32 $0x900;
	[smem:$0x7FF] =	sst s3  }
0x5: {  	s19 =	simm.s32 $0x200;
	_ =	strace $0x80000050;
	[dreg:$0x5] =	wrdreg s14  }
0x6: {  	s20 =	simm.s32 $0x980;
	s21 =	simm.s32 $0x280;
	[dreg:$0x6] =	wrdreg s15  }
0x7: {  	s22 =	simm.s32 $0xA00;
	s23 =	simm.s32 $0x300;
	[dreg:$0x7] =	wrdreg s17  }
0x8: {  	s24 =	simm.s32 $0xA80;
	s25 =	simm.s32 $0x380;
	[dreg:$0x8] =	wrdreg s18  }
0x9: {  	s26 =	simm.s32 $0xB00;
	s28 =	simm.s32 $0x680;
	[dreg:$0x9] =	wrdreg s19  }
0xa: {  	s29 =	simm.s32 $0xE00;
	s4 =	smul.u32 $0x5000, s10;
	[dreg:$0xa] =	wrdreg s20  }
0xb: {  	s30 =	simm.s32 $0x700;
	s6 =	smul.u32 $0xA00, s10;
	[dreg:$0xb] =	wrdreg s21  }
0xc: {  	s0 =	sand.u32 $0x1, s0;
	s8 =	smul.u32 $0x280, s10;
	[dreg:$0xc] =	wrdreg s22  }
0xd: {  	s31 =	simm.s32 $0xE80;
	s5 =	smul.u32 $0x50000, s0;
	[dreg:$0xd] =	wrdreg s23  }
0xe: {  	s16 =	sshll.u32 s10, $0x6;
	s9 =	smul.u32 $0x2800, s0;
	[dreg:$0xe] =	wrdreg s24  }
0xf: {  	s0 =	ssub.s32 $0x2, s0;
	s14 =	simm.s32 $0x19000;
	[dreg:$0xf] =	wrdreg s25  }
0x10: {  	s15 =	simm.s32 $0x1;
	[dreg:$0x10] =	wrdreg s26;
	s17 =	simm.s32 $0x400  }
0x11: {  	s18 =	simm.s32 $0xB80;
	s19 =	simm.s32 $0x480;
	s20 =	simm.s32 $0xC00  }
0x12: {  	s21 =	simm.s32 $0x500;
	s22 =	simm.s32 $0xC80;
	s23 =	simm.s32 $0x580  }
0x13: {  	s24 =	simm.s32 $0xD00;
	s25 =	simm.s32 $0x600;
	s26 =	simm.s32 $0xD80  }
0x14: {  	s6 =	sadd.s32 s6, s1;
	s11 =	sshrl.u32 s0, $0x1;
	s4 =	sadd.s32 s4, s5  }
0x15: {  	s5 =	sadd.s32 s8, s9;
	s9 =	smul.u32 $0x50000, s10;
	s0 =	ssub.s32 s0, s11  }
0x16: {  	s6 =	sadd.s32 $0x2600, s6;
	s8 =	sor.u32 $0x1C03, s16;
	s10 =	simm.s32 $0x3  }
0x17: {  	s11 =	simm.s32 $0x800;
	s16 =	simm.s32 $0x2;
	s7 =	sshrl.u32 s4, $0x3  }
0x18: {  	s4 =	sadd.s32 $0xC600, s1;
	s5 =	sshll.u32 s5, $0x4;
	[dreg:$0x4] =	wrdreg s6  }
0x19: {  	s0 =	smax.u32 s0, $0x1;
	[dreg:$0x12] =	wrdreg s8;
	s7 =	sadd.s32 s7, s1  }
0x1a: {  	s1 =	sadd.s32 s5, s1;
	s12 =	sshrl.u32 s9, $0x2;
	s5 =	sadd.s32 s4, s5  }
0x1b: {  	[dreg:$0x14] =	wrdreg s0;
	s0 =	simm.s32 $0xF00;
	s9 =	simm.s32 $0x0  }
0x1c: {  	s7 =	sadd.s32 $0x84E00, s7;
	s13 =	sadd.s32 s12, s2;
	[dreg:$0x11] =	wrdreg s5  }
0x1d: {  	s1 =	sadd.s32 $0x98E00, s1;
	s12 =	simm.s32 $0x80;
	[dreg:$0x3] =	wrdreg s7  }
0x1e: {  	s5 =	simm.s32 $0xF80;
	[dreg:$0x13] =	wrdreg s1;
	s7 =	sshrl.u32 s13, $0x3  }
0x1f: {  	s13 =	simm.s32 $0x15000;
	s1 =	simm.s32 $0x780;
	[dreg:$0x15] =	wrdreg s7  }
.LBB2_1:
0x20: {  	[dreg:$0x16] =	wrdreg s9  }
0x21: {  	s6 =	rddreg [dreg:$0x11]  }
0x22: {  	[spmem:s7], [sflag:s8] =	dma.local [hbm:s6], $0x2800  }
0x23: {  	_ =	swait.ge [sflag:s10], $0x2800  }
0x24: {  	[sflag:s10] =	ssyncset.done $0x0  }
0x25: {  	[sflag:s10] =	ssyncadd.s32 $0xFFFFD800  }
0x26: {  	[bflag:$0x0] =	sbarrier.arrive $0xFFFF  }
0x27: {  	s8 =	rddreg [dreg:$0x3]  }
0x28: {  	s6 =	sadd.s32 $0x0, s8  }
0x29: {  	[tilespmem:s3], [sflag:$0x3] =	stream.linear.gather [hbm4b:s6+s3], $0x800, $0x38;
	[tilespmem:$0x1D000] =	vst v63  }
0x2a: {  	_ =	swait.ge [sflag:s10], $0x800  }
0x2b: {  	s9 =	rddreg [dreg:$0x4];
	[sflag:s10] =	ssyncset.done $0x0  }
0x2c: {  	[sflag:s10] =	ssyncadd.s32 $0xFFFFF800;
	s6 =	sadd.s32 $0x0, s9  }
0x2d: {  	[tilespmem:s11], [sflag:$0x3] =	stream.linear.gather [hbm4b:s6+s3], $0x800, $0x38;
	[tilespmem:$0x1D000] =	vst v63  }
0x2e: {  	_ =	swait.ge [sflag:s10], $0x800  }
0x2f: {  	[sflag:s10] =	ssyncset.done $0x0  }
0x30: {  	[sflag:s10] =	ssyncadd.s32 $0xFFFFF800  }
0x31: {  	[tilespmem:s13], [sflag:$0x1] =	stream.indirect.gather [hbm4b:s4+s12], $0x80, s3, s12, $0xb8;
	[tilespmem:$0x1D000] =	vst v63  }
0x32: {  	_ = 	snop  }
0x33: {  	[tilespmem:s14], [sflag:$0x2] =	stream.indirect.gather [hbm4b:s4+s12], $0x80, s12, s12, $0xb8;
	[tilespmem:$0x1D000] =	vst v63  }
0x34: {  	_ =	swait.ge [sflag:s15], $0x4000  }
0x35: {  	[sflag:s15] =	ssyncset.done $0x0  }
0x36: {  	[sflag:s15] =	ssyncadd.s32 $0xFFFFC000  }
0x37: {  	[spmem:s2] =	stream.indirect.scatter.add.f32 [tilespmem:s13], [sflag:$0x3], $0x80, s11, s12, $0xb8;
	[tilespmem:$0x1D000] =	vst v63  }
0x38: {  	_ =	swait.ge [sflag:s10], $0x4000  }
0x39: {  	[sflag:s10] =	ssyncset.done $0x0  }
0x3a: {  	s7 =	rddreg [dreg:$0x5];
	[sflag:s10] =	ssyncadd.s32 $0xFFFFC000  }
0x3b: {  	[tilespmem:s13], [sflag:$0x1] =	stream.indirect.gather [hbm4b:s4+s12], $0x80, s7, s12, $0xb8;
	[tilespmem:$0x1D000] =	vst v63  }
0x3c: {  	_ =	swait.ge [sflag:s16], $0x4000  }
0x3d: {  	[sflag:s16] =	ssyncset.done $0x0  }
0x3e: {  	s8 =	rddreg [dreg:$0x6];
	[sflag:s16] =	ssyncadd.s32 $0xFFFFC000  }
0x3f: {  	[spmem:s2] =	stream.indirect.scatter.add.f32 [tilespmem:s14], [sflag:$0x3], $0x80, s8, s12, $0xb8;
	[tilespmem:$0x1D000] =	vst v63  }
0x40: {  	_ =	swait.ge [sflag:s10], $0x4000  }
0x41: {  	[sflag:s10] =	ssyncset.done $0x0  }
0x42: {  	s9 =	rddreg [dreg:$0x7];
	[sflag:s10] =	ssyncadd.s32 $0xFFFFC000  }
0x43: {  	[tilespmem:s14], [sflag:$0x2] =	stream.indirect.gather [hbm4b:s4+s12], $0x80, s9, s12, $0xb8;
	[tilespmem:$0x1D000] =	vst v63  }
0x44: {  	_ =	swait.ge [sflag:s15], $0x4000  }
0x45: {  	[sflag:s15] =	ssyncset.done $0x0  }
0x46: {  	s7 =	rddreg [dreg:$0x8];
	[sflag:s15] =	ssyncadd.s32 $0xFFFFC000  }
0x47: {  	[spmem:s2] =	stream.indirect.scatter.add.f32 [tilespmem:s13], [sflag:$0x3], $0x80, s7, s12, $0xb8;
	[tilespmem:$0x1D000] =	vst v63  }
0x48: {  	_ =	swait.ge [sflag:s10], $0x4000  }
0x49: {  	[sflag:s10] =	ssyncset.done $0x0  }
0x4a: {  	s8 =	rddreg [dreg:$0x9];
	[sflag:s10] =	ssyncadd.s32 $0xFFFFC000  }
0x4b: {  	[tilespmem:s13], [sflag:$0x1] =	stream.indirect.gather [hbm4b:s4+s12], $0x80, s8, s12, $0xb8;
	[tilespmem:$0x1D000] =	vst v63  }
0x4c: {  	_ =	swait.ge [sflag:s16], $0x4000  }
0x4d: {  	[sflag:s16] =	ssyncset.done $0x0  }
0x4e: {  	s9 =	rddreg [dreg:$0xa];
	[sflag:s16] =	ssyncadd.s32 $0xFFFFC000  }
0x4f: {  	[spmem:s2] =	stream.indirect.scatter.add.f32 [tilespmem:s14], [sflag:$0x3], $0x80, s9, s12, $0xb8;
	[tilespmem:$0x1D000] =	vst v63  }
0x50: {  	_ =	swait.ge [sflag:s10], $0x4000  }
0x51: {  	[sflag:s10] =	ssyncset.done $0x0  }
0x52: {  	s7 =	rddreg [dreg:$0xb];
	[sflag:s10] =	ssyncadd.s32 $0xFFFFC000  }
0x53: {  	[tilespmem:s14], [sflag:$0x2] =	stream.indirect.gather [hbm4b:s4+s12], $0x80, s7, s12, $0xb8;
	[tilespmem:$0x1D000] =	vst v63  }
0x54: {  	_ =	swait.ge [sflag:s15], $0x4000  }
0x55: {  	[sflag:s15] =	ssyncset.done $0x0  }
0x56: {  	s8 =	rddreg [dreg:$0xc];
	[sflag:s15] =	ssyncadd.s32 $0xFFFFC000  }
0x57: {  	[spmem:s2] =	stream.indirect.scatter.add.f32 [tilespmem:s13], [sflag:$0x3], $0x80, s8, s12, $0xb8;
	[tilespmem:$0x1D000] =	vst v63  }
0x58: {  	_ =	swait.ge [sflag:s10], $0x4000  }
0x59: {  	[sflag:s10] =	ssyncset.done $0x0  }
0x5a: {  	s9 =	rddreg [dreg:$0xd];
	[sflag:s10] =	ssyncadd.s32 $0xFFFFC000  }
0x5b: {  	[tilespmem:s13], [sflag:$0x1] =	stream.indirect.gather [hbm4b:s4+s12], $0x80, s9, s12, $0xb8;
	[tilespmem:$0x1D000] =	vst v63  }
0x5c: {  	_ =	swait.ge [sflag:s16], $0x4000  }
0x5d: {  	[sflag:s16] =	ssyncset.done $0x0  }
0x5e: {  	s7 =	rddreg [dreg:$0xe];
	[sflag:s16] =	ssyncadd.s32 $0xFFFFC000  }
0x5f: {  	[spmem:s2] =	stream.indirect.scatter.add.f32 [tilespmem:s14], [sflag:$0x3], $0x80, s7, s12, $0xb8;
	[tilespmem:$0x1D000] =	vst v63  }
0x60: {  	_ =	swait.ge [sflag:s10], $0x4000  }
0x61: {  	[sflag:s10] =	ssyncset.done $0x0  }
0x62: {  	s8 =	rddreg [dreg:$0xf];
	[sflag:s10] =	ssyncadd.s32 $0xFFFFC000  }
0x63: {  	[tilespmem:s14], [sflag:$0x2] =	stream.indirect.gather [hbm4b:s4+s12], $0x80, s8, s12, $0xb8;
	[tilespmem:$0x1D000] =	vst v63  }
0x64: {  	_ =	swait.ge [sflag:s15], $0x4000  }
0x65: {  	[sflag:s15] =	ssyncset.done $0x0  }
0x66: {  	s9 =	rddreg [dreg:$0x10];
	[sflag:s15] =	ssyncadd.s32 $0xFFFFC000  }
0x67: {  	[spmem:s2] =	stream.indirect.scatter.add.f32 [tilespmem:s13], [sflag:$0x3], $0x80, s9, s12, $0xb8;
	[tilespmem:$0x1D000] =	vst v63  }
0x68: {  	_ =	swait.ge [sflag:s10], $0x4000  }
0x69: {  	[sflag:s10] =	ssyncset.done $0x0  }
0x6a: {  	[sflag:s10] =	ssyncadd.s32 $0xFFFFC000  }
0x6b: {  	[tilespmem:s13], [sflag:$0x1] =	stream.indirect.gather [hbm4b:s4+s12], $0x80, s17, s12, $0xb8;
	[tilespmem:$0x1D000] =	vst v63  }
0x6c: {  	_ =	swait.ge [sflag:s16], $0x4000  }
0x6d: {  	[sflag:s16] =	ssyncset.done $0x0  }
0x6e: {  	[sflag:s16] =	ssyncadd.s32 $0xFFFFC000  }
0x6f: {  	[spmem:s2] =	stream.indirect.scatter.add.f32 [tilespmem:s14], [sflag:$0x3], $0x80, s18, s12, $0xb8;
	[tilespmem:$0x1D000] =	vst v63  }
0x70: {  	_ =	swait.ge [sflag:s10], $0x4000  }
0x71: {  	[sflag:s10] =	ssyncset.done $0x0  }
0x72: {  	[sflag:s10] =	ssyncadd.s32 $0xFFFFC000  }
0x73: {  	[tilespmem:s14], [sflag:$0x2] =	stream.indirect.gather [hbm4b:s4+s12], $0x80, s19, s12, $0xb8;
	[tilespmem:$0x1D000] =	vst v63  }
0x74: {  	_ =	swait.ge [sflag:s15], $0x4000  }
0x75: {  	[sflag:s15] =	ssyncset.done $0x0  }
0x76: {  	[sflag:s15] =	ssyncadd.s32 $0xFFFFC000  }
0x77: {  	[spmem:s2] =	stream.indirect.scatter.add.f32 [tilespmem:s13], [sflag:$0x3], $0x80, s20, s12, $0xb8;
	[tilespmem:$0x1D000] =	vst v63  }
0x78: {  	_ =	swait.ge [sflag:s10], $0x4000  }
0x79: {  	[sflag:s10] =	ssyncset.done $0x0  }
0x7a: {  	[sflag:s10] =	ssyncadd.s32 $0xFFFFC000  }
0x7b: {  	[tilespmem:s13], [sflag:$0x1] =	stream.indirect.gather [hbm4b:s4+s12], $0x80, s21, s12, $0xb8;
	[tilespmem:$0x1D000] =	vst v63  }
0x7c: {  	_ =	swait.ge [sflag:s16], $0x4000  }
0x7d: {  	[sflag:s16] =	ssyncset.done $0x0  }
0x7e: {  	[sflag:s16] =	ssyncadd.s32 $0xFFFFC000  }
0x7f: {  	[spmem:s2] =	stream.indirect.scatter.add.f32 [tilespmem:s14], [sflag:$0x3], $0x80, s22, s12, $0xb8;
	[tilespmem:$0x1D000] =	vst v63  }
0x80: {  	_ =	swait.ge [sflag:s10], $0x4000  }
0x81: {  	[sflag:s10] =	ssyncset.done $0x0  }
0x82: {  	[sflag:s10] =	ssyncadd.s32 $0xFFFFC000  }
0x83: {  	[tilespmem:s14], [sflag:$0x2] =	stream.indirect.gather [hbm4b:s4+s12], $0x80, s23, s12, $0xb8;
	[tilespmem:$0x1D000] =	vst v63  }
0x84: {  	_ =	swait.ge [sflag:s15], $0x4000  }
0x85: {  	[sflag:s15] =	ssyncset.done $0x0  }
0x86: {  	[sflag:s15] =	ssyncadd.s32 $0xFFFFC000  }
0x87: {  	[spmem:s2] =	stream.indirect.scatter.add.f32 [tilespmem:s13], [sflag:$0x3], $0x80, s24, s12, $0xb8;
	[tilespmem:$0x1D000] =	vst v63  }
0x88: {  	_ =	swait.ge [sflag:s10], $0x4000  }
0x89: {  	[sflag:s10] =	ssyncset.done $0x0  }
0x8a: {  	[sflag:s10] =	ssyncadd.s32 $0xFFFFC000  }
0x8b: {  	[tilespmem:s13], [sflag:$0x1] =	stream.indirect.gather [hbm4b:s4+s12], $0x80, s25, s12, $0xb8;
	[tilespmem:$0x1D000] =	vst v63  }
0x8c: {  	_ =	swait.ge [sflag:s16], $0x4000  }
0x8d: {  	[sflag:s16] =	ssyncset.done $0x0  }
0x8e: {  	[sflag:s16] =	ssyncadd.s32 $0xFFFFC000  }
0x8f: {  	[spmem:s2] =	stream.indirect.scatter.add.f32 [tilespmem:s14], [sflag:$0x3], $0x80, s26, s12, $0xb8;
	[tilespmem:$0x1D000] =	vst v63  }
0x90: {  	_ =	swait.ge [sflag:s10], $0x4000  }
0x91: {  	[sflag:s10] =	ssyncset.done $0x0  }
0x92: {  	[sflag:s10] =	ssyncadd.s32 $0xFFFFC000  }
0x93: {  	[tilespmem:s14], [sflag:$0x2] =	stream.indirect.gather [hbm4b:s4+s12], $0x80, s28, s12, $0xb8;
	[tilespmem:$0x1D000] =	vst v63  }
0x94: {  	_ =	swait.ge [sflag:s15], $0x4000  }
0x95: {  	[sflag:s15] =	ssyncset.done $0x0  }
0x96: {  	[sflag:s15] =	ssyncadd.s32 $0xFFFFC000  }
0x97: {  	[spmem:s2] =	stream.indirect.scatter.add.f32 [tilespmem:s13], [sflag:$0x3], $0x80, s29, s12, $0xb8;
	[tilespmem:$0x1D000] =	vst v63  }
0x98: {  	_ =	swait.ge [sflag:s10], $0x4000  }
0x99: {  	[sflag:s10] =	ssyncset.done $0x0  }
0x9a: {  	[sflag:s10] =	ssyncadd.s32 $0xFFFFC000  }
0x9b: {  	[tilespmem:s13], [sflag:$0x1] =	stream.indirect.gather [hbm4b:s4+s12], $0x80, s30, s12, $0xb8;
	[tilespmem:$0x1D000] =	vst v63  }
0x9c: {  	_ =	swait.ge [sflag:s16], $0x4000  }
0x9d: {  	[sflag:s16] =	ssyncset.done $0x0  }
0x9e: {  	[sflag:s16] =	ssyncadd.s32 $0xFFFFC000  }
0x9f: {  	[spmem:s2] =	stream.indirect.scatter.add.f32 [tilespmem:s14], [sflag:$0x3], $0x80, s31, s12, $0xb8;
	[tilespmem:$0x1D000] =	vst v63  }
0xa0: {  	_ =	swait.ge [sflag:s10], $0x4000  }
0xa1: {  	[sflag:s10] =	ssyncset.done $0x0  }
0xa2: {  	[sflag:s10] =	ssyncadd.s32 $0xFFFFC000  }
0xa3: {  	[tilespmem:s14], [sflag:$0x2] =	stream.indirect.gather [hbm4b:s4+s12], $0x80, s1, s12, $0xb8;
	[tilespmem:$0x1D000] =	vst v63  }
0xa4: {  	_ =	swait.ge [sflag:s15], $0x4000  }
0xa5: {  	[sflag:s15] =	ssyncset.done $0x0  }
0xa6: {  	[sflag:s15] =	ssyncadd.s32 $0xFFFFC000  }
0xa7: {  	[spmem:s2] =	stream.indirect.scatter.add.f32 [tilespmem:s13], [sflag:$0x3], $0x80, s0, s12, $0xb8;
	[tilespmem:$0x1D000] =	vst v63  }
0xa8: {  	_ =	swait.ge [sflag:s10], $0x4000  }
0xa9: {  	[sflag:s10] =	ssyncset.done $0x0  }
0xaa: {  	[sflag:s10] =	ssyncadd.s32 $0xFFFFC000  }
0xab: {  	_ =	swait.ge [sflag:s16], $0x4000  }
0xac: {  	[sflag:s16] =	ssyncset.done $0x0  }
0xad: {  	[sflag:s16] =	ssyncadd.s32 $0xFFFFC000  }
0xae: {  	[spmem:s2] =	stream.indirect.scatter.add.f32 [tilespmem:s14], [sflag:$0x3], $0x80, s5, s12, $0xb8;
	[tilespmem:$0x1D000] =	vst v63  }
0xaf: {  	s6 =	simm.s32 $0x200;
	_ =	swait.ge [sflag:s10], $0x4000  }
0xb0: {  	s8 =	simm.s32 $0x100;
	s9 =	rddreg [dreg:$0x3];
	[sflag:s10] =	ssyncset.done $0x0  }
.LBB2_2:
0xb1: {  	[sflag:s10] =	ssyncadd.s32 $0xFFFFC000;
	s9 =	sadd.s32 s8, s9  }
0xb2: {  	[tilespmem:s3], [sflag:$0x3] =	stream.linear.gather [hbm4b:s9+s3], $0x800, $0x38;
	[tilespmem:$0x1D000] =	vst v63  }
0xb3: {  	_ =	swait.ge [sflag:s10], $0x800  }
0xb4: {  	s9 =	rddreg [dreg:$0x4];
	[sflag:s10] =	ssyncset.done $0x0  }
0xb5: {  	[sflag:s10] =	ssyncadd.s32 $0xFFFFF800;
	s9 =	sadd.s32 s8, s9  }
0xb6: {  	[tilespmem:s11], [sflag:$0x3] =	stream.linear.gather [hbm4b:s9+s3], $0x800, $0x38;
	[tilespmem:$0x1D000] =	vst v63  }
0xb7: {  	_ =	swait.ge [sflag:s10], $0x800  }
0xb8: {  	[sflag:s10] =	ssyncset.done $0x0  }
0xb9: {  	[sflag:s10] =	ssyncadd.s32 $0xFFFFF800  }
0xba: {  	[tilespmem:s13], [sflag:$0x1] =	stream.indirect.gather [hbm4b:s4+s12], $0x80, s3, s12, $0xb8;
	[tilespmem:$0x1D000] =	vst v63  }
0xbb: {  	_ = 	snop  }
0xbc: {  	[tilespmem:s14], [sflag:$0x2] =	stream.indirect.gather [hbm4b:s4+s12], $0x80, s12, s12, $0xb8;
	[tilespmem:$0x1D000] =	vst v63  }
0xbd: {  	_ =	swait.ge [sflag:s15], $0x4000  }
0xbe: {  	[sflag:s15] =	ssyncset.done $0x0  }
0xbf: {  	[sflag:s15] =	ssyncadd.s32 $0xFFFFC000  }
0xc0: {  	[spmem:s2] =	stream.indirect.scatter.add.f32 [tilespmem:s13], [sflag:$0x3], $0x80, s11, s12, $0xb8;
	[tilespmem:$0x1D000] =	vst v63  }
0xc1: {  	_ =	swait.ge [sflag:s10], $0x4000  }
0xc2: {  	[sflag:s10] =	ssyncset.done $0x0  }
0xc3: {  	s9 =	rddreg [dreg:$0x5];
	[sflag:s10] =	ssyncadd.s32 $0xFFFFC000  }
0xc4: {  	[tilespmem:s13], [sflag:$0x1] =	stream.indirect.gather [hbm4b:s4+s12], $0x80, s9, s12, $0xb8;
	[tilespmem:$0x1D000] =	vst v63  }
0xc5: {  	_ =	swait.ge [sflag:s16], $0x4000  }
0xc6: {  	[sflag:s16] =	ssyncset.done $0x0  }
0xc7: {  	s9 =	rddreg [dreg:$0x6];
	[sflag:s16] =	ssyncadd.s32 $0xFFFFC000  }
0xc8: {  	[spmem:s2] =	stream.indirect.scatter.add.f32 [tilespmem:s14], [sflag:$0x3], $0x80, s9, s12, $0xb8;
	[tilespmem:$0x1D000] =	vst v63  }
0xc9: {  	_ =	swait.ge [sflag:s10], $0x4000  }
0xca: {  	[sflag:s10] =	ssyncset.done $0x0  }
0xcb: {  	s9 =	rddreg [dreg:$0x7];
	[sflag:s10] =	ssyncadd.s32 $0xFFFFC000  }
0xcc: {  	[tilespmem:s14], [sflag:$0x2] =	stream.indirect.gather [hbm4b:s4+s12], $0x80, s9, s12, $0xb8;
	[tilespmem:$0x1D000] =	vst v63  }
0xcd: {  	_ =	swait.ge [sflag:s15], $0x4000  }
0xce: {  	[sflag:s15] =	ssyncset.done $0x0  }
0xcf: {  	s9 =	rddreg [dreg:$0x8];
	[sflag:s15] =	ssyncadd.s32 $0xFFFFC000  }
0xd0: {  	[spmem:s2] =	stream.indirect.scatter.add.f32 [tilespmem:s13], [sflag:$0x3], $0x80, s9, s12, $0xb8;
	[tilespmem:$0x1D000] =	vst v63  }
0xd1: {  	_ =	swait.ge [sflag:s10], $0x4000  }
0xd2: {  	[sflag:s10] =	ssyncset.done $0x0  }
0xd3: {  	s9 =	rddreg [dreg:$0x9];
	[sflag:s10] =	ssyncadd.s32 $0xFFFFC000  }
0xd4: {  	[tilespmem:s13], [sflag:$0x1] =	stream.indirect.gather [hbm4b:s4+s12], $0x80, s9, s12, $0xb8;
	[tilespmem:$0x1D000] =	vst v63  }
0xd5: {  	_ =	swait.ge [sflag:s16], $0x4000  }
0xd6: {  	[sflag:s16] =	ssyncset.done $0x0  }
0xd7: {  	s9 =	rddreg [dreg:$0xa];
	[sflag:s16] =	ssyncadd.s32 $0xFFFFC000  }
0xd8: {  	[spmem:s2] =	stream.indirect.scatter.add.f32 [tilespmem:s14], [sflag:$0x3], $0x80, s9, s12, $0xb8;
	[tilespmem:$0x1D000] =	vst v63  }
0xd9: {  	_ =	swait.ge [sflag:s10], $0x4000  }
0xda: {  	[sflag:s10] =	ssyncset.done $0x0  }
0xdb: {  	s9 =	rddreg [dreg:$0xb];
	[sflag:s10] =	ssyncadd.s32 $0xFFFFC000  }
0xdc: {  	[tilespmem:s14], [sflag:$0x2] =	stream.indirect.gather [hbm4b:s4+s12], $0x80, s9, s12, $0xb8;
	[tilespmem:$0x1D000] =	vst v63  }
0xdd: {  	_ =	swait.ge [sflag:s15], $0x4000  }
0xde: {  	[sflag:s15] =	ssyncset.done $0x0  }
0xdf: {  	s9 =	rddreg [dreg:$0xc];
	[sflag:s15] =	ssyncadd.s32 $0xFFFFC000  }
0xe0: {  	[spmem:s2] =	stream.indirect.scatter.add.f32 [tilespmem:s13], [sflag:$0x3], $0x80, s9, s12, $0xb8;
	[tilespmem:$0x1D000] =	vst v63  }
0xe1: {  	_ =	swait.ge [sflag:s10], $0x4000  }
0xe2: {  	[sflag:s10] =	ssyncset.done $0x0  }
0xe3: {  	s9 =	rddreg [dreg:$0xd];
	[sflag:s10] =	ssyncadd.s32 $0xFFFFC000  }
0xe4: {  	[tilespmem:s13], [sflag:$0x1] =	stream.indirect.gather [hbm4b:s4+s12], $0x80, s9, s12, $0xb8;
	[tilespmem:$0x1D000] =	vst v63  }
0xe5: {  	_ =	swait.ge [sflag:s16], $0x4000  }
0xe6: {  	[sflag:s16] =	ssyncset.done $0x0  }
0xe7: {  	s9 =	rddreg [dreg:$0xe];
	[sflag:s16] =	ssyncadd.s32 $0xFFFFC000  }
0xe8: {  	[spmem:s2] =	stream.indirect.scatter.add.f32 [tilespmem:s14], [sflag:$0x3], $0x80, s9, s12, $0xb8;
	[tilespmem:$0x1D000] =	vst v63  }
0xe9: {  	_ =	swait.ge [sflag:s10], $0x4000  }
0xea: {  	[sflag:s10] =	ssyncset.done $0x0  }
0xeb: {  	s9 =	rddreg [dreg:$0xf];
	[sflag:s10] =	ssyncadd.s32 $0xFFFFC000  }
0xec: {  	[tilespmem:s14], [sflag:$0x2] =	stream.indirect.gather [hbm4b:s4+s12], $0x80, s9, s12, $0xb8;
	[tilespmem:$0x1D000] =	vst v63  }
0xed: {  	_ =	swait.ge [sflag:s15], $0x4000  }
0xee: {  	[sflag:s15] =	ssyncset.done $0x0  }
0xef: {  	s9 =	rddreg [dreg:$0x10];
	[sflag:s15] =	ssyncadd.s32 $0xFFFFC000  }
0xf0: {  	[spmem:s2] =	stream.indirect.scatter.add.f32 [tilespmem:s13], [sflag:$0x3], $0x80, s9, s12, $0xb8;
	[tilespmem:$0x1D000] =	vst v63  }
0xf1: {  	_ =	swait.ge [sflag:s10], $0x4000  }
0xf2: {  	[sflag:s10] =	ssyncset.done $0x0  }
0xf3: {  	[sflag:s10] =	ssyncadd.s32 $0xFFFFC000  }
0xf4: {  	[tilespmem:s13], [sflag:$0x1] =	stream.indirect.gather [hbm4b:s4+s12], $0x80, s17, s12, $0xb8;
	[tilespmem:$0x1D000] =	vst v63  }
0xf5: {  	_ =	swait.ge [sflag:s16], $0x4000  }
0xf6: {  	[sflag:s16] =	ssyncset.done $0x0  }
0xf7: {  	[sflag:s16] =	ssyncadd.s32 $0xFFFFC000  }
0xf8: {  	[spmem:s2] =	stream.indirect.scatter.add.f32 [tilespmem:s14], [sflag:$0x3], $0x80, s18, s12, $0xb8;
	[tilespmem:$0x1D000] =	vst v63  }
0xf9: {  	_ =	swait.ge [sflag:s10], $0x4000  }
0xfa: {  	[sflag:s10] =	ssyncset.done $0x0  }
0xfb: {  	[sflag:s10] =	ssyncadd.s32 $0xFFFFC000  }
0xfc: {  	[tilespmem:s14], [sflag:$0x2] =	stream.indirect.gather [hbm4b:s4+s12], $0x80, s19, s12, $0xb8;
	[tilespmem:$0x1D000] =	vst v63  }
0xfd: {  	_ =	swait.ge [sflag:s15], $0x4000  }
0xfe: {  	[sflag:s15] =	ssyncset.done $0x0  }
0xff: {  	[sflag:s15] =	ssyncadd.s32 $0xFFFFC000  }
0x100: {  	[spmem:s2] =	stream.indirect.scatter.add.f32 [tilespmem:s13], [sflag:$0x3], $0x80, s20, s12, $0xb8;
	[tilespmem:$0x1D000] =	vst v63  }
0x101: {  	_ =	swait.ge [sflag:s10], $0x4000  }
0x102: {  	[sflag:s10] =	ssyncset.done $0x0  }
0x103: {  	[sflag:s10] =	ssyncadd.s32 $0xFFFFC000  }
0x104: {  	[tilespmem:s13], [sflag:$0x1] =	stream.indirect.gather [hbm4b:s4+s12], $0x80, s21, s12, $0xb8;
	[tilespmem:$0x1D000] =	vst v63  }
0x105: {  	_ =	swait.ge [sflag:s16], $0x4000  }
0x106: {  	[sflag:s16] =	ssyncset.done $0x0  }
0x107: {  	[sflag:s16] =	ssyncadd.s32 $0xFFFFC000  }
0x108: {  	[spmem:s2] =	stream.indirect.scatter.add.f32 [tilespmem:s14], [sflag:$0x3], $0x80, s22, s12, $0xb8;
	[tilespmem:$0x1D000] =	vst v63  }
0x109: {  	_ =	swait.ge [sflag:s10], $0x4000  }
0x10a: {  	[sflag:s10] =	ssyncset.done $0x0  }
0x10b: {  	[sflag:s10] =	ssyncadd.s32 $0xFFFFC000  }
0x10c: {  	[tilespmem:s14], [sflag:$0x2] =	stream.indirect.gather [hbm4b:s4+s12], $0x80, s23, s12, $0xb8;
	[tilespmem:$0x1D000] =	vst v63  }
0x10d: {  	_ =	swait.ge [sflag:s15], $0x4000  }
0x10e: {  	[sflag:s15] =	ssyncset.done $0x0  }
0x10f: {  	[sflag:s15] =	ssyncadd.s32 $0xFFFFC000  }
0x110: {  	[spmem:s2] =	stream.indirect.scatter.add.f32 [tilespmem:s13], [sflag:$0x3], $0x80, s24, s12, $0xb8;
	[tilespmem:$0x1D000] =	vst v63  }
0x111: {  	_ =	swait.ge [sflag:s10], $0x4000  }
0x112: {  	[sflag:s10] =	ssyncset.done $0x0  }
0x113: {  	[sflag:s10] =	ssyncadd.s32 $0xFFFFC000  }
0x114: {  	[tilespmem:s13], [sflag:$0x1] =	stream.indirect.gather [hbm4b:s4+s12], $0x80, s25, s12, $0xb8;
	[tilespmem:$0x1D000] =	vst v63  }
0x115: {  	_ =	swait.ge [sflag:s16], $0x4000  }
0x116: {  	[sflag:s16] =	ssyncset.done $0x0  }
0x117: {  	[sflag:s16] =	ssyncadd.s32 $0xFFFFC000  }
0x118: {  	[spmem:s2] =	stream.indirect.scatter.add.f32 [tilespmem:s14], [sflag:$0x3], $0x80, s26, s12, $0xb8;
	[tilespmem:$0x1D000] =	vst v63  }
0x119: {  	_ =	swait.ge [sflag:s10], $0x4000  }
0x11a: {  	[sflag:s10] =	ssyncset.done $0x0  }
0x11b: {  	[sflag:s10] =	ssyncadd.s32 $0xFFFFC000  }
0x11c: {  	[tilespmem:s14], [sflag:$0x2] =	stream.indirect.gather [hbm4b:s4+s12], $0x80, s28, s12, $0xb8;
	[tilespmem:$0x1D000] =	vst v63  }
0x11d: {  	_ =	swait.ge [sflag:s15], $0x4000  }
0x11e: {  	[sflag:s15] =	ssyncset.done $0x0  }
0x11f: {  	[sflag:s15] =	ssyncadd.s32 $0xFFFFC000  }
0x120: {  	[spmem:s2] =	stream.indirect.scatter.add.f32 [tilespmem:s13], [sflag:$0x3], $0x80, s29, s12, $0xb8;
	[tilespmem:$0x1D000] =	vst v63  }
0x121: {  	_ =	swait.ge [sflag:s10], $0x4000  }
0x122: {  	[sflag:s10] =	ssyncset.done $0x0  }
0x123: {  	[sflag:s10] =	ssyncadd.s32 $0xFFFFC000  }
0x124: {  	[tilespmem:s13], [sflag:$0x1] =	stream.indirect.gather [hbm4b:s4+s12], $0x80, s30, s12, $0xb8;
	[tilespmem:$0x1D000] =	vst v63  }
0x125: {  	_ =	swait.ge [sflag:s16], $0x4000  }
0x126: {  	[sflag:s16] =	ssyncset.done $0x0  }
0x127: {  	[sflag:s16] =	ssyncadd.s32 $0xFFFFC000  }
0x128: {  	[spmem:s2] =	stream.indirect.scatter.add.f32 [tilespmem:s14], [sflag:$0x3], $0x80, s31, s12, $0xb8;
	[tilespmem:$0x1D000] =	vst v63  }
0x129: {  	_ =	swait.ge [sflag:s10], $0x4000  }
0x12a: {  	[sflag:s10] =	ssyncset.done $0x0  }
0x12b: {  	[sflag:s10] =	ssyncadd.s32 $0xFFFFC000  }
0x12c: {  	[tilespmem:s14], [sflag:$0x2] =	stream.indirect.gather [hbm4b:s4+s12], $0x80, s1, s12, $0xb8;
	[tilespmem:$0x1D000] =	vst v63  }
0x12d: {  	_ =	swait.ge [sflag:s15], $0x4000  }
0x12e: {  	[sflag:s15] =	ssyncset.done $0x0  }
0x12f: {  	[sflag:s15] =	ssyncadd.s32 $0xFFFFC000  }
0x130: {  	[spmem:s2] =	stream.indirect.scatter.add.f32 [tilespmem:s13], [sflag:$0x3], $0x80, s0, s12, $0xb8;
	[tilespmem:$0x1D000] =	vst v63  }
0x131: {  	_ =	swait.ge [sflag:s10], $0x4000  }
0x132: {  	[sflag:s10] =	ssyncset.done $0x0  }
0x133: {  	[sflag:s10] =	ssyncadd.s32 $0xFFFFC000  }
0x134: {  	p0 =	sne.s32 s6, $0x900;
	_ =	swait.ge [sflag:s16], $0x4000  }
.Ltmp0:
0x135: {  	[sflag:s16] =	ssyncset.done $0x0;
	(pc) =	sbr.rel @p0 .LBB2_2-.Ltmp0, $4  }
0x136: {  	[sflag:s16] =	ssyncadd.s32 $0xFFFFC000  }
0x137: {  	[spmem:s2] =	stream.indirect.scatter.add.f32 [tilespmem:s14], [sflag:$0x3], $0x80, s5, s12, $0xb8;
	[tilespmem:$0x1D000] =	vst v63  }
0x138: {  	s7 =	smov.u32 s6;
	s6 =	sadd.s32 $0x100, s6;
	_ =	swait.ge [sflag:s10], $0x4000  }
0x139: {  	s8 =	smov.u32 s7;
	s9 =	rddreg [dreg:$0x3];
	[sflag:s10] =	ssyncset.done $0x0  }
0x13a: {  	[sflag:s10] =	ssyncadd.s32 $0xFFFFC000;
	s6 =	sadd.s32 s8, s9  }
0x13b: {  	[tilespmem:s3], [sflag:$0x3] =	stream.linear.gather [hbm4b:s6+s3], $0x800, $0x38;
	[tilespmem:$0x1D000] =	vst v63  }
0x13c: {  	_ =	swait.ge [sflag:s10], $0x800  }
0x13d: {  	s7 =	rddreg [dreg:$0x4];
	[sflag:s10] =	ssyncset.done $0x0  }
0x13e: {  	s6 =	sadd.s32 s8, s7;
	[sflag:s10] =	ssyncadd.s32 $0xFFFFF800  }
0x13f: {  	[tilespmem:s11], [sflag:$0x3] =	stream.linear.gather [hbm4b:s6+s3], $0x800, $0x38;
	[tilespmem:$0x1D000] =	vst v63  }
0x140: {  	_ =	swait.ge [sflag:s10], $0x800  }
0x141: {  	[sflag:s10] =	ssyncset.done $0x0  }
0x142: {  	[sflag:s10] =	ssyncadd.s32 $0xFFFFF800  }
0x143: {  	[tilespmem:s13], [sflag:$0x1] =	stream.indirect.gather [hbm4b:s4+s12], $0x80, s3, s12, $0xb8;
	[tilespmem:$0x1D000] =	vst v63  }
0x144: {  	_ = 	snop  }
0x145: {  	[tilespmem:s14], [sflag:$0x2] =	stream.indirect.gather [hbm4b:s4+s12], $0x80, s12, s12, $0xb8;
	[tilespmem:$0x1D000] =	vst v63  }
0x146: {  	_ =	swait.ge [sflag:s15], $0x4000  }
0x147: {  	[sflag:s15] =	ssyncset.done $0x0  }
0x148: {  	[sflag:s15] =	ssyncadd.s32 $0xFFFFC000  }
0x149: {  	[spmem:s2] =	stream.indirect.scatter.add.f32 [tilespmem:s13], [sflag:$0x3], $0x80, s11, s12, $0xb8;
	[tilespmem:$0x1D000] =	vst v63  }
0x14a: {  	_ =	swait.ge [sflag:s10], $0x4000  }
0x14b: {  	[sflag:s10] =	ssyncset.done $0x0  }
0x14c: {  	s9 =	rddreg [dreg:$0x5];
	[sflag:s10] =	ssyncadd.s32 $0xFFFFC000  }
0x14d: {  	[tilespmem:s13], [sflag:$0x1] =	stream.indirect.gather [hbm4b:s4+s12], $0x80, s9, s12, $0xb8;
	[tilespmem:$0x1D000] =	vst v63  }
0x14e: {  	_ =	swait.ge [sflag:s16], $0x4000  }
0x14f: {  	[sflag:s16] =	ssyncset.done $0x0  }
0x150: {  	s7 =	rddreg [dreg:$0x6];
	[sflag:s16] =	ssyncadd.s32 $0xFFFFC000  }
0x151: {  	[spmem:s2] =	stream.indirect.scatter.add.f32 [tilespmem:s14], [sflag:$0x3], $0x80, s7, s12, $0xb8;
	[tilespmem:$0x1D000] =	vst v63  }
0x152: {  	_ =	swait.ge [sflag:s10], $0x4000  }
0x153: {  	[sflag:s10] =	ssyncset.done $0x0  }
0x154: {  	s8 =	rddreg [dreg:$0x7];
	[sflag:s10] =	ssyncadd.s32 $0xFFFFC000  }
0x155: {  	[tilespmem:s14], [sflag:$0x2] =	stream.indirect.gather [hbm4b:s4+s12], $0x80, s8, s12, $0xb8;
	[tilespmem:$0x1D000] =	vst v63  }
0x156: {  	_ =	swait.ge [sflag:s15], $0x4000  }
0x157: {  	[sflag:s15] =	ssyncset.done $0x0  }
0x158: {  	s9 =	rddreg [dreg:$0x8];
	[sflag:s15] =	ssyncadd.s32 $0xFFFFC000  }
0x159: {  	[spmem:s2] =	stream.indirect.scatter.add.f32 [tilespmem:s13], [sflag:$0x3], $0x80, s9, s12, $0xb8;
	[tilespmem:$0x1D000] =	vst v63  }
0x15a: {  	_ =	swait.ge [sflag:s10], $0x4000  }
0x15b: {  	[sflag:s10] =	ssyncset.done $0x0  }
0x15c: {  	s7 =	rddreg [dreg:$0x9];
	[sflag:s10] =	ssyncadd.s32 $0xFFFFC000  }
0x15d: {  	[tilespmem:s13], [sflag:$0x1] =	stream.indirect.gather [hbm4b:s4+s12], $0x80, s7, s12, $0xb8;
	[tilespmem:$0x1D000] =	vst v63  }
0x15e: {  	_ =	swait.ge [sflag:s16], $0x4000  }
0x15f: {  	[sflag:s16] =	ssyncset.done $0x0  }
0x160: {  	s8 =	rddreg [dreg:$0xa];
	[sflag:s16] =	ssyncadd.s32 $0xFFFFC000  }
0x161: {  	[spmem:s2] =	stream.indirect.scatter.add.f32 [tilespmem:s14], [sflag:$0x3], $0x80, s8, s12, $0xb8;
	[tilespmem:$0x1D000] =	vst v63  }
0x162: {  	_ =	swait.ge [sflag:s10], $0x4000  }
0x163: {  	[sflag:s10] =	ssyncset.done $0x0  }
0x164: {  	s9 =	rddreg [dreg:$0xb];
	[sflag:s10] =	ssyncadd.s32 $0xFFFFC000  }
0x165: {  	[tilespmem:s14], [sflag:$0x2] =	stream.indirect.gather [hbm4b:s4+s12], $0x80, s9, s12, $0xb8;
	[tilespmem:$0x1D000] =	vst v63  }
0x166: {  	_ =	swait.ge [sflag:s15], $0x4000  }
0x167: {  	[sflag:s15] =	ssyncset.done $0x0  }
0x168: {  	s7 =	rddreg [dreg:$0xc];
	[sflag:s15] =	ssyncadd.s32 $0xFFFFC000  }
0x169: {  	[spmem:s2] =	stream.indirect.scatter.add.f32 [tilespmem:s13], [sflag:$0x3], $0x80, s7, s12, $0xb8;
	[tilespmem:$0x1D000] =	vst v63  }
0x16a: {  	_ =	swait.ge [sflag:s10], $0x4000  }
0x16b: {  	[sflag:s10] =	ssyncset.done $0x0  }
0x16c: {  	s8 =	rddreg [dreg:$0xd];
	[sflag:s10] =	ssyncadd.s32 $0xFFFFC000  }
0x16d: {  	[tilespmem:s13], [sflag:$0x1] =	stream.indirect.gather [hbm4b:s4+s12], $0x80, s8, s12, $0xb8;
	[tilespmem:$0x1D000] =	vst v63  }
0x16e: {  	_ =	swait.ge [sflag:s16], $0x4000  }
0x16f: {  	[sflag:s16] =	ssyncset.done $0x0  }
0x170: {  	s9 =	rddreg [dreg:$0xe];
	[sflag:s16] =	ssyncadd.s32 $0xFFFFC000  }
0x171: {  	[spmem:s2] =	stream.indirect.scatter.add.f32 [tilespmem:s14], [sflag:$0x3], $0x80, s9, s12, $0xb8;
	[tilespmem:$0x1D000] =	vst v63  }
0x172: {  	_ =	swait.ge [sflag:s10], $0x4000  }
0x173: {  	[sflag:s10] =	ssyncset.done $0x0  }
0x174: {  	s7 =	rddreg [dreg:$0xf];
	[sflag:s10] =	ssyncadd.s32 $0xFFFFC000  }
0x175: {  	[tilespmem:s14], [sflag:$0x2] =	stream.indirect.gather [hbm4b:s4+s12], $0x80, s7, s12, $0xb8;
	[tilespmem:$0x1D000] =	vst v63  }
0x176: {  	_ =	swait.ge [sflag:s15], $0x4000  }
0x177: {  	[sflag:s15] =	ssyncset.done $0x0  }
0x178: {  	s8 =	rddreg [dreg:$0x10];
	[sflag:s15] =	ssyncadd.s32 $0xFFFFC000  }
0x179: {  	[spmem:s2] =	stream.indirect.scatter.add.f32 [tilespmem:s13], [sflag:$0x3], $0x80, s8, s12, $0xb8;
	[tilespmem:$0x1D000] =	vst v63  }
0x17a: {  	_ =	swait.ge [sflag:s10], $0x4000  }
0x17b: {  	[sflag:s10] =	ssyncset.done $0x0  }
0x17c: {  	[sflag:s10] =	ssyncadd.s32 $0xFFFFC000  }
0x17d: {  	[tilespmem:s13], [sflag:$0x1] =	stream.indirect.gather [hbm4b:s4+s12], $0x80, s17, s12, $0xb8;
	[tilespmem:$0x1D000] =	vst v63  }
0x17e: {  	_ =	swait.ge [sflag:s16], $0x4000  }
0x17f: {  	[sflag:s16] =	ssyncset.done $0x0  }
0x180: {  	[sflag:s16] =	ssyncadd.s32 $0xFFFFC000  }
0x181: {  	[spmem:s2] =	stream.indirect.scatter.add.f32 [tilespmem:s14], [sflag:$0x3], $0x80, s18, s12, $0xb8;
	[tilespmem:$0x1D000] =	vst v63  }
0x182: {  	_ =	swait.ge [sflag:s10], $0x4000  }
0x183: {  	[sflag:s10] =	ssyncset.done $0x0  }
0x184: {  	[sflag:s10] =	ssyncadd.s32 $0xFFFFC000  }
0x185: {  	[tilespmem:s14], [sflag:$0x2] =	stream.indirect.gather [hbm4b:s4+s12], $0x80, s19, s12, $0xb8;
	[tilespmem:$0x1D000] =	vst v63  }
0x186: {  	_ =	swait.ge [sflag:s15], $0x4000  }
0x187: {  	[sflag:s15] =	ssyncset.done $0x0  }
0x188: {  	[sflag:s15] =	ssyncadd.s32 $0xFFFFC000  }
0x189: {  	[spmem:s2] =	stream.indirect.scatter.add.f32 [tilespmem:s13], [sflag:$0x3], $0x80, s20, s12, $0xb8;
	[tilespmem:$0x1D000] =	vst v63  }
0x18a: {  	_ =	swait.ge [sflag:s10], $0x4000  }
0x18b: {  	[sflag:s10] =	ssyncset.done $0x0  }
0x18c: {  	[sflag:s10] =	ssyncadd.s32 $0xFFFFC000  }
0x18d: {  	[tilespmem:s13], [sflag:$0x1] =	stream.indirect.gather [hbm4b:s4+s12], $0x80, s21, s12, $0xb8;
	[tilespmem:$0x1D000] =	vst v63  }
0x18e: {  	_ =	swait.ge [sflag:s16], $0x4000  }
0x18f: {  	[sflag:s16] =	ssyncset.done $0x0  }
0x190: {  	[sflag:s16] =	ssyncadd.s32 $0xFFFFC000  }
0x191: {  	[spmem:s2] =	stream.indirect.scatter.add.f32 [tilespmem:s14], [sflag:$0x3], $0x80, s22, s12, $0xb8;
	[tilespmem:$0x1D000] =	vst v63  }
0x192: {  	_ =	swait.ge [sflag:s10], $0x4000  }
0x193: {  	[sflag:s10] =	ssyncset.done $0x0  }
0x194: {  	[sflag:s10] =	ssyncadd.s32 $0xFFFFC000  }
0x195: {  	[tilespmem:s14], [sflag:$0x2] =	stream.indirect.gather [hbm4b:s4+s12], $0x80, s23, s12, $0xb8;
	[tilespmem:$0x1D000] =	vst v63  }
0x196: {  	_ =	swait.ge [sflag:s15], $0x4000  }
0x197: {  	[sflag:s15] =	ssyncset.done $0x0  }
0x198: {  	[sflag:s15] =	ssyncadd.s32 $0xFFFFC000  }
0x199: {  	[spmem:s2] =	stream.indirect.scatter.add.f32 [tilespmem:s13], [sflag:$0x3], $0x80, s24, s12, $0xb8;
	[tilespmem:$0x1D000] =	vst v63  }
0x19a: {  	_ =	swait.ge [sflag:s10], $0x4000  }
0x19b: {  	[sflag:s10] =	ssyncset.done $0x0  }
0x19c: {  	[sflag:s10] =	ssyncadd.s32 $0xFFFFC000  }
0x19d: {  	[tilespmem:s13], [sflag:$0x1] =	stream.indirect.gather [hbm4b:s4+s12], $0x80, s25, s12, $0xb8;
	[tilespmem:$0x1D000] =	vst v63  }
0x19e: {  	_ =	swait.ge [sflag:s16], $0x4000  }
0x19f: {  	[sflag:s16] =	ssyncset.done $0x0  }
0x1a0: {  	[sflag:s16] =	ssyncadd.s32 $0xFFFFC000  }
0x1a1: {  	[spmem:s2] =	stream.indirect.scatter.add.f32 [tilespmem:s14], [sflag:$0x3], $0x80, s26, s12, $0xb8;
	[tilespmem:$0x1D000] =	vst v63  }
0x1a2: {  	_ =	swait.ge [sflag:s10], $0x4000  }
0x1a3: {  	[sflag:s10] =	ssyncset.done $0x0  }
0x1a4: {  	[sflag:s10] =	ssyncadd.s32 $0xFFFFC000  }
0x1a5: {  	[tilespmem:s14], [sflag:$0x2] =	stream.indirect.gather [hbm4b:s4+s12], $0x80, s28, s12, $0xb8;
	[tilespmem:$0x1D000] =	vst v63  }
0x1a6: {  	_ =	swait.ge [sflag:s15], $0x4000  }
0x1a7: {  	[sflag:s15] =	ssyncset.done $0x0  }
0x1a8: {  	[sflag:s15] =	ssyncadd.s32 $0xFFFFC000  }
0x1a9: {  	[spmem:s2] =	stream.indirect.scatter.add.f32 [tilespmem:s13], [sflag:$0x3], $0x80, s29, s12, $0xb8;
	[tilespmem:$0x1D000] =	vst v63  }
0x1aa: {  	_ =	swait.ge [sflag:s10], $0x4000  }
0x1ab: {  	[sflag:s10] =	ssyncset.done $0x0  }
0x1ac: {  	[sflag:s10] =	ssyncadd.s32 $0xFFFFC000  }
0x1ad: {  	[tilespmem:s13], [sflag:$0x1] =	stream.indirect.gather [hbm4b:s4+s12], $0x80, s30, s12, $0xb8;
	[tilespmem:$0x1D000] =	vst v63  }
0x1ae: {  	_ =	swait.ge [sflag:s16], $0x4000  }
0x1af: {  	[sflag:s16] =	ssyncset.done $0x0  }
0x1b0: {  	[sflag:s16] =	ssyncadd.s32 $0xFFFFC000  }
0x1b1: {  	[spmem:s2] =	stream.indirect.scatter.add.f32 [tilespmem:s14], [sflag:$0x3], $0x80, s31, s12, $0xb8;
	[tilespmem:$0x1D000] =	vst v63  }
0x1b2: {  	_ =	swait.ge [sflag:s10], $0x4000  }
0x1b3: {  	[sflag:s10] =	ssyncset.done $0x0  }
0x1b4: {  	[sflag:s10] =	ssyncadd.s32 $0xFFFFC000  }
0x1b5: {  	[tilespmem:s14], [sflag:$0x2] =	stream.indirect.gather [hbm4b:s4+s12], $0x80, s1, s12, $0xb8;
	[tilespmem:$0x1D000] =	vst v63  }
0x1b6: {  	_ =	swait.ge [sflag:s15], $0x4000  }
0x1b7: {  	[sflag:s15] =	ssyncset.done $0x0  }
0x1b8: {  	[sflag:s15] =	ssyncadd.s32 $0xFFFFC000  }
0x1b9: {  	[spmem:s2] =	stream.indirect.scatter.add.f32 [tilespmem:s13], [sflag:$0x3], $0x80, s0, s12, $0xb8;
	[tilespmem:$0x1D000] =	vst v63  }
0x1ba: {  	_ =	swait.ge [sflag:s10], $0x4000  }
0x1bb: {  	[sflag:s10] =	ssyncset.done $0x0  }
0x1bc: {  	[sflag:s10] =	ssyncadd.s32 $0xFFFFC000  }
0x1bd: {  	_ =	swait.ge [sflag:s16], $0x4000  }
0x1be: {  	[sflag:s16] =	ssyncset.done $0x0  }
0x1bf: {  	[sflag:s16] =	ssyncadd.s32 $0xFFFFC000  }
0x1c0: {  	[spmem:s2] =	stream.indirect.scatter.add.f32 [tilespmem:s14], [sflag:$0x3], $0x80, s5, s12, $0xb8;
	[tilespmem:$0x1D000] =	vst v63  }
0x1c1: {  	_ =	swait.ge [sflag:s10], $0x4000  }
0x1c2: {  	[sflag:s10] =	ssyncset.done $0x0  }
0x1c3: {  	[sflag:s10] =	ssyncadd.s32 $0xFFFFC000  }
0x1c4: {  	[bflag:$0x0] =	sbarrier.arrive $0xFFFF  }
0x1c5: {  	s8 =	rddreg [dreg:$0x12]  }
0x1c6: {  	s9 =	rddreg [dreg:$0x13]  }
0x1c7: {  	s7 =	rddreg [dreg:$0x15]  }
0x1c8: {  	[hbm:s9], [sflag:s8] =	dma.local [spmem:s7], $0x2800  }
0x1c9: {  	_ =	swait.ge [sflag:s10], $0x2800  }
0x1ca: {  	s6 =	rddreg [dreg:$0x16]  }
0x1cb: {  	s9 =	sadd.s32 $0x1, s6;
	s6 =	rddreg [dreg:$0x14]  }
0x1cc: {  	p0 =	sne.s32 s9, s6  }
.Ltmp1:
0x1cd: {  	_ = 	snop;
	(pc) =	sbr.rel @p0 .LBB2_1-.Ltmp1, $3  }
0x1ce: {  	_ =	sdelay $0x1  }
0x1cf: {  	[sflag:s10] =	ssyncset.done $0x0  }
0x1d0: {  	[sflag:s10] =	ssyncadd.s32 $0xFFFFD800  }
0x1d1: {  	_ =	sfence.sel $0x180000  }
0x1d2: {  	[bflag:$0x0] =	sbarrier.arrive $0xFFFF  }
0x1d3: {  	_ =	strace $0x90000050  }
0x1d4: {  	s0 =	stileid.u32;
	[bflag:$0x2] =	sbarrier.arrive $0xFFFF  }
0x1d5: {  	p0 =	sne.s32 s0, $0x0;
	s0 =	rddreg [dreg:$0x2]  }
0x1d6: {  	s0 =	sadd.s32 @!p0 $0x100000, s0  }
0x1d7: {  	[sflag:s0] =	ssyncadd.tile.s32 @!p0 $0x1;
	_ =	shalt  }
.Lfunc_end2:
_tile_overlayer_lowered:
.L_overlay_start_2:
0x1d8: {  	(tag) =	ssettag $0x2  }
0x1d9: {  	s0 =	rddreg [dreg:$0x0];
	s2 =	stileid.u32  }
0x1da: {  	s1 =	rddreg [dreg:$0x1];
	p0 =	sne.s32 s2, $0x0  }
0x1db: {  	s3 =	rddreg [dreg:$0x2];
	[bflag:$0x3] =	sbarrier.arrive $0xFFFF;
	s2 =	simm.s32 @!p0 $0x1C03  }
0x1dc: {  	[timem:s3], [sflag:s2] =	dma.local @!p0 [hbm:s0], s1  }
0x1dd: {  	s0 =	simm.s32 @!p0 $0x3  }
0x1de: {  	_ =	swait.ge @!p0 [sflag:s0], s1  }
0x1df: {  	s1 =	ssub.s32 @!p0 $0x0, s1;
	[sflag:s0] =	ssyncset.done @!p0 $0x0  }
0x1e0: {  	[sflag:s0] =	ssyncadd.s32 @!p0 s1  }
0x1e1: {  	[bflag:$0x3] =	sbarrier.arrive $0xFFFF  }
0x1e2: {  	_ =	shalt  }

</sc_bundles>
